<compile_context>
chip_gen: v7x
topology: tpu7x:2x2x1
jax: 0.10.2.dev20260603
libtpu: 0.0.44.dev20260713+nightly
codegen_flags: <defaults>
</compile_context>

<pallas_src>
import functools

import jax
import jax.numpy as jnp
from jax import lax
from jax.experimental import pallas as pl
from jax.experimental.pallas import tpu as pltpu
from jax.experimental.pallas import tpu_sc as plsc

_VOCAB = 100000
_SEQ = 200
_EMBED = 64
_BATCH = 4096

_info = plsc.get_sparse_core_info()
_NC, _NS, _L = _info.num_cores, _info.num_subcores, _info.num_lanes
_NW = _NC * _NS
_PASSES = _EMBED // _NW
_NOB = 2
_SBLK = 10
_NBLK = _SEQ // _SBLK


def _build():
  mesh = plsc.VectorSubcoreMesh(core_axis_name="c", subcore_axis_name="s")

  @functools.partial(
      pl.kernel,
      mesh=mesh,
      compiler_params=pltpu.CompilerParams(
          use_tc_tiling_on_sc=False, needs_layout_passes=False),
      out_type=jax.ShapeDtypeStruct((_SEQ, _EMBED, _BATCH), jnp.float32),
      scratch_types=[
          pltpu.VMEM((_VOCAB,), jnp.float32),
          pltpu.VMEM((_SEQ + _L,), jnp.float32),
          pltpu.VMEM_SHARED((2, _SBLK, _BATCH), jnp.int32),
      ]
      + [pltpu.VMEM((_BATCH,), jnp.int32) for _ in range(3)]
      + [pltpu.VMEM((_BATCH,), jnp.float32) for _ in range(_NOB)]
      + [pltpu.SemaphoreType.DMA for _ in range(4 + _NOB)],
  )
  def k(idx_hbm, tbl_hbm, pos_hbm, out_hbm, trow, prow, idx_sh, *bufs):
    ibuf = bufs[0:3]
    obuf = bufs[3:3 + _NOB]
    isem = bufs[3 + _NOB:6 + _NOB]
    osem = bufs[6 + _NOB:6 + 2 * _NOB]
    ssem = bufs[6 + 2 * _NOB]
    cid = lax.axis_index("c")
    sid = lax.axis_index("s")
    wid = sid * _NC + cid

    def fire_idx(part, s_rel, b):
      pltpu.async_copy(idx_sh.at[part, s_rel], ibuf[b], isem[b])

    def wait_idx(b):
      pltpu.make_async_copy(idx_sh.at[0, 0], ibuf[b], isem[b]).wait()

    def wait_store(j):
      pltpu.make_async_copy(obuf[j], out_hbm.at[0, 0], osem[j]).wait()

    def fire_stage(next_h):
      row0 = (next_h % _NBLK) * _SBLK

      @pl.when(sid < _SBLK)
      def _():
        pltpu.async_copy(
            idx_hbm.at[row0 + sid], idx_sh.at[(next_h % 2), sid], ssem)

    def wait_stage():
      @pl.when(sid < _SBLK)
      def _():
        pltpu.make_async_copy(idx_hbm.at[0], idx_sh.at[0, 0], ssem).wait()

    def compute(s_abs, b, j):
      pv = jnp.broadcast_to(prow[pl.ds(s_abs, _L)][0], (_L,))

      @plsc.parallel_loop(0, _BATCH, step=_L, unroll=8)
      def body(i):
        sl = pl.ds(i, _L)
        obuf[j][sl] = plsc.load_gather(trow, [ibuf[b][sl]]) + pv

    def block(p, h, e, first_block, fire_next):
      part = h % 2
      plsc.subcore_barrier()
      if fire_next:
        fire_stage(h + 1)
      pulls = [None] * (_SBLK + 2)
      pulls[0] = pltpu.async_copy(idx_sh.at[part, 0], ibuf[0], isem[0])
      pulls[1] = pltpu.async_copy(idx_sh.at[part, 1], ibuf[1], isem[1])
      stores = [None] * _NOB

      for s in range(_SBLK):
        b = s % 3
        j = s % _NOB
        if s + 2 < _SBLK:
          pulls[s + 2] = pltpu.async_copy(
              idx_sh.at[part, s + 2], ibuf[(s + 2) % 3], isem[(s + 2) % 3])
        pulls[s].wait()
        if stores[j] is not None:
          stores[j].wait()
        elif not (first_block and s < _NOB):
          wait_store(j)
        s_abs = h * _SBLK + s
        compute(s_abs, b, j)
        stores[j] = pltpu.async_copy(obuf[j], out_hbm.at[s_abs, e], osem[j])
      if fire_next:
        wait_stage()

    fire_stage(0)
    wait_stage()

    for p in range(_PASSES):
      e = wid * _PASSES + p
      pltpu.sync_copy(tbl_hbm.at[e], trow)
      pltpu.sync_copy(pos_hbm.at[e], prow.at[pl.ds(0, _SEQ)])
      if p == 0:
        block(p, 0, e, True, True)

        def body0(h, carry):
          block(p, h, e, False, True)
          return carry

        lax.fori_loop(1, _NBLK, body0, 0)
      else:

        def body1(h, carry):
          block(p, h, e, False, True)
          return carry

        lax.fori_loop(0, _NBLK - 1, body1, 0)
        block(p, _NBLK - 1, e, False, False)

    for j in range(_NOB):
      wait_store(j)

  return k


_kernel_call = _build()


@jax.jit
def kernel(inputs, token_table, pos_table):
  idx_t = inputs.astype(jnp.int32).T
  tbl_t = token_table.T
  pos_t = pos_table.T
  out = _kernel_call(idx_t, tbl_t, pos_t)
  return out.transpose(2, 0, 1)

# --- scband reference (transcript-rebuilt; emitter-appended) ---
"""Pipeline reference for scband-positional-embedding-11871289606311 (READ-ONLY COPY).

The authoritative reference and input builder live on the scoring server;
editing this copy changes nothing except your own understanding.
"""

import jax, jax.numpy as jnp
import numpy as np

VOCAB = 100000
SEQ_LEN = 200
EMBED = 64
BATCH = 4096

def setup_inputs(seed: int = 0) -> dict:
    key = jax.random.key(seed)
    k1, k2, k3 = jax.random.split(key, 3)
    inputs = jax.random.randint(k1, (BATCH, SEQ_LEN), 0, VOCAB, dtype=jnp.int64 if jax.config.jax_enable_x64 else jnp.int32)
    token_table = jax.random.normal(k2, (VOCAB, EMBED), dtype=jnp.float32) * 0.02
    pos_table = jax.random.normal(k3, (SEQ_LEN, EMBED), dtype=jnp.float32) * 0.02
    return {"inputs": inputs, "token_table": token_table, "pos_table": pos_table}

def reference(inputs, token_table, pos_table):
    length = inputs.shape[-1]
    positions = jnp.arange(0, length, 1)
    embedded_tokens = jnp.take(token_table, inputs, axis=0)
    embedded_positions = jnp.take(pos_table, positions, axis=0)
    return embedded_tokens + embedded_positions

if __name__ == "__main__":
    import jax
    _d = setup_inputs()
    print(jax.jit(kernel)(*tuple(_d.values())))

</pallas_src>

<mosaic_0001>
#map = affine_map<(d0, d1) -> (0, 0)>
#map1 = affine_map<(d0, d1) -> (0, 0, 0)>
module attributes {stable_mosaic.version = 14 : i64} {
  func.func @k(%arg0: i32, %arg1: i32, %arg2: memref<200x4096xi32, #tpu.memory_space<hbm>>, %arg3: memref<64x100000xf32, #tpu.memory_space<hbm>>, %arg4: memref<64x200xf32, #tpu.memory_space<hbm>>, %arg5: memref<200x64x4096xf32, #tpu.memory_space<hbm>>, %arg6: memref<100000xf32, #tpu.memory_space<vmem>>, %arg7: memref<216xf32, #tpu.memory_space<vmem>>, %arg8: memref<2x10x4096xi32, #tpu.memory_space<vmem_shared>>, %arg9: memref<4096xi32, #tpu.memory_space<vmem>>, %arg10: memref<4096xi32, #tpu.memory_space<vmem>>, %arg11: memref<4096xi32, #tpu.memory_space<vmem>>, %arg12: memref<4096xf32, #tpu.memory_space<vmem>>, %arg13: memref<4096xf32, #tpu.memory_space<vmem>>, %arg14: memref<!tpu.dma_semaphore, #tpu.memory_space<semaphore_mem>>, %arg15: memref<!tpu.dma_semaphore, #tpu.memory_space<semaphore_mem>>, %arg16: memref<!tpu.dma_semaphore, #tpu.memory_space<semaphore_mem>>, %arg17: memref<!tpu.dma_semaphore, #tpu.memory_space<semaphore_mem>>, %arg18: memref<!tpu.dma_semaphore, #tpu.memory_space<semaphore_mem>>, %arg19: memref<!tpu.dma_semaphore, #tpu.memory_space<semaphore_mem>>) attributes {dimension_semantics = [#tpu.dimension_semantics<core_parallel>, #tpu.dimension_semantics<subcore_parallel>], iteration_bounds = array<i64: 2, 16>, scalar_prefetch = 0 : i64, scratch_operands = 14 : i64, tpu.core_type = #tpu.core_type<sc_vector_subcore>, window_params = [{transform_indices = #map}, {transform_indices = #map}, {transform_indices = #map}, {transform_indices = #map1}]} {
    %mul3A = arith.constant 2 : i32
    %mul3A_0 = arith.muli %arg1, %mul3A : i32
    %add3A = arith.addi %mul3A_0, %arg0 : i32
    %lt3A = arith.constant 10 : i32
    %lt3A_1 = arith.cmpi slt, %arg1, %lt3A : i32
    %convert_element_type3A = arith.extui %lt3A_1 : i1 to i32
    %cond3A = arith.constant 0 : i32
    %cond3A_2 = arith.cmpi ne, %convert_element_type3A, %cond3A : i32
    scf.if %cond3A_2 {
      %add3A_795 = arith.constant 0 : i32
      %add3A_796 = arith.addi %add3A_795, %arg1 : i32
      %dma_start3A_797 = arith.constant 0 : i32
      %dma_start3A_798 = arith.constant 0 : i32
      %dma_start3A_799 = tpu.memref_slice %arg8[%dma_start3A_797, %arg1, %dma_start3A_798] : memref<2x10x4096xi32, #tpu.memory_space<vmem_shared>> -> memref<1x1x4096xi32, #tpu.memory_space<vmem_shared>>
      %dma_start3A_800 = tpu.memref_squeeze %dma_start3A_799 : memref<1x1x4096xi32, #tpu.memory_space<vmem_shared>> -> memref<4096xi32, #tpu.memory_space<vmem_shared>>
      %dma_start3A_801 = arith.constant 0 : i32
      %dma_start3A_802 = tpu.memref_slice %arg2[%add3A_796, %dma_start3A_801] : memref<200x4096xi32, #tpu.memory_space<hbm>> -> memref<1x4096xi32, #tpu.memory_space<hbm>>
      %dma_start3A_803 = tpu.memref_squeeze %dma_start3A_802 : memref<1x4096xi32, #tpu.memory_space<hbm>> -> memref<4096xi32, #tpu.memory_space<hbm>>
      tpu.enqueue_dma source(%dma_start3A_803 : memref<4096xi32, #tpu.memory_space<hbm>>) target(%dma_start3A_800 : memref<4096xi32, #tpu.memory_space<vmem_shared>>) target_semaphore(%arg19 : memref<!tpu.dma_semaphore, #tpu.memory_space<semaphore_mem>>)
    } else {
    }
    %lt3A_3 = arith.constant 10 : i32
    %lt3A_4 = arith.cmpi slt, %arg1, %lt3A_3 : i32
    %convert_element_type3A_5 = arith.extui %lt3A_4 : i1 to i32
    %cond3A_6 = arith.constant 0 : i32
    %cond3A_7 = arith.cmpi ne, %convert_element_type3A_5, %cond3A_6 : i32
    scf.if %cond3A_7 {
      %dma_wait3A_795 = arith.constant 0 : i32
      %dma_wait3A_796 = arith.constant 0 : i32
      %dma_wait3A_797 = arith.constant 0 : i32
      %dma_wait3A_798 = arith.constant 0 : i32
      %dma_wait3A_799 = tpu.memref_slice %arg8[%dma_wait3A_796, %dma_wait3A_797, %dma_wait3A_798] : memref<2x10x4096xi32, #tpu.memory_space<vmem_shared>> -> memref<1x1x4096xi32, #tpu.memory_space<vmem_shared>>
      %dma_wait3A_800 = tpu.memref_squeeze %dma_wait3A_799 : memref<1x1x4096xi32, #tpu.memory_space<vmem_shared>> -> memref<4096xi32, #tpu.memory_space<vmem_shared>>
      %dma_wait3A_801 = arith.constant 0 : i32
      %dma_wait3A_802 = tpu.memref_slice %arg2[%dma_wait3A_795, %dma_wait3A_801] : memref<200x4096xi32, #tpu.memory_space<hbm>> -> memref<1x4096xi32, #tpu.memory_space<hbm>>
      %dma_wait3A_803 = tpu.memref_squeeze %dma_wait3A_802 : memref<1x4096xi32, #tpu.memory_space<hbm>> -> memref<4096xi32, #tpu.memory_space<hbm>>
      tpu.wait_dma2 semaphore(%arg19 : memref<!tpu.dma_semaphore, #tpu.memory_space<semaphore_mem>>) src(%dma_wait3A_803 : memref<4096xi32, #tpu.memory_space<hbm>>) dst(%dma_wait3A_800 : memref<4096xi32, #tpu.memory_space<vmem_shared>>)
    } else {
    }
    %mul3A_8 = arith.constant 2 : i32
    %mul3A_9 = arith.muli %add3A, %mul3A_8 : i32
    %add3A_10 = arith.constant 0 : i32
    %add3A_11 = arith.addi %mul3A_9, %add3A_10 : i32
    "tpu.region"() ({
      %run_scoped3A = tpu.sem_alloc : memref<!tpu.dma_semaphore, #tpu.memory_space<semaphore_mem>>
      %dma_start3A_795 = arith.constant 0 : i32
      %dma_start3A_796 = tpu.memref_slice %arg3[%add3A_11, %dma_start3A_795] : memref<64x100000xf32, #tpu.memory_space<hbm>> -> memref<1x100000xf32, #tpu.memory_space<hbm>>
      %dma_start3A_797 = tpu.memref_squeeze %dma_start3A_796 : memref<1x100000xf32, #tpu.memory_space<hbm>> -> memref<100000xf32, #tpu.memory_space<hbm>>
      %dma_start3A_798 = arith.constant 0 : i32
      %dma_start3A_799 = tpu.memref_slice %arg3[%add3A_11, %dma_start3A_798] : memref<64x100000xf32, #tpu.memory_space<hbm>> -> memref<1x100000xf32, #tpu.memory_space<hbm>>
      %dma_start3A_800 = tpu.memref_squeeze %dma_start3A_799 : memref<1x100000xf32, #tpu.memory_space<hbm>> -> memref<100000xf32, #tpu.memory_space<hbm>>
      tpu.enqueue_dma source(%dma_start3A_800 : memref<100000xf32, #tpu.memory_space<hbm>>) target(%arg6 : memref<100000xf32, #tpu.memory_space<vmem>>) target_semaphore(%run_scoped3A : memref<!tpu.dma_semaphore, #tpu.memory_space<semaphore_mem>>)
      %dma_wait3A_801 = arith.constant 0 : i32
      %dma_wait3A_802 = tpu.memref_slice %arg3[%add3A_11, %dma_wait3A_801] : memref<64x100000xf32, #tpu.memory_space<hbm>> -> memref<1x100000xf32, #tpu.memory_space<hbm>>
      %dma_wait3A_803 = tpu.memref_squeeze %dma_wait3A_802 : memref<1x100000xf32, #tpu.memory_space<hbm>> -> memref<100000xf32, #tpu.memory_space<hbm>>
      %dma_wait3A_804 = arith.constant 0 : i32
      %dma_wait3A_805 = tpu.memref_slice %arg3[%add3A_11, %dma_wait3A_804] : memref<64x100000xf32, #tpu.memory_space<hbm>> -> memref<1x100000xf32, #tpu.memory_space<hbm>>
      %dma_wait3A_806 = tpu.memref_squeeze %dma_wait3A_805 : memref<1x100000xf32, #tpu.memory_space<hbm>> -> memref<100000xf32, #tpu.memory_space<hbm>>
      tpu.wait_dma2 semaphore(%run_scoped3A : memref<!tpu.dma_semaphore, #tpu.memory_space<semaphore_mem>>) src(%dma_wait3A_806 : memref<100000xf32, #tpu.memory_space<hbm>>) dst(%arg6 : memref<100000xf32, #tpu.memory_space<vmem>>)
      tpu.yield
    }) : () -> ()
    "tpu.region"() ({
      %run_scoped3A = tpu.sem_alloc : memref<!tpu.dma_semaphore, #tpu.memory_space<semaphore_mem>>
      %dma_start3A_795 = arith.constant 0 : i32
      %dma_start3A_796 = tpu.memref_slice %arg7[%dma_start3A_795] : memref<216xf32, #tpu.memory_space<vmem>> -> memref<200xf32, #tpu.memory_space<vmem>>
      %dma_start3A_797 = arith.constant 0 : i32
      %dma_start3A_798 = tpu.memref_slice %arg4[%add3A_11, %dma_start3A_797] : memref<64x200xf32, #tpu.memory_space<hbm>> -> memref<1x200xf32, #tpu.memory_space<hbm>>
      %dma_start3A_799 = tpu.memref_squeeze %dma_start3A_798 : memref<1x200xf32, #tpu.memory_space<hbm>> -> memref<200xf32, #tpu.memory_space<hbm>>
      %dma_start3A_800 = arith.constant 0 : i32
      %dma_start3A_801 = tpu.memref_slice %arg7[%dma_start3A_800] : memref<216xf32, #tpu.memory_space<vmem>> -> memref<200xf32, #tpu.memory_space<vmem>>
      %dma_start3A_802 = arith.constant 0 : i32
      %dma_start3A_803 = tpu.memref_slice %arg4[%add3A_11, %dma_start3A_802] : memref<64x200xf32, #tpu.memory_space<hbm>> -> memref<1x200xf32, #tpu.memory_space<hbm>>
      %dma_start3A_804 = tpu.memref_squeeze %dma_start3A_803 : memref<1x200xf32, #tpu.memory_space<hbm>> -> memref<200xf32, #tpu.memory_space<hbm>>
      tpu.enqueue_dma source(%dma_start3A_804 : memref<200xf32, #tpu.memory_space<hbm>>) target(%dma_start3A_801 : memref<200xf32, #tpu.memory_space<vmem>>) target_semaphore(%run_scoped3A : memref<!tpu.dma_semaphore, #tpu.memory_space<semaphore_mem>>)
      %dma_wait3A_805 = arith.constant 0 : i32
      %dma_wait3A_806 = tpu.memref_slice %arg7[%dma_wait3A_805] : memref<216xf32, #tpu.memory_space<vmem>> -> memref<200xf32, #tpu.memory_space<vmem>>
      %dma_wait3A_807 = arith.constant 0 : i32
      %dma_wait3A_808 = tpu.memref_slice %arg4[%add3A_11, %dma_wait3A_807] : memref<64x200xf32, #tpu.memory_space<hbm>> -> memref<1x200xf32, #tpu.memory_space<hbm>>
      %dma_wait3A_809 = tpu.memref_squeeze %dma_wait3A_808 : memref<1x200xf32, #tpu.memory_space<hbm>> -> memref<200xf32, #tpu.memory_space<hbm>>
      %dma_wait3A_810 = arith.constant 0 : i32
      %dma_wait3A_811 = tpu.memref_slice %arg7[%dma_wait3A_810] : memref<216xf32, #tpu.memory_space<vmem>> -> memref<200xf32, #tpu.memory_space<vmem>>
      %dma_wait3A_812 = arith.constant 0 : i32
      %dma_wait3A_813 = tpu.memref_slice %arg4[%add3A_11, %dma_wait3A_812] : memref<64x200xf32, #tpu.memory_space<hbm>> -> memref<1x200xf32, #tpu.memory_space<hbm>>
      %dma_wait3A_814 = tpu.memref_squeeze %dma_wait3A_813 : memref<1x200xf32, #tpu.memory_space<hbm>> -> memref<200xf32, #tpu.memory_space<hbm>>
      tpu.wait_dma2 semaphore(%run_scoped3A : memref<!tpu.dma_semaphore, #tpu.memory_space<semaphore_mem>>) src(%dma_wait3A_814 : memref<200xf32, #tpu.memory_space<hbm>>) dst(%dma_wait3A_811 : memref<200xf32, #tpu.memory_space<vmem>>)
      tpu.yield
    }) : () -> ()
    %barrier3A = arith.constant 0 : index
    tpu.barrier barrier_id(%barrier3A)
    %lt3A_12 = arith.constant 10 : i32
    %lt3A_13 = arith.cmpi slt, %arg1, %lt3A_12 : i32
    %convert_element_type3A_14 = arith.extui %lt3A_13 : i1 to i32
    %cond3A_15 = arith.constant 0 : i32
    %cond3A_16 = arith.cmpi ne, %convert_element_type3A_14, %cond3A_15 : i32
    scf.if %cond3A_16 {
      %add3A_795 = arith.constant 10 : i32
      %add3A_796 = arith.addi %add3A_795, %arg1 : i32
      %dma_start3A_797 = arith.constant 1 : i32
      %dma_start3A_798 = arith.constant 0 : i32
      %dma_start3A_799 = tpu.memref_slice %arg8[%dma_start3A_797, %arg1, %dma_start3A_798] : memref<2x10x4096xi32, #tpu.memory_space<vmem_shared>> -> memref<1x1x4096xi32, #tpu.memory_space<vmem_shared>>
      %dma_start3A_800 = tpu.memref_squeeze %dma_start3A_799 : memref<1x1x4096xi32, #tpu.memory_space<vmem_shared>> -> memref<4096xi32, #tpu.memory_space<vmem_shared>>
      %dma_start3A_801 = arith.constant 0 : i32
      %dma_start3A_802 = tpu.memref_slice %arg2[%add3A_796, %dma_start3A_801] : memref<200x4096xi32, #tpu.memory_space<hbm>> -> memref<1x4096xi32, #tpu.memory_space<hbm>>
      %dma_start3A_803 = tpu.memref_squeeze %dma_start3A_802 : memref<1x4096xi32, #tpu.memory_space<hbm>> -> memref<4096xi32, #tpu.memory_space<hbm>>
      tpu.enqueue_dma source(%dma_start3A_803 : memref<4096xi32, #tpu.memory_space<hbm>>) target(%dma_start3A_800 : memref<4096xi32, #tpu.memory_space<vmem_shared>>) target_semaphore(%arg19 : memref<!tpu.dma_semaphore, #tpu.memory_space<semaphore_mem>>)
    } else {
    }
    %dma_start3A = arith.constant 0 : i32
    %dma_start3A_17 = arith.constant 0 : i32
    %dma_start3A_18 = arith.constant 0 : i32
    %dma_start3A_19 = tpu.memref_slice %arg8[%dma_start3A, %dma_start3A_17, %dma_start3A_18] : memref<2x10x4096xi32, #tpu.memory_space<vmem_shared>> -> memref<1x1x4096xi32, #tpu.memory_space<vmem_shared>>
    %dma_start3A_20 = tpu.memref_squeeze %dma_start3A_19 : memref<1x1x4096xi32, #tpu.memory_space<vmem_shared>> -> memref<4096xi32, #tpu.memory_space<vmem_shared>>
    %dma_start3A_21 = arith.constant 0 : i32
    %dma_start3A_22 = tpu.memref_slice %arg8[%dma_start3A, %dma_start3A_17, %dma_start3A_21] : memref<2x10x4096xi32, #tpu.memory_space<vmem_shared>> -> memref<1x1x4096xi32, #tpu.memory_space<vmem_shared>>
    %dma_start3A_23 = tpu.memref_squeeze %dma_start3A_22 : memref<1x1x4096xi32, #tpu.memory_space<vmem_shared>> -> memref<4096xi32, #tpu.memory_space<vmem_shared>>
    tpu.enqueue_dma source(%dma_start3A_23 : memref<4096xi32, #tpu.memory_space<vmem_shared>>) target(%arg9 : memref<4096xi32, #tpu.memory_space<vmem>>) target_semaphore(%arg14 : memref<!tpu.dma_semaphore, #tpu.memory_space<semaphore_mem>>)
    %dma_start3A_24 = arith.constant 0 : i32
    %dma_start3A_25 = arith.constant 1 : i32
    %dma_start3A_26 = arith.constant 0 : i32
    %dma_start3A_27 = tpu.memref_slice %arg8[%dma_start3A_24, %dma_start3A_25, %dma_start3A_26] : memref<2x10x4096xi32, #tpu.memory_space<vmem_shared>> -> memref<1x1x4096xi32, #tpu.memory_space<vmem_shared>>
    %dma_start3A_28 = tpu.memref_squeeze %dma_start3A_27 : memref<1x1x4096xi32, #tpu.memory_space<vmem_shared>> -> memref<4096xi32, #tpu.memory_space<vmem_shared>>
    %dma_start3A_29 = arith.constant 0 : i32
    %dma_start3A_30 = tpu.memref_slice %arg8[%dma_start3A_24, %dma_start3A_25, %dma_start3A_29] : memref<2x10x4096xi32, #tpu.memory_space<vmem_shared>> -> memref<1x1x4096xi32, #tpu.memory_space<vmem_shared>>
    %dma_start3A_31 = tpu.memref_squeeze %dma_start3A_30 : memref<1x1x4096xi32, #tpu.memory_space<vmem_shared>> -> memref<4096xi32, #tpu.memory_space<vmem_shared>>
    tpu.enqueue_dma source(%dma_start3A_31 : memref<4096xi32, #tpu.memory_space<vmem_shared>>) target(%arg10 : memref<4096xi32, #tpu.memory_space<vmem>>) target_semaphore(%arg15 : memref<!tpu.dma_semaphore, #tpu.memory_space<semaphore_mem>>)
    %dma_start3A_32 = arith.constant 0 : i32
    %dma_start3A_33 = arith.constant 2 : i32
    %dma_start3A_34 = arith.constant 0 : i32
    %dma_start3A_35 = tpu.memref_slice %arg8[%dma_start3A_32, %dma_start3A_33, %dma_start3A_34] : memref<2x10x4096xi32, #tpu.memory_space<vmem_shared>> -> memref<1x1x4096xi32, #tpu.memory_space<vmem_shared>>
    %dma_start3A_36 = tpu.memref_squeeze %dma_start3A_35 : memref<1x1x4096xi32, #tpu.memory_space<vmem_shared>> -> memref<4096xi32, #tpu.memory_space<vmem_shared>>
    %dma_start3A_37 = arith.constant 0 : i32
    %dma_start3A_38 = tpu.memref_slice %arg8[%dma_start3A_32, %dma_start3A_33, %dma_start3A_37] : memref<2x10x4096xi32, #tpu.memory_space<vmem_shared>> -> memref<1x1x4096xi32, #tpu.memory_space<vmem_shared>>
    %dma_start3A_39 = tpu.memref_squeeze %dma_start3A_38 : memref<1x1x4096xi32, #tpu.memory_space<vmem_shared>> -> memref<4096xi32, #tpu.memory_space<vmem_shared>>
    tpu.enqueue_dma source(%dma_start3A_39 : memref<4096xi32, #tpu.memory_space<vmem_shared>>) target(%arg11 : memref<4096xi32, #tpu.memory_space<vmem>>) target_semaphore(%arg16 : memref<!tpu.dma_semaphore, #tpu.memory_space<semaphore_mem>>)
    %dma_wait3A = arith.constant 0 : i32
    %dma_wait3A_40 = arith.constant 0 : i32
    %dma_wait3A_41 = arith.constant 0 : i32
    %dma_wait3A_42 = tpu.memref_slice %arg8[%dma_wait3A, %dma_wait3A_40, %dma_wait3A_41] : memref<2x10x4096xi32, #tpu.memory_space<vmem_shared>> -> memref<1x1x4096xi32, #tpu.memory_space<vmem_shared>>
    %dma_wait3A_43 = tpu.memref_squeeze %dma_wait3A_42 : memref<1x1x4096xi32, #tpu.memory_space<vmem_shared>> -> memref<4096xi32, #tpu.memory_space<vmem_shared>>
    %dma_wait3A_44 = arith.constant 0 : i32
    %dma_wait3A_45 = tpu.memref_slice %arg8[%dma_wait3A, %dma_wait3A_40, %dma_wait3A_44] : memref<2x10x4096xi32, #tpu.memory_space<vmem_shared>> -> memref<1x1x4096xi32, #tpu.memory_space<vmem_shared>>
    %dma_wait3A_46 = tpu.memref_squeeze %dma_wait3A_45 : memref<1x1x4096xi32, #tpu.memory_space<vmem_shared>> -> memref<4096xi32, #tpu.memory_space<vmem_shared>>
    tpu.wait_dma2 semaphore(%arg14 : memref<!tpu.dma_semaphore, #tpu.memory_space<semaphore_mem>>) src(%dma_wait3A_46 : memref<4096xi32, #tpu.memory_space<vmem_shared>>) dst(%arg9 : memref<4096xi32, #tpu.memory_space<vmem>>)
    %get3A = arith.constant 0 : index
    %get3A_47 = tpu.vector_load %arg7[%get3A] {strides = array<i32>} : memref<216xf32, #tpu.memory_space<vmem>>, vector<16xf32>,
    %slice3A = vector.extract_strided_slice %get3A_47 {offsets = [0], sizes = [1], strides = [1]} : vector<16xf32> to vector<1xf32>
    %squeeze3A = vector.extract %slice3A[0] : f32 from vector<1xf32>
    %broadcast_in_dim3A = vector.broadcast %squeeze3A : f32 to vector<16xf32>
    %parallel_loop3A = arith.constant 0 : i32
    %parallel_loop3A_48 = arith.constant 4096 : i32
    %parallel_loop3A_49 = arith.constant 16 : i32
    scf.for %parallel_loop3A_795 = %parallel_loop3A to %parallel_loop3A_48 step %parallel_loop3A_49  : i32 {
      %parallel_loop3A_796 = arith.index_cast %parallel_loop3A_795 : i32 to index
      %parallel_loop3A_797 = tpu.vector_load %arg9[%parallel_loop3A_796] {strides = array<i32>} : memref<4096xi32, #tpu.memory_space<vmem>>, vector<16xi32>,
      %parallel_loop3A_798 = tpu.vector_load_idx %arg6[%parallel_loop3A_797] : memref<100000xf32, #tpu.memory_space<vmem>>[vector<16xi32>], vector<16xf32>,
      %parallel_loop3A_799 = arith.addf %parallel_loop3A_798, %broadcast_in_dim3A : vector<16xf32>
      %parallel_loop3A_800 = arith.index_cast %parallel_loop3A_795 : i32 to index
      %parallel_loop3A_801 = tpu.vector_load %arg12[%parallel_loop3A_800] {strides = array<i32>} : memref<4096xf32, #tpu.memory_space<vmem>>, vector<16xf32>,
      tpu.vector_store %arg12[%parallel_loop3A_800], %parallel_loop3A_799 {strides = array<i32>} : memref<4096xf32, #tpu.memory_space<vmem>>, vector<16xf32>,
    } {sc.loop_unroll_factor = 8 : i64, sc.parallel_access}
    %dma_start3A_50 = arith.constant 0 : i32
    %dma_start3A_51 = arith.constant 0 : i32
    %dma_start3A_52 = tpu.memref_slice %arg5[%dma_start3A_50, %add3A_11, %dma_start3A_51] : memref<200x64x4096xf32, #tpu.memory_space<hbm>> -> memref<1x1x4096xf32, #tpu.memory_space<hbm>>
    %dma_start3A_53 = tpu.memref_squeeze %dma_start3A_52 : memref<1x1x4096xf32, #tpu.memory_space<hbm>> -> memref<4096xf32, #tpu.memory_space<hbm>>
    %dma_start3A_54 = arith.constant 0 : i32
    %dma_start3A_55 = tpu.memref_slice %arg5[%dma_start3A_50, %add3A_11, %dma_start3A_54] : memref<200x64x4096xf32, #tpu.memory_space<hbm>> -> memref<1x1x4096xf32, #tpu.memory_space<hbm>>
    %dma_start3A_56 = tpu.memref_squeeze %dma_start3A_55 : memref<1x1x4096xf32, #tpu.memory_space<hbm>> -> memref<4096xf32, #tpu.memory_space<hbm>>
    tpu.enqueue_dma source(%arg12 : memref<4096xf32, #tpu.memory_space<vmem>>) target(%dma_start3A_56 : memref<4096xf32, #tpu.memory_space<hbm>>) target_semaphore(%arg17 : memref<!tpu.dma_semaphore, #tpu.memory_space<semaphore_mem>>)
    %dma_start3A_57 = arith.constant 0 : i32
    %dma_start3A_58 = arith.constant 3 : i32
    %dma_start3A_59 = arith.constant 0 : i32
    %dma_start3A_60 = tpu.memref_slice %arg8[%dma_start3A_57, %dma_start3A_58, %dma_start3A_59] : memref<2x10x4096xi32, #tpu.memory_space<vmem_shared>> -> memref<1x1x4096xi32, #tpu.memory_space<vmem_shared>>
    %dma_start3A_61 = tpu.memref_squeeze %dma_start3A_60 : memref<1x1x4096xi32, #tpu.memory_space<vmem_shared>> -> memref<4096xi32, #tpu.memory_space<vmem_shared>>
    %dma_start3A_62 = arith.constant 0 : i32
    %dma_start3A_63 = tpu.memref_slice %arg8[%dma_start3A_57, %dma_start3A_58, %dma_start3A_62] : memref<2x10x4096xi32, #tpu.memory_space<vmem_shared>> -> memref<1x1x4096xi32, #tpu.memory_space<vmem_shared>>
    %dma_start3A_64 = tpu.memref_squeeze %dma_start3A_63 : memref<1x1x4096xi32, #tpu.memory_space<vmem_shared>> -> memref<4096xi32, #tpu.memory_space<vmem_shared>>
    tpu.enqueue_dma source(%dma_start3A_64 : memref<4096xi32, #tpu.memory_space<vmem_shared>>) target(%arg9 : memref<4096xi32, #tpu.memory_space<vmem>>) target_semaphore(%arg14 : memref<!tpu.dma_semaphore, #tpu.memory_space<semaphore_mem>>)
    %dma_wait3A_65 = arith.constant 0 : i32
    %dma_wait3A_66 = arith.constant 1 : i32
    %dma_wait3A_67 = arith.constant 0 : i32
    %dma_wait3A_68 = tpu.memref_slice %arg8[%dma_wait3A_65, %dma_wait3A_66, %dma_wait3A_67] : memref<2x10x4096xi32, #tpu.memory_space<vmem_shared>> -> memref<1x1x4096xi32, #tpu.memory_space<vmem_shared>>
    %dma_wait3A_69 = tpu.memref_squeeze %dma_wait3A_68 : memref<1x1x4096xi32, #tpu.memory_space<vmem_shared>> -> memref<4096xi32, #tpu.memory_space<vmem_shared>>
    %dma_wait3A_70 = arith.constant 0 : i32
    %dma_wait3A_71 = tpu.memref_slice %arg8[%dma_wait3A_65, %dma_wait3A_66, %dma_wait3A_70] : memref<2x10x4096xi32, #tpu.memory_space<vmem_shared>> -> memref<1x1x4096xi32, #tpu.memory_space<vmem_shared>>
    %dma_wait3A_72 = tpu.memref_squeeze %dma_wait3A_71 : memref<1x1x4096xi32, #tpu.memory_space<vmem_shared>> -> memref<4096xi32, #tpu.memory_space<vmem_shared>>
    tpu.wait_dma2 semaphore(%arg15 : memref<!tpu.dma_semaphore, #tpu.memory_space<semaphore_mem>>) src(%dma_wait3A_72 : memref<4096xi32, #tpu.memory_space<vmem_shared>>) dst(%arg10 : memref<4096xi32, #tpu.memory_space<vmem>>)
    %get3A_73 = arith.constant 1 : index
    %get3A_74 = tpu.vector_load %arg7[%get3A_73] {strides = array<i32>} : memref<216xf32, #tpu.memory_space<vmem>>, vector<16xf32>,
    %slice3A_75 = vector.extract_strided_slice %get3A_74 {offsets = [0], sizes = [1], strides = [1]} : vector<16xf32> to vector<1xf32>
    %squeeze3A_76 = vector.extract %slice3A_75[0] : f32 from vector<1xf32>
    %broadcast_in_dim3A_77 = vector.broadcast %squeeze3A_76 : f32 to vector<16xf32>
    %parallel_loop3A_78 = arith.constant 0 : i32
    %parallel_loop3A_79 = arith.constant 4096 : i32
    %parallel_loop3A_80 = arith.constant 16 : i32
    scf.for %parallel_loop3A_795 = %parallel_loop3A_78 to %parallel_loop3A_79 step %parallel_loop3A_80  : i32 {
      %parallel_loop3A_796 = arith.index_cast %parallel_loop3A_795 : i32 to index
      %parallel_loop3A_797 = tpu.vector_load %arg10[%parallel_loop3A_796] {strides = array<i32>} : memref<4096xi32, #tpu.memory_space<vmem>>, vector<16xi32>,
      %parallel_loop3A_798 = tpu.vector_load_idx %arg6[%parallel_loop3A_797] : memref<100000xf32, #tpu.memory_space<vmem>>[vector<16xi32>], vector<16xf32>,
      %parallel_loop3A_799 = arith.addf %parallel_loop3A_798, %broadcast_in_dim3A_77 : vector<16xf32>
      %parallel_loop3A_800 = arith.index_cast %parallel_loop3A_795 : i32 to index
      %parallel_loop3A_801 = tpu.vector_load %arg13[%parallel_loop3A_800] {strides = array<i32>} : memref<4096xf32, #tpu.memory_space<vmem>>, vector<16xf32>,
      tpu.vector_store %arg13[%parallel_loop3A_800], %parallel_loop3A_799 {strides = array<i32>} : memref<4096xf32, #tpu.memory_space<vmem>>, vector<16xf32>,
    } {sc.loop_unroll_factor = 8 : i64, sc.parallel_access}
    %dma_start3A_81 = arith.constant 1 : i32
    %dma_start3A_82 = arith.constant 0 : i32
    %dma_start3A_83 = tpu.memref_slice %arg5[%dma_start3A_81, %add3A_11, %dma_start3A_82] : memref<200x64x4096xf32, #tpu.memory_space<hbm>> -> memref<1x1x4096xf32, #tpu.memory_space<hbm>>
    %dma_start3A_84 = tpu.memref_squeeze %dma_start3A_83 : memref<1x1x4096xf32, #tpu.memory_space<hbm>> -> memref<4096xf32, #tpu.memory_space<hbm>>
    %dma_start3A_85 = arith.constant 0 : i32
    %dma_start3A_86 = tpu.memref_slice %arg5[%dma_start3A_81, %add3A_11, %dma_start3A_85] : memref<200x64x4096xf32, #tpu.memory_space<hbm>> -> memref<1x1x4096xf32, #tpu.memory_space<hbm>>
    %dma_start3A_87 = tpu.memref_squeeze %dma_start3A_86 : memref<1x1x4096xf32, #tpu.memory_space<hbm>> -> memref<4096xf32, #tpu.memory_space<hbm>>
    tpu.enqueue_dma source(%arg13 : memref<4096xf32, #tpu.memory_space<vmem>>) target(%dma_start3A_87 : memref<4096xf32, #tpu.memory_space<hbm>>) target_semaphore(%arg18 : memref<!tpu.dma_semaphore, #tpu.memory_space<semaphore_mem>>)
    %dma_start3A_88 = arith.constant 0 : i32
    %dma_start3A_89 = arith.constant 4 : i32
    %dma_start3A_90 = arith.constant 0 : i32
    %dma_start3A_91 = tpu.memref_slice %arg8[%dma_start3A_88, %dma_start3A_89, %dma_start3A_90] : memref<2x10x4096xi32, #tpu.memory_space<vmem_shared>> -> memref<1x1x4096xi32, #tpu.memory_space<vmem_shared>>
    %dma_start3A_92 = tpu.memref_squeeze %dma_start3A_91 : memref<1x1x4096xi32, #tpu.memory_space<vmem_shared>> -> memref<4096xi32, #tpu.memory_space<vmem_shared>>
    %dma_start3A_93 = arith.constant 0 : i32
    %dma_start3A_94 = tpu.memref_slice %arg8[%dma_start3A_88, %dma_start3A_89, %dma_start3A_93] : memref<2x10x4096xi32, #tpu.memory_space<vmem_shared>> -> memref<1x1x4096xi32, #tpu.memory_space<vmem_shared>>
    %dma_start3A_95 = tpu.memref_squeeze %dma_start3A_94 : memref<1x1x4096xi32, #tpu.memory_space<vmem_shared>> -> memref<4096xi32, #tpu.memory_space<vmem_shared>>
    tpu.enqueue_dma source(%dma_start3A_95 : memref<4096xi32, #tpu.memory_space<vmem_shared>>) target(%arg10 : memref<4096xi32, #tpu.memory_space<vmem>>) target_semaphore(%arg15 : memref<!tpu.dma_semaphore, #tpu.memory_space<semaphore_mem>>)
    %dma_wait3A_96 = arith.constant 0 : i32
    %dma_wait3A_97 = arith.constant 2 : i32
    %dma_wait3A_98 = arith.constant 0 : i32
    %dma_wait3A_99 = tpu.memref_slice %arg8[%dma_wait3A_96, %dma_wait3A_97, %dma_wait3A_98] : memref<2x10x4096xi32, #tpu.memory_space<vmem_shared>> -> memref<1x1x4096xi32, #tpu.memory_space<vmem_shared>>
    %dma_wait3A_100 = tpu.memref_squeeze %dma_wait3A_99 : memref<1x1x4096xi32, #tpu.memory_space<vmem_shared>> -> memref<4096xi32, #tpu.memory_space<vmem_shared>>
    %dma_wait3A_101 = arith.constant 0 : i32
    %dma_wait3A_102 = tpu.memref_slice %arg8[%dma_wait3A_96, %dma_wait3A_97, %dma_wait3A_101] : memref<2x10x4096xi32, #tpu.memory_space<vmem_shared>> -> memref<1x1x4096xi32, #tpu.memory_space<vmem_shared>>
    %dma_wait3A_103 = tpu.memref_squeeze %dma_wait3A_102 : memref<1x1x4096xi32, #tpu.memory_space<vmem_shared>> -> memref<4096xi32, #tpu.memory_space<vmem_shared>>
    tpu.wait_dma2 semaphore(%arg16 : memref<!tpu.dma_semaphore, #tpu.memory_space<semaphore_mem>>) src(%dma_wait3A_103 : memref<4096xi32, #tpu.memory_space<vmem_shared>>) dst(%arg11 : memref<4096xi32, #tpu.memory_space<vmem>>)
    %dma_wait3A_104 = arith.constant 0 : i32
    %dma_wait3A_105 = arith.constant 0 : i32
    %dma_wait3A_106 = tpu.memref_slice %arg5[%dma_wait3A_104, %add3A_11, %dma_wait3A_105] : memref<200x64x4096xf32, #tpu.memory_space<hbm>> -> memref<1x1x4096xf32, #tpu.memory_space<hbm>>
    %dma_wait3A_107 = tpu.memref_squeeze %dma_wait3A_106 : memref<1x1x4096xf32, #tpu.memory_space<hbm>> -> memref<4096xf32, #tpu.memory_space<hbm>>
    %dma_wait3A_108 = arith.constant 0 : i32
    %dma_wait3A_109 = tpu.memref_slice %arg5[%dma_wait3A_104, %add3A_11, %dma_wait3A_108] : memref<200x64x4096xf32, #tpu.memory_space<hbm>> -> memref<1x1x4096xf32, #tpu.memory_space<hbm>>
    %dma_wait3A_110 = tpu.memref_squeeze %dma_wait3A_109 : memref<1x1x4096xf32, #tpu.memory_space<hbm>> -> memref<4096xf32, #tpu.memory_space<hbm>>
    tpu.wait_dma2 semaphore(%arg17 : memref<!tpu.dma_semaphore, #tpu.memory_space<semaphore_mem>>) src(%arg12 : memref<4096xf32, #tpu.memory_space<vmem>>) dst(%dma_wait3A_110 : memref<4096xf32, #tpu.memory_space<hbm>>)
    %get3A_111 = arith.constant 2 : index
    %get3A_112 = tpu.vector_load %arg7[%get3A_111] {strides = array<i32>} : memref<216xf32, #tpu.memory_space<vmem>>, vector<16xf32>,
    %slice3A_113 = vector.extract_strided_slice %get3A_112 {offsets = [0], sizes = [1], strides = [1]} : vector<16xf32> to vector<1xf32>
    %squeeze3A_114 = vector.extract %slice3A_113[0] : f32 from vector<1xf32>
    %broadcast_in_dim3A_115 = vector.broadcast %squeeze3A_114 : f32 to vector<16xf32>
    %parallel_loop3A_116 = arith.constant 0 : i32
    %parallel_loop3A_117 = arith.constant 4096 : i32
    %parallel_loop3A_118 = arith.constant 16 : i32
    scf.for %parallel_loop3A_795 = %parallel_loop3A_116 to %parallel_loop3A_117 step %parallel_loop3A_118  : i32 {
      %parallel_loop3A_796 = arith.index_cast %parallel_loop3A_795 : i32 to index
      %parallel_loop3A_797 = tpu.vector_load %arg11[%parallel_loop3A_796] {strides = array<i32>} : memref<4096xi32, #tpu.memory_space<vmem>>, vector<16xi32>,
      %parallel_loop3A_798 = tpu.vector_load_idx %arg6[%parallel_loop3A_797] : memref<100000xf32, #tpu.memory_space<vmem>>[vector<16xi32>], vector<16xf32>,
      %parallel_loop3A_799 = arith.addf %parallel_loop3A_798, %broadcast_in_dim3A_115 : vector<16xf32>
      %parallel_loop3A_800 = arith.index_cast %parallel_loop3A_795 : i32 to index
      %parallel_loop3A_801 = tpu.vector_load %arg12[%parallel_loop3A_800] {strides = array<i32>} : memref<4096xf32, #tpu.memory_space<vmem>>, vector<16xf32>,
      tpu.vector_store %arg12[%parallel_loop3A_800], %parallel_loop3A_799 {strides = array<i32>} : memref<4096xf32, #tpu.memory_space<vmem>>, vector<16xf32>,
    } {sc.loop_unroll_factor = 8 : i64, sc.parallel_access}
    %dma_start3A_119 = arith.constant 2 : i32
    %dma_start3A_120 = arith.constant 0 : i32
    %dma_start3A_121 = tpu.memref_slice %arg5[%dma_start3A_119, %add3A_11, %dma_start3A_120] : memref<200x64x4096xf32, #tpu.memory_space<hbm>> -> memref<1x1x4096xf32, #tpu.memory_space<hbm>>
    %dma_start3A_122 = tpu.memref_squeeze %dma_start3A_121 : memref<1x1x4096xf32, #tpu.memory_space<hbm>> -> memref<4096xf32, #tpu.memory_space<hbm>>
    %dma_start3A_123 = arith.constant 0 : i32
    %dma_start3A_124 = tpu.memref_slice %arg5[%dma_start3A_119, %add3A_11, %dma_start3A_123] : memref<200x64x4096xf32, #tpu.memory_space<hbm>> -> memref<1x1x4096xf32, #tpu.memory_space<hbm>>
    %dma_start3A_125 = tpu.memref_squeeze %dma_start3A_124 : memref<1x1x4096xf32, #tpu.memory_space<hbm>> -> memref<4096xf32, #tpu.memory_space<hbm>>
    tpu.enqueue_dma source(%arg12 : memref<4096xf32, #tpu.memory_space<vmem>>) target(%dma_start3A_125 : memref<4096xf32, #tpu.memory_space<hbm>>) target_semaphore(%arg17 : memref<!tpu.dma_semaphore, #tpu.memory_space<semaphore_mem>>)
    %dma_start3A_126 = arith.constant 0 : i32
    %dma_start3A_127 = arith.constant 5 : i32
    %dma_start3A_128 = arith.constant 0 : i32
    %dma_start3A_129 = tpu.memref_slice %arg8[%dma_start3A_126, %dma_start3A_127, %dma_start3A_128] : memref<2x10x4096xi32, #tpu.memory_space<vmem_shared>> -> memref<1x1x4096xi32, #tpu.memory_space<vmem_shared>>
    %dma_start3A_130 = tpu.memref_squeeze %dma_start3A_129 : memref<1x1x4096xi32, #tpu.memory_space<vmem_shared>> -> memref<4096xi32, #tpu.memory_space<vmem_shared>>
    %dma_start3A_131 = arith.constant 0 : i32
    %dma_start3A_132 = tpu.memref_slice %arg8[%dma_start3A_126, %dma_start3A_127, %dma_start3A_131] : memref<2x10x4096xi32, #tpu.memory_space<vmem_shared>> -> memref<1x1x4096xi32, #tpu.memory_space<vmem_shared>>
    %dma_start3A_133 = tpu.memref_squeeze %dma_start3A_132 : memref<1x1x4096xi32, #tpu.memory_space<vmem_shared>> -> memref<4096xi32, #tpu.memory_space<vmem_shared>>
    tpu.enqueue_dma source(%dma_start3A_133 : memref<4096xi32, #tpu.memory_space<vmem_shared>>) target(%arg11 : memref<4096xi32, #tpu.memory_space<vmem>>) target_semaphore(%arg16 : memref<!tpu.dma_semaphore, #tpu.memory_space<semaphore_mem>>)
    %dma_wait3A_134 = arith.constant 0 : i32
    %dma_wait3A_135 = arith.constant 3 : i32
    %dma_wait3A_136 = arith.constant 0 : i32
    %dma_wait3A_137 = tpu.memref_slice %arg8[%dma_wait3A_134, %dma_wait3A_135, %dma_wait3A_136] : memref<2x10x4096xi32, #tpu.memory_space<vmem_shared>> -> memref<1x1x4096xi32, #tpu.memory_space<vmem_shared>>
    %dma_wait3A_138 = tpu.memref_squeeze %dma_wait3A_137 : memref<1x1x4096xi32, #tpu.memory_space<vmem_shared>> -> memref<4096xi32, #tpu.memory_space<vmem_shared>>
    %dma_wait3A_139 = arith.constant 0 : i32
    %dma_wait3A_140 = tpu.memref_slice %arg8[%dma_wait3A_134, %dma_wait3A_135, %dma_wait3A_139] : memref<2x10x4096xi32, #tpu.memory_space<vmem_shared>> -> memref<1x1x4096xi32, #tpu.memory_space<vmem_shared>>
    %dma_wait3A_141 = tpu.memref_squeeze %dma_wait3A_140 : memref<1x1x4096xi32, #tpu.memory_space<vmem_shared>> -> memref<4096xi32, #tpu.memory_space<vmem_shared>>
    tpu.wait_dma2 semaphore(%arg14 : memref<!tpu.dma_semaphore, #tpu.memory_space<semaphore_mem>>) src(%dma_wait3A_141 : memref<4096xi32, #tpu.memory_space<vmem_shared>>) dst(%arg9 : memref<4096xi32, #tpu.memory_space<vmem>>)
    %dma_wait3A_142 = arith.constant 1 : i32
    %dma_wait3A_143 = arith.constant 0 : i32
    %dma_wait3A_144 = tpu.memref_slice %arg5[%dma_wait3A_142, %add3A_11, %dma_wait3A_143] : memref<200x64x4096xf32, #tpu.memory_space<hbm>> -> memref<1x1x4096xf32, #tpu.memory_space<hbm>>
    %dma_wait3A_145 = tpu.memref_squeeze %dma_wait3A_144 : memref<1x1x4096xf32, #tpu.memory_space<hbm>> -> memref<4096xf32, #tpu.memory_space<hbm>>
    %dma_wait3A_146 = arith.constant 0 : i32
    %dma_wait3A_147 = tpu.memref_slice %arg5[%dma_wait3A_142, %add3A_11, %dma_wait3A_146] : memref<200x64x4096xf32, #tpu.memory_space<hbm>> -> memref<1x1x4096xf32, #tpu.memory_space<hbm>>
    %dma_wait3A_148 = tpu.memref_squeeze %dma_wait3A_147 : memref<1x1x4096xf32, #tpu.memory_space<hbm>> -> memref<4096xf32, #tpu.memory_space<hbm>>
    tpu.wait_dma2 semaphore(%arg18 : memref<!tpu.dma_semaphore, #tpu.memory_space<semaphore_mem>>) src(%arg13 : memref<4096xf32, #tpu.memory_space<vmem>>) dst(%dma_wait3A_148 : memref<4096xf32, #tpu.memory_space<hbm>>)
    %get3A_149 = arith.constant 3 : index
    %get3A_150 = tpu.vector_load %arg7[%get3A_149] {strides = array<i32>} : memref<216xf32, #tpu.memory_space<vmem>>, vector<16xf32>,
    %slice3A_151 = vector.extract_strided_slice %get3A_150 {offsets = [0], sizes = [1], strides = [1]} : vector<16xf32> to vector<1xf32>
    %squeeze3A_152 = vector.extract %slice3A_151[0] : f32 from vector<1xf32>
    %broadcast_in_dim3A_153 = vector.broadcast %squeeze3A_152 : f32 to vector<16xf32>
    %parallel_loop3A_154 = arith.constant 0 : i32
    %parallel_loop3A_155 = arith.constant 4096 : i32
    %parallel_loop3A_156 = arith.constant 16 : i32
    scf.for %parallel_loop3A_795 = %parallel_loop3A_154 to %parallel_loop3A_155 step %parallel_loop3A_156  : i32 {
      %parallel_loop3A_796 = arith.index_cast %parallel_loop3A_795 : i32 to index
      %parallel_loop3A_797 = tpu.vector_load %arg9[%parallel_loop3A_796] {strides = array<i32>} : memref<4096xi32, #tpu.memory_space<vmem>>, vector<16xi32>,
      %parallel_loop3A_798 = tpu.vector_load_idx %arg6[%parallel_loop3A_797] : memref<100000xf32, #tpu.memory_space<vmem>>[vector<16xi32>], vector<16xf32>,
      %parallel_loop3A_799 = arith.addf %parallel_loop3A_798, %broadcast_in_dim3A_153 : vector<16xf32>
      %parallel_loop3A_800 = arith.index_cast %parallel_loop3A_795 : i32 to index
      %parallel_loop3A_801 = tpu.vector_load %arg13[%parallel_loop3A_800] {strides = array<i32>} : memref<4096xf32, #tpu.memory_space<vmem>>, vector<16xf32>,
      tpu.vector_store %arg13[%parallel_loop3A_800], %parallel_loop3A_799 {strides = array<i32>} : memref<4096xf32, #tpu.memory_space<vmem>>, vector<16xf32>,
    } {sc.loop_unroll_factor = 8 : i64, sc.parallel_access}
    %dma_start3A_157 = arith.constant 3 : i32
    %dma_start3A_158 = arith.constant 0 : i32
    %dma_start3A_159 = tpu.memref_slice %arg5[%dma_start3A_157, %add3A_11, %dma_start3A_158] : memref<200x64x4096xf32, #tpu.memory_space<hbm>> -> memref<1x1x4096xf32, #tpu.memory_space<hbm>>
    %dma_start3A_160 = tpu.memref_squeeze %dma_start3A_159 : memref<1x1x4096xf32, #tpu.memory_space<hbm>> -> memref<4096xf32, #tpu.memory_space<hbm>>
    %dma_start3A_161 = arith.constant 0 : i32
    %dma_start3A_162 = tpu.memref_slice %arg5[%dma_start3A_157, %add3A_11, %dma_start3A_161] : memref<200x64x4096xf32, #tpu.memory_space<hbm>> -> memref<1x1x4096xf32, #tpu.memory_space<hbm>>
    %dma_start3A_163 = tpu.memref_squeeze %dma_start3A_162 : memref<1x1x4096xf32, #tpu.memory_space<hbm>> -> memref<4096xf32, #tpu.memory_space<hbm>>
    tpu.enqueue_dma source(%arg13 : memref<4096xf32, #tpu.memory_space<vmem>>) target(%dma_start3A_163 : memref<4096xf32, #tpu.memory_space<hbm>>) target_semaphore(%arg18 : memref<!tpu.dma_semaphore, #tpu.memory_space<semaphore_mem>>)
    %dma_start3A_164 = arith.constant 0 : i32
    %dma_start3A_165 = arith.constant 6 : i32
    %dma_start3A_166 = arith.constant 0 : i32
    %dma_start3A_167 = tpu.memref_slice %arg8[%dma_start3A_164, %dma_start3A_165, %dma_start3A_166] : memref<2x10x4096xi32, #tpu.memory_space<vmem_shared>> -> memref<1x1x4096xi32, #tpu.memory_space<vmem_shared>>
    %dma_start3A_168 = tpu.memref_squeeze %dma_start3A_167 : memref<1x1x4096xi32, #tpu.memory_space<vmem_shared>> -> memref<4096xi32, #tpu.memory_space<vmem_shared>>
    %dma_start3A_169 = arith.constant 0 : i32
    %dma_start3A_170 = tpu.memref_slice %arg8[%dma_start3A_164, %dma_start3A_165, %dma_start3A_169] : memref<2x10x4096xi32, #tpu.memory_space<vmem_shared>> -> memref<1x1x4096xi32, #tpu.memory_space<vmem_shared>>
    %dma_start3A_171 = tpu.memref_squeeze %dma_start3A_170 : memref<1x1x4096xi32, #tpu.memory_space<vmem_shared>> -> memref<4096xi32, #tpu.memory_space<vmem_shared>>
    tpu.enqueue_dma source(%dma_start3A_171 : memref<4096xi32, #tpu.memory_space<vmem_shared>>) target(%arg9 : memref<4096xi32, #tpu.memory_space<vmem>>) target_semaphore(%arg14 : memref<!tpu.dma_semaphore, #tpu.memory_space<semaphore_mem>>)
    %dma_wait3A_172 = arith.constant 0 : i32
    %dma_wait3A_173 = arith.constant 4 : i32
    %dma_wait3A_174 = arith.constant 0 : i32
    %dma_wait3A_175 = tpu.memref_slice %arg8[%dma_wait3A_172, %dma_wait3A_173, %dma_wait3A_174] : memref<2x10x4096xi32, #tpu.memory_space<vmem_shared>> -> memref<1x1x4096xi32, #tpu.memory_space<vmem_shared>>
    %dma_wait3A_176 = tpu.memref_squeeze %dma_wait3A_175 : memref<1x1x4096xi32, #tpu.memory_space<vmem_shared>> -> memref<4096xi32, #tpu.memory_space<vmem_shared>>
    %dma_wait3A_177 = arith.constant 0 : i32
    %dma_wait3A_178 = tpu.memref_slice %arg8[%dma_wait3A_172, %dma_wait3A_173, %dma_wait3A_177] : memref<2x10x4096xi32, #tpu.memory_space<vmem_shared>> -> memref<1x1x4096xi32, #tpu.memory_space<vmem_shared>>
    %dma_wait3A_179 = tpu.memref_squeeze %dma_wait3A_178 : memref<1x1x4096xi32, #tpu.memory_space<vmem_shared>> -> memref<4096xi32, #tpu.memory_space<vmem_shared>>
    tpu.wait_dma2 semaphore(%arg15 : memref<!tpu.dma_semaphore, #tpu.memory_space<semaphore_mem>>) src(%dma_wait3A_179 : memref<4096xi32, #tpu.memory_space<vmem_shared>>) dst(%arg10 : memref<4096xi32, #tpu.memory_space<vmem>>)
    %dma_wait3A_180 = arith.constant 2 : i32
    %dma_wait3A_181 = arith.constant 0 : i32
    %dma_wait3A_182 = tpu.memref_slice %arg5[%dma_wait3A_180, %add3A_11, %dma_wait3A_181] : memref<200x64x4096xf32, #tpu.memory_space<hbm>> -> memref<1x1x4096xf32, #tpu.memory_space<hbm>>
    %dma_wait3A_183 = tpu.memref_squeeze %dma_wait3A_182 : memref<1x1x4096xf32, #tpu.memory_space<hbm>> -> memref<4096xf32, #tpu.memory_space<hbm>>
    %dma_wait3A_184 = arith.constant 0 : i32
    %dma_wait3A_185 = tpu.memref_slice %arg5[%dma_wait3A_180, %add3A_11, %dma_wait3A_184] : memref<200x64x4096xf32, #tpu.memory_space<hbm>> -> memref<1x1x4096xf32, #tpu.memory_space<hbm>>
    %dma_wait3A_186 = tpu.memref_squeeze %dma_wait3A_185 : memref<1x1x4096xf32, #tpu.memory_space<hbm>> -> memref<4096xf32, #tpu.memory_space<hbm>>
    tpu.wait_dma2 semaphore(%arg17 : memref<!tpu.dma_semaphore, #tpu.memory_space<semaphore_mem>>) src(%arg12 : memref<4096xf32, #tpu.memory_space<vmem>>) dst(%dma_wait3A_186 : memref<4096xf32, #tpu.memory_space<hbm>>)
    %get3A_187 = arith.constant 4 : index
    %get3A_188 = tpu.vector_load %arg7[%get3A_187] {strides = array<i32>} : memref<216xf32, #tpu.memory_space<vmem>>, vector<16xf32>,
    %slice3A_189 = vector.extract_strided_slice %get3A_188 {offsets = [0], sizes = [1], strides = [1]} : vector<16xf32> to vector<1xf32>
    %squeeze3A_190 = vector.extract %slice3A_189[0] : f32 from vector<1xf32>
    %broadcast_in_dim3A_191 = vector.broadcast %squeeze3A_190 : f32 to vector<16xf32>
    %parallel_loop3A_192 = arith.constant 0 : i32
    %parallel_loop3A_193 = arith.constant 4096 : i32
    %parallel_loop3A_194 = arith.constant 16 : i32
    scf.for %parallel_loop3A_795 = %parallel_loop3A_192 to %parallel_loop3A_193 step %parallel_loop3A_194  : i32 {
      %parallel_loop3A_796 = arith.index_cast %parallel_loop3A_795 : i32 to index
      %parallel_loop3A_797 = tpu.vector_load %arg10[%parallel_loop3A_796] {strides = array<i32>} : memref<4096xi32, #tpu.memory_space<vmem>>, vector<16xi32>,
      %parallel_loop3A_798 = tpu.vector_load_idx %arg6[%parallel_loop3A_797] : memref<100000xf32, #tpu.memory_space<vmem>>[vector<16xi32>], vector<16xf32>,
      %parallel_loop3A_799 = arith.addf %parallel_loop3A_798, %broadcast_in_dim3A_191 : vector<16xf32>
      %parallel_loop3A_800 = arith.index_cast %parallel_loop3A_795 : i32 to index
      %parallel_loop3A_801 = tpu.vector_load %arg12[%parallel_loop3A_800] {strides = array<i32>} : memref<4096xf32, #tpu.memory_space<vmem>>, vector<16xf32>,
      tpu.vector_store %arg12[%parallel_loop3A_800], %parallel_loop3A_799 {strides = array<i32>} : memref<4096xf32, #tpu.memory_space<vmem>>, vector<16xf32>,
    } {sc.loop_unroll_factor = 8 : i64, sc.parallel_access}
    %dma_start3A_195 = arith.constant 4 : i32
    %dma_start3A_196 = arith.constant 0 : i32
    %dma_start3A_197 = tpu.memref_slice %arg5[%dma_start3A_195, %add3A_11, %dma_start3A_196] : memref<200x64x4096xf32, #tpu.memory_space<hbm>> -> memref<1x1x4096xf32, #tpu.memory_space<hbm>>
    %dma_start3A_198 = tpu.memref_squeeze %dma_start3A_197 : memref<1x1x4096xf32, #tpu.memory_space<hbm>> -> memref<4096xf32, #tpu.memory_space<hbm>>
    %dma_start3A_199 = arith.constant 0 : i32
    %dma_start3A_200 = tpu.memref_slice %arg5[%dma_start3A_195, %add3A_11, %dma_start3A_199] : memref<200x64x4096xf32, #tpu.memory_space<hbm>> -> memref<1x1x4096xf32, #tpu.memory_space<hbm>>
    %dma_start3A_201 = tpu.memref_squeeze %dma_start3A_200 : memref<1x1x4096xf32, #tpu.memory_space<hbm>> -> memref<4096xf32, #tpu.memory_space<hbm>>
    tpu.enqueue_dma source(%arg12 : memref<4096xf32, #tpu.memory_space<vmem>>) target(%dma_start3A_201 : memref<4096xf32, #tpu.memory_space<hbm>>) target_semaphore(%arg17 : memref<!tpu.dma_semaphore, #tpu.memory_space<semaphore_mem>>)
    %dma_start3A_202 = arith.constant 0 : i32
    %dma_start3A_203 = arith.constant 7 : i32
    %dma_start3A_204 = arith.constant 0 : i32
    %dma_start3A_205 = tpu.memref_slice %arg8[%dma_start3A_202, %dma_start3A_203, %dma_start3A_204] : memref<2x10x4096xi32, #tpu.memory_space<vmem_shared>> -> memref<1x1x4096xi32, #tpu.memory_space<vmem_shared>>
    %dma_start3A_206 = tpu.memref_squeeze %dma_start3A_205 : memref<1x1x4096xi32, #tpu.memory_space<vmem_shared>> -> memref<4096xi32, #tpu.memory_space<vmem_shared>>
    %dma_start3A_207 = arith.constant 0 : i32
    %dma_start3A_208 = tpu.memref_slice %arg8[%dma_start3A_202, %dma_start3A_203, %dma_start3A_207] : memref<2x10x4096xi32, #tpu.memory_space<vmem_shared>> -> memref<1x1x4096xi32, #tpu.memory_space<vmem_shared>>
    %dma_start3A_209 = tpu.memref_squeeze %dma_start3A_208 : memref<1x1x4096xi32, #tpu.memory_space<vmem_shared>> -> memref<4096xi32, #tpu.memory_space<vmem_shared>>
    tpu.enqueue_dma source(%dma_start3A_209 : memref<4096xi32, #tpu.memory_space<vmem_shared>>) target(%arg10 : memref<4096xi32, #tpu.memory_space<vmem>>) target_semaphore(%arg15 : memref<!tpu.dma_semaphore, #tpu.memory_space<semaphore_mem>>)
    %dma_wait3A_210 = arith.constant 0 : i32
    %dma_wait3A_211 = arith.constant 5 : i32
    %dma_wait3A_212 = arith.constant 0 : i32
    %dma_wait3A_213 = tpu.memref_slice %arg8[%dma_wait3A_210, %dma_wait3A_211, %dma_wait3A_212] : memref<2x10x4096xi32, #tpu.memory_space<vmem_shared>> -> memref<1x1x4096xi32, #tpu.memory_space<vmem_shared>>
    %dma_wait3A_214 = tpu.memref_squeeze %dma_wait3A_213 : memref<1x1x4096xi32, #tpu.memory_space<vmem_shared>> -> memref<4096xi32, #tpu.memory_space<vmem_shared>>
    %dma_wait3A_215 = arith.constant 0 : i32
    %dma_wait3A_216 = tpu.memref_slice %arg8[%dma_wait3A_210, %dma_wait3A_211, %dma_wait3A_215] : memref<2x10x4096xi32, #tpu.memory_space<vmem_shared>> -> memref<1x1x4096xi32, #tpu.memory_space<vmem_shared>>
    %dma_wait3A_217 = tpu.memref_squeeze %dma_wait3A_216 : memref<1x1x4096xi32, #tpu.memory_space<vmem_shared>> -> memref<4096xi32, #tpu.memory_space<vmem_shared>>
    tpu.wait_dma2 semaphore(%arg16 : memref<!tpu.dma_semaphore, #tpu.memory_space<semaphore_mem>>) src(%dma_wait3A_217 : memref<4096xi32, #tpu.memory_space<vmem_shared>>) dst(%arg11 : memref<4096xi32, #tpu.memory_space<vmem>>)
    %dma_wait3A_218 = arith.constant 3 : i32
    %dma_wait3A_219 = arith.constant 0 : i32
    %dma_wait3A_220 = tpu.memref_slice %arg5[%dma_wait3A_218, %add3A_11, %dma_wait3A_219] : memref<200x64x4096xf32, #tpu.memory_space<hbm>> -> memref<1x1x4096xf32, #tpu.memory_space<hbm>>
    %dma_wait3A_221 = tpu.memref_squeeze %dma_wait3A_220 : memref<1x1x4096xf32, #tpu.memory_space<hbm>> -> memref<4096xf32, #tpu.memory_space<hbm>>
    %dma_wait3A_222 = arith.constant 0 : i32
    %dma_wait3A_223 = tpu.memref_slice %arg5[%dma_wait3A_218, %add3A_11, %dma_wait3A_222] : memref<200x64x4096xf32, #tpu.memory_space<hbm>> -> memref<1x1x4096xf32, #tpu.memory_space<hbm>>
    %dma_wait3A_224 = tpu.memref_squeeze %dma_wait3A_223 : memref<1x1x4096xf32, #tpu.memory_space<hbm>> -> memref<4096xf32, #tpu.memory_space<hbm>>
    tpu.wait_dma2 semaphore(%arg18 : memref<!tpu.dma_semaphore, #tpu.memory_space<semaphore_mem>>) src(%arg13 : memref<4096xf32, #tpu.memory_space<vmem>>) dst(%dma_wait3A_224 : memref<4096xf32, #tpu.memory_space<hbm>>)
    %get3A_225 = arith.constant 5 : index
    %get3A_226 = tpu.vector_load %arg7[%get3A_225] {strides = array<i32>} : memref<216xf32, #tpu.memory_space<vmem>>, vector<16xf32>,
    %slice3A_227 = vector.extract_strided_slice %get3A_226 {offsets = [0], sizes = [1], strides = [1]} : vector<16xf32> to vector<1xf32>
    %squeeze3A_228 = vector.extract %slice3A_227[0] : f32 from vector<1xf32>
    %broadcast_in_dim3A_229 = vector.broadcast %squeeze3A_228 : f32 to vector<16xf32>
    %parallel_loop3A_230 = arith.constant 0 : i32
    %parallel_loop3A_231 = arith.constant 4096 : i32
    %parallel_loop3A_232 = arith.constant 16 : i32
    scf.for %parallel_loop3A_795 = %parallel_loop3A_230 to %parallel_loop3A_231 step %parallel_loop3A_232  : i32 {
      %parallel_loop3A_796 = arith.index_cast %parallel_loop3A_795 : i32 to index
      %parallel_loop3A_797 = tpu.vector_load %arg11[%parallel_loop3A_796] {strides = array<i32>} : memref<4096xi32, #tpu.memory_space<vmem>>, vector<16xi32>,
      %parallel_loop3A_798 = tpu.vector_load_idx %arg6[%parallel_loop3A_797] : memref<100000xf32, #tpu.memory_space<vmem>>[vector<16xi32>], vector<16xf32>,
      %parallel_loop3A_799 = arith.addf %parallel_loop3A_798, %broadcast_in_dim3A_229 : vector<16xf32>
      %parallel_loop3A_800 = arith.index_cast %parallel_loop3A_795 : i32 to index
      %parallel_loop3A_801 = tpu.vector_load %arg13[%parallel_loop3A_800] {strides = array<i32>} : memref<4096xf32, #tpu.memory_space<vmem>>, vector<16xf32>,
      tpu.vector_store %arg13[%parallel_loop3A_800], %parallel_loop3A_799 {strides = array<i32>} : memref<4096xf32, #tpu.memory_space<vmem>>, vector<16xf32>,
    } {sc.loop_unroll_factor = 8 : i64, sc.parallel_access}
    %dma_start3A_233 = arith.constant 5 : i32
    %dma_start3A_234 = arith.constant 0 : i32
    %dma_start3A_235 = tpu.memref_slice %arg5[%dma_start3A_233, %add3A_11, %dma_start3A_234] : memref<200x64x4096xf32, #tpu.memory_space<hbm>> -> memref<1x1x4096xf32, #tpu.memory_space<hbm>>
    %dma_start3A_236 = tpu.memref_squeeze %dma_start3A_235 : memref<1x1x4096xf32, #tpu.memory_space<hbm>> -> memref<4096xf32, #tpu.memory_space<hbm>>
    %dma_start3A_237 = arith.constant 0 : i32
    %dma_start3A_238 = tpu.memref_slice %arg5[%dma_start3A_233, %add3A_11, %dma_start3A_237] : memref<200x64x4096xf32, #tpu.memory_space<hbm>> -> memref<1x1x4096xf32, #tpu.memory_space<hbm>>
    %dma_start3A_239 = tpu.memref_squeeze %dma_start3A_238 : memref<1x1x4096xf32, #tpu.memory_space<hbm>> -> memref<4096xf32, #tpu.memory_space<hbm>>
    tpu.enqueue_dma source(%arg13 : memref<4096xf32, #tpu.memory_space<vmem>>) target(%dma_start3A_239 : memref<4096xf32, #tpu.memory_space<hbm>>) target_semaphore(%arg18 : memref<!tpu.dma_semaphore, #tpu.memory_space<semaphore_mem>>)
    %dma_start3A_240 = arith.constant 0 : i32
    %dma_start3A_241 = arith.constant 8 : i32
    %dma_start3A_242 = arith.constant 0 : i32
    %dma_start3A_243 = tpu.memref_slice %arg8[%dma_start3A_240, %dma_start3A_241, %dma_start3A_242] : memref<2x10x4096xi32, #tpu.memory_space<vmem_shared>> -> memref<1x1x4096xi32, #tpu.memory_space<vmem_shared>>
    %dma_start3A_244 = tpu.memref_squeeze %dma_start3A_243 : memref<1x1x4096xi32, #tpu.memory_space<vmem_shared>> -> memref<4096xi32, #tpu.memory_space<vmem_shared>>
    %dma_start3A_245 = arith.constant 0 : i32
    %dma_start3A_246 = tpu.memref_slice %arg8[%dma_start3A_240, %dma_start3A_241, %dma_start3A_245] : memref<2x10x4096xi32, #tpu.memory_space<vmem_shared>> -> memref<1x1x4096xi32, #tpu.memory_space<vmem_shared>>
    %dma_start3A_247 = tpu.memref_squeeze %dma_start3A_246 : memref<1x1x4096xi32, #tpu.memory_space<vmem_shared>> -> memref<4096xi32, #tpu.memory_space<vmem_shared>>
    tpu.enqueue_dma source(%dma_start3A_247 : memref<4096xi32, #tpu.memory_space<vmem_shared>>) target(%arg11 : memref<4096xi32, #tpu.memory_space<vmem>>) target_semaphore(%arg16 : memref<!tpu.dma_semaphore, #tpu.memory_space<semaphore_mem>>)
    %dma_wait3A_248 = arith.constant 0 : i32
    %dma_wait3A_249 = arith.constant 6 : i32
    %dma_wait3A_250 = arith.constant 0 : i32
    %dma_wait3A_251 = tpu.memref_slice %arg8[%dma_wait3A_248, %dma_wait3A_249, %dma_wait3A_250] : memref<2x10x4096xi32, #tpu.memory_space<vmem_shared>> -> memref<1x1x4096xi32, #tpu.memory_space<vmem_shared>>
    %dma_wait3A_252 = tpu.memref_squeeze %dma_wait3A_251 : memref<1x1x4096xi32, #tpu.memory_space<vmem_shared>> -> memref<4096xi32, #tpu.memory_space<vmem_shared>>
    %dma_wait3A_253 = arith.constant 0 : i32
    %dma_wait3A_254 = tpu.memref_slice %arg8[%dma_wait3A_248, %dma_wait3A_249, %dma_wait3A_253] : memref<2x10x4096xi32, #tpu.memory_space<vmem_shared>> -> memref<1x1x4096xi32, #tpu.memory_space<vmem_shared>>
    %dma_wait3A_255 = tpu.memref_squeeze %dma_wait3A_254 : memref<1x1x4096xi32, #tpu.memory_space<vmem_shared>> -> memref<4096xi32, #tpu.memory_space<vmem_shared>>
    tpu.wait_dma2 semaphore(%arg14 : memref<!tpu.dma_semaphore, #tpu.memory_space<semaphore_mem>>) src(%dma_wait3A_255 : memref<4096xi32, #tpu.memory_space<vmem_shared>>) dst(%arg9 : memref<4096xi32, #tpu.memory_space<vmem>>)
    %dma_wait3A_256 = arith.constant 4 : i32
    %dma_wait3A_257 = arith.constant 0 : i32
    %dma_wait3A_258 = tpu.memref_slice %arg5[%dma_wait3A_256, %add3A_11, %dma_wait3A_257] : memref<200x64x4096xf32, #tpu.memory_space<hbm>> -> memref<1x1x4096xf32, #tpu.memory_space<hbm>>
    %dma_wait3A_259 = tpu.memref_squeeze %dma_wait3A_258 : memref<1x1x4096xf32, #tpu.memory_space<hbm>> -> memref<4096xf32, #tpu.memory_space<hbm>>
    %dma_wait3A_260 = arith.constant 0 : i32
    %dma_wait3A_261 = tpu.memref_slice %arg5[%dma_wait3A_256, %add3A_11, %dma_wait3A_260] : memref<200x64x4096xf32, #tpu.memory_space<hbm>> -> memref<1x1x4096xf32, #tpu.memory_space<hbm>>
    %dma_wait3A_262 = tpu.memref_squeeze %dma_wait3A_261 : memref<1x1x4096xf32, #tpu.memory_space<hbm>> -> memref<4096xf32, #tpu.memory_space<hbm>>
    tpu.wait_dma2 semaphore(%arg17 : memref<!tpu.dma_semaphore, #tpu.memory_space<semaphore_mem>>) src(%arg12 : memref<4096xf32, #tpu.memory_space<vmem>>) dst(%dma_wait3A_262 : memref<4096xf32, #tpu.memory_space<hbm>>)
    %get3A_263 = arith.constant 6 : index
    %get3A_264 = tpu.vector_load %arg7[%get3A_263] {strides = array<i32>} : memref<216xf32, #tpu.memory_space<vmem>>, vector<16xf32>,
    %slice3A_265 = vector.extract_strided_slice %get3A_264 {offsets = [0], sizes = [1], strides = [1]} : vector<16xf32> to vector<1xf32>
    %squeeze3A_266 = vector.extract %slice3A_265[0] : f32 from vector<1xf32>
    %broadcast_in_dim3A_267 = vector.broadcast %squeeze3A_266 : f32 to vector<16xf32>
    %parallel_loop3A_268 = arith.constant 0 : i32
    %parallel_loop3A_269 = arith.constant 4096 : i32
    %parallel_loop3A_270 = arith.constant 16 : i32
    scf.for %parallel_loop3A_795 = %parallel_loop3A_268 to %parallel_loop3A_269 step %parallel_loop3A_270  : i32 {
      %parallel_loop3A_796 = arith.index_cast %parallel_loop3A_795 : i32 to index
      %parallel_loop3A_797 = tpu.vector_load %arg9[%parallel_loop3A_796] {strides = array<i32>} : memref<4096xi32, #tpu.memory_space<vmem>>, vector<16xi32>,
      %parallel_loop3A_798 = tpu.vector_load_idx %arg6[%parallel_loop3A_797] : memref<100000xf32, #tpu.memory_space<vmem>>[vector<16xi32>], vector<16xf32>,
      %parallel_loop3A_799 = arith.addf %parallel_loop3A_798, %broadcast_in_dim3A_267 : vector<16xf32>
      %parallel_loop3A_800 = arith.index_cast %parallel_loop3A_795 : i32 to index
      %parallel_loop3A_801 = tpu.vector_load %arg12[%parallel_loop3A_800] {strides = array<i32>} : memref<4096xf32, #tpu.memory_space<vmem>>, vector<16xf32>,
      tpu.vector_store %arg12[%parallel_loop3A_800], %parallel_loop3A_799 {strides = array<i32>} : memref<4096xf32, #tpu.memory_space<vmem>>, vector<16xf32>,
    } {sc.loop_unroll_factor = 8 : i64, sc.parallel_access}
    %dma_start3A_271 = arith.constant 6 : i32
    %dma_start3A_272 = arith.constant 0 : i32
    %dma_start3A_273 = tpu.memref_slice %arg5[%dma_start3A_271, %add3A_11, %dma_start3A_272] : memref<200x64x4096xf32, #tpu.memory_space<hbm>> -> memref<1x1x4096xf32, #tpu.memory_space<hbm>>
    %dma_start3A_274 = tpu.memref_squeeze %dma_start3A_273 : memref<1x1x4096xf32, #tpu.memory_space<hbm>> -> memref<4096xf32, #tpu.memory_space<hbm>>
    %dma_start3A_275 = arith.constant 0 : i32
    %dma_start3A_276 = tpu.memref_slice %arg5[%dma_start3A_271, %add3A_11, %dma_start3A_275] : memref<200x64x4096xf32, #tpu.memory_space<hbm>> -> memref<1x1x4096xf32, #tpu.memory_space<hbm>>
    %dma_start3A_277 = tpu.memref_squeeze %dma_start3A_276 : memref<1x1x4096xf32, #tpu.memory_space<hbm>> -> memref<4096xf32, #tpu.memory_space<hbm>>
    tpu.enqueue_dma source(%arg12 : memref<4096xf32, #tpu.memory_space<vmem>>) target(%dma_start3A_277 : memref<4096xf32, #tpu.memory_space<hbm>>) target_semaphore(%arg17 : memref<!tpu.dma_semaphore, #tpu.memory_space<semaphore_mem>>)
    %dma_start3A_278 = arith.constant 0 : i32
    %dma_start3A_279 = arith.constant 9 : i32
    %dma_start3A_280 = arith.constant 0 : i32
    %dma_start3A_281 = tpu.memref_slice %arg8[%dma_start3A_278, %dma_start3A_279, %dma_start3A_280] : memref<2x10x4096xi32, #tpu.memory_space<vmem_shared>> -> memref<1x1x4096xi32, #tpu.memory_space<vmem_shared>>
    %dma_start3A_282 = tpu.memref_squeeze %dma_start3A_281 : memref<1x1x4096xi32, #tpu.memory_space<vmem_shared>> -> memref<4096xi32, #tpu.memory_space<vmem_shared>>
    %dma_start3A_283 = arith.constant 0 : i32
    %dma_start3A_284 = tpu.memref_slice %arg8[%dma_start3A_278, %dma_start3A_279, %dma_start3A_283] : memref<2x10x4096xi32, #tpu.memory_space<vmem_shared>> -> memref<1x1x4096xi32, #tpu.memory_space<vmem_shared>>
    %dma_start3A_285 = tpu.memref_squeeze %dma_start3A_284 : memref<1x1x4096xi32, #tpu.memory_space<vmem_shared>> -> memref<4096xi32, #tpu.memory_space<vmem_shared>>
    tpu.enqueue_dma source(%dma_start3A_285 : memref<4096xi32, #tpu.memory_space<vmem_shared>>) target(%arg9 : memref<4096xi32, #tpu.memory_space<vmem>>) target_semaphore(%arg14 : memref<!tpu.dma_semaphore, #tpu.memory_space<semaphore_mem>>)
    %dma_wait3A_286 = arith.constant 0 : i32
    %dma_wait3A_287 = arith.constant 7 : i32
    %dma_wait3A_288 = arith.constant 0 : i32
    %dma_wait3A_289 = tpu.memref_slice %arg8[%dma_wait3A_286, %dma_wait3A_287, %dma_wait3A_288] : memref<2x10x4096xi32, #tpu.memory_space<vmem_shared>> -> memref<1x1x4096xi32, #tpu.memory_space<vmem_shared>>
    %dma_wait3A_290 = tpu.memref_squeeze %dma_wait3A_289 : memref<1x1x4096xi32, #tpu.memory_space<vmem_shared>> -> memref<4096xi32, #tpu.memory_space<vmem_shared>>
    %dma_wait3A_291 = arith.constant 0 : i32
    %dma_wait3A_292 = tpu.memref_slice %arg8[%dma_wait3A_286, %dma_wait3A_287, %dma_wait3A_291] : memref<2x10x4096xi32, #tpu.memory_space<vmem_shared>> -> memref<1x1x4096xi32, #tpu.memory_space<vmem_shared>>
    %dma_wait3A_293 = tpu.memref_squeeze %dma_wait3A_292 : memref<1x1x4096xi32, #tpu.memory_space<vmem_shared>> -> memref<4096xi32, #tpu.memory_space<vmem_shared>>
    tpu.wait_dma2 semaphore(%arg15 : memref<!tpu.dma_semaphore, #tpu.memory_space<semaphore_mem>>) src(%dma_wait3A_293 : memref<4096xi32, #tpu.memory_space<vmem_shared>>) dst(%arg10 : memref<4096xi32, #tpu.memory_space<vmem>>)
    %dma_wait3A_294 = arith.constant 5 : i32
    %dma_wait3A_295 = arith.constant 0 : i32
    %dma_wait3A_296 = tpu.memref_slice %arg5[%dma_wait3A_294, %add3A_11, %dma_wait3A_295] : memref<200x64x4096xf32, #tpu.memory_space<hbm>> -> memref<1x1x4096xf32, #tpu.memory_space<hbm>>
    %dma_wait3A_297 = tpu.memref_squeeze %dma_wait3A_296 : memref<1x1x4096xf32, #tpu.memory_space<hbm>> -> memref<4096xf32, #tpu.memory_space<hbm>>
    %dma_wait3A_298 = arith.constant 0 : i32
    %dma_wait3A_299 = tpu.memref_slice %arg5[%dma_wait3A_294, %add3A_11, %dma_wait3A_298] : memref<200x64x4096xf32, #tpu.memory_space<hbm>> -> memref<1x1x4096xf32, #tpu.memory_space<hbm>>
    %dma_wait3A_300 = tpu.memref_squeeze %dma_wait3A_299 : memref<1x1x4096xf32, #tpu.memory_space<hbm>> -> memref<4096xf32, #tpu.memory_space<hbm>>
    tpu.wait_dma2 semaphore(%arg18 : memref<!tpu.dma_semaphore, #tpu.memory_space<semaphore_mem>>) src(%arg13 : memref<4096xf32, #tpu.memory_space<vmem>>) dst(%dma_wait3A_300 : memref<4096xf32, #tpu.memory_space<hbm>>)
    %get3A_301 = arith.constant 7 : index
    %get3A_302 = tpu.vector_load %arg7[%get3A_301] {strides = array<i32>} : memref<216xf32, #tpu.memory_space<vmem>>, vector<16xf32>,
    %slice3A_303 = vector.extract_strided_slice %get3A_302 {offsets = [0], sizes = [1], strides = [1]} : vector<16xf32> to vector<1xf32>
    %squeeze3A_304 = vector.extract %slice3A_303[0] : f32 from vector<1xf32>
    %broadcast_in_dim3A_305 = vector.broadcast %squeeze3A_304 : f32 to vector<16xf32>
    %parallel_loop3A_306 = arith.constant 0 : i32
    %parallel_loop3A_307 = arith.constant 4096 : i32
    %parallel_loop3A_308 = arith.constant 16 : i32
    scf.for %parallel_loop3A_795 = %parallel_loop3A_306 to %parallel_loop3A_307 step %parallel_loop3A_308  : i32 {
      %parallel_loop3A_796 = arith.index_cast %parallel_loop3A_795 : i32 to index
      %parallel_loop3A_797 = tpu.vector_load %arg10[%parallel_loop3A_796] {strides = array<i32>} : memref<4096xi32, #tpu.memory_space<vmem>>, vector<16xi32>,
      %parallel_loop3A_798 = tpu.vector_load_idx %arg6[%parallel_loop3A_797] : memref<100000xf32, #tpu.memory_space<vmem>>[vector<16xi32>], vector<16xf32>,
      %parallel_loop3A_799 = arith.addf %parallel_loop3A_798, %broadcast_in_dim3A_305 : vector<16xf32>
      %parallel_loop3A_800 = arith.index_cast %parallel_loop3A_795 : i32 to index
      %parallel_loop3A_801 = tpu.vector_load %arg13[%parallel_loop3A_800] {strides = array<i32>} : memref<4096xf32, #tpu.memory_space<vmem>>, vector<16xf32>,
      tpu.vector_store %arg13[%parallel_loop3A_800], %parallel_loop3A_799 {strides = array<i32>} : memref<4096xf32, #tpu.memory_space<vmem>>, vector<16xf32>,
    } {sc.loop_unroll_factor = 8 : i64, sc.parallel_access}
    %dma_start3A_309 = arith.constant 7 : i32
    %dma_start3A_310 = arith.constant 0 : i32
    %dma_start3A_311 = tpu.memref_slice %arg5[%dma_start3A_309, %add3A_11, %dma_start3A_310] : memref<200x64x4096xf32, #tpu.memory_space<hbm>> -> memref<1x1x4096xf32, #tpu.memory_space<hbm>>
    %dma_start3A_312 = tpu.memref_squeeze %dma_start3A_311 : memref<1x1x4096xf32, #tpu.memory_space<hbm>> -> memref<4096xf32, #tpu.memory_space<hbm>>
    %dma_start3A_313 = arith.constant 0 : i32
    %dma_start3A_314 = tpu.memref_slice %arg5[%dma_start3A_309, %add3A_11, %dma_start3A_313] : memref<200x64x4096xf32, #tpu.memory_space<hbm>> -> memref<1x1x4096xf32, #tpu.memory_space<hbm>>
    %dma_start3A_315 = tpu.memref_squeeze %dma_start3A_314 : memref<1x1x4096xf32, #tpu.memory_space<hbm>> -> memref<4096xf32, #tpu.memory_space<hbm>>
    tpu.enqueue_dma source(%arg13 : memref<4096xf32, #tpu.memory_space<vmem>>) target(%dma_start3A_315 : memref<4096xf32, #tpu.memory_space<hbm>>) target_semaphore(%arg18 : memref<!tpu.dma_semaphore, #tpu.memory_space<semaphore_mem>>)
    %dma_wait3A_316 = arith.constant 0 : i32
    %dma_wait3A_317 = arith.constant 8 : i32
    %dma_wait3A_318 = arith.constant 0 : i32
    %dma_wait3A_319 = tpu.memref_slice %arg8[%dma_wait3A_316, %dma_wait3A_317, %dma_wait3A_318] : memref<2x10x4096xi32, #tpu.memory_space<vmem_shared>> -> memref<1x1x4096xi32, #tpu.memory_space<vmem_shared>>
    %dma_wait3A_320 = tpu.memref_squeeze %dma_wait3A_319 : memref<1x1x4096xi32, #tpu.memory_space<vmem_shared>> -> memref<4096xi32, #tpu.memory_space<vmem_shared>>
    %dma_wait3A_321 = arith.constant 0 : i32
    %dma_wait3A_322 = tpu.memref_slice %arg8[%dma_wait3A_316, %dma_wait3A_317, %dma_wait3A_321] : memref<2x10x4096xi32, #tpu.memory_space<vmem_shared>> -> memref<1x1x4096xi32, #tpu.memory_space<vmem_shared>>
    %dma_wait3A_323 = tpu.memref_squeeze %dma_wait3A_322 : memref<1x1x4096xi32, #tpu.memory_space<vmem_shared>> -> memref<4096xi32, #tpu.memory_space<vmem_shared>>
    tpu.wait_dma2 semaphore(%arg16 : memref<!tpu.dma_semaphore, #tpu.memory_space<semaphore_mem>>) src(%dma_wait3A_323 : memref<4096xi32, #tpu.memory_space<vmem_shared>>) dst(%arg11 : memref<4096xi32, #tpu.memory_space<vmem>>)
    %dma_wait3A_324 = arith.constant 6 : i32
    %dma_wait3A_325 = arith.constant 0 : i32
    %dma_wait3A_326 = tpu.memref_slice %arg5[%dma_wait3A_324, %add3A_11, %dma_wait3A_325] : memref<200x64x4096xf32, #tpu.memory_space<hbm>> -> memref<1x1x4096xf32, #tpu.memory_space<hbm>>
    %dma_wait3A_327 = tpu.memref_squeeze %dma_wait3A_326 : memref<1x1x4096xf32, #tpu.memory_space<hbm>> -> memref<4096xf32, #tpu.memory_space<hbm>>
    %dma_wait3A_328 = arith.constant 0 : i32
    %dma_wait3A_329 = tpu.memref_slice %arg5[%dma_wait3A_324, %add3A_11, %dma_wait3A_328] : memref<200x64x4096xf32, #tpu.memory_space<hbm>> -> memref<1x1x4096xf32, #tpu.memory_space<hbm>>
    %dma_wait3A_330 = tpu.memref_squeeze %dma_wait3A_329 : memref<1x1x4096xf32, #tpu.memory_space<hbm>> -> memref<4096xf32, #tpu.memory_space<hbm>>
    tpu.wait_dma2 semaphore(%arg17 : memref<!tpu.dma_semaphore, #tpu.memory_space<semaphore_mem>>) src(%arg12 : memref<4096xf32, #tpu.memory_space<vmem>>) dst(%dma_wait3A_330 : memref<4096xf32, #tpu.memory_space<hbm>>)
    %get3A_331 = arith.constant 8 : index
    %get3A_332 = tpu.vector_load %arg7[%get3A_331] {strides = array<i32>} : memref<216xf32, #tpu.memory_space<vmem>>, vector<16xf32>,
    %slice3A_333 = vector.extract_strided_slice %get3A_332 {offsets = [0], sizes = [1], strides = [1]} : vector<16xf32> to vector<1xf32>
    %squeeze3A_334 = vector.extract %slice3A_333[0] : f32 from vector<1xf32>
    %broadcast_in_dim3A_335 = vector.broadcast %squeeze3A_334 : f32 to vector<16xf32>
    %parallel_loop3A_336 = arith.constant 0 : i32
    %parallel_loop3A_337 = arith.constant 4096 : i32
    %parallel_loop3A_338 = arith.constant 16 : i32
    scf.for %parallel_loop3A_795 = %parallel_loop3A_336 to %parallel_loop3A_337 step %parallel_loop3A_338  : i32 {
      %parallel_loop3A_796 = arith.index_cast %parallel_loop3A_795 : i32 to index
      %parallel_loop3A_797 = tpu.vector_load %arg11[%parallel_loop3A_796] {strides = array<i32>} : memref<4096xi32, #tpu.memory_space<vmem>>, vector<16xi32>,
      %parallel_loop3A_798 = tpu.vector_load_idx %arg6[%parallel_loop3A_797] : memref<100000xf32, #tpu.memory_space<vmem>>[vector<16xi32>], vector<16xf32>,
      %parallel_loop3A_799 = arith.addf %parallel_loop3A_798, %broadcast_in_dim3A_335 : vector<16xf32>
      %parallel_loop3A_800 = arith.index_cast %parallel_loop3A_795 : i32 to index
      %parallel_loop3A_801 = tpu.vector_load %arg12[%parallel_loop3A_800] {strides = array<i32>} : memref<4096xf32, #tpu.memory_space<vmem>>, vector<16xf32>,
      tpu.vector_store %arg12[%parallel_loop3A_800], %parallel_loop3A_799 {strides = array<i32>} : memref<4096xf32, #tpu.memory_space<vmem>>, vector<16xf32>,
    } {sc.loop_unroll_factor = 8 : i64, sc.parallel_access}
    %dma_start3A_339 = arith.constant 8 : i32
    %dma_start3A_340 = arith.constant 0 : i32
    %dma_start3A_341 = tpu.memref_slice %arg5[%dma_start3A_339, %add3A_11, %dma_start3A_340] : memref<200x64x4096xf32, #tpu.memory_space<hbm>> -> memref<1x1x4096xf32, #tpu.memory_space<hbm>>
    %dma_start3A_342 = tpu.memref_squeeze %dma_start3A_341 : memref<1x1x4096xf32, #tpu.memory_space<hbm>> -> memref<4096xf32, #tpu.memory_space<hbm>>
    %dma_start3A_343 = arith.constant 0 : i32
    %dma_start3A_344 = tpu.memref_slice %arg5[%dma_start3A_339, %add3A_11, %dma_start3A_343] : memref<200x64x4096xf32, #tpu.memory_space<hbm>> -> memref<1x1x4096xf32, #tpu.memory_space<hbm>>
    %dma_start3A_345 = tpu.memref_squeeze %dma_start3A_344 : memref<1x1x4096xf32, #tpu.memory_space<hbm>> -> memref<4096xf32, #tpu.memory_space<hbm>>
    tpu.enqueue_dma source(%arg12 : memref<4096xf32, #tpu.memory_space<vmem>>) target(%dma_start3A_345 : memref<4096xf32, #tpu.memory_space<hbm>>) target_semaphore(%arg17 : memref<!tpu.dma_semaphore, #tpu.memory_space<semaphore_mem>>)
    %dma_wait3A_346 = arith.constant 0 : i32
    %dma_wait3A_347 = arith.constant 9 : i32
    %dma_wait3A_348 = arith.constant 0 : i32
    %dma_wait3A_349 = tpu.memref_slice %arg8[%dma_wait3A_346, %dma_wait3A_347, %dma_wait3A_348] : memref<2x10x4096xi32, #tpu.memory_space<vmem_shared>> -> memref<1x1x4096xi32, #tpu.memory_space<vmem_shared>>
    %dma_wait3A_350 = tpu.memref_squeeze %dma_wait3A_349 : memref<1x1x4096xi32, #tpu.memory_space<vmem_shared>> -> memref<4096xi32, #tpu.memory_space<vmem_shared>>
    %dma_wait3A_351 = arith.constant 0 : i32
    %dma_wait3A_352 = tpu.memref_slice %arg8[%dma_wait3A_346, %dma_wait3A_347, %dma_wait3A_351] : memref<2x10x4096xi32, #tpu.memory_space<vmem_shared>> -> memref<1x1x4096xi32, #tpu.memory_space<vmem_shared>>
    %dma_wait3A_353 = tpu.memref_squeeze %dma_wait3A_352 : memref<1x1x4096xi32, #tpu.memory_space<vmem_shared>> -> memref<4096xi32, #tpu.memory_space<vmem_shared>>
    tpu.wait_dma2 semaphore(%arg14 : memref<!tpu.dma_semaphore, #tpu.memory_space<semaphore_mem>>) src(%dma_wait3A_353 : memref<4096xi32, #tpu.memory_space<vmem_shared>>) dst(%arg9 : memref<4096xi32, #tpu.memory_space<vmem>>)
    %dma_wait3A_354 = arith.constant 7 : i32
    %dma_wait3A_355 = arith.constant 0 : i32
    %dma_wait3A_356 = tpu.memref_slice %arg5[%dma_wait3A_354, %add3A_11, %dma_wait3A_355] : memref<200x64x4096xf32, #tpu.memory_space<hbm>> -> memref<1x1x4096xf32, #tpu.memory_space<hbm>>
    %dma_wait3A_357 = tpu.memref_squeeze %dma_wait3A_356 : memref<1x1x4096xf32, #tpu.memory_space<hbm>> -> memref<4096xf32, #tpu.memory_space<hbm>>
    %dma_wait3A_358 = arith.constant 0 : i32
    %dma_wait3A_359 = tpu.memref_slice %arg5[%dma_wait3A_354, %add3A_11, %dma_wait3A_358] : memref<200x64x4096xf32, #tpu.memory_space<hbm>> -> memref<1x1x4096xf32, #tpu.memory_space<hbm>>
    %dma_wait3A_360 = tpu.memref_squeeze %dma_wait3A_359 : memref<1x1x4096xf32, #tpu.memory_space<hbm>> -> memref<4096xf32, #tpu.memory_space<hbm>>
    tpu.wait_dma2 semaphore(%arg18 : memref<!tpu.dma_semaphore, #tpu.memory_space<semaphore_mem>>) src(%arg13 : memref<4096xf32, #tpu.memory_space<vmem>>) dst(%dma_wait3A_360 : memref<4096xf32, #tpu.memory_space<hbm>>)
    %get3A_361 = arith.constant 9 : index
    %get3A_362 = tpu.vector_load %arg7[%get3A_361] {strides = array<i32>} : memref<216xf32, #tpu.memory_space<vmem>>, vector<16xf32>,
    %slice3A_363 = vector.extract_strided_slice %get3A_362 {offsets = [0], sizes = [1], strides = [1]} : vector<16xf32> to vector<1xf32>
    %squeeze3A_364 = vector.extract %slice3A_363[0] : f32 from vector<1xf32>
    %broadcast_in_dim3A_365 = vector.broadcast %squeeze3A_364 : f32 to vector<16xf32>
    %parallel_loop3A_366 = arith.constant 0 : i32
    %parallel_loop3A_367 = arith.constant 4096 : i32
    %parallel_loop3A_368 = arith.constant 16 : i32
    scf.for %parallel_loop3A_795 = %parallel_loop3A_366 to %parallel_loop3A_367 step %parallel_loop3A_368  : i32 {
      %parallel_loop3A_796 = arith.index_cast %parallel_loop3A_795 : i32 to index
      %parallel_loop3A_797 = tpu.vector_load %arg9[%parallel_loop3A_796] {strides = array<i32>} : memref<4096xi32, #tpu.memory_space<vmem>>, vector<16xi32>,
      %parallel_loop3A_798 = tpu.vector_load_idx %arg6[%parallel_loop3A_797] : memref<100000xf32, #tpu.memory_space<vmem>>[vector<16xi32>], vector<16xf32>,
      %parallel_loop3A_799 = arith.addf %parallel_loop3A_798, %broadcast_in_dim3A_365 : vector<16xf32>
      %parallel_loop3A_800 = arith.index_cast %parallel_loop3A_795 : i32 to index
      %parallel_loop3A_801 = tpu.vector_load %arg13[%parallel_loop3A_800] {strides = array<i32>} : memref<4096xf32, #tpu.memory_space<vmem>>, vector<16xf32>,
      tpu.vector_store %arg13[%parallel_loop3A_800], %parallel_loop3A_799 {strides = array<i32>} : memref<4096xf32, #tpu.memory_space<vmem>>, vector<16xf32>,
    } {sc.loop_unroll_factor = 8 : i64, sc.parallel_access}
    %dma_start3A_369 = arith.constant 9 : i32
    %dma_start3A_370 = arith.constant 0 : i32
    %dma_start3A_371 = tpu.memref_slice %arg5[%dma_start3A_369, %add3A_11, %dma_start3A_370] : memref<200x64x4096xf32, #tpu.memory_space<hbm>> -> memref<1x1x4096xf32, #tpu.memory_space<hbm>>
    %dma_start3A_372 = tpu.memref_squeeze %dma_start3A_371 : memref<1x1x4096xf32, #tpu.memory_space<hbm>> -> memref<4096xf32, #tpu.memory_space<hbm>>
    %dma_start3A_373 = arith.constant 0 : i32
    %dma_start3A_374 = tpu.memref_slice %arg5[%dma_start3A_369, %add3A_11, %dma_start3A_373] : memref<200x64x4096xf32, #tpu.memory_space<hbm>> -> memref<1x1x4096xf32, #tpu.memory_space<hbm>>
    %dma_start3A_375 = tpu.memref_squeeze %dma_start3A_374 : memref<1x1x4096xf32, #tpu.memory_space<hbm>> -> memref<4096xf32, #tpu.memory_space<hbm>>
    tpu.enqueue_dma source(%arg13 : memref<4096xf32, #tpu.memory_space<vmem>>) target(%dma_start3A_375 : memref<4096xf32, #tpu.memory_space<hbm>>) target_semaphore(%arg18 : memref<!tpu.dma_semaphore, #tpu.memory_space<semaphore_mem>>)
    %lt3A_376 = arith.constant 10 : i32
    %lt3A_377 = arith.cmpi slt, %arg1, %lt3A_376 : i32
    %convert_element_type3A_378 = arith.extui %lt3A_377 : i1 to i32
    %cond3A_379 = arith.constant 0 : i32
    %cond3A_380 = arith.cmpi ne, %convert_element_type3A_378, %cond3A_379 : i32
    scf.if %cond3A_380 {
      %dma_wait3A_795 = arith.constant 0 : i32
      %dma_wait3A_796 = arith.constant 0 : i32
      %dma_wait3A_797 = arith.constant 0 : i32
      %dma_wait3A_798 = arith.constant 0 : i32
      %dma_wait3A_799 = tpu.memref_slice %arg8[%dma_wait3A_796, %dma_wait3A_797, %dma_wait3A_798] : memref<2x10x4096xi32, #tpu.memory_space<vmem_shared>> -> memref<1x1x4096xi32, #tpu.memory_space<vmem_shared>>
      %dma_wait3A_800 = tpu.memref_squeeze %dma_wait3A_799 : memref<1x1x4096xi32, #tpu.memory_space<vmem_shared>> -> memref<4096xi32, #tpu.memory_space<vmem_shared>>
      %dma_wait3A_801 = arith.constant 0 : i32
      %dma_wait3A_802 = tpu.memref_slice %arg2[%dma_wait3A_795, %dma_wait3A_801] : memref<200x4096xi32, #tpu.memory_space<hbm>> -> memref<1x4096xi32, #tpu.memory_space<hbm>>
      %dma_wait3A_803 = tpu.memref_squeeze %dma_wait3A_802 : memref<1x4096xi32, #tpu.memory_space<hbm>> -> memref<4096xi32, #tpu.memory_space<hbm>>
      tpu.wait_dma2 semaphore(%arg19 : memref<!tpu.dma_semaphore, #tpu.memory_space<semaphore_mem>>) src(%dma_wait3A_803 : memref<4096xi32, #tpu.memory_space<hbm>>) dst(%dma_wait3A_800 : memref<4096xi32, #tpu.memory_space<vmem_shared>>)
    } else {
    }
    %scan3A = arith.constant 0 : i32
    %scan3A_381 = arith.constant 1 : i32
    %scan3A_382 = arith.constant 19 : i32
    %scan3A_383 = arith.addi %scan3A_381, %scan3A_382 : i32
    %scan3A_384 = arith.constant 1 : i32
    scf.for %scan3A_795 = %scan3A_381 to %scan3A_383 step %scan3A_384  : i32 {
      %jit3A = arith.constant 2 : i32
      %eq3A = arith.constant 0 : i32
      %eq3A_796 = arith.cmpi eq, %jit3A, %eq3A : i32
      %jit3A_797 = arith.constant 1 : i32
      %select_n3A = arith.select %eq3A_796, %jit3A_797, %jit3A : i32
      %rem3A = arith.remsi %scan3A_795, %select_n3A : i32
      %ne3A = arith.constant 0 : i32
      %ne3A_798 = arith.cmpi ne, %rem3A, %ne3A : i32
      %lt3A_799 = arith.constant 0 : i32
      %lt3A_800 = arith.cmpi slt, %rem3A, %lt3A_799 : i32
      %lt3A_801 = arith.constant 0 : i32
      %lt3A_802 = arith.cmpi slt, %select_n3A, %lt3A_801 : i32
      %ne3A_803 = arith.xori %lt3A_800, %lt3A_802 : i1
      %and3A = arith.andi %ne3A_803, %ne3A_798 : i1
      %add3A_804 = arith.addi %rem3A, %select_n3A : i32
      %select_n3A_805 = arith.select %and3A, %add3A_804, %rem3A : i32
      %barrier3A_806 = arith.constant 0 : index
      tpu.barrier barrier_id(%barrier3A_806)
      %add3A_807 = arith.constant 1 : i32
      %add3A_808 = arith.addi %scan3A_795, %add3A_807 : i32
      %jit3A_809 = arith.constant 20 : i32
      %eq3A_810 = arith.constant 0 : i32
      %eq3A_811 = arith.cmpi eq, %jit3A_809, %eq3A_810 : i32
      %jit3A_812 = arith.constant 1 : i32
      %select_n3A_813 = arith.select %eq3A_811, %jit3A_812, %jit3A_809 : i32
      %rem3A_814 = arith.remsi %add3A_808, %select_n3A_813 : i32
      %ne3A_815 = arith.constant 0 : i32
      %ne3A_816 = arith.cmpi ne, %rem3A_814, %ne3A_815 : i32
      %lt3A_817 = arith.constant 0 : i32
      %lt3A_818 = arith.cmpi slt, %rem3A_814, %lt3A_817 : i32
      %lt3A_819 = arith.constant 0 : i32
      %lt3A_820 = arith.cmpi slt, %select_n3A_813, %lt3A_819 : i32
      %ne3A_821 = arith.xori %lt3A_818, %lt3A_820 : i1
      %and3A_822 = arith.andi %ne3A_821, %ne3A_816 : i1
      %add3A_823 = arith.addi %rem3A_814, %select_n3A_813 : i32
      %select_n3A_824 = arith.select %and3A_822, %add3A_823, %rem3A_814 : i32
      %mul3A_825 = arith.constant 10 : i32
      %mul3A_826 = arith.muli %select_n3A_824, %mul3A_825 : i32
      %lt3A_827 = arith.constant 10 : i32
      %lt3A_828 = arith.cmpi slt, %arg1, %lt3A_827 : i32
      %convert_element_type3A_829 = arith.extui %lt3A_828 : i1 to i32
      %cond3A_830 = arith.constant 0 : i32
      %cond3A_831 = arith.cmpi ne, %convert_element_type3A_829, %cond3A_830 : i32
      scf.if %cond3A_831 {
        %add3A_1221 = arith.addi %mul3A_826, %arg1 : i32
        %jit3A_1222 = arith.constant 2 : i32
        %eq3A_1223 = arith.constant 0 : i32
        %eq3A_1224 = arith.cmpi eq, %jit3A_1222, %eq3A_1223 : i32
        %jit3A_1225 = arith.constant 1 : i32
        %select_n3A_1226 = arith.select %eq3A_1224, %jit3A_1225, %jit3A_1222 : i32
        %rem3A_1227 = arith.remsi %add3A_808, %select_n3A_1226 : i32
        %ne3A_1228 = arith.constant 0 : i32
        %ne3A_1229 = arith.cmpi ne, %rem3A_1227, %ne3A_1228 : i32
        %lt3A_1230 = arith.constant 0 : i32
        %lt3A_1231 = arith.cmpi slt, %rem3A_1227, %lt3A_1230 : i32
        %lt3A_1232 = arith.constant 0 : i32
        %lt3A_1233 = arith.cmpi slt, %select_n3A_1226, %lt3A_1232 : i32
        %ne3A_1234 = arith.xori %lt3A_1231, %lt3A_1233 : i1
        %and3A_1235 = arith.andi %ne3A_1234, %ne3A_1229 : i1
        %add3A_1236 = arith.addi %rem3A_1227, %select_n3A_1226 : i32
        %select_n3A_1237 = arith.select %and3A_1235, %add3A_1236, %rem3A_1227 : i32
        %dma_start3A_1238 = arith.constant 0 : i32
        %dma_start3A_1239 = tpu.memref_slice %arg8[%select_n3A_1237, %arg1, %dma_start3A_1238] : memref<2x10x4096xi32, #tpu.memory_space<vmem_shared>> -> memref<1x1x4096xi32, #tpu.memory_space<vmem_shared>>
        %dma_start3A_1240 = tpu.memref_squeeze %dma_start3A_1239 : memref<1x1x4096xi32, #tpu.memory_space<vmem_shared>> -> memref<4096xi32, #tpu.memory_space<vmem_shared>>
        %dma_start3A_1241 = arith.constant 0 : i32
        %dma_start3A_1242 = tpu.memref_slice %arg2[%add3A_1221, %dma_start3A_1241] : memref<200x4096xi32, #tpu.memory_space<hbm>> -> memref<1x4096xi32, #tpu.memory_space<hbm>>
        %dma_start3A_1243 = tpu.memref_squeeze %dma_start3A_1242 : memref<1x4096xi32, #tpu.memory_space<hbm>> -> memref<4096xi32, #tpu.memory_space<hbm>>
        tpu.enqueue_dma source(%dma_start3A_1243 : memref<4096xi32, #tpu.memory_space<hbm>>) target(%dma_start3A_1240 : memref<4096xi32, #tpu.memory_space<vmem_shared>>) target_semaphore(%arg19 : memref<!tpu.dma_semaphore, #tpu.memory_space<semaphore_mem>>)
      } else {
      }
      %dma_start3A_832 = arith.constant 0 : i32
      %dma_start3A_833 = arith.constant 0 : i32
      %dma_start3A_834 = tpu.memref_slice %arg8[%select_n3A_805, %dma_start3A_832, %dma_start3A_833] : memref<2x10x4096xi32, #tpu.memory_space<vmem_shared>> -> memref<1x1x4096xi32, #tpu.memory_space<vmem_shared>>
      %dma_start3A_835 = tpu.memref_squeeze %dma_start3A_834 : memref<1x1x4096xi32, #tpu.memory_space<vmem_shared>> -> memref<4096xi32, #tpu.memory_space<vmem_shared>>
      %dma_start3A_836 = arith.constant 0 : i32
      %dma_start3A_837 = tpu.memref_slice %arg8[%select_n3A_805, %dma_start3A_832, %dma_start3A_836] : memref<2x10x4096xi32, #tpu.memory_space<vmem_shared>> -> memref<1x1x4096xi32, #tpu.memory_space<vmem_shared>>
      %dma_start3A_838 = tpu.memref_squeeze %dma_start3A_837 : memref<1x1x4096xi32, #tpu.memory_space<vmem_shared>> -> memref<4096xi32, #tpu.memory_space<vmem_shared>>
      tpu.enqueue_dma source(%dma_start3A_838 : memref<4096xi32, #tpu.memory_space<vmem_shared>>) target(%arg9 : memref<4096xi32, #tpu.memory_space<vmem>>) target_semaphore(%arg14 : memref<!tpu.dma_semaphore, #tpu.memory_space<semaphore_mem>>)
      %dma_start3A_839 = arith.constant 1 : i32
      %dma_start3A_840 = arith.constant 0 : i32
      %dma_start3A_841 = tpu.memref_slice %arg8[%select_n3A_805, %dma_start3A_839, %dma_start3A_840] : memref<2x10x4096xi32, #tpu.memory_space<vmem_shared>> -> memref<1x1x4096xi32, #tpu.memory_space<vmem_shared>>
      %dma_start3A_842 = tpu.memref_squeeze %dma_start3A_841 : memref<1x1x4096xi32, #tpu.memory_space<vmem_shared>> -> memref<4096xi32, #tpu.memory_space<vmem_shared>>
      %dma_start3A_843 = arith.constant 0 : i32
      %dma_start3A_844 = tpu.memref_slice %arg8[%select_n3A_805, %dma_start3A_839, %dma_start3A_843] : memref<2x10x4096xi32, #tpu.memory_space<vmem_shared>> -> memref<1x1x4096xi32, #tpu.memory_space<vmem_shared>>
      %dma_start3A_845 = tpu.memref_squeeze %dma_start3A_844 : memref<1x1x4096xi32, #tpu.memory_space<vmem_shared>> -> memref<4096xi32, #tpu.memory_space<vmem_shared>>
      tpu.enqueue_dma source(%dma_start3A_845 : memref<4096xi32, #tpu.memory_space<vmem_shared>>) target(%arg10 : memref<4096xi32, #tpu.memory_space<vmem>>) target_semaphore(%arg15 : memref<!tpu.dma_semaphore, #tpu.memory_space<semaphore_mem>>)
      %dma_start3A_846 = arith.constant 2 : i32
      %dma_start3A_847 = arith.constant 0 : i32
      %dma_start3A_848 = tpu.memref_slice %arg8[%select_n3A_805, %dma_start3A_846, %dma_start3A_847] : memref<2x10x4096xi32, #tpu.memory_space<vmem_shared>> -> memref<1x1x4096xi32, #tpu.memory_space<vmem_shared>>
      %dma_start3A_849 = tpu.memref_squeeze %dma_start3A_848 : memref<1x1x4096xi32, #tpu.memory_space<vmem_shared>> -> memref<4096xi32, #tpu.memory_space<vmem_shared>>
      %dma_start3A_850 = arith.constant 0 : i32
      %dma_start3A_851 = tpu.memref_slice %arg8[%select_n3A_805, %dma_start3A_846, %dma_start3A_850] : memref<2x10x4096xi32, #tpu.memory_space<vmem_shared>> -> memref<1x1x4096xi32, #tpu.memory_space<vmem_shared>>
      %dma_start3A_852 = tpu.memref_squeeze %dma_start3A_851 : memref<1x1x4096xi32, #tpu.memory_space<vmem_shared>> -> memref<4096xi32, #tpu.memory_space<vmem_shared>>
      tpu.enqueue_dma source(%dma_start3A_852 : memref<4096xi32, #tpu.memory_space<vmem_shared>>) target(%arg11 : memref<4096xi32, #tpu.memory_space<vmem>>) target_semaphore(%arg16 : memref<!tpu.dma_semaphore, #tpu.memory_space<semaphore_mem>>)
      %dma_wait3A_853 = arith.constant 0 : i32
      %dma_wait3A_854 = arith.constant 0 : i32
      %dma_wait3A_855 = tpu.memref_slice %arg8[%select_n3A_805, %dma_wait3A_853, %dma_wait3A_854] : memref<2x10x4096xi32, #tpu.memory_space<vmem_shared>> -> memref<1x1x4096xi32, #tpu.memory_space<vmem_shared>>
      %dma_wait3A_856 = tpu.memref_squeeze %dma_wait3A_855 : memref<1x1x4096xi32, #tpu.memory_space<vmem_shared>> -> memref<4096xi32, #tpu.memory_space<vmem_shared>>
      %dma_wait3A_857 = arith.constant 0 : i32
      %dma_wait3A_858 = tpu.memref_slice %arg8[%select_n3A_805, %dma_wait3A_853, %dma_wait3A_857] : memref<2x10x4096xi32, #tpu.memory_space<vmem_shared>> -> memref<1x1x4096xi32, #tpu.memory_space<vmem_shared>>
      %dma_wait3A_859 = tpu.memref_squeeze %dma_wait3A_858 : memref<1x1x4096xi32, #tpu.memory_space<vmem_shared>> -> memref<4096xi32, #tpu.memory_space<vmem_shared>>
      tpu.wait_dma2 semaphore(%arg14 : memref<!tpu.dma_semaphore, #tpu.memory_space<semaphore_mem>>) src(%dma_wait3A_859 : memref<4096xi32, #tpu.memory_space<vmem_shared>>) dst(%arg9 : memref<4096xi32, #tpu.memory_space<vmem>>)
      %dma_wait3A_860 = arith.constant 0 : i32
      %dma_wait3A_861 = arith.constant 0 : i32
      %dma_wait3A_862 = arith.constant 0 : i32
      %dma_wait3A_863 = tpu.memref_slice %arg5[%dma_wait3A_860, %dma_wait3A_861, %dma_wait3A_862] : memref<200x64x4096xf32, #tpu.memory_space<hbm>> -> memref<1x1x4096xf32, #tpu.memory_space<hbm>>
      %dma_wait3A_864 = tpu.memref_squeeze %dma_wait3A_863 : memref<1x1x4096xf32, #tpu.memory_space<hbm>> -> memref<4096xf32, #tpu.memory_space<hbm>>
      %dma_wait3A_865 = arith.constant 0 : i32
      %dma_wait3A_866 = tpu.memref_slice %arg5[%dma_wait3A_860, %dma_wait3A_861, %dma_wait3A_865] : memref<200x64x4096xf32, #tpu.memory_space<hbm>> -> memref<1x1x4096xf32, #tpu.memory_space<hbm>>
      %dma_wait3A_867 = tpu.memref_squeeze %dma_wait3A_866 : memref<1x1x4096xf32, #tpu.memory_space<hbm>> -> memref<4096xf32, #tpu.memory_space<hbm>>
      tpu.wait_dma2 semaphore(%arg17 : memref<!tpu.dma_semaphore, #tpu.memory_space<semaphore_mem>>) src(%arg12 : memref<4096xf32, #tpu.memory_space<vmem>>) dst(%dma_wait3A_867 : memref<4096xf32, #tpu.memory_space<hbm>>)
      %mul3A_868 = arith.constant 10 : i32
      %mul3A_869 = arith.muli %scan3A_795, %mul3A_868 : i32
      %add3A_870 = arith.constant 0 : i32
      %add3A_871 = arith.addi %mul3A_869, %add3A_870 : i32
      %get3A_872 = arith.index_cast %add3A_871 : i32 to index
      %get3A_873 = tpu.vector_load %arg7[%get3A_872] {strides = array<i32>} : memref<216xf32, #tpu.memory_space<vmem>>, vector<16xf32>,
      %slice3A_874 = vector.extract_strided_slice %get3A_873 {offsets = [0], sizes = [1], strides = [1]} : vector<16xf32> to vector<1xf32>
      %squeeze3A_875 = vector.extract %slice3A_874[0] : f32 from vector<1xf32>
      %broadcast_in_dim3A_876 = vector.broadcast %squeeze3A_875 : f32 to vector<16xf32>
      %parallel_loop3A_877 = arith.constant 0 : i32
      %parallel_loop3A_878 = arith.constant 4096 : i32
      %parallel_loop3A_879 = arith.constant 16 : i32
      scf.for %parallel_loop3A_1221 = %parallel_loop3A_877 to %parallel_loop3A_878 step %parallel_loop3A_879  : i32 {
        %parallel_loop3A_1222 = arith.index_cast %parallel_loop3A_1221 : i32 to index
        %parallel_loop3A_1223 = tpu.vector_load %arg9[%parallel_loop3A_1222] {strides = array<i32>} : memref<4096xi32, #tpu.memory_space<vmem>>, vector<16xi32>,
        %parallel_loop3A_1224 = tpu.vector_load_idx %arg6[%parallel_loop3A_1223] : memref<100000xf32, #tpu.memory_space<vmem>>[vector<16xi32>], vector<16xf32>,
        %parallel_loop3A_1225 = arith.addf %parallel_loop3A_1224, %broadcast_in_dim3A_876 : vector<16xf32>
        %parallel_loop3A_1226 = arith.index_cast %parallel_loop3A_1221 : i32 to index
        %parallel_loop3A_1227 = tpu.vector_load %arg12[%parallel_loop3A_1226] {strides = array<i32>} : memref<4096xf32, #tpu.memory_space<vmem>>, vector<16xf32>,
        tpu.vector_store %arg12[%parallel_loop3A_1226], %parallel_loop3A_1225 {strides = array<i32>} : memref<4096xf32, #tpu.memory_space<vmem>>, vector<16xf32>,
      } {sc.loop_unroll_factor = 8 : i64, sc.parallel_access}
      %dma_start3A_880 = arith.constant 0 : i32
      %dma_start3A_881 = tpu.memref_slice %arg5[%add3A_871, %add3A_11, %dma_start3A_880] : memref<200x64x4096xf32, #tpu.memory_space<hbm>> -> memref<1x1x4096xf32, #tpu.memory_space<hbm>>
      %dma_start3A_882 = tpu.memref_squeeze %dma_start3A_881 : memref<1x1x4096xf32, #tpu.memory_space<hbm>> -> memref<4096xf32, #tpu.memory_space<hbm>>
      %dma_start3A_883 = arith.constant 0 : i32
      %dma_start3A_884 = tpu.memref_slice %arg5[%add3A_871, %add3A_11, %dma_start3A_883] : memref<200x64x4096xf32, #tpu.memory_space<hbm>> -> memref<1x1x4096xf32, #tpu.memory_space<hbm>>
      %dma_start3A_885 = tpu.memref_squeeze %dma_start3A_884 : memref<1x1x4096xf32, #tpu.memory_space<hbm>> -> memref<4096xf32, #tpu.memory_space<hbm>>
      tpu.enqueue_dma source(%arg12 : memref<4096xf32, #tpu.memory_space<vmem>>) target(%dma_start3A_885 : memref<4096xf32, #tpu.memory_space<hbm>>) target_semaphore(%arg17 : memref<!tpu.dma_semaphore, #tpu.memory_space<semaphore_mem>>)
      %dma_start3A_886 = arith.constant 3 : i32
      %dma_start3A_887 = arith.constant 0 : i32
      %dma_start3A_888 = tpu.memref_slice %arg8[%select_n3A_805, %dma_start3A_886, %dma_start3A_887] : memref<2x10x4096xi32, #tpu.memory_space<vmem_shared>> -> memref<1x1x4096xi32, #tpu.memory_space<vmem_shared>>
      %dma_start3A_889 = tpu.memref_squeeze %dma_start3A_888 : memref<1x1x4096xi32, #tpu.memory_space<vmem_shared>> -> memref<4096xi32, #tpu.memory_space<vmem_shared>>
      %dma_start3A_890 = arith.constant 0 : i32
      %dma_start3A_891 = tpu.memref_slice %arg8[%select_n3A_805, %dma_start3A_886, %dma_start3A_890] : memref<2x10x4096xi32, #tpu.memory_space<vmem_shared>> -> memref<1x1x4096xi32, #tpu.memory_space<vmem_shared>>
      %dma_start3A_892 = tpu.memref_squeeze %dma_start3A_891 : memref<1x1x4096xi32, #tpu.memory_space<vmem_shared>> -> memref<4096xi32, #tpu.memory_space<vmem_shared>>
      tpu.enqueue_dma source(%dma_start3A_892 : memref<4096xi32, #tpu.memory_space<vmem_shared>>) target(%arg9 : memref<4096xi32, #tpu.memory_space<vmem>>) target_semaphore(%arg14 : memref<!tpu.dma_semaphore, #tpu.memory_space<semaphore_mem>>)
      %dma_wait3A_893 = arith.constant 1 : i32
      %dma_wait3A_894 = arith.constant 0 : i32
      %dma_wait3A_895 = tpu.memref_slice %arg8[%select_n3A_805, %dma_wait3A_893, %dma_wait3A_894] : memref<2x10x4096xi32, #tpu.memory_space<vmem_shared>> -> memref<1x1x4096xi32, #tpu.memory_space<vmem_shared>>
      %dma_wait3A_896 = tpu.memref_squeeze %dma_wait3A_895 : memref<1x1x4096xi32, #tpu.memory_space<vmem_shared>> -> memref<4096xi32, #tpu.memory_space<vmem_shared>>
      %dma_wait3A_897 = arith.constant 0 : i32
      %dma_wait3A_898 = tpu.memref_slice %arg8[%select_n3A_805, %dma_wait3A_893, %dma_wait3A_897] : memref<2x10x4096xi32, #tpu.memory_space<vmem_shared>> -> memref<1x1x4096xi32, #tpu.memory_space<vmem_shared>>
      %dma_wait3A_899 = tpu.memref_squeeze %dma_wait3A_898 : memref<1x1x4096xi32, #tpu.memory_space<vmem_shared>> -> memref<4096xi32, #tpu.memory_space<vmem_shared>>
      tpu.wait_dma2 semaphore(%arg15 : memref<!tpu.dma_semaphore, #tpu.memory_space<semaphore_mem>>) src(%dma_wait3A_899 : memref<4096xi32, #tpu.memory_space<vmem_shared>>) dst(%arg10 : memref<4096xi32, #tpu.memory_space<vmem>>)
      %dma_wait3A_900 = arith.constant 0 : i32
      %dma_wait3A_901 = arith.constant 0 : i32
      %dma_wait3A_902 = arith.constant 0 : i32
      %dma_wait3A_903 = tpu.memref_slice %arg5[%dma_wait3A_900, %dma_wait3A_901, %dma_wait3A_902] : memref<200x64x4096xf32, #tpu.memory_space<hbm>> -> memref<1x1x4096xf32, #tpu.memory_space<hbm>>
      %dma_wait3A_904 = tpu.memref_squeeze %dma_wait3A_903 : memref<1x1x4096xf32, #tpu.memory_space<hbm>> -> memref<4096xf32, #tpu.memory_space<hbm>>
      %dma_wait3A_905 = arith.constant 0 : i32
      %dma_wait3A_906 = tpu.memref_slice %arg5[%dma_wait3A_900, %dma_wait3A_901, %dma_wait3A_905] : memref<200x64x4096xf32, #tpu.memory_space<hbm>> -> memref<1x1x4096xf32, #tpu.memory_space<hbm>>
      %dma_wait3A_907 = tpu.memref_squeeze %dma_wait3A_906 : memref<1x1x4096xf32, #tpu.memory_space<hbm>> -> memref<4096xf32, #tpu.memory_space<hbm>>
      tpu.wait_dma2 semaphore(%arg18 : memref<!tpu.dma_semaphore, #tpu.memory_space<semaphore_mem>>) src(%arg13 : memref<4096xf32, #tpu.memory_space<vmem>>) dst(%dma_wait3A_907 : memref<4096xf32, #tpu.memory_space<hbm>>)
      %mul3A_908 = arith.constant 10 : i32
      %mul3A_909 = arith.muli %scan3A_795, %mul3A_908 : i32
      %add3A_910 = arith.constant 1 : i32
      %add3A_911 = arith.addi %mul3A_909, %add3A_910 : i32
      %get3A_912 = arith.index_cast %add3A_911 : i32 to index
      %get3A_913 = tpu.vector_load %arg7[%get3A_912] {strides = array<i32>} : memref<216xf32, #tpu.memory_space<vmem>>, vector<16xf32>,
      %slice3A_914 = vector.extract_strided_slice %get3A_913 {offsets = [0], sizes = [1], strides = [1]} : vector<16xf32> to vector<1xf32>
      %squeeze3A_915 = vector.extract %slice3A_914[0] : f32 from vector<1xf32>
      %broadcast_in_dim3A_916 = vector.broadcast %squeeze3A_915 : f32 to vector<16xf32>
      %parallel_loop3A_917 = arith.constant 0 : i32
      %parallel_loop3A_918 = arith.constant 4096 : i32
      %parallel_loop3A_919 = arith.constant 16 : i32
      scf.for %parallel_loop3A_1221 = %parallel_loop3A_917 to %parallel_loop3A_918 step %parallel_loop3A_919  : i32 {
        %parallel_loop3A_1222 = arith.index_cast %parallel_loop3A_1221 : i32 to index
        %parallel_loop3A_1223 = tpu.vector_load %arg10[%parallel_loop3A_1222] {strides = array<i32>} : memref<4096xi32, #tpu.memory_space<vmem>>, vector<16xi32>,
        %parallel_loop3A_1224 = tpu.vector_load_idx %arg6[%parallel_loop3A_1223] : memref<100000xf32, #tpu.memory_space<vmem>>[vector<16xi32>], vector<16xf32>,
        %parallel_loop3A_1225 = arith.addf %parallel_loop3A_1224, %broadcast_in_dim3A_916 : vector<16xf32>
        %parallel_loop3A_1226 = arith.index_cast %parallel_loop3A_1221 : i32 to index
        %parallel_loop3A_1227 = tpu.vector_load %arg13[%parallel_loop3A_1226] {strides = array<i32>} : memref<4096xf32, #tpu.memory_space<vmem>>, vector<16xf32>,
        tpu.vector_store %arg13[%parallel_loop3A_1226], %parallel_loop3A_1225 {strides = array<i32>} : memref<4096xf32, #tpu.memory_space<vmem>>, vector<16xf32>,
      } {sc.loop_unroll_factor = 8 : i64, sc.parallel_access}
      %dma_start3A_920 = arith.constant 0 : i32
      %dma_start3A_921 = tpu.memref_slice %arg5[%add3A_911, %add3A_11, %dma_start3A_920] : memref<200x64x4096xf32, #tpu.memory_space<hbm>> -> memref<1x1x4096xf32, #tpu.memory_space<hbm>>
      %dma_start3A_922 = tpu.memref_squeeze %dma_start3A_921 : memref<1x1x4096xf32, #tpu.memory_space<hbm>> -> memref<4096xf32, #tpu.memory_space<hbm>>
      %dma_start3A_923 = arith.constant 0 : i32
      %dma_start3A_924 = tpu.memref_slice %arg5[%add3A_911, %add3A_11, %dma_start3A_923] : memref<200x64x4096xf32, #tpu.memory_space<hbm>> -> memref<1x1x4096xf32, #tpu.memory_space<hbm>>
      %dma_start3A_925 = tpu.memref_squeeze %dma_start3A_924 : memref<1x1x4096xf32, #tpu.memory_space<hbm>> -> memref<4096xf32, #tpu.memory_space<hbm>>
      tpu.enqueue_dma source(%arg13 : memref<4096xf32, #tpu.memory_space<vmem>>) target(%dma_start3A_925 : memref<4096xf32, #tpu.memory_space<hbm>>) target_semaphore(%arg18 : memref<!tpu.dma_semaphore, #tpu.memory_space<semaphore_mem>>)
      %dma_start3A_926 = arith.constant 4 : i32
      %dma_start3A_927 = arith.constant 0 : i32
      %dma_start3A_928 = tpu.memref_slice %arg8[%select_n3A_805, %dma_start3A_926, %dma_start3A_927] : memref<2x10x4096xi32, #tpu.memory_space<vmem_shared>> -> memref<1x1x4096xi32, #tpu.memory_space<vmem_shared>>
      %dma_start3A_929 = tpu.memref_squeeze %dma_start3A_928 : memref<1x1x4096xi32, #tpu.memory_space<vmem_shared>> -> memref<4096xi32, #tpu.memory_space<vmem_shared>>
      %dma_start3A_930 = arith.constant 0 : i32
      %dma_start3A_931 = tpu.memref_slice %arg8[%select_n3A_805, %dma_start3A_926, %dma_start3A_930] : memref<2x10x4096xi32, #tpu.memory_space<vmem_shared>> -> memref<1x1x4096xi32, #tpu.memory_space<vmem_shared>>
      %dma_start3A_932 = tpu.memref_squeeze %dma_start3A_931 : memref<1x1x4096xi32, #tpu.memory_space<vmem_shared>> -> memref<4096xi32, #tpu.memory_space<vmem_shared>>
      tpu.enqueue_dma source(%dma_start3A_932 : memref<4096xi32, #tpu.memory_space<vmem_shared>>) target(%arg10 : memref<4096xi32, #tpu.memory_space<vmem>>) target_semaphore(%arg15 : memref<!tpu.dma_semaphore, #tpu.memory_space<semaphore_mem>>)
      %dma_wait3A_933 = arith.constant 2 : i32
      %dma_wait3A_934 = arith.constant 0 : i32
      %dma_wait3A_935 = tpu.memref_slice %arg8[%select_n3A_805, %dma_wait3A_933, %dma_wait3A_934] : memref<2x10x4096xi32, #tpu.memory_space<vmem_shared>> -> memref<1x1x4096xi32, #tpu.memory_space<vmem_shared>>
      %dma_wait3A_936 = tpu.memref_squeeze %dma_wait3A_935 : memref<1x1x4096xi32, #tpu.memory_space<vmem_shared>> -> memref<4096xi32, #tpu.memory_space<vmem_shared>>
      %dma_wait3A_937 = arith.constant 0 : i32
      %dma_wait3A_938 = tpu.memref_slice %arg8[%select_n3A_805, %dma_wait3A_933, %dma_wait3A_937] : memref<2x10x4096xi32, #tpu.memory_space<vmem_shared>> -> memref<1x1x4096xi32, #tpu.memory_space<vmem_shared>>
      %dma_wait3A_939 = tpu.memref_squeeze %dma_wait3A_938 : memref<1x1x4096xi32, #tpu.memory_space<vmem_shared>> -> memref<4096xi32, #tpu.memory_space<vmem_shared>>
      tpu.wait_dma2 semaphore(%arg16 : memref<!tpu.dma_semaphore, #tpu.memory_space<semaphore_mem>>) src(%dma_wait3A_939 : memref<4096xi32, #tpu.memory_space<vmem_shared>>) dst(%arg11 : memref<4096xi32, #tpu.memory_space<vmem>>)
      %dma_wait3A_940 = arith.constant 0 : i32
      %dma_wait3A_941 = tpu.memref_slice %arg5[%add3A_871, %add3A_11, %dma_wait3A_940] : memref<200x64x4096xf32, #tpu.memory_space<hbm>> -> memref<1x1x4096xf32, #tpu.memory_space<hbm>>
      %dma_wait3A_942 = tpu.memref_squeeze %dma_wait3A_941 : memref<1x1x4096xf32, #tpu.memory_space<hbm>> -> memref<4096xf32, #tpu.memory_space<hbm>>
      %dma_wait3A_943 = arith.constant 0 : i32
      %dma_wait3A_944 = tpu.memref_slice %arg5[%add3A_871, %add3A_11, %dma_wait3A_943] : memref<200x64x4096xf32, #tpu.memory_space<hbm>> -> memref<1x1x4096xf32, #tpu.memory_space<hbm>>
      %dma_wait3A_945 = tpu.memref_squeeze %dma_wait3A_944 : memref<1x1x4096xf32, #tpu.memory_space<hbm>> -> memref<4096xf32, #tpu.memory_space<hbm>>
      tpu.wait_dma2 semaphore(%arg17 : memref<!tpu.dma_semaphore, #tpu.memory_space<semaphore_mem>>) src(%arg12 : memref<4096xf32, #tpu.memory_space<vmem>>) dst(%dma_wait3A_945 : memref<4096xf32, #tpu.memory_space<hbm>>)
      %mul3A_946 = arith.constant 10 : i32
      %mul3A_947 = arith.muli %scan3A_795, %mul3A_946 : i32
      %add3A_948 = arith.constant 2 : i32
      %add3A_949 = arith.addi %mul3A_947, %add3A_948 : i32
      %get3A_950 = arith.index_cast %add3A_949 : i32 to index
      %get3A_951 = tpu.vector_load %arg7[%get3A_950] {strides = array<i32>} : memref<216xf32, #tpu.memory_space<vmem>>, vector<16xf32>,
      %slice3A_952 = vector.extract_strided_slice %get3A_951 {offsets = [0], sizes = [1], strides = [1]} : vector<16xf32> to vector<1xf32>
      %squeeze3A_953 = vector.extract %slice3A_952[0] : f32 from vector<1xf32>
      %broadcast_in_dim3A_954 = vector.broadcast %squeeze3A_953 : f32 to vector<16xf32>
      %parallel_loop3A_955 = arith.constant 0 : i32
      %parallel_loop3A_956 = arith.constant 4096 : i32
      %parallel_loop3A_957 = arith.constant 16 : i32
      scf.for %parallel_loop3A_1221 = %parallel_loop3A_955 to %parallel_loop3A_956 step %parallel_loop3A_957  : i32 {
        %parallel_loop3A_1222 = arith.index_cast %parallel_loop3A_1221 : i32 to index
        %parallel_loop3A_1223 = tpu.vector_load %arg11[%parallel_loop3A_1222] {strides = array<i32>} : memref<4096xi32, #tpu.memory_space<vmem>>, vector<16xi32>,
        %parallel_loop3A_1224 = tpu.vector_load_idx %arg6[%parallel_loop3A_1223] : memref<100000xf32, #tpu.memory_space<vmem>>[vector<16xi32>], vector<16xf32>,
        %parallel_loop3A_1225 = arith.addf %parallel_loop3A_1224, %broadcast_in_dim3A_954 : vector<16xf32>
        %parallel_loop3A_1226 = arith.index_cast %parallel_loop3A_1221 : i32 to index
        %parallel_loop3A_1227 = tpu.vector_load %arg12[%parallel_loop3A_1226] {strides = array<i32>} : memref<4096xf32, #tpu.memory_space<vmem>>, vector<16xf32>,
        tpu.vector_store %arg12[%parallel_loop3A_1226], %parallel_loop3A_1225 {strides = array<i32>} : memref<4096xf32, #tpu.memory_space<vmem>>, vector<16xf32>,
      } {sc.loop_unroll_factor = 8 : i64, sc.parallel_access}
      %dma_start3A_958 = arith.constant 0 : i32
      %dma_start3A_959 = tpu.memref_slice %arg5[%add3A_949, %add3A_11, %dma_start3A_958] : memref<200x64x4096xf32, #tpu.memory_space<hbm>> -> memref<1x1x4096xf32, #tpu.memory_space<hbm>>
      %dma_start3A_960 = tpu.memref_squeeze %dma_start3A_959 : memref<1x1x4096xf32, #tpu.memory_space<hbm>> -> memref<4096xf32, #tpu.memory_space<hbm>>
      %dma_start3A_961 = arith.constant 0 : i32
      %dma_start3A_962 = tpu.memref_slice %arg5[%add3A_949, %add3A_11, %dma_start3A_961] : memref<200x64x4096xf32, #tpu.memory_space<hbm>> -> memref<1x1x4096xf32, #tpu.memory_space<hbm>>
      %dma_start3A_963 = tpu.memref_squeeze %dma_start3A_962 : memref<1x1x4096xf32, #tpu.memory_space<hbm>> -> memref<4096xf32, #tpu.memory_space<hbm>>
      tpu.enqueue_dma source(%arg12 : memref<4096xf32, #tpu.memory_space<vmem>>) target(%dma_start3A_963 : memref<4096xf32, #tpu.memory_space<hbm>>) target_semaphore(%arg17 : memref<!tpu.dma_semaphore, #tpu.memory_space<semaphore_mem>>)
      %dma_start3A_964 = arith.constant 5 : i32
      %dma_start3A_965 = arith.constant 0 : i32
      %dma_start3A_966 = tpu.memref_slice %arg8[%select_n3A_805, %dma_start3A_964, %dma_start3A_965] : memref<2x10x4096xi32, #tpu.memory_space<vmem_shared>> -> memref<1x1x4096xi32, #tpu.memory_space<vmem_shared>>
      %dma_start3A_967 = tpu.memref_squeeze %dma_start3A_966 : memref<1x1x4096xi32, #tpu.memory_space<vmem_shared>> -> memref<4096xi32, #tpu.memory_space<vmem_shared>>
      %dma_start3A_968 = arith.constant 0 : i32
      %dma_start3A_969 = tpu.memref_slice %arg8[%select_n3A_805, %dma_start3A_964, %dma_start3A_968] : memref<2x10x4096xi32, #tpu.memory_space<vmem_shared>> -> memref<1x1x4096xi32, #tpu.memory_space<vmem_shared>>
      %dma_start3A_970 = tpu.memref_squeeze %dma_start3A_969 : memref<1x1x4096xi32, #tpu.memory_space<vmem_shared>> -> memref<4096xi32, #tpu.memory_space<vmem_shared>>
      tpu.enqueue_dma source(%dma_start3A_970 : memref<4096xi32, #tpu.memory_space<vmem_shared>>) target(%arg11 : memref<4096xi32, #tpu.memory_space<vmem>>) target_semaphore(%arg16 : memref<!tpu.dma_semaphore, #tpu.memory_space<semaphore_mem>>)
      %dma_wait3A_971 = arith.constant 3 : i32
      %dma_wait3A_972 = arith.constant 0 : i32
      %dma_wait3A_973 = tpu.memref_slice %arg8[%select_n3A_805, %dma_wait3A_971, %dma_wait3A_972] : memref<2x10x4096xi32, #tpu.memory_space<vmem_shared>> -> memref<1x1x4096xi32, #tpu.memory_space<vmem_shared>>
      %dma_wait3A_974 = tpu.memref_squeeze %dma_wait3A_973 : memref<1x1x4096xi32, #tpu.memory_space<vmem_shared>> -> memref<4096xi32, #tpu.memory_space<vmem_shared>>
      %dma_wait3A_975 = arith.constant 0 : i32
      %dma_wait3A_976 = tpu.memref_slice %arg8[%select_n3A_805, %dma_wait3A_971, %dma_wait3A_975] : memref<2x10x4096xi32, #tpu.memory_space<vmem_shared>> -> memref<1x1x4096xi32, #tpu.memory_space<vmem_shared>>
      %dma_wait3A_977 = tpu.memref_squeeze %dma_wait3A_976 : memref<1x1x4096xi32, #tpu.memory_space<vmem_shared>> -> memref<4096xi32, #tpu.memory_space<vmem_shared>>
      tpu.wait_dma2 semaphore(%arg14 : memref<!tpu.dma_semaphore, #tpu.memory_space<semaphore_mem>>) src(%dma_wait3A_977 : memref<4096xi32, #tpu.memory_space<vmem_shared>>) dst(%arg9 : memref<4096xi32, #tpu.memory_space<vmem>>)
      %dma_wait3A_978 = arith.constant 0 : i32
      %dma_wait3A_979 = tpu.memref_slice %arg5[%add3A_911, %add3A_11, %dma_wait3A_978] : memref<200x64x4096xf32, #tpu.memory_space<hbm>> -> memref<1x1x4096xf32, #tpu.memory_space<hbm>>
      %dma_wait3A_980 = tpu.memref_squeeze %dma_wait3A_979 : memref<1x1x4096xf32, #tpu.memory_space<hbm>> -> memref<4096xf32, #tpu.memory_space<hbm>>
      %dma_wait3A_981 = arith.constant 0 : i32
      %dma_wait3A_982 = tpu.memref_slice %arg5[%add3A_911, %add3A_11, %dma_wait3A_981] : memref<200x64x4096xf32, #tpu.memory_space<hbm>> -> memref<1x1x4096xf32, #tpu.memory_space<hbm>>
      %dma_wait3A_983 = tpu.memref_squeeze %dma_wait3A_982 : memref<1x1x4096xf32, #tpu.memory_space<hbm>> -> memref<4096xf32, #tpu.memory_space<hbm>>
      tpu.wait_dma2 semaphore(%arg18 : memref<!tpu.dma_semaphore, #tpu.memory_space<semaphore_mem>>) src(%arg13 : memref<4096xf32, #tpu.memory_space<vmem>>) dst(%dma_wait3A_983 : memref<4096xf32, #tpu.memory_space<hbm>>)
      %mul3A_984 = arith.constant 10 : i32
      %mul3A_985 = arith.muli %scan3A_795, %mul3A_984 : i32
      %add3A_986 = arith.constant 3 : i32
      %add3A_987 = arith.addi %mul3A_985, %add3A_986 : i32
      %get3A_988 = arith.index_cast %add3A_987 : i32 to index
      %get3A_989 = tpu.vector_load %arg7[%get3A_988] {strides = array<i32>} : memref<216xf32, #tpu.memory_space<vmem>>, vector<16xf32>,
      %slice3A_990 = vector.extract_strided_slice %get3A_989 {offsets = [0], sizes = [1], strides = [1]} : vector<16xf32> to vector<1xf32>
      %squeeze3A_991 = vector.extract %slice3A_990[0] : f32 from vector<1xf32>
      %broadcast_in_dim3A_992 = vector.broadcast %squeeze3A_991 : f32 to vector<16xf32>
      %parallel_loop3A_993 = arith.constant 0 : i32
      %parallel_loop3A_994 = arith.constant 4096 : i32
      %parallel_loop3A_995 = arith.constant 16 : i32
      scf.for %parallel_loop3A_1221 = %parallel_loop3A_993 to %parallel_loop3A_994 step %parallel_loop3A_995  : i32 {
        %parallel_loop3A_1222 = arith.index_cast %parallel_loop3A_1221 : i32 to index
        %parallel_loop3A_1223 = tpu.vector_load %arg9[%parallel_loop3A_1222] {strides = array<i32>} : memref<4096xi32, #tpu.memory_space<vmem>>, vector<16xi32>,
        %parallel_loop3A_1224 = tpu.vector_load_idx %arg6[%parallel_loop3A_1223] : memref<100000xf32, #tpu.memory_space<vmem>>[vector<16xi32>], vector<16xf32>,
        %parallel_loop3A_1225 = arith.addf %parallel_loop3A_1224, %broadcast_in_dim3A_992 : vector<16xf32>
        %parallel_loop3A_1226 = arith.index_cast %parallel_loop3A_1221 : i32 to index
        %parallel_loop3A_1227 = tpu.vector_load %arg13[%parallel_loop3A_1226] {strides = array<i32>} : memref<4096xf32, #tpu.memory_space<vmem>>, vector<16xf32>,
        tpu.vector_store %arg13[%parallel_loop3A_1226], %parallel_loop3A_1225 {strides = array<i32>} : memref<4096xf32, #tpu.memory_space<vmem>>, vector<16xf32>,
      } {sc.loop_unroll_factor = 8 : i64, sc.parallel_access}
      %dma_start3A_996 = arith.constant 0 : i32
      %dma_start3A_997 = tpu.memref_slice %arg5[%add3A_987, %add3A_11, %dma_start3A_996] : memref<200x64x4096xf32, #tpu.memory_space<hbm>> -> memref<1x1x4096xf32, #tpu.memory_space<hbm>>
      %dma_start3A_998 = tpu.memref_squeeze %dma_start3A_997 : memref<1x1x4096xf32, #tpu.memory_space<hbm>> -> memref<4096xf32, #tpu.memory_space<hbm>>
      %dma_start3A_999 = arith.constant 0 : i32
      %dma_start3A_1000 = tpu.memref_slice %arg5[%add3A_987, %add3A_11, %dma_start3A_999] : memref<200x64x4096xf32, #tpu.memory_space<hbm>> -> memref<1x1x4096xf32, #tpu.memory_space<hbm>>
      %dma_start3A_1001 = tpu.memref_squeeze %dma_start3A_1000 : memref<1x1x4096xf32, #tpu.memory_space<hbm>> -> memref<4096xf32, #tpu.memory_space<hbm>>
      tpu.enqueue_dma source(%arg13 : memref<4096xf32, #tpu.memory_space<vmem>>) target(%dma_start3A_1001 : memref<4096xf32, #tpu.memory_space<hbm>>) target_semaphore(%arg18 : memref<!tpu.dma_semaphore, #tpu.memory_space<semaphore_mem>>)
      %dma_start3A_1002 = arith.constant 6 : i32
      %dma_start3A_1003 = arith.constant 0 : i32
      %dma_start3A_1004 = tpu.memref_slice %arg8[%select_n3A_805, %dma_start3A_1002, %dma_start3A_1003] : memref<2x10x4096xi32, #tpu.memory_space<vmem_shared>> -> memref<1x1x4096xi32, #tpu.memory_space<vmem_shared>>
      %dma_start3A_1005 = tpu.memref_squeeze %dma_start3A_1004 : memref<1x1x4096xi32, #tpu.memory_space<vmem_shared>> -> memref<4096xi32, #tpu.memory_space<vmem_shared>>
      %dma_start3A_1006 = arith.constant 0 : i32
      %dma_start3A_1007 = tpu.memref_slice %arg8[%select_n3A_805, %dma_start3A_1002, %dma_start3A_1006] : memref<2x10x4096xi32, #tpu.memory_space<vmem_shared>> -> memref<1x1x4096xi32, #tpu.memory_space<vmem_shared>>
      %dma_start3A_1008 = tpu.memref_squeeze %dma_start3A_1007 : memref<1x1x4096xi32, #tpu.memory_space<vmem_shared>> -> memref<4096xi32, #tpu.memory_space<vmem_shared>>
      tpu.enqueue_dma source(%dma_start3A_1008 : memref<4096xi32, #tpu.memory_space<vmem_shared>>) target(%arg9 : memref<4096xi32, #tpu.memory_space<vmem>>) target_semaphore(%arg14 : memref<!tpu.dma_semaphore, #tpu.memory_space<semaphore_mem>>)
      %dma_wait3A_1009 = arith.constant 4 : i32
      %dma_wait3A_1010 = arith.constant 0 : i32
      %dma_wait3A_1011 = tpu.memref_slice %arg8[%select_n3A_805, %dma_wait3A_1009, %dma_wait3A_1010] : memref<2x10x4096xi32, #tpu.memory_space<vmem_shared>> -> memref<1x1x4096xi32, #tpu.memory_space<vmem_shared>>
      %dma_wait3A_1012 = tpu.memref_squeeze %dma_wait3A_1011 : memref<1x1x4096xi32, #tpu.memory_space<vmem_shared>> -> memref<4096xi32, #tpu.memory_space<vmem_shared>>
      %dma_wait3A_1013 = arith.constant 0 : i32
      %dma_wait3A_1014 = tpu.memref_slice %arg8[%select_n3A_805, %dma_wait3A_1009, %dma_wait3A_1013] : memref<2x10x4096xi32, #tpu.memory_space<vmem_shared>> -> memref<1x1x4096xi32, #tpu.memory_space<vmem_shared>>
      %dma_wait3A_1015 = tpu.memref_squeeze %dma_wait3A_1014 : memref<1x1x4096xi32, #tpu.memory_space<vmem_shared>> -> memref<4096xi32, #tpu.memory_space<vmem_shared>>
      tpu.wait_dma2 semaphore(%arg15 : memref<!tpu.dma_semaphore, #tpu.memory_space<semaphore_mem>>) src(%dma_wait3A_1015 : memref<4096xi32, #tpu.memory_space<vmem_shared>>) dst(%arg10 : memref<4096xi32, #tpu.memory_space<vmem>>)
      %dma_wait3A_1016 = arith.constant 0 : i32
      %dma_wait3A_1017 = tpu.memref_slice %arg5[%add3A_949, %add3A_11, %dma_wait3A_1016] : memref<200x64x4096xf32, #tpu.memory_space<hbm>> -> memref<1x1x4096xf32, #tpu.memory_space<hbm>>
      %dma_wait3A_1018 = tpu.memref_squeeze %dma_wait3A_1017 : memref<1x1x4096xf32, #tpu.memory_space<hbm>> -> memref<4096xf32, #tpu.memory_space<hbm>>
      %dma_wait3A_1019 = arith.constant 0 : i32
      %dma_wait3A_1020 = tpu.memref_slice %arg5[%add3A_949, %add3A_11, %dma_wait3A_1019] : memref<200x64x4096xf32, #tpu.memory_space<hbm>> -> memref<1x1x4096xf32, #tpu.memory_space<hbm>>
      %dma_wait3A_1021 = tpu.memref_squeeze %dma_wait3A_1020 : memref<1x1x4096xf32, #tpu.memory_space<hbm>> -> memref<4096xf32, #tpu.memory_space<hbm>>
      tpu.wait_dma2 semaphore(%arg17 : memref<!tpu.dma_semaphore, #tpu.memory_space<semaphore_mem>>) src(%arg12 : memref<4096xf32, #tpu.memory_space<vmem>>) dst(%dma_wait3A_1021 : memref<4096xf32, #tpu.memory_space<hbm>>)
      %mul3A_1022 = arith.constant 10 : i32
      %mul3A_1023 = arith.muli %scan3A_795, %mul3A_1022 : i32
      %add3A_1024 = arith.constant 4 : i32
      %add3A_1025 = arith.addi %mul3A_1023, %add3A_1024 : i32
      %get3A_1026 = arith.index_cast %add3A_1025 : i32 to index
      %get3A_1027 = tpu.vector_load %arg7[%get3A_1026] {strides = array<i32>} : memref<216xf32, #tpu.memory_space<vmem>>, vector<16xf32>,
      %slice3A_1028 = vector.extract_strided_slice %get3A_1027 {offsets = [0], sizes = [1], strides = [1]} : vector<16xf32> to vector<1xf32>
      %squeeze3A_1029 = vector.extract %slice3A_1028[0] : f32 from vector<1xf32>
      %broadcast_in_dim3A_1030 = vector.broadcast %squeeze3A_1029 : f32 to vector<16xf32>
      %parallel_loop3A_1031 = arith.constant 0 : i32
      %parallel_loop3A_1032 = arith.constant 4096 : i32
      %parallel_loop3A_1033 = arith.constant 16 : i32
      scf.for %parallel_loop3A_1221 = %parallel_loop3A_1031 to %parallel_loop3A_1032 step %parallel_loop3A_1033  : i32 {
        %parallel_loop3A_1222 = arith.index_cast %parallel_loop3A_1221 : i32 to index
        %parallel_loop3A_1223 = tpu.vector_load %arg10[%parallel_loop3A_1222] {strides = array<i32>} : memref<4096xi32, #tpu.memory_space<vmem>>, vector<16xi32>,
        %parallel_loop3A_1224 = tpu.vector_load_idx %arg6[%parallel_loop3A_1223] : memref<100000xf32, #tpu.memory_space<vmem>>[vector<16xi32>], vector<16xf32>,
        %parallel_loop3A_1225 = arith.addf %parallel_loop3A_1224, %broadcast_in_dim3A_1030 : vector<16xf32>
        %parallel_loop3A_1226 = arith.index_cast %parallel_loop3A_1221 : i32 to index
        %parallel_loop3A_1227 = tpu.vector_load %arg12[%parallel_loop3A_1226] {strides = array<i32>} : memref<4096xf32, #tpu.memory_space<vmem>>, vector<16xf32>,
        tpu.vector_store %arg12[%parallel_loop3A_1226], %parallel_loop3A_1225 {strides = array<i32>} : memref<4096xf32, #tpu.memory_space<vmem>>, vector<16xf32>,
      } {sc.loop_unroll_factor = 8 : i64, sc.parallel_access}
      %dma_start3A_1034 = arith.constant 0 : i32
      %dma_start3A_1035 = tpu.memref_slice %arg5[%add3A_1025, %add3A_11, %dma_start3A_1034] : memref<200x64x4096xf32, #tpu.memory_space<hbm>> -> memref<1x1x4096xf32, #tpu.memory_space<hbm>>
      %dma_start3A_1036 = tpu.memref_squeeze %dma_start3A_1035 : memref<1x1x4096xf32, #tpu.memory_space<hbm>> -> memref<4096xf32, #tpu.memory_space<hbm>>
      %dma_start3A_1037 = arith.constant 0 : i32
      %dma_start3A_1038 = tpu.memref_slice %arg5[%add3A_1025, %add3A_11, %dma_start3A_1037] : memref<200x64x4096xf32, #tpu.memory_space<hbm>> -> memref<1x1x4096xf32, #tpu.memory_space<hbm>>
      %dma_start3A_1039 = tpu.memref_squeeze %dma_start3A_1038 : memref<1x1x4096xf32, #tpu.memory_space<hbm>> -> memref<4096xf32, #tpu.memory_space<hbm>>
      tpu.enqueue_dma source(%arg12 : memref<4096xf32, #tpu.memory_space<vmem>>) target(%dma_start3A_1039 : memref<4096xf32, #tpu.memory_space<hbm>>) target_semaphore(%arg17 : memref<!tpu.dma_semaphore, #tpu.memory_space<semaphore_mem>>)
      %dma_start3A_1040 = arith.constant 7 : i32
      %dma_start3A_1041 = arith.constant 0 : i32
      %dma_start3A_1042 = tpu.memref_slice %arg8[%select_n3A_805, %dma_start3A_1040, %dma_start3A_1041] : memref<2x10x4096xi32, #tpu.memory_space<vmem_shared>> -> memref<1x1x4096xi32, #tpu.memory_space<vmem_shared>>
      %dma_start3A_1043 = tpu.memref_squeeze %dma_start3A_1042 : memref<1x1x4096xi32, #tpu.memory_space<vmem_shared>> -> memref<4096xi32, #tpu.memory_space<vmem_shared>>
      %dma_start3A_1044 = arith.constant 0 : i32
      %dma_start3A_1045 = tpu.memref_slice %arg8[%select_n3A_805, %dma_start3A_1040, %dma_start3A_1044] : memref<2x10x4096xi32, #tpu.memory_space<vmem_shared>> -> memref<1x1x4096xi32, #tpu.memory_space<vmem_shared>>
      %dma_start3A_1046 = tpu.memref_squeeze %dma_start3A_1045 : memref<1x1x4096xi32, #tpu.memory_space<vmem_shared>> -> memref<4096xi32, #tpu.memory_space<vmem_shared>>
      tpu.enqueue_dma source(%dma_start3A_1046 : memref<4096xi32, #tpu.memory_space<vmem_shared>>) target(%arg10 : memref<4096xi32, #tpu.memory_space<vmem>>) target_semaphore(%arg15 : memref<!tpu.dma_semaphore, #tpu.memory_space<semaphore_mem>>)
      %dma_wait3A_1047 = arith.constant 5 : i32
      %dma_wait3A_1048 = arith.constant 0 : i32
      %dma_wait3A_1049 = tpu.memref_slice %arg8[%select_n3A_805, %dma_wait3A_1047, %dma_wait3A_1048] : memref<2x10x4096xi32, #tpu.memory_space<vmem_shared>> -> memref<1x1x4096xi32, #tpu.memory_space<vmem_shared>>
      %dma_wait3A_1050 = tpu.memref_squeeze %dma_wait3A_1049 : memref<1x1x4096xi32, #tpu.memory_space<vmem_shared>> -> memref<4096xi32, #tpu.memory_space<vmem_shared>>
      %dma_wait3A_1051 = arith.constant 0 : i32
      %dma_wait3A_1052 = tpu.memref_slice %arg8[%select_n3A_805, %dma_wait3A_1047, %dma_wait3A_1051] : memref<2x10x4096xi32, #tpu.memory_space<vmem_shared>> -> memref<1x1x4096xi32, #tpu.memory_space<vmem_shared>>
      %dma_wait3A_1053 = tpu.memref_squeeze %dma_wait3A_1052 : memref<1x1x4096xi32, #tpu.memory_space<vmem_shared>> -> memref<4096xi32, #tpu.memory_space<vmem_shared>>
      tpu.wait_dma2 semaphore(%arg16 : memref<!tpu.dma_semaphore, #tpu.memory_space<semaphore_mem>>) src(%dma_wait3A_1053 : memref<4096xi32, #tpu.memory_space<vmem_shared>>) dst(%arg11 : memref<4096xi32, #tpu.memory_space<vmem>>)
      %dma_wait3A_1054 = arith.constant 0 : i32
      %dma_wait3A_1055 = tpu.memref_slice %arg5[%add3A_987, %add3A_11, %dma_wait3A_1054] : memref<200x64x4096xf32, #tpu.memory_space<hbm>> -> memref<1x1x4096xf32, #tpu.memory_space<hbm>>
      %dma_wait3A_1056 = tpu.memref_squeeze %dma_wait3A_1055 : memref<1x1x4096xf32, #tpu.memory_space<hbm>> -> memref<4096xf32, #tpu.memory_space<hbm>>
      %dma_wait3A_1057 = arith.constant 0 : i32
      %dma_wait3A_1058 = tpu.memref_slice %arg5[%add3A_987, %add3A_11, %dma_wait3A_1057] : memref<200x64x4096xf32, #tpu.memory_space<hbm>> -> memref<1x1x4096xf32, #tpu.memory_space<hbm>>
      %dma_wait3A_1059 = tpu.memref_squeeze %dma_wait3A_1058 : memref<1x1x4096xf32, #tpu.memory_space<hbm>> -> memref<4096xf32, #tpu.memory_space<hbm>>
      tpu.wait_dma2 semaphore(%arg18 : memref<!tpu.dma_semaphore, #tpu.memory_space<semaphore_mem>>) src(%arg13 : memref<4096xf32, #tpu.memory_space<vmem>>) dst(%dma_wait3A_1059 : memref<4096xf32, #tpu.memory_space<hbm>>)
      %mul3A_1060 = arith.constant 10 : i32
      %mul3A_1061 = arith.muli %scan3A_795, %mul3A_1060 : i32
      %add3A_1062 = arith.constant 5 : i32
      %add3A_1063 = arith.addi %mul3A_1061, %add3A_1062 : i32
      %get3A_1064 = arith.index_cast %add3A_1063 : i32 to index
      %get3A_1065 = tpu.vector_load %arg7[%get3A_1064] {strides = array<i32>} : memref<216xf32, #tpu.memory_space<vmem>>, vector<16xf32>,
      %slice3A_1066 = vector.extract_strided_slice %get3A_1065 {offsets = [0], sizes = [1], strides = [1]} : vector<16xf32> to vector<1xf32>
      %squeeze3A_1067 = vector.extract %slice3A_1066[0] : f32 from vector<1xf32>
      %broadcast_in_dim3A_1068 = vector.broadcast %squeeze3A_1067 : f32 to vector<16xf32>
      %parallel_loop3A_1069 = arith.constant 0 : i32
      %parallel_loop3A_1070 = arith.constant 4096 : i32
      %parallel_loop3A_1071 = arith.constant 16 : i32
      scf.for %parallel_loop3A_1221 = %parallel_loop3A_1069 to %parallel_loop3A_1070 step %parallel_loop3A_1071  : i32 {
        %parallel_loop3A_1222 = arith.index_cast %parallel_loop3A_1221 : i32 to index
        %parallel_loop3A_1223 = tpu.vector_load %arg11[%parallel_loop3A_1222] {strides = array<i32>} : memref<4096xi32, #tpu.memory_space<vmem>>, vector<16xi32>,
        %parallel_loop3A_1224 = tpu.vector_load_idx %arg6[%parallel_loop3A_1223] : memref<100000xf32, #tpu.memory_space<vmem>>[vector<16xi32>], vector<16xf32>,
        %parallel_loop3A_1225 = arith.addf %parallel_loop3A_1224, %broadcast_in_dim3A_1068 : vector<16xf32>
        %parallel_loop3A_1226 = arith.index_cast %parallel_loop3A_1221 : i32 to index
        %parallel_loop3A_1227 = tpu.vector_load %arg13[%parallel_loop3A_1226] {strides = array<i32>} : memref<4096xf32, #tpu.memory_space<vmem>>, vector<16xf32>,
        tpu.vector_store %arg13[%parallel_loop3A_1226], %parallel_loop3A_1225 {strides = array<i32>} : memref<4096xf32, #tpu.memory_space<vmem>>, vector<16xf32>,
      } {sc.loop_unroll_factor = 8 : i64, sc.parallel_access}
      %dma_start3A_1072 = arith.constant 0 : i32
      %dma_start3A_1073 = tpu.memref_slice %arg5[%add3A_1063, %add3A_11, %dma_start3A_1072] : memref<200x64x4096xf32, #tpu.memory_space<hbm>> -> memref<1x1x4096xf32, #tpu.memory_space<hbm>>
      %dma_start3A_1074 = tpu.memref_squeeze %dma_start3A_1073 : memref<1x1x4096xf32, #tpu.memory_space<hbm>> -> memref<4096xf32, #tpu.memory_space<hbm>>
      %dma_start3A_1075 = arith.constant 0 : i32
      %dma_start3A_1076 = tpu.memref_slice %arg5[%add3A_1063, %add3A_11, %dma_start3A_1075] : memref<200x64x4096xf32, #tpu.memory_space<hbm>> -> memref<1x1x4096xf32, #tpu.memory_space<hbm>>
      %dma_start3A_1077 = tpu.memref_squeeze %dma_start3A_1076 : memref<1x1x4096xf32, #tpu.memory_space<hbm>> -> memref<4096xf32, #tpu.memory_space<hbm>>
      tpu.enqueue_dma source(%arg13 : memref<4096xf32, #tpu.memory_space<vmem>>) target(%dma_start3A_1077 : memref<4096xf32, #tpu.memory_space<hbm>>) target_semaphore(%arg18 : memref<!tpu.dma_semaphore, #tpu.memory_space<semaphore_mem>>)
      %dma_start3A_1078 = arith.constant 8 : i32
      %dma_start3A_1079 = arith.constant 0 : i32
      %dma_start3A_1080 = tpu.memref_slice %arg8[%select_n3A_805, %dma_start3A_1078, %dma_start3A_1079] : memref<2x10x4096xi32, #tpu.memory_space<vmem_shared>> -> memref<1x1x4096xi32, #tpu.memory_space<vmem_shared>>
      %dma_start3A_1081 = tpu.memref_squeeze %dma_start3A_1080 : memref<1x1x4096xi32, #tpu.memory_space<vmem_shared>> -> memref<4096xi32, #tpu.memory_space<vmem_shared>>
      %dma_start3A_1082 = arith.constant 0 : i32
      %dma_start3A_1083 = tpu.memref_slice %arg8[%select_n3A_805, %dma_start3A_1078, %dma_start3A_1082] : memref<2x10x4096xi32, #tpu.memory_space<vmem_shared>> -> memref<1x1x4096xi32, #tpu.memory_space<vmem_shared>>
      %dma_start3A_1084 = tpu.memref_squeeze %dma_start3A_1083 : memref<1x1x4096xi32, #tpu.memory_space<vmem_shared>> -> memref<4096xi32, #tpu.memory_space<vmem_shared>>
      tpu.enqueue_dma source(%dma_start3A_1084 : memref<4096xi32, #tpu.memory_space<vmem_shared>>) target(%arg11 : memref<4096xi32, #tpu.memory_space<vmem>>) target_semaphore(%arg16 : memref<!tpu.dma_semaphore, #tpu.memory_space<semaphore_mem>>)
      %dma_wait3A_1085 = arith.constant 6 : i32
      %dma_wait3A_1086 = arith.constant 0 : i32
      %dma_wait3A_1087 = tpu.memref_slice %arg8[%select_n3A_805, %dma_wait3A_1085, %dma_wait3A_1086] : memref<2x10x4096xi32, #tpu.memory_space<vmem_shared>> -> memref<1x1x4096xi32, #tpu.memory_space<vmem_shared>>
      %dma_wait3A_1088 = tpu.memref_squeeze %dma_wait3A_1087 : memref<1x1x4096xi32, #tpu.memory_space<vmem_shared>> -> memref<4096xi32, #tpu.memory_space<vmem_shared>>
      %dma_wait3A_1089 = arith.constant 0 : i32
      %dma_wait3A_1090 = tpu.memref_slice %arg8[%select_n3A_805, %dma_wait3A_1085, %dma_wait3A_1089] : memref<2x10x4096xi32, #tpu.memory_space<vmem_shared>> -> memref<1x1x4096xi32, #tpu.memory_space<vmem_shared>>
      %dma_wait3A_1091 = tpu.memref_squeeze %dma_wait3A_1090 : memref<1x1x4096xi32, #tpu.memory_space<vmem_shared>> -> memref<4096xi32, #tpu.memory_space<vmem_shared>>
      tpu.wait_dma2 semaphore(%arg14 : memref<!tpu.dma_semaphore, #tpu.memory_space<semaphore_mem>>) src(%dma_wait3A_1091 : memref<4096xi32, #tpu.memory_space<vmem_shared>>) dst(%arg9 : memref<4096xi32, #tpu.memory_space<vmem>>)
      %dma_wait3A_1092 = arith.constant 0 : i32
      %dma_wait3A_1093 = tpu.memref_slice %arg5[%add3A_1025, %add3A_11, %dma_wait3A_1092] : memref<200x64x4096xf32, #tpu.memory_space<hbm>> -> memref<1x1x4096xf32, #tpu.memory_space<hbm>>
      %dma_wait3A_1094 = tpu.memref_squeeze %dma_wait3A_1093 : memref<1x1x4096xf32, #tpu.memory_space<hbm>> -> memref<4096xf32, #tpu.memory_space<hbm>>
      %dma_wait3A_1095 = arith.constant 0 : i32
      %dma_wait3A_1096 = tpu.memref_slice %arg5[%add3A_1025, %add3A_11, %dma_wait3A_1095] : memref<200x64x4096xf32, #tpu.memory_space<hbm>> -> memref<1x1x4096xf32, #tpu.memory_space<hbm>>
      %dma_wait3A_1097 = tpu.memref_squeeze %dma_wait3A_1096 : memref<1x1x4096xf32, #tpu.memory_space<hbm>> -> memref<4096xf32, #tpu.memory_space<hbm>>
      tpu.wait_dma2 semaphore(%arg17 : memref<!tpu.dma_semaphore, #tpu.memory_space<semaphore_mem>>) src(%arg12 : memref<4096xf32, #tpu.memory_space<vmem>>) dst(%dma_wait3A_1097 : memref<4096xf32, #tpu.memory_space<hbm>>)
      %mul3A_1098 = arith.constant 10 : i32
      %mul3A_1099 = arith.muli %scan3A_795, %mul3A_1098 : i32
      %add3A_1100 = arith.constant 6 : i32
      %add3A_1101 = arith.addi %mul3A_1099, %add3A_1100 : i32
      %get3A_1102 = arith.index_cast %add3A_1101 : i32 to index
      %get3A_1103 = tpu.vector_load %arg7[%get3A_1102] {strides = array<i32>} : memref<216xf32, #tpu.memory_space<vmem>>, vector<16xf32>,
      %slice3A_1104 = vector.extract_strided_slice %get3A_1103 {offsets = [0], sizes = [1], strides = [1]} : vector<16xf32> to vector<1xf32>
      %squeeze3A_1105 = vector.extract %slice3A_1104[0] : f32 from vector<1xf32>
      %broadcast_in_dim3A_1106 = vector.broadcast %squeeze3A_1105 : f32 to vector<16xf32>
      %parallel_loop3A_1107 = arith.constant 0 : i32
      %parallel_loop3A_1108 = arith.constant 4096 : i32
      %parallel_loop3A_1109 = arith.constant 16 : i32
      scf.for %parallel_loop3A_1221 = %parallel_loop3A_1107 to %parallel_loop3A_1108 step %parallel_loop3A_1109  : i32 {
        %parallel_loop3A_1222 = arith.index_cast %parallel_loop3A_1221 : i32 to index
        %parallel_loop3A_1223 = tpu.vector_load %arg9[%parallel_loop3A_1222] {strides = array<i32>} : memref<4096xi32, #tpu.memory_space<vmem>>, vector<16xi32>,
        %parallel_loop3A_1224 = tpu.vector_load_idx %arg6[%parallel_loop3A_1223] : memref<100000xf32, #tpu.memory_space<vmem>>[vector<16xi32>], vector<16xf32>,
        %parallel_loop3A_1225 = arith.addf %parallel_loop3A_1224, %broadcast_in_dim3A_1106 : vector<16xf32>
        %parallel_loop3A_1226 = arith.index_cast %parallel_loop3A_1221 : i32 to index
        %parallel_loop3A_1227 = tpu.vector_load %arg12[%parallel_loop3A_1226] {strides = array<i32>} : memref<4096xf32, #tpu.memory_space<vmem>>, vector<16xf32>,
        tpu.vector_store %arg12[%parallel_loop3A_1226], %parallel_loop3A_1225 {strides = array<i32>} : memref<4096xf32, #tpu.memory_space<vmem>>, vector<16xf32>,
      } {sc.loop_unroll_factor = 8 : i64, sc.parallel_access}
      %dma_start3A_1110 = arith.constant 0 : i32
      %dma_start3A_1111 = tpu.memref_slice %arg5[%add3A_1101, %add3A_11, %dma_start3A_1110] : memref<200x64x4096xf32, #tpu.memory_space<hbm>> -> memref<1x1x4096xf32, #tpu.memory_space<hbm>>
      %dma_start3A_1112 = tpu.memref_squeeze %dma_start3A_1111 : memref<1x1x4096xf32, #tpu.memory_space<hbm>> -> memref<4096xf32, #tpu.memory_space<hbm>>
      %dma_start3A_1113 = arith.constant 0 : i32
      %dma_start3A_1114 = tpu.memref_slice %arg5[%add3A_1101, %add3A_11, %dma_start3A_1113] : memref<200x64x4096xf32, #tpu.memory_space<hbm>> -> memref<1x1x4096xf32, #tpu.memory_space<hbm>>
      %dma_start3A_1115 = tpu.memref_squeeze %dma_start3A_1114 : memref<1x1x4096xf32, #tpu.memory_space<hbm>> -> memref<4096xf32, #tpu.memory_space<hbm>>
      tpu.enqueue_dma source(%arg12 : memref<4096xf32, #tpu.memory_space<vmem>>) target(%dma_start3A_1115 : memref<4096xf32, #tpu.memory_space<hbm>>) target_semaphore(%arg17 : memref<!tpu.dma_semaphore, #tpu.memory_space<semaphore_mem>>)
      %dma_start3A_1116 = arith.constant 9 : i32
      %dma_start3A_1117 = arith.constant 0 : i32
      %dma_start3A_1118 = tpu.memref_slice %arg8[%select_n3A_805, %dma_start3A_1116, %dma_start3A_1117] : memref<2x10x4096xi32, #tpu.memory_space<vmem_shared>> -> memref<1x1x4096xi32, #tpu.memory_space<vmem_shared>>
      %dma_start3A_1119 = tpu.memref_squeeze %dma_start3A_1118 : memref<1x1x4096xi32, #tpu.memory_space<vmem_shared>> -> memref<4096xi32, #tpu.memory_space<vmem_shared>>
      %dma_start3A_1120 = arith.constant 0 : i32
      %dma_start3A_1121 = tpu.memref_slice %arg8[%select_n3A_805, %dma_start3A_1116, %dma_start3A_1120] : memref<2x10x4096xi32, #tpu.memory_space<vmem_shared>> -> memref<1x1x4096xi32, #tpu.memory_space<vmem_shared>>
      %dma_start3A_1122 = tpu.memref_squeeze %dma_start3A_1121 : memref<1x1x4096xi32, #tpu.memory_space<vmem_shared>> -> memref<4096xi32, #tpu.memory_space<vmem_shared>>
      tpu.enqueue_dma source(%dma_start3A_1122 : memref<4096xi32, #tpu.memory_space<vmem_shared>>) target(%arg9 : memref<4096xi32, #tpu.memory_space<vmem>>) target_semaphore(%arg14 : memref<!tpu.dma_semaphore, #tpu.memory_space<semaphore_mem>>)
      %dma_wait3A_1123 = arith.constant 7 : i32
      %dma_wait3A_1124 = arith.constant 0 : i32
      %dma_wait3A_1125 = tpu.memref_slice %arg8[%select_n3A_805, %dma_wait3A_1123, %dma_wait3A_1124] : memref<2x10x4096xi32, #tpu.memory_space<vmem_shared>> -> memref<1x1x4096xi32, #tpu.memory_space<vmem_shared>>
      %dma_wait3A_1126 = tpu.memref_squeeze %dma_wait3A_1125 : memref<1x1x4096xi32, #tpu.memory_space<vmem_shared>> -> memref<4096xi32, #tpu.memory_space<vmem_shared>>
      %dma_wait3A_1127 = arith.constant 0 : i32
      %dma_wait3A_1128 = tpu.memref_slice %arg8[%select_n3A_805, %dma_wait3A_1123, %dma_wait3A_1127] : memref<2x10x4096xi32, #tpu.memory_space<vmem_shared>> -> memref<1x1x4096xi32, #tpu.memory_space<vmem_shared>>
      %dma_wait3A_1129 = tpu.memref_squeeze %dma_wait3A_1128 : memref<1x1x4096xi32, #tpu.memory_space<vmem_shared>> -> memref<4096xi32, #tpu.memory_space<vmem_shared>>
      tpu.wait_dma2 semaphore(%arg15 : memref<!tpu.dma_semaphore, #tpu.memory_space<semaphore_mem>>) src(%dma_wait3A_1129 : memref<4096xi32, #tpu.memory_space<vmem_shared>>) dst(%arg10 : memref<4096xi32, #tpu.memory_space<vmem>>)
      %dma_wait3A_1130 = arith.constant 0 : i32
      %dma_wait3A_1131 = tpu.memref_slice %arg5[%add3A_1063, %add3A_11, %dma_wait3A_1130] : memref<200x64x4096xf32, #tpu.memory_space<hbm>> -> memref<1x1x4096xf32, #tpu.memory_space<hbm>>
      %dma_wait3A_1132 = tpu.memref_squeeze %dma_wait3A_1131 : memref<1x1x4096xf32, #tpu.memory_space<hbm>> -> memref<4096xf32, #tpu.memory_space<hbm>>
      %dma_wait3A_1133 = arith.constant 0 : i32
      %dma_wait3A_1134 = tpu.memref_slice %arg5[%add3A_1063, %add3A_11, %dma_wait3A_1133] : memref<200x64x4096xf32, #tpu.memory_space<hbm>> -> memref<1x1x4096xf32, #tpu.memory_space<hbm>>
      %dma_wait3A_1135 = tpu.memref_squeeze %dma_wait3A_1134 : memref<1x1x4096xf32, #tpu.memory_space<hbm>> -> memref<4096xf32, #tpu.memory_space<hbm>>
      tpu.wait_dma2 semaphore(%arg18 : memref<!tpu.dma_semaphore, #tpu.memory_space<semaphore_mem>>) src(%arg13 : memref<4096xf32, #tpu.memory_space<vmem>>) dst(%dma_wait3A_1135 : memref<4096xf32, #tpu.memory_space<hbm>>)
      %mul3A_1136 = arith.constant 10 : i32
      %mul3A_1137 = arith.muli %scan3A_795, %mul3A_1136 : i32
      %add3A_1138 = arith.constant 7 : i32
      %add3A_1139 = arith.addi %mul3A_1137, %add3A_1138 : i32
      %get3A_1140 = arith.index_cast %add3A_1139 : i32 to index
      %get3A_1141 = tpu.vector_load %arg7[%get3A_1140] {strides = array<i32>} : memref<216xf32, #tpu.memory_space<vmem>>, vector<16xf32>,
      %slice3A_1142 = vector.extract_strided_slice %get3A_1141 {offsets = [0], sizes = [1], strides = [1]} : vector<16xf32> to vector<1xf32>
      %squeeze3A_1143 = vector.extract %slice3A_1142[0] : f32 from vector<1xf32>
      %broadcast_in_dim3A_1144 = vector.broadcast %squeeze3A_1143 : f32 to vector<16xf32>
      %parallel_loop3A_1145 = arith.constant 0 : i32
      %parallel_loop3A_1146 = arith.constant 4096 : i32
      %parallel_loop3A_1147 = arith.constant 16 : i32
      scf.for %parallel_loop3A_1221 = %parallel_loop3A_1145 to %parallel_loop3A_1146 step %parallel_loop3A_1147  : i32 {
        %parallel_loop3A_1222 = arith.index_cast %parallel_loop3A_1221 : i32 to index
        %parallel_loop3A_1223 = tpu.vector_load %arg10[%parallel_loop3A_1222] {strides = array<i32>} : memref<4096xi32, #tpu.memory_space<vmem>>, vector<16xi32>,
        %parallel_loop3A_1224 = tpu.vector_load_idx %arg6[%parallel_loop3A_1223] : memref<100000xf32, #tpu.memory_space<vmem>>[vector<16xi32>], vector<16xf32>,
        %parallel_loop3A_1225 = arith.addf %parallel_loop3A_1224, %broadcast_in_dim3A_1144 : vector<16xf32>
        %parallel_loop3A_1226 = arith.index_cast %parallel_loop3A_1221 : i32 to index
        %parallel_loop3A_1227 = tpu.vector_load %arg13[%parallel_loop3A_1226] {strides = array<i32>} : memref<4096xf32, #tpu.memory_space<vmem>>, vector<16xf32>,
        tpu.vector_store %arg13[%parallel_loop3A_1226], %parallel_loop3A_1225 {strides = array<i32>} : memref<4096xf32, #tpu.memory_space<vmem>>, vector<16xf32>,
      } {sc.loop_unroll_factor = 8 : i64, sc.parallel_access}
      %dma_start3A_1148 = arith.constant 0 : i32
      %dma_start3A_1149 = tpu.memref_slice %arg5[%add3A_1139, %add3A_11, %dma_start3A_1148] : memref<200x64x4096xf32, #tpu.memory_space<hbm>> -> memref<1x1x4096xf32, #tpu.memory_space<hbm>>
      %dma_start3A_1150 = tpu.memref_squeeze %dma_start3A_1149 : memref<1x1x4096xf32, #tpu.memory_space<hbm>> -> memref<4096xf32, #tpu.memory_space<hbm>>
      %dma_start3A_1151 = arith.constant 0 : i32
      %dma_start3A_1152 = tpu.memref_slice %arg5[%add3A_1139, %add3A_11, %dma_start3A_1151] : memref<200x64x4096xf32, #tpu.memory_space<hbm>> -> memref<1x1x4096xf32, #tpu.memory_space<hbm>>
      %dma_start3A_1153 = tpu.memref_squeeze %dma_start3A_1152 : memref<1x1x4096xf32, #tpu.memory_space<hbm>> -> memref<4096xf32, #tpu.memory_space<hbm>>
      tpu.enqueue_dma source(%arg13 : memref<4096xf32, #tpu.memory_space<vmem>>) target(%dma_start3A_1153 : memref<4096xf32, #tpu.memory_space<hbm>>) target_semaphore(%arg18 : memref<!tpu.dma_semaphore, #tpu.memory_space<semaphore_mem>>)
      %dma_wait3A_1154 = arith.constant 8 : i32
      %dma_wait3A_1155 = arith.constant 0 : i32
      %dma_wait3A_1156 = tpu.memref_slice %arg8[%select_n3A_805, %dma_wait3A_1154, %dma_wait3A_1155] : memref<2x10x4096xi32, #tpu.memory_space<vmem_shared>> -> memref<1x1x4096xi32, #tpu.memory_space<vmem_shared>>
      %dma_wait3A_1157 = tpu.memref_squeeze %dma_wait3A_1156 : memref<1x1x4096xi32, #tpu.memory_space<vmem_shared>> -> memref<4096xi32, #tpu.memory_space<vmem_shared>>
      %dma_wait3A_1158 = arith.constant 0 : i32
      %dma_wait3A_1159 = tpu.memref_slice %arg8[%select_n3A_805, %dma_wait3A_1154, %dma_wait3A_1158] : memref<2x10x4096xi32, #tpu.memory_space<vmem_shared>> -> memref<1x1x4096xi32, #tpu.memory_space<vmem_shared>>
      %dma_wait3A_1160 = tpu.memref_squeeze %dma_wait3A_1159 : memref<1x1x4096xi32, #tpu.memory_space<vmem_shared>> -> memref<4096xi32, #tpu.memory_space<vmem_shared>>
      tpu.wait_dma2 semaphore(%arg16 : memref<!tpu.dma_semaphore, #tpu.memory_space<semaphore_mem>>) src(%dma_wait3A_1160 : memref<4096xi32, #tpu.memory_space<vmem_shared>>) dst(%arg11 : memref<4096xi32, #tpu.memory_space<vmem>>)
      %dma_wait3A_1161 = arith.constant 0 : i32
      %dma_wait3A_1162 = tpu.memref_slice %arg5[%add3A_1101, %add3A_11, %dma_wait3A_1161] : memref<200x64x4096xf32, #tpu.memory_space<hbm>> -> memref<1x1x4096xf32, #tpu.memory_space<hbm>>
      %dma_wait3A_1163 = tpu.memref_squeeze %dma_wait3A_1162 : memref<1x1x4096xf32, #tpu.memory_space<hbm>> -> memref<4096xf32, #tpu.memory_space<hbm>>
      %dma_wait3A_1164 = arith.constant 0 : i32
      %dma_wait3A_1165 = tpu.memref_slice %arg5[%add3A_1101, %add3A_11, %dma_wait3A_1164] : memref<200x64x4096xf32, #tpu.memory_space<hbm>> -> memref<1x1x4096xf32, #tpu.memory_space<hbm>>
      %dma_wait3A_1166 = tpu.memref_squeeze %dma_wait3A_1165 : memref<1x1x4096xf32, #tpu.memory_space<hbm>> -> memref<4096xf32, #tpu.memory_space<hbm>>
      tpu.wait_dma2 semaphore(%arg17 : memref<!tpu.dma_semaphore, #tpu.memory_space<semaphore_mem>>) src(%arg12 : memref<4096xf32, #tpu.memory_space<vmem>>) dst(%dma_wait3A_1166 : memref<4096xf32, #tpu.memory_space<hbm>>)
      %mul3A_1167 = arith.constant 10 : i32
      %mul3A_1168 = arith.muli %scan3A_795, %mul3A_1167 : i32
      %add3A_1169 = arith.constant 8 : i32
      %add3A_1170 = arith.addi %mul3A_1168, %add3A_1169 : i32
      %get3A_1171 = arith.index_cast %add3A_1170 : i32 to index
      %get3A_1172 = tpu.vector_load %arg7[%get3A_1171] {strides = array<i32>} : memref<216xf32, #tpu.memory_space<vmem>>, vector<16xf32>,
      %slice3A_1173 = vector.extract_strided_slice %get3A_1172 {offsets = [0], sizes = [1], strides = [1]} : vector<16xf32> to vector<1xf32>
      %squeeze3A_1174 = vector.extract %slice3A_1173[0] : f32 from vector<1xf32>
      %broadcast_in_dim3A_1175 = vector.broadcast %squeeze3A_1174 : f32 to vector<16xf32>
      %parallel_loop3A_1176 = arith.constant 0 : i32
      %parallel_loop3A_1177 = arith.constant 4096 : i32
      %parallel_loop3A_1178 = arith.constant 16 : i32
      scf.for %parallel_loop3A_1221 = %parallel_loop3A_1176 to %parallel_loop3A_1177 step %parallel_loop3A_1178  : i32 {
        %parallel_loop3A_1222 = arith.index_cast %parallel_loop3A_1221 : i32 to index
        %parallel_loop3A_1223 = tpu.vector_load %arg11[%parallel_loop3A_1222] {strides = array<i32>} : memref<4096xi32, #tpu.memory_space<vmem>>, vector<16xi32>,
        %parallel_loop3A_1224 = tpu.vector_load_idx %arg6[%parallel_loop3A_1223] : memref<100000xf32, #tpu.memory_space<vmem>>[vector<16xi32>], vector<16xf32>,
        %parallel_loop3A_1225 = arith.addf %parallel_loop3A_1224, %broadcast_in_dim3A_1175 : vector<16xf32>
        %parallel_loop3A_1226 = arith.index_cast %parallel_loop3A_1221 : i32 to index
        %parallel_loop3A_1227 = tpu.vector_load %arg12[%parallel_loop3A_1226] {strides = array<i32>} : memref<4096xf32, #tpu.memory_space<vmem>>, vector<16xf32>,
        tpu.vector_store %arg12[%parallel_loop3A_1226], %parallel_loop3A_1225 {strides = array<i32>} : memref<4096xf32, #tpu.memory_space<vmem>>, vector<16xf32>,
      } {sc.loop_unroll_factor = 8 : i64, sc.parallel_access}
      %dma_start3A_1179 = arith.constant 0 : i32
      %dma_start3A_1180 = tpu.memref_slice %arg5[%add3A_1170, %add3A_11, %dma_start3A_1179] : memref<200x64x4096xf32, #tpu.memory_space<hbm>> -> memref<1x1x4096xf32, #tpu.memory_space<hbm>>
      %dma_start3A_1181 = tpu.memref_squeeze %dma_start3A_1180 : memref<1x1x4096xf32, #tpu.memory_space<hbm>> -> memref<4096xf32, #tpu.memory_space<hbm>>
      %dma_start3A_1182 = arith.constant 0 : i32
      %dma_start3A_1183 = tpu.memref_slice %arg5[%add3A_1170, %add3A_11, %dma_start3A_1182] : memref<200x64x4096xf32, #tpu.memory_space<hbm>> -> memref<1x1x4096xf32, #tpu.memory_space<hbm>>
      %dma_start3A_1184 = tpu.memref_squeeze %dma_start3A_1183 : memref<1x1x4096xf32, #tpu.memory_space<hbm>> -> memref<4096xf32, #tpu.memory_space<hbm>>
      tpu.enqueue_dma source(%arg12 : memref<4096xf32, #tpu.memory_space<vmem>>) target(%dma_start3A_1184 : memref<4096xf32, #tpu.memory_space<hbm>>) target_semaphore(%arg17 : memref<!tpu.dma_semaphore, #tpu.memory_space<semaphore_mem>>)
      %dma_wait3A_1185 = arith.constant 9 : i32
      %dma_wait3A_1186 = arith.constant 0 : i32
      %dma_wait3A_1187 = tpu.memref_slice %arg8[%select_n3A_805, %dma_wait3A_1185, %dma_wait3A_1186] : memref<2x10x4096xi32, #tpu.memory_space<vmem_shared>> -> memref<1x1x4096xi32, #tpu.memory_space<vmem_shared>>
      %dma_wait3A_1188 = tpu.memref_squeeze %dma_wait3A_1187 : memref<1x1x4096xi32, #tpu.memory_space<vmem_shared>> -> memref<4096xi32, #tpu.memory_space<vmem_shared>>
      %dma_wait3A_1189 = arith.constant 0 : i32
      %dma_wait3A_1190 = tpu.memref_slice %arg8[%select_n3A_805, %dma_wait3A_1185, %dma_wait3A_1189] : memref<2x10x4096xi32, #tpu.memory_space<vmem_shared>> -> memref<1x1x4096xi32, #tpu.memory_space<vmem_shared>>
      %dma_wait3A_1191 = tpu.memref_squeeze %dma_wait3A_1190 : memref<1x1x4096xi32, #tpu.memory_space<vmem_shared>> -> memref<4096xi32, #tpu.memory_space<vmem_shared>>
      tpu.wait_dma2 semaphore(%arg14 : memref<!tpu.dma_semaphore, #tpu.memory_space<semaphore_mem>>) src(%dma_wait3A_1191 : memref<4096xi32, #tpu.memory_space<vmem_shared>>) dst(%arg9 : memref<4096xi32, #tpu.memory_space<vmem>>)
      %dma_wait3A_1192 = arith.constant 0 : i32
      %dma_wait3A_1193 = tpu.memref_slice %arg5[%add3A_1139, %add3A_11, %dma_wait3A_1192] : memref<200x64x4096xf32, #tpu.memory_space<hbm>> -> memref<1x1x4096xf32, #tpu.memory_space<hbm>>
      %dma_wait3A_1194 = tpu.memref_squeeze %dma_wait3A_1193 : memref<1x1x4096xf32, #tpu.memory_space<hbm>> -> memref<4096xf32, #tpu.memory_space<hbm>>
      %dma_wait3A_1195 = arith.constant 0 : i32
      %dma_wait3A_1196 = tpu.memref_slice %arg5[%add3A_1139, %add3A_11, %dma_wait3A_1195] : memref<200x64x4096xf32, #tpu.memory_space<hbm>> -> memref<1x1x4096xf32, #tpu.memory_space<hbm>>
      %dma_wait3A_1197 = tpu.memref_squeeze %dma_wait3A_1196 : memref<1x1x4096xf32, #tpu.memory_space<hbm>> -> memref<4096xf32, #tpu.memory_space<hbm>>
      tpu.wait_dma2 semaphore(%arg18 : memref<!tpu.dma_semaphore, #tpu.memory_space<semaphore_mem>>) src(%arg13 : memref<4096xf32, #tpu.memory_space<vmem>>) dst(%dma_wait3A_1197 : memref<4096xf32, #tpu.memory_space<hbm>>)
      %mul3A_1198 = arith.constant 10 : i32
      %mul3A_1199 = arith.muli %scan3A_795, %mul3A_1198 : i32
      %add3A_1200 = arith.constant 9 : i32
      %add3A_1201 = arith.addi %mul3A_1199, %add3A_1200 : i32
      %get3A_1202 = arith.index_cast %add3A_1201 : i32 to index
      %get3A_1203 = tpu.vector_load %arg7[%get3A_1202] {strides = array<i32>} : memref<216xf32, #tpu.memory_space<vmem>>, vector<16xf32>,
      %slice3A_1204 = vector.extract_strided_slice %get3A_1203 {offsets = [0], sizes = [1], strides = [1]} : vector<16xf32> to vector<1xf32>
      %squeeze3A_1205 = vector.extract %slice3A_1204[0] : f32 from vector<1xf32>
      %broadcast_in_dim3A_1206 = vector.broadcast %squeeze3A_1205 : f32 to vector<16xf32>
      %parallel_loop3A_1207 = arith.constant 0 : i32
      %parallel_loop3A_1208 = arith.constant 4096 : i32
      %parallel_loop3A_1209 = arith.constant 16 : i32
      scf.for %parallel_loop3A_1221 = %parallel_loop3A_1207 to %parallel_loop3A_1208 step %parallel_loop3A_1209  : i32 {
        %parallel_loop3A_1222 = arith.index_cast %parallel_loop3A_1221 : i32 to index
        %parallel_loop3A_1223 = tpu.vector_load %arg9[%parallel_loop3A_1222] {strides = array<i32>} : memref<4096xi32, #tpu.memory_space<vmem>>, vector<16xi32>,
        %parallel_loop3A_1224 = tpu.vector_load_idx %arg6[%parallel_loop3A_1223] : memref<100000xf32, #tpu.memory_space<vmem>>[vector<16xi32>], vector<16xf32>,
        %parallel_loop3A_1225 = arith.addf %parallel_loop3A_1224, %broadcast_in_dim3A_1206 : vector<16xf32>
        %parallel_loop3A_1226 = arith.index_cast %parallel_loop3A_1221 : i32 to index
        %parallel_loop3A_1227 = tpu.vector_load %arg13[%parallel_loop3A_1226] {strides = array<i32>} : memref<4096xf32, #tpu.memory_space<vmem>>, vector<16xf32>,
        tpu.vector_store %arg13[%parallel_loop3A_1226], %parallel_loop3A_1225 {strides = array<i32>} : memref<4096xf32, #tpu.memory_space<vmem>>, vector<16xf32>,
      } {sc.loop_unroll_factor = 8 : i64, sc.parallel_access}
      %dma_start3A_1210 = arith.constant 0 : i32
      %dma_start3A_1211 = tpu.memref_slice %arg5[%add3A_1201, %add3A_11, %dma_start3A_1210] : memref<200x64x4096xf32, #tpu.memory_space<hbm>> -> memref<1x1x4096xf32, #tpu.memory_space<hbm>>
      %dma_start3A_1212 = tpu.memref_squeeze %dma_start3A_1211 : memref<1x1x4096xf32, #tpu.memory_space<hbm>> -> memref<4096xf32, #tpu.memory_space<hbm>>
      %dma_start3A_1213 = arith.constant 0 : i32
      %dma_start3A_1214 = tpu.memref_slice %arg5[%add3A_1201, %add3A_11, %dma_start3A_1213] : memref<200x64x4096xf32, #tpu.memory_space<hbm>> -> memref<1x1x4096xf32, #tpu.memory_space<hbm>>
      %dma_start3A_1215 = tpu.memref_squeeze %dma_start3A_1214 : memref<1x1x4096xf32, #tpu.memory_space<hbm>> -> memref<4096xf32, #tpu.memory_space<hbm>>
      tpu.enqueue_dma source(%arg13 : memref<4096xf32, #tpu.memory_space<vmem>>) target(%dma_start3A_1215 : memref<4096xf32, #tpu.memory_space<hbm>>) target_semaphore(%arg18 : memref<!tpu.dma_semaphore, #tpu.memory_space<semaphore_mem>>)
      %lt3A_1216 = arith.constant 10 : i32
      %lt3A_1217 = arith.cmpi slt, %arg1, %lt3A_1216 : i32
      %convert_element_type3A_1218 = arith.extui %lt3A_1217 : i1 to i32
      %cond3A_1219 = arith.constant 0 : i32
      %cond3A_1220 = arith.cmpi ne, %convert_element_type3A_1218, %cond3A_1219 : i32
      scf.if %cond3A_1220 {
        %dma_wait3A_1221 = arith.constant 0 : i32
        %dma_wait3A_1222 = arith.constant 0 : i32
        %dma_wait3A_1223 = arith.constant 0 : i32
        %dma_wait3A_1224 = arith.constant 0 : i32
        %dma_wait3A_1225 = tpu.memref_slice %arg8[%dma_wait3A_1222, %dma_wait3A_1223, %dma_wait3A_1224] : memref<2x10x4096xi32, #tpu.memory_space<vmem_shared>> -> memref<1x1x4096xi32, #tpu.memory_space<vmem_shared>>
        %dma_wait3A_1226 = tpu.memref_squeeze %dma_wait3A_1225 : memref<1x1x4096xi32, #tpu.memory_space<vmem_shared>> -> memref<4096xi32, #tpu.memory_space<vmem_shared>>
        %dma_wait3A_1227 = arith.constant 0 : i32
        %dma_wait3A_1228 = tpu.memref_slice %arg2[%dma_wait3A_1221, %dma_wait3A_1227] : memref<200x4096xi32, #tpu.memory_space<hbm>> -> memref<1x4096xi32, #tpu.memory_space<hbm>>
        %dma_wait3A_1229 = tpu.memref_squeeze %dma_wait3A_1228 : memref<1x4096xi32, #tpu.memory_space<hbm>> -> memref<4096xi32, #tpu.memory_space<hbm>>
        tpu.wait_dma2 semaphore(%arg19 : memref<!tpu.dma_semaphore, #tpu.memory_space<semaphore_mem>>) src(%dma_wait3A_1229 : memref<4096xi32, #tpu.memory_space<hbm>>) dst(%dma_wait3A_1226 : memref<4096xi32, #tpu.memory_space<vmem_shared>>)
      } else {
      }
    }
    %scan3A_385 = arith.constant 19 : i32
    %mul3A_386 = arith.constant 2 : i32
    %mul3A_387 = arith.muli %add3A, %mul3A_386 : i32
    %add3A_388 = arith.constant 1 : i32
    %add3A_389 = arith.addi %mul3A_387, %add3A_388 : i32
    "tpu.region"() ({
      %run_scoped3A = tpu.sem_alloc : memref<!tpu.dma_semaphore, #tpu.memory_space<semaphore_mem>>
      %dma_start3A_795 = arith.constant 0 : i32
      %dma_start3A_796 = tpu.memref_slice %arg3[%add3A_389, %dma_start3A_795] : memref<64x100000xf32, #tpu.memory_space<hbm>> -> memref<1x100000xf32, #tpu.memory_space<hbm>>
      %dma_start3A_797 = tpu.memref_squeeze %dma_start3A_796 : memref<1x100000xf32, #tpu.memory_space<hbm>> -> memref<100000xf32, #tpu.memory_space<hbm>>
      %dma_start3A_798 = arith.constant 0 : i32
      %dma_start3A_799 = tpu.memref_slice %arg3[%add3A_389, %dma_start3A_798] : memref<64x100000xf32, #tpu.memory_space<hbm>> -> memref<1x100000xf32, #tpu.memory_space<hbm>>
      %dma_start3A_800 = tpu.memref_squeeze %dma_start3A_799 : memref<1x100000xf32, #tpu.memory_space<hbm>> -> memref<100000xf32, #tpu.memory_space<hbm>>
      tpu.enqueue_dma source(%dma_start3A_800 : memref<100000xf32, #tpu.memory_space<hbm>>) target(%arg6 : memref<100000xf32, #tpu.memory_space<vmem>>) target_semaphore(%run_scoped3A : memref<!tpu.dma_semaphore, #tpu.memory_space<semaphore_mem>>)
      %dma_wait3A_801 = arith.constant 0 : i32
      %dma_wait3A_802 = tpu.memref_slice %arg3[%add3A_389, %dma_wait3A_801] : memref<64x100000xf32, #tpu.memory_space<hbm>> -> memref<1x100000xf32, #tpu.memory_space<hbm>>
      %dma_wait3A_803 = tpu.memref_squeeze %dma_wait3A_802 : memref<1x100000xf32, #tpu.memory_space<hbm>> -> memref<100000xf32, #tpu.memory_space<hbm>>
      %dma_wait3A_804 = arith.constant 0 : i32
      %dma_wait3A_805 = tpu.memref_slice %arg3[%add3A_389, %dma_wait3A_804] : memref<64x100000xf32, #tpu.memory_space<hbm>> -> memref<1x100000xf32, #tpu.memory_space<hbm>>
      %dma_wait3A_806 = tpu.memref_squeeze %dma_wait3A_805 : memref<1x100000xf32, #tpu.memory_space<hbm>> -> memref<100000xf32, #tpu.memory_space<hbm>>
      tpu.wait_dma2 semaphore(%run_scoped3A : memref<!tpu.dma_semaphore, #tpu.memory_space<semaphore_mem>>) src(%dma_wait3A_806 : memref<100000xf32, #tpu.memory_space<hbm>>) dst(%arg6 : memref<100000xf32, #tpu.memory_space<vmem>>)
      tpu.yield
    }) : () -> ()
    "tpu.region"() ({
      %run_scoped3A = tpu.sem_alloc : memref<!tpu.dma_semaphore, #tpu.memory_space<semaphore_mem>>
      %dma_start3A_795 = arith.constant 0 : i32
      %dma_start3A_796 = tpu.memref_slice %arg7[%dma_start3A_795] : memref<216xf32, #tpu.memory_space<vmem>> -> memref<200xf32, #tpu.memory_space<vmem>>
      %dma_start3A_797 = arith.constant 0 : i32
      %dma_start3A_798 = tpu.memref_slice %arg4[%add3A_389, %dma_start3A_797] : memref<64x200xf32, #tpu.memory_space<hbm>> -> memref<1x200xf32, #tpu.memory_space<hbm>>
      %dma_start3A_799 = tpu.memref_squeeze %dma_start3A_798 : memref<1x200xf32, #tpu.memory_space<hbm>> -> memref<200xf32, #tpu.memory_space<hbm>>
      %dma_start3A_800 = arith.constant 0 : i32
      %dma_start3A_801 = tpu.memref_slice %arg7[%dma_start3A_800] : memref<216xf32, #tpu.memory_space<vmem>> -> memref<200xf32, #tpu.memory_space<vmem>>
      %dma_start3A_802 = arith.constant 0 : i32
      %dma_start3A_803 = tpu.memref_slice %arg4[%add3A_389, %dma_start3A_802] : memref<64x200xf32, #tpu.memory_space<hbm>> -> memref<1x200xf32, #tpu.memory_space<hbm>>
      %dma_start3A_804 = tpu.memref_squeeze %dma_start3A_803 : memref<1x200xf32, #tpu.memory_space<hbm>> -> memref<200xf32, #tpu.memory_space<hbm>>
      tpu.enqueue_dma source(%dma_start3A_804 : memref<200xf32, #tpu.memory_space<hbm>>) target(%dma_start3A_801 : memref<200xf32, #tpu.memory_space<vmem>>) target_semaphore(%run_scoped3A : memref<!tpu.dma_semaphore, #tpu.memory_space<semaphore_mem>>)
      %dma_wait3A_805 = arith.constant 0 : i32
      %dma_wait3A_806 = tpu.memref_slice %arg7[%dma_wait3A_805] : memref<216xf32, #tpu.memory_space<vmem>> -> memref<200xf32, #tpu.memory_space<vmem>>
      %dma_wait3A_807 = arith.constant 0 : i32
      %dma_wait3A_808 = tpu.memref_slice %arg4[%add3A_389, %dma_wait3A_807] : memref<64x200xf32, #tpu.memory_space<hbm>> -> memref<1x200xf32, #tpu.memory_space<hbm>>
      %dma_wait3A_809 = tpu.memref_squeeze %dma_wait3A_808 : memref<1x200xf32, #tpu.memory_space<hbm>> -> memref<200xf32, #tpu.memory_space<hbm>>
      %dma_wait3A_810 = arith.constant 0 : i32
      %dma_wait3A_811 = tpu.memref_slice %arg7[%dma_wait3A_810] : memref<216xf32, #tpu.memory_space<vmem>> -> memref<200xf32, #tpu.memory_space<vmem>>
      %dma_wait3A_812 = arith.constant 0 : i32
      %dma_wait3A_813 = tpu.memref_slice %arg4[%add3A_389, %dma_wait3A_812] : memref<64x200xf32, #tpu.memory_space<hbm>> -> memref<1x200xf32, #tpu.memory_space<hbm>>
      %dma_wait3A_814 = tpu.memref_squeeze %dma_wait3A_813 : memref<1x200xf32, #tpu.memory_space<hbm>> -> memref<200xf32, #tpu.memory_space<hbm>>
      tpu.wait_dma2 semaphore(%run_scoped3A : memref<!tpu.dma_semaphore, #tpu.memory_space<semaphore_mem>>) src(%dma_wait3A_814 : memref<200xf32, #tpu.memory_space<hbm>>) dst(%dma_wait3A_811 : memref<200xf32, #tpu.memory_space<vmem>>)
      tpu.yield
    }) : () -> ()
    %scan3A_390 = arith.constant 0 : i32
    %scan3A_391 = arith.constant 0 : i32
    %scan3A_392 = arith.constant 19 : i32
    %scan3A_393 = arith.addi %scan3A_391, %scan3A_392 : i32
    %scan3A_394 = arith.constant 1 : i32
    scf.for %scan3A_795 = %scan3A_391 to %scan3A_393 step %scan3A_394  : i32 {
      %jit3A = arith.constant 2 : i32
      %eq3A = arith.constant 0 : i32
      %eq3A_796 = arith.cmpi eq, %jit3A, %eq3A : i32
      %jit3A_797 = arith.constant 1 : i32
      %select_n3A = arith.select %eq3A_796, %jit3A_797, %jit3A : i32
      %rem3A = arith.remsi %scan3A_795, %select_n3A : i32
      %ne3A = arith.constant 0 : i32
      %ne3A_798 = arith.cmpi ne, %rem3A, %ne3A : i32
      %lt3A_799 = arith.constant 0 : i32
      %lt3A_800 = arith.cmpi slt, %rem3A, %lt3A_799 : i32
      %lt3A_801 = arith.constant 0 : i32
      %lt3A_802 = arith.cmpi slt, %select_n3A, %lt3A_801 : i32
      %ne3A_803 = arith.xori %lt3A_800, %lt3A_802 : i1
      %and3A = arith.andi %ne3A_803, %ne3A_798 : i1
      %add3A_804 = arith.addi %rem3A, %select_n3A : i32
      %select_n3A_805 = arith.select %and3A, %add3A_804, %rem3A : i32
      %barrier3A_806 = arith.constant 0 : index
      tpu.barrier barrier_id(%barrier3A_806)
      %add3A_807 = arith.constant 1 : i32
      %add3A_808 = arith.addi %scan3A_795, %add3A_807 : i32
      %jit3A_809 = arith.constant 20 : i32
      %eq3A_810 = arith.constant 0 : i32
      %eq3A_811 = arith.cmpi eq, %jit3A_809, %eq3A_810 : i32
      %jit3A_812 = arith.constant 1 : i32
      %select_n3A_813 = arith.select %eq3A_811, %jit3A_812, %jit3A_809 : i32
      %rem3A_814 = arith.remsi %add3A_808, %select_n3A_813 : i32
      %ne3A_815 = arith.constant 0 : i32
      %ne3A_816 = arith.cmpi ne, %rem3A_814, %ne3A_815 : i32
      %lt3A_817 = arith.constant 0 : i32
      %lt3A_818 = arith.cmpi slt, %rem3A_814, %lt3A_817 : i32
      %lt3A_819 = arith.constant 0 : i32
      %lt3A_820 = arith.cmpi slt, %select_n3A_813, %lt3A_819 : i32
      %ne3A_821 = arith.xori %lt3A_818, %lt3A_820 : i1
      %and3A_822 = arith.andi %ne3A_821, %ne3A_816 : i1
      %add3A_823 = arith.addi %rem3A_814, %select_n3A_813 : i32
      %select_n3A_824 = arith.select %and3A_822, %add3A_823, %rem3A_814 : i32
      %mul3A_825 = arith.constant 10 : i32
      %mul3A_826 = arith.muli %select_n3A_824, %mul3A_825 : i32
      %lt3A_827 = arith.constant 10 : i32
      %lt3A_828 = arith.cmpi slt, %arg1, %lt3A_827 : i32
      %convert_element_type3A_829 = arith.extui %lt3A_828 : i1 to i32
      %cond3A_830 = arith.constant 0 : i32
      %cond3A_831 = arith.cmpi ne, %convert_element_type3A_829, %cond3A_830 : i32
      scf.if %cond3A_831 {
        %add3A_1221 = arith.addi %mul3A_826, %arg1 : i32
        %jit3A_1222 = arith.constant 2 : i32
        %eq3A_1223 = arith.constant 0 : i32
        %eq3A_1224 = arith.cmpi eq, %jit3A_1222, %eq3A_1223 : i32
        %jit3A_1225 = arith.constant 1 : i32
        %select_n3A_1226 = arith.select %eq3A_1224, %jit3A_1225, %jit3A_1222 : i32
        %rem3A_1227 = arith.remsi %add3A_808, %select_n3A_1226 : i32
        %ne3A_1228 = arith.constant 0 : i32
        %ne3A_1229 = arith.cmpi ne, %rem3A_1227, %ne3A_1228 : i32
        %lt3A_1230 = arith.constant 0 : i32
        %lt3A_1231 = arith.cmpi slt, %rem3A_1227, %lt3A_1230 : i32
        %lt3A_1232 = arith.constant 0 : i32
        %lt3A_1233 = arith.cmpi slt, %select_n3A_1226, %lt3A_1232 : i32
        %ne3A_1234 = arith.xori %lt3A_1231, %lt3A_1233 : i1
        %and3A_1235 = arith.andi %ne3A_1234, %ne3A_1229 : i1
        %add3A_1236 = arith.addi %rem3A_1227, %select_n3A_1226 : i32
        %select_n3A_1237 = arith.select %and3A_1235, %add3A_1236, %rem3A_1227 : i32
        %dma_start3A_1238 = arith.constant 0 : i32
        %dma_start3A_1239 = tpu.memref_slice %arg8[%select_n3A_1237, %arg1, %dma_start3A_1238] : memref<2x10x4096xi32, #tpu.memory_space<vmem_shared>> -> memref<1x1x4096xi32, #tpu.memory_space<vmem_shared>>
        %dma_start3A_1240 = tpu.memref_squeeze %dma_start3A_1239 : memref<1x1x4096xi32, #tpu.memory_space<vmem_shared>> -> memref<4096xi32, #tpu.memory_space<vmem_shared>>
        %dma_start3A_1241 = arith.constant 0 : i32
        %dma_start3A_1242 = tpu.memref_slice %arg2[%add3A_1221, %dma_start3A_1241] : memref<200x4096xi32, #tpu.memory_space<hbm>> -> memref<1x4096xi32, #tpu.memory_space<hbm>>
        %dma_start3A_1243 = tpu.memref_squeeze %dma_start3A_1242 : memref<1x4096xi32, #tpu.memory_space<hbm>> -> memref<4096xi32, #tpu.memory_space<hbm>>
        tpu.enqueue_dma source(%dma_start3A_1243 : memref<4096xi32, #tpu.memory_space<hbm>>) target(%dma_start3A_1240 : memref<4096xi32, #tpu.memory_space<vmem_shared>>) target_semaphore(%arg19 : memref<!tpu.dma_semaphore, #tpu.memory_space<semaphore_mem>>)
      } else {
      }
      %dma_start3A_832 = arith.constant 0 : i32
      %dma_start3A_833 = arith.constant 0 : i32
      %dma_start3A_834 = tpu.memref_slice %arg8[%select_n3A_805, %dma_start3A_832, %dma_start3A_833] : memref<2x10x4096xi32, #tpu.memory_space<vmem_shared>> -> memref<1x1x4096xi32, #tpu.memory_space<vmem_shared>>
      %dma_start3A_835 = tpu.memref_squeeze %dma_start3A_834 : memref<1x1x4096xi32, #tpu.memory_space<vmem_shared>> -> memref<4096xi32, #tpu.memory_space<vmem_shared>>
      %dma_start3A_836 = arith.constant 0 : i32
      %dma_start3A_837 = tpu.memref_slice %arg8[%select_n3A_805, %dma_start3A_832, %dma_start3A_836] : memref<2x10x4096xi32, #tpu.memory_space<vmem_shared>> -> memref<1x1x4096xi32, #tpu.memory_space<vmem_shared>>
      %dma_start3A_838 = tpu.memref_squeeze %dma_start3A_837 : memref<1x1x4096xi32, #tpu.memory_space<vmem_shared>> -> memref<4096xi32, #tpu.memory_space<vmem_shared>>
      tpu.enqueue_dma source(%dma_start3A_838 : memref<4096xi32, #tpu.memory_space<vmem_shared>>) target(%arg9 : memref<4096xi32, #tpu.memory_space<vmem>>) target_semaphore(%arg14 : memref<!tpu.dma_semaphore, #tpu.memory_space<semaphore_mem>>)
      %dma_start3A_839 = arith.constant 1 : i32
      %dma_start3A_840 = arith.constant 0 : i32
      %dma_start3A_841 = tpu.memref_slice %arg8[%select_n3A_805, %dma_start3A_839, %dma_start3A_840] : memref<2x10x4096xi32, #tpu.memory_space<vmem_shared>> -> memref<1x1x4096xi32, #tpu.memory_space<vmem_shared>>
      %dma_start3A_842 = tpu.memref_squeeze %dma_start3A_841 : memref<1x1x4096xi32, #tpu.memory_space<vmem_shared>> -> memref<4096xi32, #tpu.memory_space<vmem_shared>>
      %dma_start3A_843 = arith.constant 0 : i32
      %dma_start3A_844 = tpu.memref_slice %arg8[%select_n3A_805, %dma_start3A_839, %dma_start3A_843] : memref<2x10x4096xi32, #tpu.memory_space<vmem_shared>> -> memref<1x1x4096xi32, #tpu.memory_space<vmem_shared>>
      %dma_start3A_845 = tpu.memref_squeeze %dma_start3A_844 : memref<1x1x4096xi32, #tpu.memory_space<vmem_shared>> -> memref<4096xi32, #tpu.memory_space<vmem_shared>>
      tpu.enqueue_dma source(%dma_start3A_845 : memref<4096xi32, #tpu.memory_space<vmem_shared>>) target(%arg10 : memref<4096xi32, #tpu.memory_space<vmem>>) target_semaphore(%arg15 : memref<!tpu.dma_semaphore, #tpu.memory_space<semaphore_mem>>)
      %dma_start3A_846 = arith.constant 2 : i32
      %dma_start3A_847 = arith.constant 0 : i32
      %dma_start3A_848 = tpu.memref_slice %arg8[%select_n3A_805, %dma_start3A_846, %dma_start3A_847] : memref<2x10x4096xi32, #tpu.memory_space<vmem_shared>> -> memref<1x1x4096xi32, #tpu.memory_space<vmem_shared>>
      %dma_start3A_849 = tpu.memref_squeeze %dma_start3A_848 : memref<1x1x4096xi32, #tpu.memory_space<vmem_shared>> -> memref<4096xi32, #tpu.memory_space<vmem_shared>>
      %dma_start3A_850 = arith.constant 0 : i32
      %dma_start3A_851 = tpu.memref_slice %arg8[%select_n3A_805, %dma_start3A_846, %dma_start3A_850] : memref<2x10x4096xi32, #tpu.memory_space<vmem_shared>> -> memref<1x1x4096xi32, #tpu.memory_space<vmem_shared>>
      %dma_start3A_852 = tpu.memref_squeeze %dma_start3A_851 : memref<1x1x4096xi32, #tpu.memory_space<vmem_shared>> -> memref<4096xi32, #tpu.memory_space<vmem_shared>>
      tpu.enqueue_dma source(%dma_start3A_852 : memref<4096xi32, #tpu.memory_space<vmem_shared>>) target(%arg11 : memref<4096xi32, #tpu.memory_space<vmem>>) target_semaphore(%arg16 : memref<!tpu.dma_semaphore, #tpu.memory_space<semaphore_mem>>)
      %dma_wait3A_853 = arith.constant 0 : i32
      %dma_wait3A_854 = arith.constant 0 : i32
      %dma_wait3A_855 = tpu.memref_slice %arg8[%select_n3A_805, %dma_wait3A_853, %dma_wait3A_854] : memref<2x10x4096xi32, #tpu.memory_space<vmem_shared>> -> memref<1x1x4096xi32, #tpu.memory_space<vmem_shared>>
      %dma_wait3A_856 = tpu.memref_squeeze %dma_wait3A_855 : memref<1x1x4096xi32, #tpu.memory_space<vmem_shared>> -> memref<4096xi32, #tpu.memory_space<vmem_shared>>
      %dma_wait3A_857 = arith.constant 0 : i32
      %dma_wait3A_858 = tpu.memref_slice %arg8[%select_n3A_805, %dma_wait3A_853, %dma_wait3A_857] : memref<2x10x4096xi32, #tpu.memory_space<vmem_shared>> -> memref<1x1x4096xi32, #tpu.memory_space<vmem_shared>>
      %dma_wait3A_859 = tpu.memref_squeeze %dma_wait3A_858 : memref<1x1x4096xi32, #tpu.memory_space<vmem_shared>> -> memref<4096xi32, #tpu.memory_space<vmem_shared>>
      tpu.wait_dma2 semaphore(%arg14 : memref<!tpu.dma_semaphore, #tpu.memory_space<semaphore_mem>>) src(%dma_wait3A_859 : memref<4096xi32, #tpu.memory_space<vmem_shared>>) dst(%arg9 : memref<4096xi32, #tpu.memory_space<vmem>>)
      %dma_wait3A_860 = arith.constant 0 : i32
      %dma_wait3A_861 = arith.constant 0 : i32
      %dma_wait3A_862 = arith.constant 0 : i32
      %dma_wait3A_863 = tpu.memref_slice %arg5[%dma_wait3A_860, %dma_wait3A_861, %dma_wait3A_862] : memref<200x64x4096xf32, #tpu.memory_space<hbm>> -> memref<1x1x4096xf32, #tpu.memory_space<hbm>>
      %dma_wait3A_864 = tpu.memref_squeeze %dma_wait3A_863 : memref<1x1x4096xf32, #tpu.memory_space<hbm>> -> memref<4096xf32, #tpu.memory_space<hbm>>
      %dma_wait3A_865 = arith.constant 0 : i32
      %dma_wait3A_866 = tpu.memref_slice %arg5[%dma_wait3A_860, %dma_wait3A_861, %dma_wait3A_865] : memref<200x64x4096xf32, #tpu.memory_space<hbm>> -> memref<1x1x4096xf32, #tpu.memory_space<hbm>>
      %dma_wait3A_867 = tpu.memref_squeeze %dma_wait3A_866 : memref<1x1x4096xf32, #tpu.memory_space<hbm>> -> memref<4096xf32, #tpu.memory_space<hbm>>
      tpu.wait_dma2 semaphore(%arg17 : memref<!tpu.dma_semaphore, #tpu.memory_space<semaphore_mem>>) src(%arg12 : memref<4096xf32, #tpu.memory_space<vmem>>) dst(%dma_wait3A_867 : memref<4096xf32, #tpu.memory_space<hbm>>)
      %mul3A_868 = arith.constant 10 : i32
      %mul3A_869 = arith.muli %scan3A_795, %mul3A_868 : i32
      %add3A_870 = arith.constant 0 : i32
      %add3A_871 = arith.addi %mul3A_869, %add3A_870 : i32
      %get3A_872 = arith.index_cast %add3A_871 : i32 to index
      %get3A_873 = tpu.vector_load %arg7[%get3A_872] {strides = array<i32>} : memref<216xf32, #tpu.memory_space<vmem>>, vector<16xf32>,
      %slice3A_874 = vector.extract_strided_slice %get3A_873 {offsets = [0], sizes = [1], strides = [1]} : vector<16xf32> to vector<1xf32>
      %squeeze3A_875 = vector.extract %slice3A_874[0] : f32 from vector<1xf32>
      %broadcast_in_dim3A_876 = vector.broadcast %squeeze3A_875 : f32 to vector<16xf32>
      %parallel_loop3A_877 = arith.constant 0 : i32
      %parallel_loop3A_878 = arith.constant 4096 : i32
      %parallel_loop3A_879 = arith.constant 16 : i32
      scf.for %parallel_loop3A_1221 = %parallel_loop3A_877 to %parallel_loop3A_878 step %parallel_loop3A_879  : i32 {
        %parallel_loop3A_1222 = arith.index_cast %parallel_loop3A_1221 : i32 to index
        %parallel_loop3A_1223 = tpu.vector_load %arg9[%parallel_loop3A_1222] {strides = array<i32>} : memref<4096xi32, #tpu.memory_space<vmem>>, vector<16xi32>,
        %parallel_loop3A_1224 = tpu.vector_load_idx %arg6[%parallel_loop3A_1223] : memref<100000xf32, #tpu.memory_space<vmem>>[vector<16xi32>], vector<16xf32>,
        %parallel_loop3A_1225 = arith.addf %parallel_loop3A_1224, %broadcast_in_dim3A_876 : vector<16xf32>
        %parallel_loop3A_1226 = arith.index_cast %parallel_loop3A_1221 : i32 to index
        %parallel_loop3A_1227 = tpu.vector_load %arg12[%parallel_loop3A_1226] {strides = array<i32>} : memref<4096xf32, #tpu.memory_space<vmem>>, vector<16xf32>,
        tpu.vector_store %arg12[%parallel_loop3A_1226], %parallel_loop3A_1225 {strides = array<i32>} : memref<4096xf32, #tpu.memory_space<vmem>>, vector<16xf32>,
      } {sc.loop_unroll_factor = 8 : i64, sc.parallel_access}
      %dma_start3A_880 = arith.constant 0 : i32
      %dma_start3A_881 = tpu.memref_slice %arg5[%add3A_871, %add3A_389, %dma_start3A_880] : memref<200x64x4096xf32, #tpu.memory_space<hbm>> -> memref<1x1x4096xf32, #tpu.memory_space<hbm>>
      %dma_start3A_882 = tpu.memref_squeeze %dma_start3A_881 : memref<1x1x4096xf32, #tpu.memory_space<hbm>> -> memref<4096xf32, #tpu.memory_space<hbm>>
      %dma_start3A_883 = arith.constant 0 : i32
      %dma_start3A_884 = tpu.memref_slice %arg5[%add3A_871, %add3A_389, %dma_start3A_883] : memref<200x64x4096xf32, #tpu.memory_space<hbm>> -> memref<1x1x4096xf32, #tpu.memory_space<hbm>>
      %dma_start3A_885 = tpu.memref_squeeze %dma_start3A_884 : memref<1x1x4096xf32, #tpu.memory_space<hbm>> -> memref<4096xf32, #tpu.memory_space<hbm>>
      tpu.enqueue_dma source(%arg12 : memref<4096xf32, #tpu.memory_space<vmem>>) target(%dma_start3A_885 : memref<4096xf32, #tpu.memory_space<hbm>>) target_semaphore(%arg17 : memref<!tpu.dma_semaphore, #tpu.memory_space<semaphore_mem>>)
      %dma_start3A_886 = arith.constant 3 : i32
      %dma_start3A_887 = arith.constant 0 : i32
      %dma_start3A_888 = tpu.memref_slice %arg8[%select_n3A_805, %dma_start3A_886, %dma_start3A_887] : memref<2x10x4096xi32, #tpu.memory_space<vmem_shared>> -> memref<1x1x4096xi32, #tpu.memory_space<vmem_shared>>
      %dma_start3A_889 = tpu.memref_squeeze %dma_start3A_888 : memref<1x1x4096xi32, #tpu.memory_space<vmem_shared>> -> memref<4096xi32, #tpu.memory_space<vmem_shared>>
      %dma_start3A_890 = arith.constant 0 : i32
      %dma_start3A_891 = tpu.memref_slice %arg8[%select_n3A_805, %dma_start3A_886, %dma_start3A_890] : memref<2x10x4096xi32, #tpu.memory_space<vmem_shared>> -> memref<1x1x4096xi32, #tpu.memory_space<vmem_shared>>
      %dma_start3A_892 = tpu.memref_squeeze %dma_start3A_891 : memref<1x1x4096xi32, #tpu.memory_space<vmem_shared>> -> memref<4096xi32, #tpu.memory_space<vmem_shared>>
      tpu.enqueue_dma source(%dma_start3A_892 : memref<4096xi32, #tpu.memory_space<vmem_shared>>) target(%arg9 : memref<4096xi32, #tpu.memory_space<vmem>>) target_semaphore(%arg14 : memref<!tpu.dma_semaphore, #tpu.memory_space<semaphore_mem>>)
      %dma_wait3A_893 = arith.constant 1 : i32
      %dma_wait3A_894 = arith.constant 0 : i32
      %dma_wait3A_895 = tpu.memref_slice %arg8[%select_n3A_805, %dma_wait3A_893, %dma_wait3A_894] : memref<2x10x4096xi32, #tpu.memory_space<vmem_shared>> -> memref<1x1x4096xi32, #tpu.memory_space<vmem_shared>>
      %dma_wait3A_896 = tpu.memref_squeeze %dma_wait3A_895 : memref<1x1x4096xi32, #tpu.memory_space<vmem_shared>> -> memref<4096xi32, #tpu.memory_space<vmem_shared>>
      %dma_wait3A_897 = arith.constant 0 : i32
      %dma_wait3A_898 = tpu.memref_slice %arg8[%select_n3A_805, %dma_wait3A_893, %dma_wait3A_897] : memref<2x10x4096xi32, #tpu.memory_space<vmem_shared>> -> memref<1x1x4096xi32, #tpu.memory_space<vmem_shared>>
      %dma_wait3A_899 = tpu.memref_squeeze %dma_wait3A_898 : memref<1x1x4096xi32, #tpu.memory_space<vmem_shared>> -> memref<4096xi32, #tpu.memory_space<vmem_shared>>
      tpu.wait_dma2 semaphore(%arg15 : memref<!tpu.dma_semaphore, #tpu.memory_space<semaphore_mem>>) src(%dma_wait3A_899 : memref<4096xi32, #tpu.memory_space<vmem_shared>>) dst(%arg10 : memref<4096xi32, #tpu.memory_space<vmem>>)
      %dma_wait3A_900 = arith.constant 0 : i32
      %dma_wait3A_901 = arith.constant 0 : i32
      %dma_wait3A_902 = arith.constant 0 : i32
      %dma_wait3A_903 = tpu.memref_slice %arg5[%dma_wait3A_900, %dma_wait3A_901, %dma_wait3A_902] : memref<200x64x4096xf32, #tpu.memory_space<hbm>> -> memref<1x1x4096xf32, #tpu.memory_space<hbm>>
      %dma_wait3A_904 = tpu.memref_squeeze %dma_wait3A_903 : memref<1x1x4096xf32, #tpu.memory_space<hbm>> -> memref<4096xf32, #tpu.memory_space<hbm>>
      %dma_wait3A_905 = arith.constant 0 : i32
      %dma_wait3A_906 = tpu.memref_slice %arg5[%dma_wait3A_900, %dma_wait3A_901, %dma_wait3A_905] : memref<200x64x4096xf32, #tpu.memory_space<hbm>> -> memref<1x1x4096xf32, #tpu.memory_space<hbm>>
      %dma_wait3A_907 = tpu.memref_squeeze %dma_wait3A_906 : memref<1x1x4096xf32, #tpu.memory_space<hbm>> -> memref<4096xf32, #tpu.memory_space<hbm>>
      tpu.wait_dma2 semaphore(%arg18 : memref<!tpu.dma_semaphore, #tpu.memory_space<semaphore_mem>>) src(%arg13 : memref<4096xf32, #tpu.memory_space<vmem>>) dst(%dma_wait3A_907 : memref<4096xf32, #tpu.memory_space<hbm>>)
      %mul3A_908 = arith.constant 10 : i32
      %mul3A_909 = arith.muli %scan3A_795, %mul3A_908 : i32
      %add3A_910 = arith.constant 1 : i32
      %add3A_911 = arith.addi %mul3A_909, %add3A_910 : i32
      %get3A_912 = arith.index_cast %add3A_911 : i32 to index
      %get3A_913 = tpu.vector_load %arg7[%get3A_912] {strides = array<i32>} : memref<216xf32, #tpu.memory_space<vmem>>, vector<16xf32>,
      %slice3A_914 = vector.extract_strided_slice %get3A_913 {offsets = [0], sizes = [1], strides = [1]} : vector<16xf32> to vector<1xf32>
      %squeeze3A_915 = vector.extract %slice3A_914[0] : f32 from vector<1xf32>
      %broadcast_in_dim3A_916 = vector.broadcast %squeeze3A_915 : f32 to vector<16xf32>
      %parallel_loop3A_917 = arith.constant 0 : i32
      %parallel_loop3A_918 = arith.constant 4096 : i32
      %parallel_loop3A_919 = arith.constant 16 : i32
      scf.for %parallel_loop3A_1221 = %parallel_loop3A_917 to %parallel_loop3A_918 step %parallel_loop3A_919  : i32 {
        %parallel_loop3A_1222 = arith.index_cast %parallel_loop3A_1221 : i32 to index
        %parallel_loop3A_1223 = tpu.vector_load %arg10[%parallel_loop3A_1222] {strides = array<i32>} : memref<4096xi32, #tpu.memory_space<vmem>>, vector<16xi32>,
        %parallel_loop3A_1224 = tpu.vector_load_idx %arg6[%parallel_loop3A_1223] : memref<100000xf32, #tpu.memory_space<vmem>>[vector<16xi32>], vector<16xf32>,
        %parallel_loop3A_1225 = arith.addf %parallel_loop3A_1224, %broadcast_in_dim3A_916 : vector<16xf32>
        %parallel_loop3A_1226 = arith.index_cast %parallel_loop3A_1221 : i32 to index
        %parallel_loop3A_1227 = tpu.vector_load %arg13[%parallel_loop3A_1226] {strides = array<i32>} : memref<4096xf32, #tpu.memory_space<vmem>>, vector<16xf32>,
        tpu.vector_store %arg13[%parallel_loop3A_1226], %parallel_loop3A_1225 {strides = array<i32>} : memref<4096xf32, #tpu.memory_space<vmem>>, vector<16xf32>,
      } {sc.loop_unroll_factor = 8 : i64, sc.parallel_access}
      %dma_start3A_920 = arith.constant 0 : i32
      %dma_start3A_921 = tpu.memref_slice %arg5[%add3A_911, %add3A_389, %dma_start3A_920] : memref<200x64x4096xf32, #tpu.memory_space<hbm>> -> memref<1x1x4096xf32, #tpu.memory_space<hbm>>
      %dma_start3A_922 = tpu.memref_squeeze %dma_start3A_921 : memref<1x1x4096xf32, #tpu.memory_space<hbm>> -> memref<4096xf32, #tpu.memory_space<hbm>>
      %dma_start3A_923 = arith.constant 0 : i32
      %dma_start3A_924 = tpu.memref_slice %arg5[%add3A_911, %add3A_389, %dma_start3A_923] : memref<200x64x4096xf32, #tpu.memory_space<hbm>> -> memref<1x1x4096xf32, #tpu.memory_space<hbm>>
      %dma_start3A_925 = tpu.memref_squeeze %dma_start3A_924 : memref<1x1x4096xf32, #tpu.memory_space<hbm>> -> memref<4096xf32, #tpu.memory_space<hbm>>
      tpu.enqueue_dma source(%arg13 : memref<4096xf32, #tpu.memory_space<vmem>>) target(%dma_start3A_925 : memref<4096xf32, #tpu.memory_space<hbm>>) target_semaphore(%arg18 : memref<!tpu.dma_semaphore, #tpu.memory_space<semaphore_mem>>)
      %dma_start3A_926 = arith.constant 4 : i32
      %dma_start3A_927 = arith.constant 0 : i32
      %dma_start3A_928 = tpu.memref_slice %arg8[%select_n3A_805, %dma_start3A_926, %dma_start3A_927] : memref<2x10x4096xi32, #tpu.memory_space<vmem_shared>> -> memref<1x1x4096xi32, #tpu.memory_space<vmem_shared>>
      %dma_start3A_929 = tpu.memref_squeeze %dma_start3A_928 : memref<1x1x4096xi32, #tpu.memory_space<vmem_shared>> -> memref<4096xi32, #tpu.memory_space<vmem_shared>>
      %dma_start3A_930 = arith.constant 0 : i32
      %dma_start3A_931 = tpu.memref_slice %arg8[%select_n3A_805, %dma_start3A_926, %dma_start3A_930] : memref<2x10x4096xi32, #tpu.memory_space<vmem_shared>> -> memref<1x1x4096xi32, #tpu.memory_space<vmem_shared>>
      %dma_start3A_932 = tpu.memref_squeeze %dma_start3A_931 : memref<1x1x4096xi32, #tpu.memory_space<vmem_shared>> -> memref<4096xi32, #tpu.memory_space<vmem_shared>>
      tpu.enqueue_dma source(%dma_start3A_932 : memref<4096xi32, #tpu.memory_space<vmem_shared>>) target(%arg10 : memref<4096xi32, #tpu.memory_space<vmem>>) target_semaphore(%arg15 : memref<!tpu.dma_semaphore, #tpu.memory_space<semaphore_mem>>)
      %dma_wait3A_933 = arith.constant 2 : i32
      %dma_wait3A_934 = arith.constant 0 : i32
      %dma_wait3A_935 = tpu.memref_slice %arg8[%select_n3A_805, %dma_wait3A_933, %dma_wait3A_934] : memref<2x10x4096xi32, #tpu.memory_space<vmem_shared>> -> memref<1x1x4096xi32, #tpu.memory_space<vmem_shared>>
      %dma_wait3A_936 = tpu.memref_squeeze %dma_wait3A_935 : memref<1x1x4096xi32, #tpu.memory_space<vmem_shared>> -> memref<4096xi32, #tpu.memory_space<vmem_shared>>
      %dma_wait3A_937 = arith.constant 0 : i32
      %dma_wait3A_938 = tpu.memref_slice %arg8[%select_n3A_805, %dma_wait3A_933, %dma_wait3A_937] : memref<2x10x4096xi32, #tpu.memory_space<vmem_shared>> -> memref<1x1x4096xi32, #tpu.memory_space<vmem_shared>>
      %dma_wait3A_939 = tpu.memref_squeeze %dma_wait3A_938 : memref<1x1x4096xi32, #tpu.memory_space<vmem_shared>> -> memref<4096xi32, #tpu.memory_space<vmem_shared>>
      tpu.wait_dma2 semaphore(%arg16 : memref<!tpu.dma_semaphore, #tpu.memory_space<semaphore_mem>>) src(%dma_wait3A_939 : memref<4096xi32, #tpu.memory_space<vmem_shared>>) dst(%arg11 : memref<4096xi32, #tpu.memory_space<vmem>>)
      %dma_wait3A_940 = arith.constant 0 : i32
      %dma_wait3A_941 = tpu.memref_slice %arg5[%add3A_871, %add3A_389, %dma_wait3A_940] : memref<200x64x4096xf32, #tpu.memory_space<hbm>> -> memref<1x1x4096xf32, #tpu.memory_space<hbm>>
      %dma_wait3A_942 = tpu.memref_squeeze %dma_wait3A_941 : memref<1x1x4096xf32, #tpu.memory_space<hbm>> -> memref<4096xf32, #tpu.memory_space<hbm>>
      %dma_wait3A_943 = arith.constant 0 : i32
      %dma_wait3A_944 = tpu.memref_slice %arg5[%add3A_871, %add3A_389, %dma_wait3A_943] : memref<200x64x4096xf32, #tpu.memory_space<hbm>> -> memref<1x1x4096xf32, #tpu.memory_space<hbm>>
      %dma_wait3A_945 = tpu.memref_squeeze %dma_wait3A_944 : memref<1x1x4096xf32, #tpu.memory_space<hbm>> -> memref<4096xf32, #tpu.memory_space<hbm>>
      tpu.wait_dma2 semaphore(%arg17 : memref<!tpu.dma_semaphore, #tpu.memory_space<semaphore_mem>>) src(%arg12 : memref<4096xf32, #tpu.memory_space<vmem>>) dst(%dma_wait3A_945 : memref<4096xf32, #tpu.memory_space<hbm>>)
      %mul3A_946 = arith.constant 10 : i32
      %mul3A_947 = arith.muli %scan3A_795, %mul3A_946 : i32
      %add3A_948 = arith.constant 2 : i32
      %add3A_949 = arith.addi %mul3A_947, %add3A_948 : i32
      %get3A_950 = arith.index_cast %add3A_949 : i32 to index
      %get3A_951 = tpu.vector_load %arg7[%get3A_950] {strides = array<i32>} : memref<216xf32, #tpu.memory_space<vmem>>, vector<16xf32>,
      %slice3A_952 = vector.extract_strided_slice %get3A_951 {offsets = [0], sizes = [1], strides = [1]} : vector<16xf32> to vector<1xf32>
      %squeeze3A_953 = vector.extract %slice3A_952[0] : f32 from vector<1xf32>
      %broadcast_in_dim3A_954 = vector.broadcast %squeeze3A_953 : f32 to vector<16xf32>
      %parallel_loop3A_955 = arith.constant 0 : i32
      %parallel_loop3A_956 = arith.constant 4096 : i32
      %parallel_loop3A_957 = arith.constant 16 : i32
      scf.for %parallel_loop3A_1221 = %parallel_loop3A_955 to %parallel_loop3A_956 step %parallel_loop3A_957  : i32 {
        %parallel_loop3A_1222 = arith.index_cast %parallel_loop3A_1221 : i32 to index
        %parallel_loop3A_1223 = tpu.vector_load %arg11[%parallel_loop3A_1222] {strides = array<i32>} : memref<4096xi32, #tpu.memory_space<vmem>>, vector<16xi32>,
        %parallel_loop3A_1224 = tpu.vector_load_idx %arg6[%parallel_loop3A_1223] : memref<100000xf32, #tpu.memory_space<vmem>>[vector<16xi32>], vector<16xf32>,
        %parallel_loop3A_1225 = arith.addf %parallel_loop3A_1224, %broadcast_in_dim3A_954 : vector<16xf32>
        %parallel_loop3A_1226 = arith.index_cast %parallel_loop3A_1221 : i32 to index
        %parallel_loop3A_1227 = tpu.vector_load %arg12[%parallel_loop3A_1226] {strides = array<i32>} : memref<4096xf32, #tpu.memory_space<vmem>>, vector<16xf32>,
        tpu.vector_store %arg12[%parallel_loop3A_1226], %parallel_loop3A_1225 {strides = array<i32>} : memref<4096xf32, #tpu.memory_space<vmem>>, vector<16xf32>,
      } {sc.loop_unroll_factor = 8 : i64, sc.parallel_access}
      %dma_start3A_958 = arith.constant 0 : i32
      %dma_start3A_959 = tpu.memref_slice %arg5[%add3A_949, %add3A_389, %dma_start3A_958] : memref<200x64x4096xf32, #tpu.memory_space<hbm>> -> memref<1x1x4096xf32, #tpu.memory_space<hbm>>
      %dma_start3A_960 = tpu.memref_squeeze %dma_start3A_959 : memref<1x1x4096xf32, #tpu.memory_space<hbm>> -> memref<4096xf32, #tpu.memory_space<hbm>>
      %dma_start3A_961 = arith.constant 0 : i32
      %dma_start3A_962 = tpu.memref_slice %arg5[%add3A_949, %add3A_389, %dma_start3A_961] : memref<200x64x4096xf32, #tpu.memory_space<hbm>> -> memref<1x1x4096xf32, #tpu.memory_space<hbm>>
      %dma_start3A_963 = tpu.memref_squeeze %dma_start3A_962 : memref<1x1x4096xf32, #tpu.memory_space<hbm>> -> memref<4096xf32, #tpu.memory_space<hbm>>
      tpu.enqueue_dma source(%arg12 : memref<4096xf32, #tpu.memory_space<vmem>>) target(%dma_start3A_963 : memref<4096xf32, #tpu.memory_space<hbm>>) target_semaphore(%arg17 : memref<!tpu.dma_semaphore, #tpu.memory_space<semaphore_mem>>)
      %dma_start3A_964 = arith.constant 5 : i32
      %dma_start3A_965 = arith.constant 0 : i32
      %dma_start3A_966 = tpu.memref_slice %arg8[%select_n3A_805, %dma_start3A_964, %dma_start3A_965] : memref<2x10x4096xi32, #tpu.memory_space<vmem_shared>> -> memref<1x1x4096xi32, #tpu.memory_space<vmem_shared>>
      %dma_start3A_967 = tpu.memref_squeeze %dma_start3A_966 : memref<1x1x4096xi32, #tpu.memory_space<vmem_shared>> -> memref<4096xi32, #tpu.memory_space<vmem_shared>>
      %dma_start3A_968 = arith.constant 0 : i32
      %dma_start3A_969 = tpu.memref_slice %arg8[%select_n3A_805, %dma_start3A_964, %dma_start3A_968] : memref<2x10x4096xi32, #tpu.memory_space<vmem_shared>> -> memref<1x1x4096xi32, #tpu.memory_space<vmem_shared>>
      %dma_start3A_970 = tpu.memref_squeeze %dma_start3A_969 : memref<1x1x4096xi32, #tpu.memory_space<vmem_shared>> -> memref<4096xi32, #tpu.memory_space<vmem_shared>>
      tpu.enqueue_dma source(%dma_start3A_970 : memref<4096xi32, #tpu.memory_space<vmem_shared>>) target(%arg11 : memref<4096xi32, #tpu.memory_space<vmem>>) target_semaphore(%arg16 : memref<!tpu.dma_semaphore, #tpu.memory_space<semaphore_mem>>)
      %dma_wait3A_971 = arith.constant 3 : i32
      %dma_wait3A_972 = arith.constant 0 : i32
      %dma_wait3A_973 = tpu.memref_slice %arg8[%select_n3A_805, %dma_wait3A_971, %dma_wait3A_972] : memref<2x10x4096xi32, #tpu.memory_space<vmem_shared>> -> memref<1x1x4096xi32, #tpu.memory_space<vmem_shared>>
      %dma_wait3A_974 = tpu.memref_squeeze %dma_wait3A_973 : memref<1x1x4096xi32, #tpu.memory_space<vmem_shared>> -> memref<4096xi32, #tpu.memory_space<vmem_shared>>
      %dma_wait3A_975 = arith.constant 0 : i32
      %dma_wait3A_976 = tpu.memref_slice %arg8[%select_n3A_805, %dma_wait3A_971, %dma_wait3A_975] : memref<2x10x4096xi32, #tpu.memory_space<vmem_shared>> -> memref<1x1x4096xi32, #tpu.memory_space<vmem_shared>>
      %dma_wait3A_977 = tpu.memref_squeeze %dma_wait3A_976 : memref<1x1x4096xi32, #tpu.memory_space<vmem_shared>> -> memref<4096xi32, #tpu.memory_space<vmem_shared>>
      tpu.wait_dma2 semaphore(%arg14 : memref<!tpu.dma_semaphore, #tpu.memory_space<semaphore_mem>>) src(%dma_wait3A_977 : memref<4096xi32, #tpu.memory_space<vmem_shared>>) dst(%arg9 : memref<4096xi32, #tpu.memory_space<vmem>>)
      %dma_wait3A_978 = arith.constant 0 : i32
      %dma_wait3A_979 = tpu.memref_slice %arg5[%add3A_911, %add3A_389, %dma_wait3A_978] : memref<200x64x4096xf32, #tpu.memory_space<hbm>> -> memref<1x1x4096xf32, #tpu.memory_space<hbm>>
      %dma_wait3A_980 = tpu.memref_squeeze %dma_wait3A_979 : memref<1x1x4096xf32, #tpu.memory_space<hbm>> -> memref<4096xf32, #tpu.memory_space<hbm>>
      %dma_wait3A_981 = arith.constant 0 : i32
      %dma_wait3A_982 = tpu.memref_slice %arg5[%add3A_911, %add3A_389, %dma_wait3A_981] : memref<200x64x4096xf32, #tpu.memory_space<hbm>> -> memref<1x1x4096xf32, #tpu.memory_space<hbm>>
      %dma_wait3A_983 = tpu.memref_squeeze %dma_wait3A_982 : memref<1x1x4096xf32, #tpu.memory_space<hbm>> -> memref<4096xf32, #tpu.memory_space<hbm>>
      tpu.wait_dma2 semaphore(%arg18 : memref<!tpu.dma_semaphore, #tpu.memory_space<semaphore_mem>>) src(%arg13 : memref<4096xf32, #tpu.memory_space<vmem>>) dst(%dma_wait3A_983 : memref<4096xf32, #tpu.memory_space<hbm>>)
      %mul3A_984 = arith.constant 10 : i32
      %mul3A_985 = arith.muli %scan3A_795, %mul3A_984 : i32
      %add3A_986 = arith.constant 3 : i32
      %add3A_987 = arith.addi %mul3A_985, %add3A_986 : i32
      %get3A_988 = arith.index_cast %add3A_987 : i32 to index
      %get3A_989 = tpu.vector_load %arg7[%get3A_988] {strides = array<i32>} : memref<216xf32, #tpu.memory_space<vmem>>, vector<16xf32>,
      %slice3A_990 = vector.extract_strided_slice %get3A_989 {offsets = [0], sizes = [1], strides = [1]} : vector<16xf32> to vector<1xf32>
      %squeeze3A_991 = vector.extract %slice3A_990[0] : f32 from vector<1xf32>
      %broadcast_in_dim3A_992 = vector.broadcast %squeeze3A_991 : f32 to vector<16xf32>
      %parallel_loop3A_993 = arith.constant 0 : i32
      %parallel_loop3A_994 = arith.constant 4096 : i32
      %parallel_loop3A_995 = arith.constant 16 : i32
      scf.for %parallel_loop3A_1221 = %parallel_loop3A_993 to %parallel_loop3A_994 step %parallel_loop3A_995  : i32 {
        %parallel_loop3A_1222 = arith.index_cast %parallel_loop3A_1221 : i32 to index
        %parallel_loop3A_1223 = tpu.vector_load %arg9[%parallel_loop3A_1222] {strides = array<i32>} : memref<4096xi32, #tpu.memory_space<vmem>>, vector<16xi32>,
        %parallel_loop3A_1224 = tpu.vector_load_idx %arg6[%parallel_loop3A_1223] : memref<100000xf32, #tpu.memory_space<vmem>>[vector<16xi32>], vector<16xf32>,
        %parallel_loop3A_1225 = arith.addf %parallel_loop3A_1224, %broadcast_in_dim3A_992 : vector<16xf32>
        %parallel_loop3A_1226 = arith.index_cast %parallel_loop3A_1221 : i32 to index
        %parallel_loop3A_1227 = tpu.vector_load %arg13[%parallel_loop3A_1226] {strides = array<i32>} : memref<4096xf32, #tpu.memory_space<vmem>>, vector<16xf32>,
        tpu.vector_store %arg13[%parallel_loop3A_1226], %parallel_loop3A_1225 {strides = array<i32>} : memref<4096xf32, #tpu.memory_space<vmem>>, vector<16xf32>,
      } {sc.loop_unroll_factor = 8 : i64, sc.parallel_access}
      %dma_start3A_996 = arith.constant 0 : i32
      %dma_start3A_997 = tpu.memref_slice %arg5[%add3A_987, %add3A_389, %dma_start3A_996] : memref<200x64x4096xf32, #tpu.memory_space<hbm>> -> memref<1x1x4096xf32, #tpu.memory_space<hbm>>
      %dma_start3A_998 = tpu.memref_squeeze %dma_start3A_997 : memref<1x1x4096xf32, #tpu.memory_space<hbm>> -> memref<4096xf32, #tpu.memory_space<hbm>>
      %dma_start3A_999 = arith.constant 0 : i32
      %dma_start3A_1000 = tpu.memref_slice %arg5[%add3A_987, %add3A_389, %dma_start3A_999] : memref<200x64x4096xf32, #tpu.memory_space<hbm>> -> memref<1x1x4096xf32, #tpu.memory_space<hbm>>
      %dma_start3A_1001 = tpu.memref_squeeze %dma_start3A_1000 : memref<1x1x4096xf32, #tpu.memory_space<hbm>> -> memref<4096xf32, #tpu.memory_space<hbm>>
      tpu.enqueue_dma source(%arg13 : memref<4096xf32, #tpu.memory_space<vmem>>) target(%dma_start3A_1001 : memref<4096xf32, #tpu.memory_space<hbm>>) target_semaphore(%arg18 : memref<!tpu.dma_semaphore, #tpu.memory_space<semaphore_mem>>)
      %dma_start3A_1002 = arith.constant 6 : i32
      %dma_start3A_1003 = arith.constant 0 : i32
      %dma_start3A_1004 = tpu.memref_slice %arg8[%select_n3A_805, %dma_start3A_1002, %dma_start3A_1003] : memref<2x10x4096xi32, #tpu.memory_space<vmem_shared>> -> memref<1x1x4096xi32, #tpu.memory_space<vmem_shared>>
      %dma_start3A_1005 = tpu.memref_squeeze %dma_start3A_1004 : memref<1x1x4096xi32, #tpu.memory_space<vmem_shared>> -> memref<4096xi32, #tpu.memory_space<vmem_shared>>
      %dma_start3A_1006 = arith.constant 0 : i32
      %dma_start3A_1007 = tpu.memref_slice %arg8[%select_n3A_805, %dma_start3A_1002, %dma_start3A_1006] : memref<2x10x4096xi32, #tpu.memory_space<vmem_shared>> -> memref<1x1x4096xi32, #tpu.memory_space<vmem_shared>>
      %dma_start3A_1008 = tpu.memref_squeeze %dma_start3A_1007 : memref<1x1x4096xi32, #tpu.memory_space<vmem_shared>> -> memref<4096xi32, #tpu.memory_space<vmem_shared>>
      tpu.enqueue_dma source(%dma_start3A_1008 : memref<4096xi32, #tpu.memory_space<vmem_shared>>) target(%arg9 : memref<4096xi32, #tpu.memory_space<vmem>>) target_semaphore(%arg14 : memref<!tpu.dma_semaphore, #tpu.memory_space<semaphore_mem>>)
      %dma_wait3A_1009 = arith.constant 4 : i32
      %dma_wait3A_1010 = arith.constant 0 : i32
      %dma_wait3A_1011 = tpu.memref_slice %arg8[%select_n3A_805, %dma_wait3A_1009, %dma_wait3A_1010] : memref<2x10x4096xi32, #tpu.memory_space<vmem_shared>> -> memref<1x1x4096xi32, #tpu.memory_space<vmem_shared>>
      %dma_wait3A_1012 = tpu.memref_squeeze %dma_wait3A_1011 : memref<1x1x4096xi32, #tpu.memory_space<vmem_shared>> -> memref<4096xi32, #tpu.memory_space<vmem_shared>>
      %dma_wait3A_1013 = arith.constant 0 : i32
      %dma_wait3A_1014 = tpu.memref_slice %arg8[%select_n3A_805, %dma_wait3A_1009, %dma_wait3A_1013] : memref<2x10x4096xi32, #tpu.memory_space<vmem_shared>> -> memref<1x1x4096xi32, #tpu.memory_space<vmem_shared>>
      %dma_wait3A_1015 = tpu.memref_squeeze %dma_wait3A_1014 : memref<1x1x4096xi32, #tpu.memory_space<vmem_shared>> -> memref<4096xi32, #tpu.memory_space<vmem_shared>>
      tpu.wait_dma2 semaphore(%arg15 : memref<!tpu.dma_semaphore, #tpu.memory_space<semaphore_mem>>) src(%dma_wait3A_1015 : memref<4096xi32, #tpu.memory_space<vmem_shared>>) dst(%arg10 : memref<4096xi32, #tpu.memory_space<vmem>>)
      %dma_wait3A_1016 = arith.constant 0 : i32
      %dma_wait3A_1017 = tpu.memref_slice %arg5[%add3A_949, %add3A_389, %dma_wait3A_1016] : memref<200x64x4096xf32, #tpu.memory_space<hbm>> -> memref<1x1x4096xf32, #tpu.memory_space<hbm>>
      %dma_wait3A_1018 = tpu.memref_squeeze %dma_wait3A_1017 : memref<1x1x4096xf32, #tpu.memory_space<hbm>> -> memref<4096xf32, #tpu.memory_space<hbm>>
      %dma_wait3A_1019 = arith.constant 0 : i32
      %dma_wait3A_1020 = tpu.memref_slice %arg5[%add3A_949, %add3A_389, %dma_wait3A_1019] : memref<200x64x4096xf32, #tpu.memory_space<hbm>> -> memref<1x1x4096xf32, #tpu.memory_space<hbm>>
      %dma_wait3A_1021 = tpu.memref_squeeze %dma_wait3A_1020 : memref<1x1x4096xf32, #tpu.memory_space<hbm>> -> memref<4096xf32, #tpu.memory_space<hbm>>
      tpu.wait_dma2 semaphore(%arg17 : memref<!tpu.dma_semaphore, #tpu.memory_space<semaphore_mem>>) src(%arg12 : memref<4096xf32, #tpu.memory_space<vmem>>) dst(%dma_wait3A_1021 : memref<4096xf32, #tpu.memory_space<hbm>>)
      %mul3A_1022 = arith.constant 10 : i32
      %mul3A_1023 = arith.muli %scan3A_795, %mul3A_1022 : i32
      %add3A_1024 = arith.constant 4 : i32
      %add3A_1025 = arith.addi %mul3A_1023, %add3A_1024 : i32
      %get3A_1026 = arith.index_cast %add3A_1025 : i32 to index
      %get3A_1027 = tpu.vector_load %arg7[%get3A_1026] {strides = array<i32>} : memref<216xf32, #tpu.memory_space<vmem>>, vector<16xf32>,
      %slice3A_1028 = vector.extract_strided_slice %get3A_1027 {offsets = [0], sizes = [1], strides = [1]} : vector<16xf32> to vector<1xf32>
      %squeeze3A_1029 = vector.extract %slice3A_1028[0] : f32 from vector<1xf32>
      %broadcast_in_dim3A_1030 = vector.broadcast %squeeze3A_1029 : f32 to vector<16xf32>
      %parallel_loop3A_1031 = arith.constant 0 : i32
      %parallel_loop3A_1032 = arith.constant 4096 : i32
      %parallel_loop3A_1033 = arith.constant 16 : i32
      scf.for %parallel_loop3A_1221 = %parallel_loop3A_1031 to %parallel_loop3A_1032 step %parallel_loop3A_1033  : i32 {
        %parallel_loop3A_1222 = arith.index_cast %parallel_loop3A_1221 : i32 to index
        %parallel_loop3A_1223 = tpu.vector_load %arg10[%parallel_loop3A_1222] {strides = array<i32>} : memref<4096xi32, #tpu.memory_space<vmem>>, vector<16xi32>,
        %parallel_loop3A_1224 = tpu.vector_load_idx %arg6[%parallel_loop3A_1223] : memref<100000xf32, #tpu.memory_space<vmem>>[vector<16xi32>], vector<16xf32>,
        %parallel_loop3A_1225 = arith.addf %parallel_loop3A_1224, %broadcast_in_dim3A_1030 : vector<16xf32>
        %parallel_loop3A_1226 = arith.index_cast %parallel_loop3A_1221 : i32 to index
        %parallel_loop3A_1227 = tpu.vector_load %arg12[%parallel_loop3A_1226] {strides = array<i32>} : memref<4096xf32, #tpu.memory_space<vmem>>, vector<16xf32>,
        tpu.vector_store %arg12[%parallel_loop3A_1226], %parallel_loop3A_1225 {strides = array<i32>} : memref<4096xf32, #tpu.memory_space<vmem>>, vector<16xf32>,
      } {sc.loop_unroll_factor = 8 : i64, sc.parallel_access}
      %dma_start3A_1034 = arith.constant 0 : i32
      %dma_start3A_1035 = tpu.memref_slice %arg5[%add3A_1025, %add3A_389, %dma_start3A_1034] : memref<200x64x4096xf32, #tpu.memory_space<hbm>> -> memref<1x1x4096xf32, #tpu.memory_space<hbm>>
      %dma_start3A_1036 = tpu.memref_squeeze %dma_start3A_1035 : memref<1x1x4096xf32, #tpu.memory_space<hbm>> -> memref<4096xf32, #tpu.memory_space<hbm>>
      %dma_start3A_1037 = arith.constant 0 : i32
      %dma_start3A_1038 = tpu.memref_slice %arg5[%add3A_1025, %add3A_389, %dma_start3A_1037] : memref<200x64x4096xf32, #tpu.memory_space<hbm>> -> memref<1x1x4096xf32, #tpu.memory_space<hbm>>
      %dma_start3A_1039 = tpu.memref_squeeze %dma_start3A_1038 : memref<1x1x4096xf32, #tpu.memory_space<hbm>> -> memref<4096xf32, #tpu.memory_space<hbm>>
      tpu.enqueue_dma source(%arg12 : memref<4096xf32, #tpu.memory_space<vmem>>) target(%dma_start3A_1039 : memref<4096xf32, #tpu.memory_space<hbm>>) target_semaphore(%arg17 : memref<!tpu.dma_semaphore, #tpu.memory_space<semaphore_mem>>)
      %dma_start3A_1040 = arith.constant 7 : i32
      %dma_start3A_1041 = arith.constant 0 : i32
      %dma_start3A_1042 = tpu.memref_slice %arg8[%select_n3A_805, %dma_start3A_1040, %dma_start3A_1041] : memref<2x10x4096xi32, #tpu.memory_space<vmem_shared>> -> memref<1x1x4096xi32, #tpu.memory_space<vmem_shared>>
      %dma_start3A_1043 = tpu.memref_squeeze %dma_start3A_1042 : memref<1x1x4096xi32, #tpu.memory_space<vmem_shared>> -> memref<4096xi32, #tpu.memory_space<vmem_shared>>
      %dma_start3A_1044 = arith.constant 0 : i32
      %dma_start3A_1045 = tpu.memref_slice %arg8[%select_n3A_805, %dma_start3A_1040, %dma_start3A_1044] : memref<2x10x4096xi32, #tpu.memory_space<vmem_shared>> -> memref<1x1x4096xi32, #tpu.memory_space<vmem_shared>>
      %dma_start3A_1046 = tpu.memref_squeeze %dma_start3A_1045 : memref<1x1x4096xi32, #tpu.memory_space<vmem_shared>> -> memref<4096xi32, #tpu.memory_space<vmem_shared>>
      tpu.enqueue_dma source(%dma_start3A_1046 : memref<4096xi32, #tpu.memory_space<vmem_shared>>) target(%arg10 : memref<4096xi32, #tpu.memory_space<vmem>>) target_semaphore(%arg15 : memref<!tpu.dma_semaphore, #tpu.memory_space<semaphore_mem>>)
      %dma_wait3A_1047 = arith.constant 5 : i32
      %dma_wait3A_1048 = arith.constant 0 : i32
      %dma_wait3A_1049 = tpu.memref_slice %arg8[%select_n3A_805, %dma_wait3A_1047, %dma_wait3A_1048] : memref<2x10x4096xi32, #tpu.memory_space<vmem_shared>> -> memref<1x1x4096xi32, #tpu.memory_space<vmem_shared>>
      %dma_wait3A_1050 = tpu.memref_squeeze %dma_wait3A_1049 : memref<1x1x4096xi32, #tpu.memory_space<vmem_shared>> -> memref<4096xi32, #tpu.memory_space<vmem_shared>>
      %dma_wait3A_1051 = arith.constant 0 : i32
      %dma_wait3A_1052 = tpu.memref_slice %arg8[%select_n3A_805, %dma_wait3A_1047, %dma_wait3A_1051] : memref<2x10x4096xi32, #tpu.memory_space<vmem_shared>> -> memref<1x1x4096xi32, #tpu.memory_space<vmem_shared>>
      %dma_wait3A_1053 = tpu.memref_squeeze %dma_wait3A_1052 : memref<1x1x4096xi32, #tpu.memory_space<vmem_shared>> -> memref<4096xi32, #tpu.memory_space<vmem_shared>>
      tpu.wait_dma2 semaphore(%arg16 : memref<!tpu.dma_semaphore, #tpu.memory_space<semaphore_mem>>) src(%dma_wait3A_1053 : memref<4096xi32, #tpu.memory_space<vmem_shared>>) dst(%arg11 : memref<4096xi32, #tpu.memory_space<vmem>>)
      %dma_wait3A_1054 = arith.constant 0 : i32
      %dma_wait3A_1055 = tpu.memref_slice %arg5[%add3A_987, %add3A_389, %dma_wait3A_1054] : memref<200x64x4096xf32, #tpu.memory_space<hbm>> -> memref<1x1x4096xf32, #tpu.memory_space<hbm>>
      %dma_wait3A_1056 = tpu.memref_squeeze %dma_wait3A_1055 : memref<1x1x4096xf32, #tpu.memory_space<hbm>> -> memref<4096xf32, #tpu.memory_space<hbm>>
      %dma_wait3A_1057 = arith.constant 0 : i32
      %dma_wait3A_1058 = tpu.memref_slice %arg5[%add3A_987, %add3A_389, %dma_wait3A_1057] : memref<200x64x4096xf32, #tpu.memory_space<hbm>> -> memref<1x1x4096xf32, #tpu.memory_space<hbm>>
      %dma_wait3A_1059 = tpu.memref_squeeze %dma_wait3A_1058 : memref<1x1x4096xf32, #tpu.memory_space<hbm>> -> memref<4096xf32, #tpu.memory_space<hbm>>
      tpu.wait_dma2 semaphore(%arg18 : memref<!tpu.dma_semaphore, #tpu.memory_space<semaphore_mem>>) src(%arg13 : memref<4096xf32, #tpu.memory_space<vmem>>) dst(%dma_wait3A_1059 : memref<4096xf32, #tpu.memory_space<hbm>>)
      %mul3A_1060 = arith.constant 10 : i32
      %mul3A_1061 = arith.muli %scan3A_795, %mul3A_1060 : i32
      %add3A_1062 = arith.constant 5 : i32
      %add3A_1063 = arith.addi %mul3A_1061, %add3A_1062 : i32
      %get3A_1064 = arith.index_cast %add3A_1063 : i32 to index
      %get3A_1065 = tpu.vector_load %arg7[%get3A_1064] {strides = array<i32>} : memref<216xf32, #tpu.memory_space<vmem>>, vector<16xf32>,
      %slice3A_1066 = vector.extract_strided_slice %get3A_1065 {offsets = [0], sizes = [1], strides = [1]} : vector<16xf32> to vector<1xf32>
      %squeeze3A_1067 = vector.extract %slice3A_1066[0] : f32 from vector<1xf32>
      %broadcast_in_dim3A_1068 = vector.broadcast %squeeze3A_1067 : f32 to vector<16xf32>
      %parallel_loop3A_1069 = arith.constant 0 : i32
      %parallel_loop3A_1070 = arith.constant 4096 : i32
      %parallel_loop3A_1071 = arith.constant 16 : i32
      scf.for %parallel_loop3A_1221 = %parallel_loop3A_1069 to %parallel_loop3A_1070 step %parallel_loop3A_1071  : i32 {
        %parallel_loop3A_1222 = arith.index_cast %parallel_loop3A_1221 : i32 to index
        %parallel_loop3A_1223 = tpu.vector_load %arg11[%parallel_loop3A_1222] {strides = array<i32>} : memref<4096xi32, #tpu.memory_space<vmem>>, vector<16xi32>,
        %parallel_loop3A_1224 = tpu.vector_load_idx %arg6[%parallel_loop3A_1223] : memref<100000xf32, #tpu.memory_space<vmem>>[vector<16xi32>], vector<16xf32>,
        %parallel_loop3A_1225 = arith.addf %parallel_loop3A_1224, %broadcast_in_dim3A_1068 : vector<16xf32>
        %parallel_loop3A_1226 = arith.index_cast %parallel_loop3A_1221 : i32 to index
        %parallel_loop3A_1227 = tpu.vector_load %arg13[%parallel_loop3A_1226] {strides = array<i32>} : memref<4096xf32, #tpu.memory_space<vmem>>, vector<16xf32>,
        tpu.vector_store %arg13[%parallel_loop3A_1226], %parallel_loop3A_1225 {strides = array<i32>} : memref<4096xf32, #tpu.memory_space<vmem>>, vector<16xf32>,
      } {sc.loop_unroll_factor = 8 : i64, sc.parallel_access}
      %dma_start3A_1072 = arith.constant 0 : i32
      %dma_start3A_1073 = tpu.memref_slice %arg5[%add3A_1063, %add3A_389, %dma_start3A_1072] : memref<200x64x4096xf32, #tpu.memory_space<hbm>> -> memref<1x1x4096xf32, #tpu.memory_space<hbm>>
      %dma_start3A_1074 = tpu.memref_squeeze %dma_start3A_1073 : memref<1x1x4096xf32, #tpu.memory_space<hbm>> -> memref<4096xf32, #tpu.memory_space<hbm>>
      %dma_start3A_1075 = arith.constant 0 : i32
      %dma_start3A_1076 = tpu.memref_slice %arg5[%add3A_1063, %add3A_389, %dma_start3A_1075] : memref<200x64x4096xf32, #tpu.memory_space<hbm>> -> memref<1x1x4096xf32, #tpu.memory_space<hbm>>
      %dma_start3A_1077 = tpu.memref_squeeze %dma_start3A_1076 : memref<1x1x4096xf32, #tpu.memory_space<hbm>> -> memref<4096xf32, #tpu.memory_space<hbm>>
      tpu.enqueue_dma source(%arg13 : memref<4096xf32, #tpu.memory_space<vmem>>) target(%dma_start3A_1077 : memref<4096xf32, #tpu.memory_space<hbm>>) target_semaphore(%arg18 : memref<!tpu.dma_semaphore, #tpu.memory_space<semaphore_mem>>)
      %dma_start3A_1078 = arith.constant 8 : i32
      %dma_start3A_1079 = arith.constant 0 : i32
      %dma_start3A_1080 = tpu.memref_slice %arg8[%select_n3A_805, %dma_start3A_1078, %dma_start3A_1079] : memref<2x10x4096xi32, #tpu.memory_space<vmem_shared>> -> memref<1x1x4096xi32, #tpu.memory_space<vmem_shared>>
      %dma_start3A_1081 = tpu.memref_squeeze %dma_start3A_1080 : memref<1x1x4096xi32, #tpu.memory_space<vmem_shared>> -> memref<4096xi32, #tpu.memory_space<vmem_shared>>
      %dma_start3A_1082 = arith.constant 0 : i32
      %dma_start3A_1083 = tpu.memref_slice %arg8[%select_n3A_805, %dma_start3A_1078, %dma_start3A_1082] : memref<2x10x4096xi32, #tpu.memory_space<vmem_shared>> -> memref<1x1x4096xi32, #tpu.memory_space<vmem_shared>>
      %dma_start3A_1084 = tpu.memref_squeeze %dma_start3A_1083 : memref<1x1x4096xi32, #tpu.memory_space<vmem_shared>> -> memref<4096xi32, #tpu.memory_space<vmem_shared>>
      tpu.enqueue_dma source(%dma_start3A_1084 : memref<4096xi32, #tpu.memory_space<vmem_shared>>) target(%arg11 : memref<4096xi32, #tpu.memory_space<vmem>>) target_semaphore(%arg16 : memref<!tpu.dma_semaphore, #tpu.memory_space<semaphore_mem>>)
      %dma_wait3A_1085 = arith.constant 6 : i32
      %dma_wait3A_1086 = arith.constant 0 : i32
      %dma_wait3A_1087 = tpu.memref_slice %arg8[%select_n3A_805, %dma_wait3A_1085, %dma_wait3A_1086] : memref<2x10x4096xi32, #tpu.memory_space<vmem_shared>> -> memref<1x1x4096xi32, #tpu.memory_space<vmem_shared>>
      %dma_wait3A_1088 = tpu.memref_squeeze %dma_wait3A_1087 : memref<1x1x4096xi32, #tpu.memory_space<vmem_shared>> -> memref<4096xi32, #tpu.memory_space<vmem_shared>>
      %dma_wait3A_1089 = arith.constant 0 : i32
      %dma_wait3A_1090 = tpu.memref_slice %arg8[%select_n3A_805, %dma_wait3A_1085, %dma_wait3A_1089] : memref<2x10x4096xi32, #tpu.memory_space<vmem_shared>> -> memref<1x1x4096xi32, #tpu.memory_space<vmem_shared>>
      %dma_wait3A_1091 = tpu.memref_squeeze %dma_wait3A_1090 : memref<1x1x4096xi32, #tpu.memory_space<vmem_shared>> -> memref<4096xi32, #tpu.memory_space<vmem_shared>>
      tpu.wait_dma2 semaphore(%arg14 : memref<!tpu.dma_semaphore, #tpu.memory_space<semaphore_mem>>) src(%dma_wait3A_1091 : memref<4096xi32, #tpu.memory_space<vmem_shared>>) dst(%arg9 : memref<4096xi32, #tpu.memory_space<vmem>>)
      %dma_wait3A_1092 = arith.constant 0 : i32
      %dma_wait3A_1093 = tpu.memref_slice %arg5[%add3A_1025, %add3A_389, %dma_wait3A_1092] : memref<200x64x4096xf32, #tpu.memory_space<hbm>> -> memref<1x1x4096xf32, #tpu.memory_space<hbm>>
      %dma_wait3A_1094 = tpu.memref_squeeze %dma_wait3A_1093 : memref<1x1x4096xf32, #tpu.memory_space<hbm>> -> memref<4096xf32, #tpu.memory_space<hbm>>
      %dma_wait3A_1095 = arith.constant 0 : i32
      %dma_wait3A_1096 = tpu.memref_slice %arg5[%add3A_1025, %add3A_389, %dma_wait3A_1095] : memref<200x64x4096xf32, #tpu.memory_space<hbm>> -> memref<1x1x4096xf32, #tpu.memory_space<hbm>>
      %dma_wait3A_1097 = tpu.memref_squeeze %dma_wait3A_1096 : memref<1x1x4096xf32, #tpu.memory_space<hbm>> -> memref<4096xf32, #tpu.memory_space<hbm>>
      tpu.wait_dma2 semaphore(%arg17 : memref<!tpu.dma_semaphore, #tpu.memory_space<semaphore_mem>>) src(%arg12 : memref<4096xf32, #tpu.memory_space<vmem>>) dst(%dma_wait3A_1097 : memref<4096xf32, #tpu.memory_space<hbm>>)
      %mul3A_1098 = arith.constant 10 : i32
      %mul3A_1099 = arith.muli %scan3A_795, %mul3A_1098 : i32
      %add3A_1100 = arith.constant 6 : i32
      %add3A_1101 = arith.addi %mul3A_1099, %add3A_1100 : i32
      %get3A_1102 = arith.index_cast %add3A_1101 : i32 to index
      %get3A_1103 = tpu.vector_load %arg7[%get3A_1102] {strides = array<i32>} : memref<216xf32, #tpu.memory_space<vmem>>, vector<16xf32>,
      %slice3A_1104 = vector.extract_strided_slice %get3A_1103 {offsets = [0], sizes = [1], strides = [1]} : vector<16xf32> to vector<1xf32>
      %squeeze3A_1105 = vector.extract %slice3A_1104[0] : f32 from vector<1xf32>
      %broadcast_in_dim3A_1106 = vector.broadcast %squeeze3A_1105 : f32 to vector<16xf32>
      %parallel_loop3A_1107 = arith.constant 0 : i32
      %parallel_loop3A_1108 = arith.constant 4096 : i32
      %parallel_loop3A_1109 = arith.constant 16 : i32
      scf.for %parallel_loop3A_1221 = %parallel_loop3A_1107 to %parallel_loop3A_1108 step %parallel_loop3A_1109  : i32 {
        %parallel_loop3A_1222 = arith.index_cast %parallel_loop3A_1221 : i32 to index
        %parallel_loop3A_1223 = tpu.vector_load %arg9[%parallel_loop3A_1222] {strides = array<i32>} : memref<4096xi32, #tpu.memory_space<vmem>>, vector<16xi32>,
        %parallel_loop3A_1224 = tpu.vector_load_idx %arg6[%parallel_loop3A_1223] : memref<100000xf32, #tpu.memory_space<vmem>>[vector<16xi32>], vector<16xf32>,
        %parallel_loop3A_1225 = arith.addf %parallel_loop3A_1224, %broadcast_in_dim3A_1106 : vector<16xf32>
        %parallel_loop3A_1226 = arith.index_cast %parallel_loop3A_1221 : i32 to index
        %parallel_loop3A_1227 = tpu.vector_load %arg12[%parallel_loop3A_1226] {strides = array<i32>} : memref<4096xf32, #tpu.memory_space<vmem>>, vector<16xf32>,
        tpu.vector_store %arg12[%parallel_loop3A_1226], %parallel_loop3A_1225 {strides = array<i32>} : memref<4096xf32, #tpu.memory_space<vmem>>, vector<16xf32>,
      } {sc.loop_unroll_factor = 8 : i64, sc.parallel_access}
      %dma_start3A_1110 = arith.constant 0 : i32
      %dma_start3A_1111 = tpu.memref_slice %arg5[%add3A_1101, %add3A_389, %dma_start3A_1110] : memref<200x64x4096xf32, #tpu.memory_space<hbm>> -> memref<1x1x4096xf32, #tpu.memory_space<hbm>>
      %dma_start3A_1112 = tpu.memref_squeeze %dma_start3A_1111 : memref<1x1x4096xf32, #tpu.memory_space<hbm>> -> memref<4096xf32, #tpu.memory_space<hbm>>
      %dma_start3A_1113 = arith.constant 0 : i32
      %dma_start3A_1114 = tpu.memref_slice %arg5[%add3A_1101, %add3A_389, %dma_start3A_1113] : memref<200x64x4096xf32, #tpu.memory_space<hbm>> -> memref<1x1x4096xf32, #tpu.memory_space<hbm>>
      %dma_start3A_1115 = tpu.memref_squeeze %dma_start3A_1114 : memref<1x1x4096xf32, #tpu.memory_space<hbm>> -> memref<4096xf32, #tpu.memory_space<hbm>>
      tpu.enqueue_dma source(%arg12 : memref<4096xf32, #tpu.memory_space<vmem>>) target(%dma_start3A_1115 : memref<4096xf32, #tpu.memory_space<hbm>>) target_semaphore(%arg17 : memref<!tpu.dma_semaphore, #tpu.memory_space<semaphore_mem>>)
      %dma_start3A_1116 = arith.constant 9 : i32
      %dma_start3A_1117 = arith.constant 0 : i32
      %dma_start3A_1118 = tpu.memref_slice %arg8[%select_n3A_805, %dma_start3A_1116, %dma_start3A_1117] : memref<2x10x4096xi32, #tpu.memory_space<vmem_shared>> -> memref<1x1x4096xi32, #tpu.memory_space<vmem_shared>>
      %dma_start3A_1119 = tpu.memref_squeeze %dma_start3A_1118 : memref<1x1x4096xi32, #tpu.memory_space<vmem_shared>> -> memref<4096xi32, #tpu.memory_space<vmem_shared>>
      %dma_start3A_1120 = arith.constant 0 : i32
      %dma_start3A_1121 = tpu.memref_slice %arg8[%select_n3A_805, %dma_start3A_1116, %dma_start3A_1120] : memref<2x10x4096xi32, #tpu.memory_space<vmem_shared>> -> memref<1x1x4096xi32, #tpu.memory_space<vmem_shared>>
      %dma_start3A_1122 = tpu.memref_squeeze %dma_start3A_1121 : memref<1x1x4096xi32, #tpu.memory_space<vmem_shared>> -> memref<4096xi32, #tpu.memory_space<vmem_shared>>
      tpu.enqueue_dma source(%dma_start3A_1122 : memref<4096xi32, #tpu.memory_space<vmem_shared>>) target(%arg9 : memref<4096xi32, #tpu.memory_space<vmem>>) target_semaphore(%arg14 : memref<!tpu.dma_semaphore, #tpu.memory_space<semaphore_mem>>)
      %dma_wait3A_1123 = arith.constant 7 : i32
      %dma_wait3A_1124 = arith.constant 0 : i32
      %dma_wait3A_1125 = tpu.memref_slice %arg8[%select_n3A_805, %dma_wait3A_1123, %dma_wait3A_1124] : memref<2x10x4096xi32, #tpu.memory_space<vmem_shared>> -> memref<1x1x4096xi32, #tpu.memory_space<vmem_shared>>
      %dma_wait3A_1126 = tpu.memref_squeeze %dma_wait3A_1125 : memref<1x1x4096xi32, #tpu.memory_space<vmem_shared>> -> memref<4096xi32, #tpu.memory_space<vmem_shared>>
      %dma_wait3A_1127 = arith.constant 0 : i32
      %dma_wait3A_1128 = tpu.memref_slice %arg8[%select_n3A_805, %dma_wait3A_1123, %dma_wait3A_1127] : memref<2x10x4096xi32, #tpu.memory_space<vmem_shared>> -> memref<1x1x4096xi32, #tpu.memory_space<vmem_shared>>
      %dma_wait3A_1129 = tpu.memref_squeeze %dma_wait3A_1128 : memref<1x1x4096xi32, #tpu.memory_space<vmem_shared>> -> memref<4096xi32, #tpu.memory_space<vmem_shared>>
      tpu.wait_dma2 semaphore(%arg15 : memref<!tpu.dma_semaphore, #tpu.memory_space<semaphore_mem>>) src(%dma_wait3A_1129 : memref<4096xi32, #tpu.memory_space<vmem_shared>>) dst(%arg10 : memref<4096xi32, #tpu.memory_space<vmem>>)
      %dma_wait3A_1130 = arith.constant 0 : i32
      %dma_wait3A_1131 = tpu.memref_slice %arg5[%add3A_1063, %add3A_389, %dma_wait3A_1130] : memref<200x64x4096xf32, #tpu.memory_space<hbm>> -> memref<1x1x4096xf32, #tpu.memory_space<hbm>>
      %dma_wait3A_1132 = tpu.memref_squeeze %dma_wait3A_1131 : memref<1x1x4096xf32, #tpu.memory_space<hbm>> -> memref<4096xf32, #tpu.memory_space<hbm>>
      %dma_wait3A_1133 = arith.constant 0 : i32
      %dma_wait3A_1134 = tpu.memref_slice %arg5[%add3A_1063, %add3A_389, %dma_wait3A_1133] : memref<200x64x4096xf32, #tpu.memory_space<hbm>> -> memref<1x1x4096xf32, #tpu.memory_space<hbm>>
      %dma_wait3A_1135 = tpu.memref_squeeze %dma_wait3A_1134 : memref<1x1x4096xf32, #tpu.memory_space<hbm>> -> memref<4096xf32, #tpu.memory_space<hbm>>
      tpu.wait_dma2 semaphore(%arg18 : memref<!tpu.dma_semaphore, #tpu.memory_space<semaphore_mem>>) src(%arg13 : memref<4096xf32, #tpu.memory_space<vmem>>) dst(%dma_wait3A_1135 : memref<4096xf32, #tpu.memory_space<hbm>>)
      %mul3A_1136 = arith.constant 10 : i32
      %mul3A_1137 = arith.muli %scan3A_795, %mul3A_1136 : i32
      %add3A_1138 = arith.constant 7 : i32
      %add3A_1139 = arith.addi %mul3A_1137, %add3A_1138 : i32
      %get3A_1140 = arith.index_cast %add3A_1139 : i32 to index
      %get3A_1141 = tpu.vector_load %arg7[%get3A_1140] {strides = array<i32>} : memref<216xf32, #tpu.memory_space<vmem>>, vector<16xf32>,
      %slice3A_1142 = vector.extract_strided_slice %get3A_1141 {offsets = [0], sizes = [1], strides = [1]} : vector<16xf32> to vector<1xf32>
      %squeeze3A_1143 = vector.extract %slice3A_1142[0] : f32 from vector<1xf32>
      %broadcast_in_dim3A_1144 = vector.broadcast %squeeze3A_1143 : f32 to vector<16xf32>
      %parallel_loop3A_1145 = arith.constant 0 : i32
      %parallel_loop3A_1146 = arith.constant 4096 : i32
      %parallel_loop3A_1147 = arith.constant 16 : i32
      scf.for %parallel_loop3A_1221 = %parallel_loop3A_1145 to %parallel_loop3A_1146 step %parallel_loop3A_1147  : i32 {
        %parallel_loop3A_1222 = arith.index_cast %parallel_loop3A_1221 : i32 to index
        %parallel_loop3A_1223 = tpu.vector_load %arg10[%parallel_loop3A_1222] {strides = array<i32>} : memref<4096xi32, #tpu.memory_space<vmem>>, vector<16xi32>,
        %parallel_loop3A_1224 = tpu.vector_load_idx %arg6[%parallel_loop3A_1223] : memref<100000xf32, #tpu.memory_space<vmem>>[vector<16xi32>], vector<16xf32>,
        %parallel_loop3A_1225 = arith.addf %parallel_loop3A_1224, %broadcast_in_dim3A_1144 : vector<16xf32>
        %parallel_loop3A_1226 = arith.index_cast %parallel_loop3A_1221 : i32 to index
        %parallel_loop3A_1227 = tpu.vector_load %arg13[%parallel_loop3A_1226] {strides = array<i32>} : memref<4096xf32, #tpu.memory_space<vmem>>, vector<16xf32>,
        tpu.vector_store %arg13[%parallel_loop3A_1226], %parallel_loop3A_1225 {strides = array<i32>} : memref<4096xf32, #tpu.memory_space<vmem>>, vector<16xf32>,
      } {sc.loop_unroll_factor = 8 : i64, sc.parallel_access}
      %dma_start3A_1148 = arith.constant 0 : i32
      %dma_start3A_1149 = tpu.memref_slice %arg5[%add3A_1139, %add3A_389, %dma_start3A_1148] : memref<200x64x4096xf32, #tpu.memory_space<hbm>> -> memref<1x1x4096xf32, #tpu.memory_space<hbm>>
      %dma_start3A_1150 = tpu.memref_squeeze %dma_start3A_1149 : memref<1x1x4096xf32, #tpu.memory_space<hbm>> -> memref<4096xf32, #tpu.memory_space<hbm>>
      %dma_start3A_1151 = arith.constant 0 : i32
      %dma_start3A_1152 = tpu.memref_slice %arg5[%add3A_1139, %add3A_389, %dma_start3A_1151] : memref<200x64x4096xf32, #tpu.memory_space<hbm>> -> memref<1x1x4096xf32, #tpu.memory_space<hbm>>
      %dma_start3A_1153 = tpu.memref_squeeze %dma_start3A_1152 : memref<1x1x4096xf32, #tpu.memory_space<hbm>> -> memref<4096xf32, #tpu.memory_space<hbm>>
      tpu.enqueue_dma source(%arg13 : memref<4096xf32, #tpu.memory_space<vmem>>) target(%dma_start3A_1153 : memref<4096xf32, #tpu.memory_space<hbm>>) target_semaphore(%arg18 : memref<!tpu.dma_semaphore, #tpu.memory_space<semaphore_mem>>)
      %dma_wait3A_1154 = arith.constant 8 : i32
      %dma_wait3A_1155 = arith.constant 0 : i32
      %dma_wait3A_1156 = tpu.memref_slice %arg8[%select_n3A_805, %dma_wait3A_1154, %dma_wait3A_1155] : memref<2x10x4096xi32, #tpu.memory_space<vmem_shared>> -> memref<1x1x4096xi32, #tpu.memory_space<vmem_shared>>
      %dma_wait3A_1157 = tpu.memref_squeeze %dma_wait3A_1156 : memref<1x1x4096xi32, #tpu.memory_space<vmem_shared>> -> memref<4096xi32, #tpu.memory_space<vmem_shared>>
      %dma_wait3A_1158 = arith.constant 0 : i32
      %dma_wait3A_1159 = tpu.memref_slice %arg8[%select_n3A_805, %dma_wait3A_1154, %dma_wait3A_1158] : memref<2x10x4096xi32, #tpu.memory_space<vmem_shared>> -> memref<1x1x4096xi32, #tpu.memory_space<vmem_shared>>
      %dma_wait3A_1160 = tpu.memref_squeeze %dma_wait3A_1159 : memref<1x1x4096xi32, #tpu.memory_space<vmem_shared>> -> memref<4096xi32, #tpu.memory_space<vmem_shared>>
      tpu.wait_dma2 semaphore(%arg16 : memref<!tpu.dma_semaphore, #tpu.memory_space<semaphore_mem>>) src(%dma_wait3A_1160 : memref<4096xi32, #tpu.memory_space<vmem_shared>>) dst(%arg11 : memref<4096xi32, #tpu.memory_space<vmem>>)
      %dma_wait3A_1161 = arith.constant 0 : i32
      %dma_wait3A_1162 = tpu.memref_slice %arg5[%add3A_1101, %add3A_389, %dma_wait3A_1161] : memref<200x64x4096xf32, #tpu.memory_space<hbm>> -> memref<1x1x4096xf32, #tpu.memory_space<hbm>>
      %dma_wait3A_1163 = tpu.memref_squeeze %dma_wait3A_1162 : memref<1x1x4096xf32, #tpu.memory_space<hbm>> -> memref<4096xf32, #tpu.memory_space<hbm>>
      %dma_wait3A_1164 = arith.constant 0 : i32
      %dma_wait3A_1165 = tpu.memref_slice %arg5[%add3A_1101, %add3A_389, %dma_wait3A_1164] : memref<200x64x4096xf32, #tpu.memory_space<hbm>> -> memref<1x1x4096xf32, #tpu.memory_space<hbm>>
      %dma_wait3A_1166 = tpu.memref_squeeze %dma_wait3A_1165 : memref<1x1x4096xf32, #tpu.memory_space<hbm>> -> memref<4096xf32, #tpu.memory_space<hbm>>
      tpu.wait_dma2 semaphore(%arg17 : memref<!tpu.dma_semaphore, #tpu.memory_space<semaphore_mem>>) src(%arg12 : memref<4096xf32, #tpu.memory_space<vmem>>) dst(%dma_wait3A_1166 : memref<4096xf32, #tpu.memory_space<hbm>>)
      %mul3A_1167 = arith.constant 10 : i32
      %mul3A_1168 = arith.muli %scan3A_795, %mul3A_1167 : i32
      %add3A_1169 = arith.constant 8 : i32
      %add3A_1170 = arith.addi %mul3A_1168, %add3A_1169 : i32
      %get3A_1171 = arith.index_cast %add3A_1170 : i32 to index
      %get3A_1172 = tpu.vector_load %arg7[%get3A_1171] {strides = array<i32>} : memref<216xf32, #tpu.memory_space<vmem>>, vector<16xf32>,
      %slice3A_1173 = vector.extract_strided_slice %get3A_1172 {offsets = [0], sizes = [1], strides = [1]} : vector<16xf32> to vector<1xf32>
      %squeeze3A_1174 = vector.extract %slice3A_1173[0] : f32 from vector<1xf32>
      %broadcast_in_dim3A_1175 = vector.broadcast %squeeze3A_1174 : f32 to vector<16xf32>
      %parallel_loop3A_1176 = arith.constant 0 : i32
      %parallel_loop3A_1177 = arith.constant 4096 : i32
      %parallel_loop3A_1178 = arith.constant 16 : i32
      scf.for %parallel_loop3A_1221 = %parallel_loop3A_1176 to %parallel_loop3A_1177 step %parallel_loop3A_1178  : i32 {
        %parallel_loop3A_1222 = arith.index_cast %parallel_loop3A_1221 : i32 to index
        %parallel_loop3A_1223 = tpu.vector_load %arg11[%parallel_loop3A_1222] {strides = array<i32>} : memref<4096xi32, #tpu.memory_space<vmem>>, vector<16xi32>,
        %parallel_loop3A_1224 = tpu.vector_load_idx %arg6[%parallel_loop3A_1223] : memref<100000xf32, #tpu.memory_space<vmem>>[vector<16xi32>], vector<16xf32>,
        %parallel_loop3A_1225 = arith.addf %parallel_loop3A_1224, %broadcast_in_dim3A_1175 : vector<16xf32>
        %parallel_loop3A_1226 = arith.index_cast %parallel_loop3A_1221 : i32 to index
        %parallel_loop3A_1227 = tpu.vector_load %arg12[%parallel_loop3A_1226] {strides = array<i32>} : memref<4096xf32, #tpu.memory_space<vmem>>, vector<16xf32>,
        tpu.vector_store %arg12[%parallel_loop3A_1226], %parallel_loop3A_1225 {strides = array<i32>} : memref<4096xf32, #tpu.memory_space<vmem>>, vector<16xf32>,
      } {sc.loop_unroll_factor = 8 : i64, sc.parallel_access}
      %dma_start3A_1179 = arith.constant 0 : i32
      %dma_start3A_1180 = tpu.memref_slice %arg5[%add3A_1170, %add3A_389, %dma_start3A_1179] : memref<200x64x4096xf32, #tpu.memory_space<hbm>> -> memref<1x1x4096xf32, #tpu.memory_space<hbm>>
      %dma_start3A_1181 = tpu.memref_squeeze %dma_start3A_1180 : memref<1x1x4096xf32, #tpu.memory_space<hbm>> -> memref<4096xf32, #tpu.memory_space<hbm>>
      %dma_start3A_1182 = arith.constant 0 : i32
      %dma_start3A_1183 = tpu.memref_slice %arg5[%add3A_1170, %add3A_389, %dma_start3A_1182] : memref<200x64x4096xf32, #tpu.memory_space<hbm>> -> memref<1x1x4096xf32, #tpu.memory_space<hbm>>
      %dma_start3A_1184 = tpu.memref_squeeze %dma_start3A_1183 : memref<1x1x4096xf32, #tpu.memory_space<hbm>> -> memref<4096xf32, #tpu.memory_space<hbm>>
      tpu.enqueue_dma source(%arg12 : memref<4096xf32, #tpu.memory_space<vmem>>) target(%dma_start3A_1184 : memref<4096xf32, #tpu.memory_space<hbm>>) target_semaphore(%arg17 : memref<!tpu.dma_semaphore, #tpu.memory_space<semaphore_mem>>)
      %dma_wait3A_1185 = arith.constant 9 : i32
      %dma_wait3A_1186 = arith.constant 0 : i32
      %dma_wait3A_1187 = tpu.memref_slice %arg8[%select_n3A_805, %dma_wait3A_1185, %dma_wait3A_1186] : memref<2x10x4096xi32, #tpu.memory_space<vmem_shared>> -> memref<1x1x4096xi32, #tpu.memory_space<vmem_shared>>
      %dma_wait3A_1188 = tpu.memref_squeeze %dma_wait3A_1187 : memref<1x1x4096xi32, #tpu.memory_space<vmem_shared>> -> memref<4096xi32, #tpu.memory_space<vmem_shared>>
      %dma_wait3A_1189 = arith.constant 0 : i32
      %dma_wait3A_1190 = tpu.memref_slice %arg8[%select_n3A_805, %dma_wait3A_1185, %dma_wait3A_1189] : memref<2x10x4096xi32, #tpu.memory_space<vmem_shared>> -> memref<1x1x4096xi32, #tpu.memory_space<vmem_shared>>
      %dma_wait3A_1191 = tpu.memref_squeeze %dma_wait3A_1190 : memref<1x1x4096xi32, #tpu.memory_space<vmem_shared>> -> memref<4096xi32, #tpu.memory_space<vmem_shared>>
      tpu.wait_dma2 semaphore(%arg14 : memref<!tpu.dma_semaphore, #tpu.memory_space<semaphore_mem>>) src(%dma_wait3A_1191 : memref<4096xi32, #tpu.memory_space<vmem_shared>>) dst(%arg9 : memref<4096xi32, #tpu.memory_space<vmem>>)
      %dma_wait3A_1192 = arith.constant 0 : i32
      %dma_wait3A_1193 = tpu.memref_slice %arg5[%add3A_1139, %add3A_389, %dma_wait3A_1192] : memref<200x64x4096xf32, #tpu.memory_space<hbm>> -> memref<1x1x4096xf32, #tpu.memory_space<hbm>>
      %dma_wait3A_1194 = tpu.memref_squeeze %dma_wait3A_1193 : memref<1x1x4096xf32, #tpu.memory_space<hbm>> -> memref<4096xf32, #tpu.memory_space<hbm>>
      %dma_wait3A_1195 = arith.constant 0 : i32
      %dma_wait3A_1196 = tpu.memref_slice %arg5[%add3A_1139, %add3A_389, %dma_wait3A_1195] : memref<200x64x4096xf32, #tpu.memory_space<hbm>> -> memref<1x1x4096xf32, #tpu.memory_space<hbm>>
      %dma_wait3A_1197 = tpu.memref_squeeze %dma_wait3A_1196 : memref<1x1x4096xf32, #tpu.memory_space<hbm>> -> memref<4096xf32, #tpu.memory_space<hbm>>
      tpu.wait_dma2 semaphore(%arg18 : memref<!tpu.dma_semaphore, #tpu.memory_space<semaphore_mem>>) src(%arg13 : memref<4096xf32, #tpu.memory_space<vmem>>) dst(%dma_wait3A_1197 : memref<4096xf32, #tpu.memory_space<hbm>>)
      %mul3A_1198 = arith.constant 10 : i32
      %mul3A_1199 = arith.muli %scan3A_795, %mul3A_1198 : i32
      %add3A_1200 = arith.constant 9 : i32
      %add3A_1201 = arith.addi %mul3A_1199, %add3A_1200 : i32
      %get3A_1202 = arith.index_cast %add3A_1201 : i32 to index
      %get3A_1203 = tpu.vector_load %arg7[%get3A_1202] {strides = array<i32>} : memref<216xf32, #tpu.memory_space<vmem>>, vector<16xf32>,
      %slice3A_1204 = vector.extract_strided_slice %get3A_1203 {offsets = [0], sizes = [1], strides = [1]} : vector<16xf32> to vector<1xf32>
      %squeeze3A_1205 = vector.extract %slice3A_1204[0] : f32 from vector<1xf32>
      %broadcast_in_dim3A_1206 = vector.broadcast %squeeze3A_1205 : f32 to vector<16xf32>
      %parallel_loop3A_1207 = arith.constant 0 : i32
      %parallel_loop3A_1208 = arith.constant 4096 : i32
      %parallel_loop3A_1209 = arith.constant 16 : i32
      scf.for %parallel_loop3A_1221 = %parallel_loop3A_1207 to %parallel_loop3A_1208 step %parallel_loop3A_1209  : i32 {
        %parallel_loop3A_1222 = arith.index_cast %parallel_loop3A_1221 : i32 to index
        %parallel_loop3A_1223 = tpu.vector_load %arg9[%parallel_loop3A_1222] {strides = array<i32>} : memref<4096xi32, #tpu.memory_space<vmem>>, vector<16xi32>,
        %parallel_loop3A_1224 = tpu.vector_load_idx %arg6[%parallel_loop3A_1223] : memref<100000xf32, #tpu.memory_space<vmem>>[vector<16xi32>], vector<16xf32>,
        %parallel_loop3A_1225 = arith.addf %parallel_loop3A_1224, %broadcast_in_dim3A_1206 : vector<16xf32>
        %parallel_loop3A_1226 = arith.index_cast %parallel_loop3A_1221 : i32 to index
        %parallel_loop3A_1227 = tpu.vector_load %arg13[%parallel_loop3A_1226] {strides = array<i32>} : memref<4096xf32, #tpu.memory_space<vmem>>, vector<16xf32>,
        tpu.vector_store %arg13[%parallel_loop3A_1226], %parallel_loop3A_1225 {strides = array<i32>} : memref<4096xf32, #tpu.memory_space<vmem>>, vector<16xf32>,
      } {sc.loop_unroll_factor = 8 : i64, sc.parallel_access}
      %dma_start3A_1210 = arith.constant 0 : i32
      %dma_start3A_1211 = tpu.memref_slice %arg5[%add3A_1201, %add3A_389, %dma_start3A_1210] : memref<200x64x4096xf32, #tpu.memory_space<hbm>> -> memref<1x1x4096xf32, #tpu.memory_space<hbm>>
      %dma_start3A_1212 = tpu.memref_squeeze %dma_start3A_1211 : memref<1x1x4096xf32, #tpu.memory_space<hbm>> -> memref<4096xf32, #tpu.memory_space<hbm>>
      %dma_start3A_1213 = arith.constant 0 : i32
      %dma_start3A_1214 = tpu.memref_slice %arg5[%add3A_1201, %add3A_389, %dma_start3A_1213] : memref<200x64x4096xf32, #tpu.memory_space<hbm>> -> memref<1x1x4096xf32, #tpu.memory_space<hbm>>
      %dma_start3A_1215 = tpu.memref_squeeze %dma_start3A_1214 : memref<1x1x4096xf32, #tpu.memory_space<hbm>> -> memref<4096xf32, #tpu.memory_space<hbm>>
      tpu.enqueue_dma source(%arg13 : memref<4096xf32, #tpu.memory_space<vmem>>) target(%dma_start3A_1215 : memref<4096xf32, #tpu.memory_space<hbm>>) target_semaphore(%arg18 : memref<!tpu.dma_semaphore, #tpu.memory_space<semaphore_mem>>)
      %lt3A_1216 = arith.constant 10 : i32
      %lt3A_1217 = arith.cmpi slt, %arg1, %lt3A_1216 : i32
      %convert_element_type3A_1218 = arith.extui %lt3A_1217 : i1 to i32
      %cond3A_1219 = arith.constant 0 : i32
      %cond3A_1220 = arith.cmpi ne, %convert_element_type3A_1218, %cond3A_1219 : i32
      scf.if %cond3A_1220 {
        %dma_wait3A_1221 = arith.constant 0 : i32
        %dma_wait3A_1222 = arith.constant 0 : i32
        %dma_wait3A_1223 = arith.constant 0 : i32
        %dma_wait3A_1224 = arith.constant 0 : i32
        %dma_wait3A_1225 = tpu.memref_slice %arg8[%dma_wait3A_1222, %dma_wait3A_1223, %dma_wait3A_1224] : memref<2x10x4096xi32, #tpu.memory_space<vmem_shared>> -> memref<1x1x4096xi32, #tpu.memory_space<vmem_shared>>
        %dma_wait3A_1226 = tpu.memref_squeeze %dma_wait3A_1225 : memref<1x1x4096xi32, #tpu.memory_space<vmem_shared>> -> memref<4096xi32, #tpu.memory_space<vmem_shared>>
        %dma_wait3A_1227 = arith.constant 0 : i32
        %dma_wait3A_1228 = tpu.memref_slice %arg2[%dma_wait3A_1221, %dma_wait3A_1227] : memref<200x4096xi32, #tpu.memory_space<hbm>> -> memref<1x4096xi32, #tpu.memory_space<hbm>>
        %dma_wait3A_1229 = tpu.memref_squeeze %dma_wait3A_1228 : memref<1x4096xi32, #tpu.memory_space<hbm>> -> memref<4096xi32, #tpu.memory_space<hbm>>
        tpu.wait_dma2 semaphore(%arg19 : memref<!tpu.dma_semaphore, #tpu.memory_space<semaphore_mem>>) src(%dma_wait3A_1229 : memref<4096xi32, #tpu.memory_space<hbm>>) dst(%dma_wait3A_1226 : memref<4096xi32, #tpu.memory_space<vmem_shared>>)
      } else {
      }
    }
    %scan3A_395 = arith.constant 19 : i32
    %barrier3A_396 = arith.constant 0 : index
    tpu.barrier barrier_id(%barrier3A_396)
    %dma_start3A_397 = arith.constant 1 : i32
    %dma_start3A_398 = arith.constant 0 : i32
    %dma_start3A_399 = arith.constant 0 : i32
    %dma_start3A_400 = tpu.memref_slice %arg8[%dma_start3A_397, %dma_start3A_398, %dma_start3A_399] : memref<2x10x4096xi32, #tpu.memory_space<vmem_shared>> -> memref<1x1x4096xi32, #tpu.memory_space<vmem_shared>>
    %dma_start3A_401 = tpu.memref_squeeze %dma_start3A_400 : memref<1x1x4096xi32, #tpu.memory_space<vmem_shared>> -> memref<4096xi32, #tpu.memory_space<vmem_shared>>
    %dma_start3A_402 = arith.constant 0 : i32
    %dma_start3A_403 = tpu.memref_slice %arg8[%dma_start3A_397, %dma_start3A_398, %dma_start3A_402] : memref<2x10x4096xi32, #tpu.memory_space<vmem_shared>> -> memref<1x1x4096xi32, #tpu.memory_space<vmem_shared>>
    %dma_start3A_404 = tpu.memref_squeeze %dma_start3A_403 : memref<1x1x4096xi32, #tpu.memory_space<vmem_shared>> -> memref<4096xi32, #tpu.memory_space<vmem_shared>>
    tpu.enqueue_dma source(%dma_start3A_404 : memref<4096xi32, #tpu.memory_space<vmem_shared>>) target(%arg9 : memref<4096xi32, #tpu.memory_space<vmem>>) target_semaphore(%arg14 : memref<!tpu.dma_semaphore, #tpu.memory_space<semaphore_mem>>)
    %dma_start3A_405 = arith.constant 1 : i32
    %dma_start3A_406 = arith.constant 1 : i32
    %dma_start3A_407 = arith.constant 0 : i32
    %dma_start3A_408 = tpu.memref_slice %arg8[%dma_start3A_405, %dma_start3A_406, %dma_start3A_407] : memref<2x10x4096xi32, #tpu.memory_space<vmem_shared>> -> memref<1x1x4096xi32, #tpu.memory_space<vmem_shared>>
    %dma_start3A_409 = tpu.memref_squeeze %dma_start3A_408 : memref<1x1x4096xi32, #tpu.memory_space<vmem_shared>> -> memref<4096xi32, #tpu.memory_space<vmem_shared>>
    %dma_start3A_410 = arith.constant 0 : i32
    %dma_start3A_411 = tpu.memref_slice %arg8[%dma_start3A_405, %dma_start3A_406, %dma_start3A_410] : memref<2x10x4096xi32, #tpu.memory_space<vmem_shared>> -> memref<1x1x4096xi32, #tpu.memory_space<vmem_shared>>
    %dma_start3A_412 = tpu.memref_squeeze %dma_start3A_411 : memref<1x1x4096xi32, #tpu.memory_space<vmem_shared>> -> memref<4096xi32, #tpu.memory_space<vmem_shared>>
    tpu.enqueue_dma source(%dma_start3A_412 : memref<4096xi32, #tpu.memory_space<vmem_shared>>) target(%arg10 : memref<4096xi32, #tpu.memory_space<vmem>>) target_semaphore(%arg15 : memref<!tpu.dma_semaphore, #tpu.memory_space<semaphore_mem>>)
    %dma_start3A_413 = arith.constant 1 : i32
    %dma_start3A_414 = arith.constant 2 : i32
    %dma_start3A_415 = arith.constant 0 : i32
    %dma_start3A_416 = tpu.memref_slice %arg8[%dma_start3A_413, %dma_start3A_414, %dma_start3A_415] : memref<2x10x4096xi32, #tpu.memory_space<vmem_shared>> -> memref<1x1x4096xi32, #tpu.memory_space<vmem_shared>>
    %dma_start3A_417 = tpu.memref_squeeze %dma_start3A_416 : memref<1x1x4096xi32, #tpu.memory_space<vmem_shared>> -> memref<4096xi32, #tpu.memory_space<vmem_shared>>
    %dma_start3A_418 = arith.constant 0 : i32
    %dma_start3A_419 = tpu.memref_slice %arg8[%dma_start3A_413, %dma_start3A_414, %dma_start3A_418] : memref<2x10x4096xi32, #tpu.memory_space<vmem_shared>> -> memref<1x1x4096xi32, #tpu.memory_space<vmem_shared>>
    %dma_start3A_420 = tpu.memref_squeeze %dma_start3A_419 : memref<1x1x4096xi32, #tpu.memory_space<vmem_shared>> -> memref<4096xi32, #tpu.memory_space<vmem_shared>>
    tpu.enqueue_dma source(%dma_start3A_420 : memref<4096xi32, #tpu.memory_space<vmem_shared>>) target(%arg11 : memref<4096xi32, #tpu.memory_space<vmem>>) target_semaphore(%arg16 : memref<!tpu.dma_semaphore, #tpu.memory_space<semaphore_mem>>)
    %dma_wait3A_421 = arith.constant 1 : i32
    %dma_wait3A_422 = arith.constant 0 : i32
    %dma_wait3A_423 = arith.constant 0 : i32
    %dma_wait3A_424 = tpu.memref_slice %arg8[%dma_wait3A_421, %dma_wait3A_422, %dma_wait3A_423] : memref<2x10x4096xi32, #tpu.memory_space<vmem_shared>> -> memref<1x1x4096xi32, #tpu.memory_space<vmem_shared>>
    %dma_wait3A_425 = tpu.memref_squeeze %dma_wait3A_424 : memref<1x1x4096xi32, #tpu.memory_space<vmem_shared>> -> memref<4096xi32, #tpu.memory_space<vmem_shared>>
    %dma_wait3A_426 = arith.constant 0 : i32
    %dma_wait3A_427 = tpu.memref_slice %arg8[%dma_wait3A_421, %dma_wait3A_422, %dma_wait3A_426] : memref<2x10x4096xi32, #tpu.memory_space<vmem_shared>> -> memref<1x1x4096xi32, #tpu.memory_space<vmem_shared>>
    %dma_wait3A_428 = tpu.memref_squeeze %dma_wait3A_427 : memref<1x1x4096xi32, #tpu.memory_space<vmem_shared>> -> memref<4096xi32, #tpu.memory_space<vmem_shared>>
    tpu.wait_dma2 semaphore(%arg14 : memref<!tpu.dma_semaphore, #tpu.memory_space<semaphore_mem>>) src(%dma_wait3A_428 : memref<4096xi32, #tpu.memory_space<vmem_shared>>) dst(%arg9 : memref<4096xi32, #tpu.memory_space<vmem>>)
    %dma_wait3A_429 = arith.constant 0 : i32
    %dma_wait3A_430 = arith.constant 0 : i32
    %dma_wait3A_431 = arith.constant 0 : i32
    %dma_wait3A_432 = tpu.memref_slice %arg5[%dma_wait3A_429, %dma_wait3A_430, %dma_wait3A_431] : memref<200x64x4096xf32, #tpu.memory_space<hbm>> -> memref<1x1x4096xf32, #tpu.memory_space<hbm>>
    %dma_wait3A_433 = tpu.memref_squeeze %dma_wait3A_432 : memref<1x1x4096xf32, #tpu.memory_space<hbm>> -> memref<4096xf32, #tpu.memory_space<hbm>>
    %dma_wait3A_434 = arith.constant 0 : i32
    %dma_wait3A_435 = tpu.memref_slice %arg5[%dma_wait3A_429, %dma_wait3A_430, %dma_wait3A_434] : memref<200x64x4096xf32, #tpu.memory_space<hbm>> -> memref<1x1x4096xf32, #tpu.memory_space<hbm>>
    %dma_wait3A_436 = tpu.memref_squeeze %dma_wait3A_435 : memref<1x1x4096xf32, #tpu.memory_space<hbm>> -> memref<4096xf32, #tpu.memory_space<hbm>>
    tpu.wait_dma2 semaphore(%arg17 : memref<!tpu.dma_semaphore, #tpu.memory_space<semaphore_mem>>) src(%arg12 : memref<4096xf32, #tpu.memory_space<vmem>>) dst(%dma_wait3A_436 : memref<4096xf32, #tpu.memory_space<hbm>>)
    %get3A_437 = arith.constant 190 : index
    %get3A_438 = tpu.vector_load %arg7[%get3A_437] {strides = array<i32>} : memref<216xf32, #tpu.memory_space<vmem>>, vector<16xf32>,
    %slice3A_439 = vector.extract_strided_slice %get3A_438 {offsets = [0], sizes = [1], strides = [1]} : vector<16xf32> to vector<1xf32>
    %squeeze3A_440 = vector.extract %slice3A_439[0] : f32 from vector<1xf32>
    %broadcast_in_dim3A_441 = vector.broadcast %squeeze3A_440 : f32 to vector<16xf32>
    %parallel_loop3A_442 = arith.constant 0 : i32
    %parallel_loop3A_443 = arith.constant 4096 : i32
    %parallel_loop3A_444 = arith.constant 16 : i32
    scf.for %parallel_loop3A_795 = %parallel_loop3A_442 to %parallel_loop3A_443 step %parallel_loop3A_444  : i32 {
      %parallel_loop3A_796 = arith.index_cast %parallel_loop3A_795 : i32 to index
      %parallel_loop3A_797 = tpu.vector_load %arg9[%parallel_loop3A_796] {strides = array<i32>} : memref<4096xi32, #tpu.memory_space<vmem>>, vector<16xi32>,
      %parallel_loop3A_798 = tpu.vector_load_idx %arg6[%parallel_loop3A_797] : memref<100000xf32, #tpu.memory_space<vmem>>[vector<16xi32>], vector<16xf32>,
      %parallel_loop3A_799 = arith.addf %parallel_loop3A_798, %broadcast_in_dim3A_441 : vector<16xf32>
      %parallel_loop3A_800 = arith.index_cast %parallel_loop3A_795 : i32 to index
      %parallel_loop3A_801 = tpu.vector_load %arg12[%parallel_loop3A_800] {strides = array<i32>} : memref<4096xf32, #tpu.memory_space<vmem>>, vector<16xf32>,
      tpu.vector_store %arg12[%parallel_loop3A_800], %parallel_loop3A_799 {strides = array<i32>} : memref<4096xf32, #tpu.memory_space<vmem>>, vector<16xf32>,
    } {sc.loop_unroll_factor = 8 : i64, sc.parallel_access}
    %dma_start3A_445 = arith.constant 190 : i32
    %dma_start3A_446 = arith.constant 0 : i32
    %dma_start3A_447 = tpu.memref_slice %arg5[%dma_start3A_445, %add3A_389, %dma_start3A_446] : memref<200x64x4096xf32, #tpu.memory_space<hbm>> -> memref<1x1x4096xf32, #tpu.memory_space<hbm>>
    %dma_start3A_448 = tpu.memref_squeeze %dma_start3A_447 : memref<1x1x4096xf32, #tpu.memory_space<hbm>> -> memref<4096xf32, #tpu.memory_space<hbm>>
    %dma_start3A_449 = arith.constant 0 : i32
    %dma_start3A_450 = tpu.memref_slice %arg5[%dma_start3A_445, %add3A_389, %dma_start3A_449] : memref<200x64x4096xf32, #tpu.memory_space<hbm>> -> memref<1x1x4096xf32, #tpu.memory_space<hbm>>
    %dma_start3A_451 = tpu.memref_squeeze %dma_start3A_450 : memref<1x1x4096xf32, #tpu.memory_space<hbm>> -> memref<4096xf32, #tpu.memory_space<hbm>>
    tpu.enqueue_dma source(%arg12 : memref<4096xf32, #tpu.memory_space<vmem>>) target(%dma_start3A_451 : memref<4096xf32, #tpu.memory_space<hbm>>) target_semaphore(%arg17 : memref<!tpu.dma_semaphore, #tpu.memory_space<semaphore_mem>>)
    %dma_start3A_452 = arith.constant 1 : i32
    %dma_start3A_453 = arith.constant 3 : i32
    %dma_start3A_454 = arith.constant 0 : i32
    %dma_start3A_455 = tpu.memref_slice %arg8[%dma_start3A_452, %dma_start3A_453, %dma_start3A_454] : memref<2x10x4096xi32, #tpu.memory_space<vmem_shared>> -> memref<1x1x4096xi32, #tpu.memory_space<vmem_shared>>
    %dma_start3A_456 = tpu.memref_squeeze %dma_start3A_455 : memref<1x1x4096xi32, #tpu.memory_space<vmem_shared>> -> memref<4096xi32, #tpu.memory_space<vmem_shared>>
    %dma_start3A_457 = arith.constant 0 : i32
    %dma_start3A_458 = tpu.memref_slice %arg8[%dma_start3A_452, %dma_start3A_453, %dma_start3A_457] : memref<2x10x4096xi32, #tpu.memory_space<vmem_shared>> -> memref<1x1x4096xi32, #tpu.memory_space<vmem_shared>>
    %dma_start3A_459 = tpu.memref_squeeze %dma_start3A_458 : memref<1x1x4096xi32, #tpu.memory_space<vmem_shared>> -> memref<4096xi32, #tpu.memory_space<vmem_shared>>
    tpu.enqueue_dma source(%dma_start3A_459 : memref<4096xi32, #tpu.memory_space<vmem_shared>>) target(%arg9 : memref<4096xi32, #tpu.memory_space<vmem>>) target_semaphore(%arg14 : memref<!tpu.dma_semaphore, #tpu.memory_space<semaphore_mem>>)
    %dma_wait3A_460 = arith.constant 1 : i32
    %dma_wait3A_461 = arith.constant 1 : i32
    %dma_wait3A_462 = arith.constant 0 : i32
    %dma_wait3A_463 = tpu.memref_slice %arg8[%dma_wait3A_460, %dma_wait3A_461, %dma_wait3A_462] : memref<2x10x4096xi32, #tpu.memory_space<vmem_shared>> -> memref<1x1x4096xi32, #tpu.memory_space<vmem_shared>>
    %dma_wait3A_464 = tpu.memref_squeeze %dma_wait3A_463 : memref<1x1x4096xi32, #tpu.memory_space<vmem_shared>> -> memref<4096xi32, #tpu.memory_space<vmem_shared>>
    %dma_wait3A_465 = arith.constant 0 : i32
    %dma_wait3A_466 = tpu.memref_slice %arg8[%dma_wait3A_460, %dma_wait3A_461, %dma_wait3A_465] : memref<2x10x4096xi32, #tpu.memory_space<vmem_shared>> -> memref<1x1x4096xi32, #tpu.memory_space<vmem_shared>>
    %dma_wait3A_467 = tpu.memref_squeeze %dma_wait3A_466 : memref<1x1x4096xi32, #tpu.memory_space<vmem_shared>> -> memref<4096xi32, #tpu.memory_space<vmem_shared>>
    tpu.wait_dma2 semaphore(%arg15 : memref<!tpu.dma_semaphore, #tpu.memory_space<semaphore_mem>>) src(%dma_wait3A_467 : memref<4096xi32, #tpu.memory_space<vmem_shared>>) dst(%arg10 : memref<4096xi32, #tpu.memory_space<vmem>>)
    %dma_wait3A_468 = arith.constant 0 : i32
    %dma_wait3A_469 = arith.constant 0 : i32
    %dma_wait3A_470 = arith.constant 0 : i32
    %dma_wait3A_471 = tpu.memref_slice %arg5[%dma_wait3A_468, %dma_wait3A_469, %dma_wait3A_470] : memref<200x64x4096xf32, #tpu.memory_space<hbm>> -> memref<1x1x4096xf32, #tpu.memory_space<hbm>>
    %dma_wait3A_472 = tpu.memref_squeeze %dma_wait3A_471 : memref<1x1x4096xf32, #tpu.memory_space<hbm>> -> memref<4096xf32, #tpu.memory_space<hbm>>
    %dma_wait3A_473 = arith.constant 0 : i32
    %dma_wait3A_474 = tpu.memref_slice %arg5[%dma_wait3A_468, %dma_wait3A_469, %dma_wait3A_473] : memref<200x64x4096xf32, #tpu.memory_space<hbm>> -> memref<1x1x4096xf32, #tpu.memory_space<hbm>>
    %dma_wait3A_475 = tpu.memref_squeeze %dma_wait3A_474 : memref<1x1x4096xf32, #tpu.memory_space<hbm>> -> memref<4096xf32, #tpu.memory_space<hbm>>
    tpu.wait_dma2 semaphore(%arg18 : memref<!tpu.dma_semaphore, #tpu.memory_space<semaphore_mem>>) src(%arg13 : memref<4096xf32, #tpu.memory_space<vmem>>) dst(%dma_wait3A_475 : memref<4096xf32, #tpu.memory_space<hbm>>)
    %get3A_476 = arith.constant 191 : index
    %get3A_477 = tpu.vector_load %arg7[%get3A_476] {strides = array<i32>} : memref<216xf32, #tpu.memory_space<vmem>>, vector<16xf32>,
    %slice3A_478 = vector.extract_strided_slice %get3A_477 {offsets = [0], sizes = [1], strides = [1]} : vector<16xf32> to vector<1xf32>
    %squeeze3A_479 = vector.extract %slice3A_478[0] : f32 from vector<1xf32>
    %broadcast_in_dim3A_480 = vector.broadcast %squeeze3A_479 : f32 to vector<16xf32>
    %parallel_loop3A_481 = arith.constant 0 : i32
    %parallel_loop3A_482 = arith.constant 4096 : i32
    %parallel_loop3A_483 = arith.constant 16 : i32
    scf.for %parallel_loop3A_795 = %parallel_loop3A_481 to %parallel_loop3A_482 step %parallel_loop3A_483  : i32 {
      %parallel_loop3A_796 = arith.index_cast %parallel_loop3A_795 : i32 to index
      %parallel_loop3A_797 = tpu.vector_load %arg10[%parallel_loop3A_796] {strides = array<i32>} : memref<4096xi32, #tpu.memory_space<vmem>>, vector<16xi32>,
      %parallel_loop3A_798 = tpu.vector_load_idx %arg6[%parallel_loop3A_797] : memref<100000xf32, #tpu.memory_space<vmem>>[vector<16xi32>], vector<16xf32>,
      %parallel_loop3A_799 = arith.addf %parallel_loop3A_798, %broadcast_in_dim3A_480 : vector<16xf32>
      %parallel_loop3A_800 = arith.index_cast %parallel_loop3A_795 : i32 to index
      %parallel_loop3A_801 = tpu.vector_load %arg13[%parallel_loop3A_800] {strides = array<i32>} : memref<4096xf32, #tpu.memory_space<vmem>>, vector<16xf32>,
      tpu.vector_store %arg13[%parallel_loop3A_800], %parallel_loop3A_799 {strides = array<i32>} : memref<4096xf32, #tpu.memory_space<vmem>>, vector<16xf32>,
    } {sc.loop_unroll_factor = 8 : i64, sc.parallel_access}
    %dma_start3A_484 = arith.constant 191 : i32
    %dma_start3A_485 = arith.constant 0 : i32
    %dma_start3A_486 = tpu.memref_slice %arg5[%dma_start3A_484, %add3A_389, %dma_start3A_485] : memref<200x64x4096xf32, #tpu.memory_space<hbm>> -> memref<1x1x4096xf32, #tpu.memory_space<hbm>>
    %dma_start3A_487 = tpu.memref_squeeze %dma_start3A_486 : memref<1x1x4096xf32, #tpu.memory_space<hbm>> -> memref<4096xf32, #tpu.memory_space<hbm>>
    %dma_start3A_488 = arith.constant 0 : i32
    %dma_start3A_489 = tpu.memref_slice %arg5[%dma_start3A_484, %add3A_389, %dma_start3A_488] : memref<200x64x4096xf32, #tpu.memory_space<hbm>> -> memref<1x1x4096xf32, #tpu.memory_space<hbm>>
    %dma_start3A_490 = tpu.memref_squeeze %dma_start3A_489 : memref<1x1x4096xf32, #tpu.memory_space<hbm>> -> memref<4096xf32, #tpu.memory_space<hbm>>
    tpu.enqueue_dma source(%arg13 : memref<4096xf32, #tpu.memory_space<vmem>>) target(%dma_start3A_490 : memref<4096xf32, #tpu.memory_space<hbm>>) target_semaphore(%arg18 : memref<!tpu.dma_semaphore, #tpu.memory_space<semaphore_mem>>)
    %dma_start3A_491 = arith.constant 1 : i32
    %dma_start3A_492 = arith.constant 4 : i32
    %dma_start3A_493 = arith.constant 0 : i32
    %dma_start3A_494 = tpu.memref_slice %arg8[%dma_start3A_491, %dma_start3A_492, %dma_start3A_493] : memref<2x10x4096xi32, #tpu.memory_space<vmem_shared>> -> memref<1x1x4096xi32, #tpu.memory_space<vmem_shared>>
    %dma_start3A_495 = tpu.memref_squeeze %dma_start3A_494 : memref<1x1x4096xi32, #tpu.memory_space<vmem_shared>> -> memref<4096xi32, #tpu.memory_space<vmem_shared>>
    %dma_start3A_496 = arith.constant 0 : i32
    %dma_start3A_497 = tpu.memref_slice %arg8[%dma_start3A_491, %dma_start3A_492, %dma_start3A_496] : memref<2x10x4096xi32, #tpu.memory_space<vmem_shared>> -> memref<1x1x4096xi32, #tpu.memory_space<vmem_shared>>
    %dma_start3A_498 = tpu.memref_squeeze %dma_start3A_497 : memref<1x1x4096xi32, #tpu.memory_space<vmem_shared>> -> memref<4096xi32, #tpu.memory_space<vmem_shared>>
    tpu.enqueue_dma source(%dma_start3A_498 : memref<4096xi32, #tpu.memory_space<vmem_shared>>) target(%arg10 : memref<4096xi32, #tpu.memory_space<vmem>>) target_semaphore(%arg15 : memref<!tpu.dma_semaphore, #tpu.memory_space<semaphore_mem>>)
    %dma_wait3A_499 = arith.constant 1 : i32
    %dma_wait3A_500 = arith.constant 2 : i32
    %dma_wait3A_501 = arith.constant 0 : i32
    %dma_wait3A_502 = tpu.memref_slice %arg8[%dma_wait3A_499, %dma_wait3A_500, %dma_wait3A_501] : memref<2x10x4096xi32, #tpu.memory_space<vmem_shared>> -> memref<1x1x4096xi32, #tpu.memory_space<vmem_shared>>
    %dma_wait3A_503 = tpu.memref_squeeze %dma_wait3A_502 : memref<1x1x4096xi32, #tpu.memory_space<vmem_shared>> -> memref<4096xi32, #tpu.memory_space<vmem_shared>>
    %dma_wait3A_504 = arith.constant 0 : i32
    %dma_wait3A_505 = tpu.memref_slice %arg8[%dma_wait3A_499, %dma_wait3A_500, %dma_wait3A_504] : memref<2x10x4096xi32, #tpu.memory_space<vmem_shared>> -> memref<1x1x4096xi32, #tpu.memory_space<vmem_shared>>
    %dma_wait3A_506 = tpu.memref_squeeze %dma_wait3A_505 : memref<1x1x4096xi32, #tpu.memory_space<vmem_shared>> -> memref<4096xi32, #tpu.memory_space<vmem_shared>>
    tpu.wait_dma2 semaphore(%arg16 : memref<!tpu.dma_semaphore, #tpu.memory_space<semaphore_mem>>) src(%dma_wait3A_506 : memref<4096xi32, #tpu.memory_space<vmem_shared>>) dst(%arg11 : memref<4096xi32, #tpu.memory_space<vmem>>)
    %dma_wait3A_507 = arith.constant 190 : i32
    %dma_wait3A_508 = arith.constant 0 : i32
    %dma_wait3A_509 = tpu.memref_slice %arg5[%dma_wait3A_507, %add3A_389, %dma_wait3A_508] : memref<200x64x4096xf32, #tpu.memory_space<hbm>> -> memref<1x1x4096xf32, #tpu.memory_space<hbm>>
    %dma_wait3A_510 = tpu.memref_squeeze %dma_wait3A_509 : memref<1x1x4096xf32, #tpu.memory_space<hbm>> -> memref<4096xf32, #tpu.memory_space<hbm>>
    %dma_wait3A_511 = arith.constant 0 : i32
    %dma_wait3A_512 = tpu.memref_slice %arg5[%dma_wait3A_507, %add3A_389, %dma_wait3A_511] : memref<200x64x4096xf32, #tpu.memory_space<hbm>> -> memref<1x1x4096xf32, #tpu.memory_space<hbm>>
    %dma_wait3A_513 = tpu.memref_squeeze %dma_wait3A_512 : memref<1x1x4096xf32, #tpu.memory_space<hbm>> -> memref<4096xf32, #tpu.memory_space<hbm>>
    tpu.wait_dma2 semaphore(%arg17 : memref<!tpu.dma_semaphore, #tpu.memory_space<semaphore_mem>>) src(%arg12 : memref<4096xf32, #tpu.memory_space<vmem>>) dst(%dma_wait3A_513 : memref<4096xf32, #tpu.memory_space<hbm>>)
    %get3A_514 = arith.constant 192 : index
    %get3A_515 = tpu.vector_load %arg7[%get3A_514] {strides = array<i32>} : memref<216xf32, #tpu.memory_space<vmem>>, vector<16xf32>,
    %slice3A_516 = vector.extract_strided_slice %get3A_515 {offsets = [0], sizes = [1], strides = [1]} : vector<16xf32> to vector<1xf32>
    %squeeze3A_517 = vector.extract %slice3A_516[0] : f32 from vector<1xf32>
    %broadcast_in_dim3A_518 = vector.broadcast %squeeze3A_517 : f32 to vector<16xf32>
    %parallel_loop3A_519 = arith.constant 0 : i32
    %parallel_loop3A_520 = arith.constant 4096 : i32
    %parallel_loop3A_521 = arith.constant 16 : i32
    scf.for %parallel_loop3A_795 = %parallel_loop3A_519 to %parallel_loop3A_520 step %parallel_loop3A_521  : i32 {
      %parallel_loop3A_796 = arith.index_cast %parallel_loop3A_795 : i32 to index
      %parallel_loop3A_797 = tpu.vector_load %arg11[%parallel_loop3A_796] {strides = array<i32>} : memref<4096xi32, #tpu.memory_space<vmem>>, vector<16xi32>,
      %parallel_loop3A_798 = tpu.vector_load_idx %arg6[%parallel_loop3A_797] : memref<100000xf32, #tpu.memory_space<vmem>>[vector<16xi32>], vector<16xf32>,
      %parallel_loop3A_799 = arith.addf %parallel_loop3A_798, %broadcast_in_dim3A_518 : vector<16xf32>
      %parallel_loop3A_800 = arith.index_cast %parallel_loop3A_795 : i32 to index
      %parallel_loop3A_801 = tpu.vector_load %arg12[%parallel_loop3A_800] {strides = array<i32>} : memref<4096xf32, #tpu.memory_space<vmem>>, vector<16xf32>,
      tpu.vector_store %arg12[%parallel_loop3A_800], %parallel_loop3A_799 {strides = array<i32>} : memref<4096xf32, #tpu.memory_space<vmem>>, vector<16xf32>,
    } {sc.loop_unroll_factor = 8 : i64, sc.parallel_access}
    %dma_start3A_522 = arith.constant 192 : i32
    %dma_start3A_523 = arith.constant 0 : i32
    %dma_start3A_524 = tpu.memref_slice %arg5[%dma_start3A_522, %add3A_389, %dma_start3A_523] : memref<200x64x4096xf32, #tpu.memory_space<hbm>> -> memref<1x1x4096xf32, #tpu.memory_space<hbm>>
    %dma_start3A_525 = tpu.memref_squeeze %dma_start3A_524 : memref<1x1x4096xf32, #tpu.memory_space<hbm>> -> memref<4096xf32, #tpu.memory_space<hbm>>
    %dma_start3A_526 = arith.constant 0 : i32
    %dma_start3A_527 = tpu.memref_slice %arg5[%dma_start3A_522, %add3A_389, %dma_start3A_526] : memref<200x64x4096xf32, #tpu.memory_space<hbm>> -> memref<1x1x4096xf32, #tpu.memory_space<hbm>>
    %dma_start3A_528 = tpu.memref_squeeze %dma_start3A_527 : memref<1x1x4096xf32, #tpu.memory_space<hbm>> -> memref<4096xf32, #tpu.memory_space<hbm>>
    tpu.enqueue_dma source(%arg12 : memref<4096xf32, #tpu.memory_space<vmem>>) target(%dma_start3A_528 : memref<4096xf32, #tpu.memory_space<hbm>>) target_semaphore(%arg17 : memref<!tpu.dma_semaphore, #tpu.memory_space<semaphore_mem>>)
    %dma_start3A_529 = arith.constant 1 : i32
    %dma_start3A_530 = arith.constant 5 : i32
    %dma_start3A_531 = arith.constant 0 : i32
    %dma_start3A_532 = tpu.memref_slice %arg8[%dma_start3A_529, %dma_start3A_530, %dma_start3A_531] : memref<2x10x4096xi32, #tpu.memory_space<vmem_shared>> -> memref<1x1x4096xi32, #tpu.memory_space<vmem_shared>>
    %dma_start3A_533 = tpu.memref_squeeze %dma_start3A_532 : memref<1x1x4096xi32, #tpu.memory_space<vmem_shared>> -> memref<4096xi32, #tpu.memory_space<vmem_shared>>
    %dma_start3A_534 = arith.constant 0 : i32
    %dma_start3A_535 = tpu.memref_slice %arg8[%dma_start3A_529, %dma_start3A_530, %dma_start3A_534] : memref<2x10x4096xi32, #tpu.memory_space<vmem_shared>> -> memref<1x1x4096xi32, #tpu.memory_space<vmem_shared>>
    %dma_start3A_536 = tpu.memref_squeeze %dma_start3A_535 : memref<1x1x4096xi32, #tpu.memory_space<vmem_shared>> -> memref<4096xi32, #tpu.memory_space<vmem_shared>>
    tpu.enqueue_dma source(%dma_start3A_536 : memref<4096xi32, #tpu.memory_space<vmem_shared>>) target(%arg11 : memref<4096xi32, #tpu.memory_space<vmem>>) target_semaphore(%arg16 : memref<!tpu.dma_semaphore, #tpu.memory_space<semaphore_mem>>)
    %dma_wait3A_537 = arith.constant 1 : i32
    %dma_wait3A_538 = arith.constant 3 : i32
    %dma_wait3A_539 = arith.constant 0 : i32
    %dma_wait3A_540 = tpu.memref_slice %arg8[%dma_wait3A_537, %dma_wait3A_538, %dma_wait3A_539] : memref<2x10x4096xi32, #tpu.memory_space<vmem_shared>> -> memref<1x1x4096xi32, #tpu.memory_space<vmem_shared>>
    %dma_wait3A_541 = tpu.memref_squeeze %dma_wait3A_540 : memref<1x1x4096xi32, #tpu.memory_space<vmem_shared>> -> memref<4096xi32, #tpu.memory_space<vmem_shared>>
    %dma_wait3A_542 = arith.constant 0 : i32
    %dma_wait3A_543 = tpu.memref_slice %arg8[%dma_wait3A_537, %dma_wait3A_538, %dma_wait3A_542] : memref<2x10x4096xi32, #tpu.memory_space<vmem_shared>> -> memref<1x1x4096xi32, #tpu.memory_space<vmem_shared>>
    %dma_wait3A_544 = tpu.memref_squeeze %dma_wait3A_543 : memref<1x1x4096xi32, #tpu.memory_space<vmem_shared>> -> memref<4096xi32, #tpu.memory_space<vmem_shared>>
    tpu.wait_dma2 semaphore(%arg14 : memref<!tpu.dma_semaphore, #tpu.memory_space<semaphore_mem>>) src(%dma_wait3A_544 : memref<4096xi32, #tpu.memory_space<vmem_shared>>) dst(%arg9 : memref<4096xi32, #tpu.memory_space<vmem>>)
    %dma_wait3A_545 = arith.constant 191 : i32
    %dma_wait3A_546 = arith.constant 0 : i32
    %dma_wait3A_547 = tpu.memref_slice %arg5[%dma_wait3A_545, %add3A_389, %dma_wait3A_546] : memref<200x64x4096xf32, #tpu.memory_space<hbm>> -> memref<1x1x4096xf32, #tpu.memory_space<hbm>>
    %dma_wait3A_548 = tpu.memref_squeeze %dma_wait3A_547 : memref<1x1x4096xf32, #tpu.memory_space<hbm>> -> memref<4096xf32, #tpu.memory_space<hbm>>
    %dma_wait3A_549 = arith.constant 0 : i32
    %dma_wait3A_550 = tpu.memref_slice %arg5[%dma_wait3A_545, %add3A_389, %dma_wait3A_549] : memref<200x64x4096xf32, #tpu.memory_space<hbm>> -> memref<1x1x4096xf32, #tpu.memory_space<hbm>>
    %dma_wait3A_551 = tpu.memref_squeeze %dma_wait3A_550 : memref<1x1x4096xf32, #tpu.memory_space<hbm>> -> memref<4096xf32, #tpu.memory_space<hbm>>
    tpu.wait_dma2 semaphore(%arg18 : memref<!tpu.dma_semaphore, #tpu.memory_space<semaphore_mem>>) src(%arg13 : memref<4096xf32, #tpu.memory_space<vmem>>) dst(%dma_wait3A_551 : memref<4096xf32, #tpu.memory_space<hbm>>)
    %get3A_552 = arith.constant 193 : index
    %get3A_553 = tpu.vector_load %arg7[%get3A_552] {strides = array<i32>} : memref<216xf32, #tpu.memory_space<vmem>>, vector<16xf32>,
    %slice3A_554 = vector.extract_strided_slice %get3A_553 {offsets = [0], sizes = [1], strides = [1]} : vector<16xf32> to vector<1xf32>
    %squeeze3A_555 = vector.extract %slice3A_554[0] : f32 from vector<1xf32>
    %broadcast_in_dim3A_556 = vector.broadcast %squeeze3A_555 : f32 to vector<16xf32>
    %parallel_loop3A_557 = arith.constant 0 : i32
    %parallel_loop3A_558 = arith.constant 4096 : i32
    %parallel_loop3A_559 = arith.constant 16 : i32
    scf.for %parallel_loop3A_795 = %parallel_loop3A_557 to %parallel_loop3A_558 step %parallel_loop3A_559  : i32 {
      %parallel_loop3A_796 = arith.index_cast %parallel_loop3A_795 : i32 to index
      %parallel_loop3A_797 = tpu.vector_load %arg9[%parallel_loop3A_796] {strides = array<i32>} : memref<4096xi32, #tpu.memory_space<vmem>>, vector<16xi32>,
      %parallel_loop3A_798 = tpu.vector_load_idx %arg6[%parallel_loop3A_797] : memref<100000xf32, #tpu.memory_space<vmem>>[vector<16xi32>], vector<16xf32>,
      %parallel_loop3A_799 = arith.addf %parallel_loop3A_798, %broadcast_in_dim3A_556 : vector<16xf32>
      %parallel_loop3A_800 = arith.index_cast %parallel_loop3A_795 : i32 to index
      %parallel_loop3A_801 = tpu.vector_load %arg13[%parallel_loop3A_800] {strides = array<i32>} : memref<4096xf32, #tpu.memory_space<vmem>>, vector<16xf32>,
      tpu.vector_store %arg13[%parallel_loop3A_800], %parallel_loop3A_799 {strides = array<i32>} : memref<4096xf32, #tpu.memory_space<vmem>>, vector<16xf32>,
    } {sc.loop_unroll_factor = 8 : i64, sc.parallel_access}
    %dma_start3A_560 = arith.constant 193 : i32
    %dma_start3A_561 = arith.constant 0 : i32
    %dma_start3A_562 = tpu.memref_slice %arg5[%dma_start3A_560, %add3A_389, %dma_start3A_561] : memref<200x64x4096xf32, #tpu.memory_space<hbm>> -> memref<1x1x4096xf32, #tpu.memory_space<hbm>>
    %dma_start3A_563 = tpu.memref_squeeze %dma_start3A_562 : memref<1x1x4096xf32, #tpu.memory_space<hbm>> -> memref<4096xf32, #tpu.memory_space<hbm>>
    %dma_start3A_564 = arith.constant 0 : i32
    %dma_start3A_565 = tpu.memref_slice %arg5[%dma_start3A_560, %add3A_389, %dma_start3A_564] : memref<200x64x4096xf32, #tpu.memory_space<hbm>> -> memref<1x1x4096xf32, #tpu.memory_space<hbm>>
    %dma_start3A_566 = tpu.memref_squeeze %dma_start3A_565 : memref<1x1x4096xf32, #tpu.memory_space<hbm>> -> memref<4096xf32, #tpu.memory_space<hbm>>
    tpu.enqueue_dma source(%arg13 : memref<4096xf32, #tpu.memory_space<vmem>>) target(%dma_start3A_566 : memref<4096xf32, #tpu.memory_space<hbm>>) target_semaphore(%arg18 : memref<!tpu.dma_semaphore, #tpu.memory_space<semaphore_mem>>)
    %dma_start3A_567 = arith.constant 1 : i32
    %dma_start3A_568 = arith.constant 6 : i32
    %dma_start3A_569 = arith.constant 0 : i32
    %dma_start3A_570 = tpu.memref_slice %arg8[%dma_start3A_567, %dma_start3A_568, %dma_start3A_569] : memref<2x10x4096xi32, #tpu.memory_space<vmem_shared>> -> memref<1x1x4096xi32, #tpu.memory_space<vmem_shared>>
    %dma_start3A_571 = tpu.memref_squeeze %dma_start3A_570 : memref<1x1x4096xi32, #tpu.memory_space<vmem_shared>> -> memref<4096xi32, #tpu.memory_space<vmem_shared>>
    %dma_start3A_572 = arith.constant 0 : i32
    %dma_start3A_573 = tpu.memref_slice %arg8[%dma_start3A_567, %dma_start3A_568, %dma_start3A_572] : memref<2x10x4096xi32, #tpu.memory_space<vmem_shared>> -> memref<1x1x4096xi32, #tpu.memory_space<vmem_shared>>
    %dma_start3A_574 = tpu.memref_squeeze %dma_start3A_573 : memref<1x1x4096xi32, #tpu.memory_space<vmem_shared>> -> memref<4096xi32, #tpu.memory_space<vmem_shared>>
    tpu.enqueue_dma source(%dma_start3A_574 : memref<4096xi32, #tpu.memory_space<vmem_shared>>) target(%arg9 : memref<4096xi32, #tpu.memory_space<vmem>>) target_semaphore(%arg14 : memref<!tpu.dma_semaphore, #tpu.memory_space<semaphore_mem>>)
    %dma_wait3A_575 = arith.constant 1 : i32
    %dma_wait3A_576 = arith.constant 4 : i32
    %dma_wait3A_577 = arith.constant 0 : i32
    %dma_wait3A_578 = tpu.memref_slice %arg8[%dma_wait3A_575, %dma_wait3A_576, %dma_wait3A_577] : memref<2x10x4096xi32, #tpu.memory_space<vmem_shared>> -> memref<1x1x4096xi32, #tpu.memory_space<vmem_shared>>
    %dma_wait3A_579 = tpu.memref_squeeze %dma_wait3A_578 : memref<1x1x4096xi32, #tpu.memory_space<vmem_shared>> -> memref<4096xi32, #tpu.memory_space<vmem_shared>>
    %dma_wait3A_580 = arith.constant 0 : i32
    %dma_wait3A_581 = tpu.memref_slice %arg8[%dma_wait3A_575, %dma_wait3A_576, %dma_wait3A_580] : memref<2x10x4096xi32, #tpu.memory_space<vmem_shared>> -> memref<1x1x4096xi32, #tpu.memory_space<vmem_shared>>
    %dma_wait3A_582 = tpu.memref_squeeze %dma_wait3A_581 : memref<1x1x4096xi32, #tpu.memory_space<vmem_shared>> -> memref<4096xi32, #tpu.memory_space<vmem_shared>>
    tpu.wait_dma2 semaphore(%arg15 : memref<!tpu.dma_semaphore, #tpu.memory_space<semaphore_mem>>) src(%dma_wait3A_582 : memref<4096xi32, #tpu.memory_space<vmem_shared>>) dst(%arg10 : memref<4096xi32, #tpu.memory_space<vmem>>)
    %dma_wait3A_583 = arith.constant 192 : i32
    %dma_wait3A_584 = arith.constant 0 : i32
    %dma_wait3A_585 = tpu.memref_slice %arg5[%dma_wait3A_583, %add3A_389, %dma_wait3A_584] : memref<200x64x4096xf32, #tpu.memory_space<hbm>> -> memref<1x1x4096xf32, #tpu.memory_space<hbm>>
    %dma_wait3A_586 = tpu.memref_squeeze %dma_wait3A_585 : memref<1x1x4096xf32, #tpu.memory_space<hbm>> -> memref<4096xf32, #tpu.memory_space<hbm>>
    %dma_wait3A_587 = arith.constant 0 : i32
    %dma_wait3A_588 = tpu.memref_slice %arg5[%dma_wait3A_583, %add3A_389, %dma_wait3A_587] : memref<200x64x4096xf32, #tpu.memory_space<hbm>> -> memref<1x1x4096xf32, #tpu.memory_space<hbm>>
    %dma_wait3A_589 = tpu.memref_squeeze %dma_wait3A_588 : memref<1x1x4096xf32, #tpu.memory_space<hbm>> -> memref<4096xf32, #tpu.memory_space<hbm>>
    tpu.wait_dma2 semaphore(%arg17 : memref<!tpu.dma_semaphore, #tpu.memory_space<semaphore_mem>>) src(%arg12 : memref<4096xf32, #tpu.memory_space<vmem>>) dst(%dma_wait3A_589 : memref<4096xf32, #tpu.memory_space<hbm>>)
    %get3A_590 = arith.constant 194 : index
    %get3A_591 = tpu.vector_load %arg7[%get3A_590] {strides = array<i32>} : memref<216xf32, #tpu.memory_space<vmem>>, vector<16xf32>,
    %slice3A_592 = vector.extract_strided_slice %get3A_591 {offsets = [0], sizes = [1], strides = [1]} : vector<16xf32> to vector<1xf32>
    %squeeze3A_593 = vector.extract %slice3A_592[0] : f32 from vector<1xf32>
    %broadcast_in_dim3A_594 = vector.broadcast %squeeze3A_593 : f32 to vector<16xf32>
    %parallel_loop3A_595 = arith.constant 0 : i32
    %parallel_loop3A_596 = arith.constant 4096 : i32
    %parallel_loop3A_597 = arith.constant 16 : i32
    scf.for %parallel_loop3A_795 = %parallel_loop3A_595 to %parallel_loop3A_596 step %parallel_loop3A_597  : i32 {
      %parallel_loop3A_796 = arith.index_cast %parallel_loop3A_795 : i32 to index
      %parallel_loop3A_797 = tpu.vector_load %arg10[%parallel_loop3A_796] {strides = array<i32>} : memref<4096xi32, #tpu.memory_space<vmem>>, vector<16xi32>,
      %parallel_loop3A_798 = tpu.vector_load_idx %arg6[%parallel_loop3A_797] : memref<100000xf32, #tpu.memory_space<vmem>>[vector<16xi32>], vector<16xf32>,
      %parallel_loop3A_799 = arith.addf %parallel_loop3A_798, %broadcast_in_dim3A_594 : vector<16xf32>
      %parallel_loop3A_800 = arith.index_cast %parallel_loop3A_795 : i32 to index
      %parallel_loop3A_801 = tpu.vector_load %arg12[%parallel_loop3A_800] {strides = array<i32>} : memref<4096xf32, #tpu.memory_space<vmem>>, vector<16xf32>,
      tpu.vector_store %arg12[%parallel_loop3A_800], %parallel_loop3A_799 {strides = array<i32>} : memref<4096xf32, #tpu.memory_space<vmem>>, vector<16xf32>,
    } {sc.loop_unroll_factor = 8 : i64, sc.parallel_access}
    %dma_start3A_598 = arith.constant 194 : i32
    %dma_start3A_599 = arith.constant 0 : i32
    %dma_start3A_600 = tpu.memref_slice %arg5[%dma_start3A_598, %add3A_389, %dma_start3A_599] : memref<200x64x4096xf32, #tpu.memory_space<hbm>> -> memref<1x1x4096xf32, #tpu.memory_space<hbm>>
    %dma_start3A_601 = tpu.memref_squeeze %dma_start3A_600 : memref<1x1x4096xf32, #tpu.memory_space<hbm>> -> memref<4096xf32, #tpu.memory_space<hbm>>
    %dma_start3A_602 = arith.constant 0 : i32
    %dma_start3A_603 = tpu.memref_slice %arg5[%dma_start3A_598, %add3A_389, %dma_start3A_602] : memref<200x64x4096xf32, #tpu.memory_space<hbm>> -> memref<1x1x4096xf32, #tpu.memory_space<hbm>>
    %dma_start3A_604 = tpu.memref_squeeze %dma_start3A_603 : memref<1x1x4096xf32, #tpu.memory_space<hbm>> -> memref<4096xf32, #tpu.memory_space<hbm>>
    tpu.enqueue_dma source(%arg12 : memref<4096xf32, #tpu.memory_space<vmem>>) target(%dma_start3A_604 : memref<4096xf32, #tpu.memory_space<hbm>>) target_semaphore(%arg17 : memref<!tpu.dma_semaphore, #tpu.memory_space<semaphore_mem>>)
    %dma_start3A_605 = arith.constant 1 : i32
    %dma_start3A_606 = arith.constant 7 : i32
    %dma_start3A_607 = arith.constant 0 : i32
    %dma_start3A_608 = tpu.memref_slice %arg8[%dma_start3A_605, %dma_start3A_606, %dma_start3A_607] : memref<2x10x4096xi32, #tpu.memory_space<vmem_shared>> -> memref<1x1x4096xi32, #tpu.memory_space<vmem_shared>>
    %dma_start3A_609 = tpu.memref_squeeze %dma_start3A_608 : memref<1x1x4096xi32, #tpu.memory_space<vmem_shared>> -> memref<4096xi32, #tpu.memory_space<vmem_shared>>
    %dma_start3A_610 = arith.constant 0 : i32
    %dma_start3A_611 = tpu.memref_slice %arg8[%dma_start3A_605, %dma_start3A_606, %dma_start3A_610] : memref<2x10x4096xi32, #tpu.memory_space<vmem_shared>> -> memref<1x1x4096xi32, #tpu.memory_space<vmem_shared>>
    %dma_start3A_612 = tpu.memref_squeeze %dma_start3A_611 : memref<1x1x4096xi32, #tpu.memory_space<vmem_shared>> -> memref<4096xi32, #tpu.memory_space<vmem_shared>>
    tpu.enqueue_dma source(%dma_start3A_612 : memref<4096xi32, #tpu.memory_space<vmem_shared>>) target(%arg10 : memref<4096xi32, #tpu.memory_space<vmem>>) target_semaphore(%arg15 : memref<!tpu.dma_semaphore, #tpu.memory_space<semaphore_mem>>)
    %dma_wait3A_613 = arith.constant 1 : i32
    %dma_wait3A_614 = arith.constant 5 : i32
    %dma_wait3A_615 = arith.constant 0 : i32
    %dma_wait3A_616 = tpu.memref_slice %arg8[%dma_wait3A_613, %dma_wait3A_614, %dma_wait3A_615] : memref<2x10x4096xi32, #tpu.memory_space<vmem_shared>> -> memref<1x1x4096xi32, #tpu.memory_space<vmem_shared>>
    %dma_wait3A_617 = tpu.memref_squeeze %dma_wait3A_616 : memref<1x1x4096xi32, #tpu.memory_space<vmem_shared>> -> memref<4096xi32, #tpu.memory_space<vmem_shared>>
    %dma_wait3A_618 = arith.constant 0 : i32
    %dma_wait3A_619 = tpu.memref_slice %arg8[%dma_wait3A_613, %dma_wait3A_614, %dma_wait3A_618] : memref<2x10x4096xi32, #tpu.memory_space<vmem_shared>> -> memref<1x1x4096xi32, #tpu.memory_space<vmem_shared>>
    %dma_wait3A_620 = tpu.memref_squeeze %dma_wait3A_619 : memref<1x1x4096xi32, #tpu.memory_space<vmem_shared>> -> memref<4096xi32, #tpu.memory_space<vmem_shared>>
    tpu.wait_dma2 semaphore(%arg16 : memref<!tpu.dma_semaphore, #tpu.memory_space<semaphore_mem>>) src(%dma_wait3A_620 : memref<4096xi32, #tpu.memory_space<vmem_shared>>) dst(%arg11 : memref<4096xi32, #tpu.memory_space<vmem>>)
    %dma_wait3A_621 = arith.constant 193 : i32
    %dma_wait3A_622 = arith.constant 0 : i32
    %dma_wait3A_623 = tpu.memref_slice %arg5[%dma_wait3A_621, %add3A_389, %dma_wait3A_622] : memref<200x64x4096xf32, #tpu.memory_space<hbm>> -> memref<1x1x4096xf32, #tpu.memory_space<hbm>>
    %dma_wait3A_624 = tpu.memref_squeeze %dma_wait3A_623 : memref<1x1x4096xf32, #tpu.memory_space<hbm>> -> memref<4096xf32, #tpu.memory_space<hbm>>
    %dma_wait3A_625 = arith.constant 0 : i32
    %dma_wait3A_626 = tpu.memref_slice %arg5[%dma_wait3A_621, %add3A_389, %dma_wait3A_625] : memref<200x64x4096xf32, #tpu.memory_space<hbm>> -> memref<1x1x4096xf32, #tpu.memory_space<hbm>>
    %dma_wait3A_627 = tpu.memref_squeeze %dma_wait3A_626 : memref<1x1x4096xf32, #tpu.memory_space<hbm>> -> memref<4096xf32, #tpu.memory_space<hbm>>
    tpu.wait_dma2 semaphore(%arg18 : memref<!tpu.dma_semaphore, #tpu.memory_space<semaphore_mem>>) src(%arg13 : memref<4096xf32, #tpu.memory_space<vmem>>) dst(%dma_wait3A_627 : memref<4096xf32, #tpu.memory_space<hbm>>)
    %get3A_628 = arith.constant 195 : index
    %get3A_629 = tpu.vector_load %arg7[%get3A_628] {strides = array<i32>} : memref<216xf32, #tpu.memory_space<vmem>>, vector<16xf32>,
    %slice3A_630 = vector.extract_strided_slice %get3A_629 {offsets = [0], sizes = [1], strides = [1]} : vector<16xf32> to vector<1xf32>
    %squeeze3A_631 = vector.extract %slice3A_630[0] : f32 from vector<1xf32>
    %broadcast_in_dim3A_632 = vector.broadcast %squeeze3A_631 : f32 to vector<16xf32>
    %parallel_loop3A_633 = arith.constant 0 : i32
    %parallel_loop3A_634 = arith.constant 4096 : i32
    %parallel_loop3A_635 = arith.constant 16 : i32
    scf.for %parallel_loop3A_795 = %parallel_loop3A_633 to %parallel_loop3A_634 step %parallel_loop3A_635  : i32 {
      %parallel_loop3A_796 = arith.index_cast %parallel_loop3A_795 : i32 to index
      %parallel_loop3A_797 = tpu.vector_load %arg11[%parallel_loop3A_796] {strides = array<i32>} : memref<4096xi32, #tpu.memory_space<vmem>>, vector<16xi32>,
      %parallel_loop3A_798 = tpu.vector_load_idx %arg6[%parallel_loop3A_797] : memref<100000xf32, #tpu.memory_space<vmem>>[vector<16xi32>], vector<16xf32>,
      %parallel_loop3A_799 = arith.addf %parallel_loop3A_798, %broadcast_in_dim3A_632 : vector<16xf32>
      %parallel_loop3A_800 = arith.index_cast %parallel_loop3A_795 : i32 to index
      %parallel_loop3A_801 = tpu.vector_load %arg13[%parallel_loop3A_800] {strides = array<i32>} : memref<4096xf32, #tpu.memory_space<vmem>>, vector<16xf32>,
      tpu.vector_store %arg13[%parallel_loop3A_800], %parallel_loop3A_799 {strides = array<i32>} : memref<4096xf32, #tpu.memory_space<vmem>>, vector<16xf32>,
    } {sc.loop_unroll_factor = 8 : i64, sc.parallel_access}
    %dma_start3A_636 = arith.constant 195 : i32
    %dma_start3A_637 = arith.constant 0 : i32
    %dma_start3A_638 = tpu.memref_slice %arg5[%dma_start3A_636, %add3A_389, %dma_start3A_637] : memref<200x64x4096xf32, #tpu.memory_space<hbm>> -> memref<1x1x4096xf32, #tpu.memory_space<hbm>>
    %dma_start3A_639 = tpu.memref_squeeze %dma_start3A_638 : memref<1x1x4096xf32, #tpu.memory_space<hbm>> -> memref<4096xf32, #tpu.memory_space<hbm>>
    %dma_start3A_640 = arith.constant 0 : i32
    %dma_start3A_641 = tpu.memref_slice %arg5[%dma_start3A_636, %add3A_389, %dma_start3A_640] : memref<200x64x4096xf32, #tpu.memory_space<hbm>> -> memref<1x1x4096xf32, #tpu.memory_space<hbm>>
    %dma_start3A_642 = tpu.memref_squeeze %dma_start3A_641 : memref<1x1x4096xf32, #tpu.memory_space<hbm>> -> memref<4096xf32, #tpu.memory_space<hbm>>
    tpu.enqueue_dma source(%arg13 : memref<4096xf32, #tpu.memory_space<vmem>>) target(%dma_start3A_642 : memref<4096xf32, #tpu.memory_space<hbm>>) target_semaphore(%arg18 : memref<!tpu.dma_semaphore, #tpu.memory_space<semaphore_mem>>)
    %dma_start3A_643 = arith.constant 1 : i32
    %dma_start3A_644 = arith.constant 8 : i32
    %dma_start3A_645 = arith.constant 0 : i32
    %dma_start3A_646 = tpu.memref_slice %arg8[%dma_start3A_643, %dma_start3A_644, %dma_start3A_645] : memref<2x10x4096xi32, #tpu.memory_space<vmem_shared>> -> memref<1x1x4096xi32, #tpu.memory_space<vmem_shared>>
    %dma_start3A_647 = tpu.memref_squeeze %dma_start3A_646 : memref<1x1x4096xi32, #tpu.memory_space<vmem_shared>> -> memref<4096xi32, #tpu.memory_space<vmem_shared>>
    %dma_start3A_648 = arith.constant 0 : i32
    %dma_start3A_649 = tpu.memref_slice %arg8[%dma_start3A_643, %dma_start3A_644, %dma_start3A_648] : memref<2x10x4096xi32, #tpu.memory_space<vmem_shared>> -> memref<1x1x4096xi32, #tpu.memory_space<vmem_shared>>
    %dma_start3A_650 = tpu.memref_squeeze %dma_start3A_649 : memref<1x1x4096xi32, #tpu.memory_space<vmem_shared>> -> memref<4096xi32, #tpu.memory_space<vmem_shared>>
    tpu.enqueue_dma source(%dma_start3A_650 : memref<4096xi32, #tpu.memory_space<vmem_shared>>) target(%arg11 : memref<4096xi32, #tpu.memory_space<vmem>>) target_semaphore(%arg16 : memref<!tpu.dma_semaphore, #tpu.memory_space<semaphore_mem>>)
    %dma_wait3A_651 = arith.constant 1 : i32
    %dma_wait3A_652 = arith.constant 6 : i32
    %dma_wait3A_653 = arith.constant 0 : i32
    %dma_wait3A_654 = tpu.memref_slice %arg8[%dma_wait3A_651, %dma_wait3A_652, %dma_wait3A_653] : memref<2x10x4096xi32, #tpu.memory_space<vmem_shared>> -> memref<1x1x4096xi32, #tpu.memory_space<vmem_shared>>
    %dma_wait3A_655 = tpu.memref_squeeze %dma_wait3A_654 : memref<1x1x4096xi32, #tpu.memory_space<vmem_shared>> -> memref<4096xi32, #tpu.memory_space<vmem_shared>>
    %dma_wait3A_656 = arith.constant 0 : i32
    %dma_wait3A_657 = tpu.memref_slice %arg8[%dma_wait3A_651, %dma_wait3A_652, %dma_wait3A_656] : memref<2x10x4096xi32, #tpu.memory_space<vmem_shared>> -> memref<1x1x4096xi32, #tpu.memory_space<vmem_shared>>
    %dma_wait3A_658 = tpu.memref_squeeze %dma_wait3A_657 : memref<1x1x4096xi32, #tpu.memory_space<vmem_shared>> -> memref<4096xi32, #tpu.memory_space<vmem_shared>>
    tpu.wait_dma2 semaphore(%arg14 : memref<!tpu.dma_semaphore, #tpu.memory_space<semaphore_mem>>) src(%dma_wait3A_658 : memref<4096xi32, #tpu.memory_space<vmem_shared>>) dst(%arg9 : memref<4096xi32, #tpu.memory_space<vmem>>)
    %dma_wait3A_659 = arith.constant 194 : i32
    %dma_wait3A_660 = arith.constant 0 : i32
    %dma_wait3A_661 = tpu.memref_slice %arg5[%dma_wait3A_659, %add3A_389, %dma_wait3A_660] : memref<200x64x4096xf32, #tpu.memory_space<hbm>> -> memref<1x1x4096xf32, #tpu.memory_space<hbm>>
    %dma_wait3A_662 = tpu.memref_squeeze %dma_wait3A_661 : memref<1x1x4096xf32, #tpu.memory_space<hbm>> -> memref<4096xf32, #tpu.memory_space<hbm>>
    %dma_wait3A_663 = arith.constant 0 : i32
    %dma_wait3A_664 = tpu.memref_slice %arg5[%dma_wait3A_659, %add3A_389, %dma_wait3A_663] : memref<200x64x4096xf32, #tpu.memory_space<hbm>> -> memref<1x1x4096xf32, #tpu.memory_space<hbm>>
    %dma_wait3A_665 = tpu.memref_squeeze %dma_wait3A_664 : memref<1x1x4096xf32, #tpu.memory_space<hbm>> -> memref<4096xf32, #tpu.memory_space<hbm>>
    tpu.wait_dma2 semaphore(%arg17 : memref<!tpu.dma_semaphore, #tpu.memory_space<semaphore_mem>>) src(%arg12 : memref<4096xf32, #tpu.memory_space<vmem>>) dst(%dma_wait3A_665 : memref<4096xf32, #tpu.memory_space<hbm>>)
    %get3A_666 = arith.constant 196 : index
    %get3A_667 = tpu.vector_load %arg7[%get3A_666] {strides = array<i32>} : memref<216xf32, #tpu.memory_space<vmem>>, vector<16xf32>,
    %slice3A_668 = vector.extract_strided_slice %get3A_667 {offsets = [0], sizes = [1], strides = [1]} : vector<16xf32> to vector<1xf32>
    %squeeze3A_669 = vector.extract %slice3A_668[0] : f32 from vector<1xf32>
    %broadcast_in_dim3A_670 = vector.broadcast %squeeze3A_669 : f32 to vector<16xf32>
    %parallel_loop3A_671 = arith.constant 0 : i32
    %parallel_loop3A_672 = arith.constant 4096 : i32
    %parallel_loop3A_673 = arith.constant 16 : i32
    scf.for %parallel_loop3A_795 = %parallel_loop3A_671 to %parallel_loop3A_672 step %parallel_loop3A_673  : i32 {
      %parallel_loop3A_796 = arith.index_cast %parallel_loop3A_795 : i32 to index
      %parallel_loop3A_797 = tpu.vector_load %arg9[%parallel_loop3A_796] {strides = array<i32>} : memref<4096xi32, #tpu.memory_space<vmem>>, vector<16xi32>,
      %parallel_loop3A_798 = tpu.vector_load_idx %arg6[%parallel_loop3A_797] : memref<100000xf32, #tpu.memory_space<vmem>>[vector<16xi32>], vector<16xf32>,
      %parallel_loop3A_799 = arith.addf %parallel_loop3A_798, %broadcast_in_dim3A_670 : vector<16xf32>
      %parallel_loop3A_800 = arith.index_cast %parallel_loop3A_795 : i32 to index
      %parallel_loop3A_801 = tpu.vector_load %arg12[%parallel_loop3A_800] {strides = array<i32>} : memref<4096xf32, #tpu.memory_space<vmem>>, vector<16xf32>,
      tpu.vector_store %arg12[%parallel_loop3A_800], %parallel_loop3A_799 {strides = array<i32>} : memref<4096xf32, #tpu.memory_space<vmem>>, vector<16xf32>,
    } {sc.loop_unroll_factor = 8 : i64, sc.parallel_access}
    %dma_start3A_674 = arith.constant 196 : i32
    %dma_start3A_675 = arith.constant 0 : i32
    %dma_start3A_676 = tpu.memref_slice %arg5[%dma_start3A_674, %add3A_389, %dma_start3A_675] : memref<200x64x4096xf32, #tpu.memory_space<hbm>> -> memref<1x1x4096xf32, #tpu.memory_space<hbm>>
    %dma_start3A_677 = tpu.memref_squeeze %dma_start3A_676 : memref<1x1x4096xf32, #tpu.memory_space<hbm>> -> memref<4096xf32, #tpu.memory_space<hbm>>
    %dma_start3A_678 = arith.constant 0 : i32
    %dma_start3A_679 = tpu.memref_slice %arg5[%dma_start3A_674, %add3A_389, %dma_start3A_678] : memref<200x64x4096xf32, #tpu.memory_space<hbm>> -> memref<1x1x4096xf32, #tpu.memory_space<hbm>>
    %dma_start3A_680 = tpu.memref_squeeze %dma_start3A_679 : memref<1x1x4096xf32, #tpu.memory_space<hbm>> -> memref<4096xf32, #tpu.memory_space<hbm>>
    tpu.enqueue_dma source(%arg12 : memref<4096xf32, #tpu.memory_space<vmem>>) target(%dma_start3A_680 : memref<4096xf32, #tpu.memory_space<hbm>>) target_semaphore(%arg17 : memref<!tpu.dma_semaphore, #tpu.memory_space<semaphore_mem>>)
    %dma_start3A_681 = arith.constant 1 : i32
    %dma_start3A_682 = arith.constant 9 : i32
    %dma_start3A_683 = arith.constant 0 : i32
    %dma_start3A_684 = tpu.memref_slice %arg8[%dma_start3A_681, %dma_start3A_682, %dma_start3A_683] : memref<2x10x4096xi32, #tpu.memory_space<vmem_shared>> -> memref<1x1x4096xi32, #tpu.memory_space<vmem_shared>>
    %dma_start3A_685 = tpu.memref_squeeze %dma_start3A_684 : memref<1x1x4096xi32, #tpu.memory_space<vmem_shared>> -> memref<4096xi32, #tpu.memory_space<vmem_shared>>
    %dma_start3A_686 = arith.constant 0 : i32
    %dma_start3A_687 = tpu.memref_slice %arg8[%dma_start3A_681, %dma_start3A_682, %dma_start3A_686] : memref<2x10x4096xi32, #tpu.memory_space<vmem_shared>> -> memref<1x1x4096xi32, #tpu.memory_space<vmem_shared>>
    %dma_start3A_688 = tpu.memref_squeeze %dma_start3A_687 : memref<1x1x4096xi32, #tpu.memory_space<vmem_shared>> -> memref<4096xi32, #tpu.memory_space<vmem_shared>>
    tpu.enqueue_dma source(%dma_start3A_688 : memref<4096xi32, #tpu.memory_space<vmem_shared>>) target(%arg9 : memref<4096xi32, #tpu.memory_space<vmem>>) target_semaphore(%arg14 : memref<!tpu.dma_semaphore, #tpu.memory_space<semaphore_mem>>)
    %dma_wait3A_689 = arith.constant 1 : i32
    %dma_wait3A_690 = arith.constant 7 : i32
    %dma_wait3A_691 = arith.constant 0 : i32
    %dma_wait3A_692 = tpu.memref_slice %arg8[%dma_wait3A_689, %dma_wait3A_690, %dma_wait3A_691] : memref<2x10x4096xi32, #tpu.memory_space<vmem_shared>> -> memref<1x1x4096xi32, #tpu.memory_space<vmem_shared>>
    %dma_wait3A_693 = tpu.memref_squeeze %dma_wait3A_692 : memref<1x1x4096xi32, #tpu.memory_space<vmem_shared>> -> memref<4096xi32, #tpu.memory_space<vmem_shared>>
    %dma_wait3A_694 = arith.constant 0 : i32
    %dma_wait3A_695 = tpu.memref_slice %arg8[%dma_wait3A_689, %dma_wait3A_690, %dma_wait3A_694] : memref<2x10x4096xi32, #tpu.memory_space<vmem_shared>> -> memref<1x1x4096xi32, #tpu.memory_space<vmem_shared>>
    %dma_wait3A_696 = tpu.memref_squeeze %dma_wait3A_695 : memref<1x1x4096xi32, #tpu.memory_space<vmem_shared>> -> memref<4096xi32, #tpu.memory_space<vmem_shared>>
    tpu.wait_dma2 semaphore(%arg15 : memref<!tpu.dma_semaphore, #tpu.memory_space<semaphore_mem>>) src(%dma_wait3A_696 : memref<4096xi32, #tpu.memory_space<vmem_shared>>) dst(%arg10 : memref<4096xi32, #tpu.memory_space<vmem>>)
    %dma_wait3A_697 = arith.constant 195 : i32
    %dma_wait3A_698 = arith.constant 0 : i32
    %dma_wait3A_699 = tpu.memref_slice %arg5[%dma_wait3A_697, %add3A_389, %dma_wait3A_698] : memref<200x64x4096xf32, #tpu.memory_space<hbm>> -> memref<1x1x4096xf32, #tpu.memory_space<hbm>>
    %dma_wait3A_700 = tpu.memref_squeeze %dma_wait3A_699 : memref<1x1x4096xf32, #tpu.memory_space<hbm>> -> memref<4096xf32, #tpu.memory_space<hbm>>
    %dma_wait3A_701 = arith.constant 0 : i32
    %dma_wait3A_702 = tpu.memref_slice %arg5[%dma_wait3A_697, %add3A_389, %dma_wait3A_701] : memref<200x64x4096xf32, #tpu.memory_space<hbm>> -> memref<1x1x4096xf32, #tpu.memory_space<hbm>>
    %dma_wait3A_703 = tpu.memref_squeeze %dma_wait3A_702 : memref<1x1x4096xf32, #tpu.memory_space<hbm>> -> memref<4096xf32, #tpu.memory_space<hbm>>
    tpu.wait_dma2 semaphore(%arg18 : memref<!tpu.dma_semaphore, #tpu.memory_space<semaphore_mem>>) src(%arg13 : memref<4096xf32, #tpu.memory_space<vmem>>) dst(%dma_wait3A_703 : memref<4096xf32, #tpu.memory_space<hbm>>)
    %get3A_704 = arith.constant 197 : index
    %get3A_705 = tpu.vector_load %arg7[%get3A_704] {strides = array<i32>} : memref<216xf32, #tpu.memory_space<vmem>>, vector<16xf32>,
    %slice3A_706 = vector.extract_strided_slice %get3A_705 {offsets = [0], sizes = [1], strides = [1]} : vector<16xf32> to vector<1xf32>
    %squeeze3A_707 = vector.extract %slice3A_706[0] : f32 from vector<1xf32>
    %broadcast_in_dim3A_708 = vector.broadcast %squeeze3A_707 : f32 to vector<16xf32>
    %parallel_loop3A_709 = arith.constant 0 : i32
    %parallel_loop3A_710 = arith.constant 4096 : i32
    %parallel_loop3A_711 = arith.constant 16 : i32
    scf.for %parallel_loop3A_795 = %parallel_loop3A_709 to %parallel_loop3A_710 step %parallel_loop3A_711  : i32 {
      %parallel_loop3A_796 = arith.index_cast %parallel_loop3A_795 : i32 to index
      %parallel_loop3A_797 = tpu.vector_load %arg10[%parallel_loop3A_796] {strides = array<i32>} : memref<4096xi32, #tpu.memory_space<vmem>>, vector<16xi32>,
      %parallel_loop3A_798 = tpu.vector_load_idx %arg6[%parallel_loop3A_797] : memref<100000xf32, #tpu.memory_space<vmem>>[vector<16xi32>], vector<16xf32>,
      %parallel_loop3A_799 = arith.addf %parallel_loop3A_798, %broadcast_in_dim3A_708 : vector<16xf32>
      %parallel_loop3A_800 = arith.index_cast %parallel_loop3A_795 : i32 to index
      %parallel_loop3A_801 = tpu.vector_load %arg13[%parallel_loop3A_800] {strides = array<i32>} : memref<4096xf32, #tpu.memory_space<vmem>>, vector<16xf32>,
      tpu.vector_store %arg13[%parallel_loop3A_800], %parallel_loop3A_799 {strides = array<i32>} : memref<4096xf32, #tpu.memory_space<vmem>>, vector<16xf32>,
    } {sc.loop_unroll_factor = 8 : i64, sc.parallel_access}
    %dma_start3A_712 = arith.constant 197 : i32
    %dma_start3A_713 = arith.constant 0 : i32
    %dma_start3A_714 = tpu.memref_slice %arg5[%dma_start3A_712, %add3A_389, %dma_start3A_713] : memref<200x64x4096xf32, #tpu.memory_space<hbm>> -> memref<1x1x4096xf32, #tpu.memory_space<hbm>>
    %dma_start3A_715 = tpu.memref_squeeze %dma_start3A_714 : memref<1x1x4096xf32, #tpu.memory_space<hbm>> -> memref<4096xf32, #tpu.memory_space<hbm>>
    %dma_start3A_716 = arith.constant 0 : i32
    %dma_start3A_717 = tpu.memref_slice %arg5[%dma_start3A_712, %add3A_389, %dma_start3A_716] : memref<200x64x4096xf32, #tpu.memory_space<hbm>> -> memref<1x1x4096xf32, #tpu.memory_space<hbm>>
    %dma_start3A_718 = tpu.memref_squeeze %dma_start3A_717 : memref<1x1x4096xf32, #tpu.memory_space<hbm>> -> memref<4096xf32, #tpu.memory_space<hbm>>
    tpu.enqueue_dma source(%arg13 : memref<4096xf32, #tpu.memory_space<vmem>>) target(%dma_start3A_718 : memref<4096xf32, #tpu.memory_space<hbm>>) target_semaphore(%arg18 : memref<!tpu.dma_semaphore, #tpu.memory_space<semaphore_mem>>)
    %dma_wait3A_719 = arith.constant 1 : i32
    %dma_wait3A_720 = arith.constant 8 : i32
    %dma_wait3A_721 = arith.constant 0 : i32
    %dma_wait3A_722 = tpu.memref_slice %arg8[%dma_wait3A_719, %dma_wait3A_720, %dma_wait3A_721] : memref<2x10x4096xi32, #tpu.memory_space<vmem_shared>> -> memref<1x1x4096xi32, #tpu.memory_space<vmem_shared>>
    %dma_wait3A_723 = tpu.memref_squeeze %dma_wait3A_722 : memref<1x1x4096xi32, #tpu.memory_space<vmem_shared>> -> memref<4096xi32, #tpu.memory_space<vmem_shared>>
    %dma_wait3A_724 = arith.constant 0 : i32
    %dma_wait3A_725 = tpu.memref_slice %arg8[%dma_wait3A_719, %dma_wait3A_720, %dma_wait3A_724] : memref<2x10x4096xi32, #tpu.memory_space<vmem_shared>> -> memref<1x1x4096xi32, #tpu.memory_space<vmem_shared>>
    %dma_wait3A_726 = tpu.memref_squeeze %dma_wait3A_725 : memref<1x1x4096xi32, #tpu.memory_space<vmem_shared>> -> memref<4096xi32, #tpu.memory_space<vmem_shared>>
    tpu.wait_dma2 semaphore(%arg16 : memref<!tpu.dma_semaphore, #tpu.memory_space<semaphore_mem>>) src(%dma_wait3A_726 : memref<4096xi32, #tpu.memory_space<vmem_shared>>) dst(%arg11 : memref<4096xi32, #tpu.memory_space<vmem>>)
    %dma_wait3A_727 = arith.constant 196 : i32
    %dma_wait3A_728 = arith.constant 0 : i32
    %dma_wait3A_729 = tpu.memref_slice %arg5[%dma_wait3A_727, %add3A_389, %dma_wait3A_728] : memref<200x64x4096xf32, #tpu.memory_space<hbm>> -> memref<1x1x4096xf32, #tpu.memory_space<hbm>>
    %dma_wait3A_730 = tpu.memref_squeeze %dma_wait3A_729 : memref<1x1x4096xf32, #tpu.memory_space<hbm>> -> memref<4096xf32, #tpu.memory_space<hbm>>
    %dma_wait3A_731 = arith.constant 0 : i32
    %dma_wait3A_732 = tpu.memref_slice %arg5[%dma_wait3A_727, %add3A_389, %dma_wait3A_731] : memref<200x64x4096xf32, #tpu.memory_space<hbm>> -> memref<1x1x4096xf32, #tpu.memory_space<hbm>>
    %dma_wait3A_733 = tpu.memref_squeeze %dma_wait3A_732 : memref<1x1x4096xf32, #tpu.memory_space<hbm>> -> memref<4096xf32, #tpu.memory_space<hbm>>
    tpu.wait_dma2 semaphore(%arg17 : memref<!tpu.dma_semaphore, #tpu.memory_space<semaphore_mem>>) src(%arg12 : memref<4096xf32, #tpu.memory_space<vmem>>) dst(%dma_wait3A_733 : memref<4096xf32, #tpu.memory_space<hbm>>)
    %get3A_734 = arith.constant 198 : index
    %get3A_735 = tpu.vector_load %arg7[%get3A_734] {strides = array<i32>} : memref<216xf32, #tpu.memory_space<vmem>>, vector<16xf32>,
    %slice3A_736 = vector.extract_strided_slice %get3A_735 {offsets = [0], sizes = [1], strides = [1]} : vector<16xf32> to vector<1xf32>
    %squeeze3A_737 = vector.extract %slice3A_736[0] : f32 from vector<1xf32>
    %broadcast_in_dim3A_738 = vector.broadcast %squeeze3A_737 : f32 to vector<16xf32>
    %parallel_loop3A_739 = arith.constant 0 : i32
    %parallel_loop3A_740 = arith.constant 4096 : i32
    %parallel_loop3A_741 = arith.constant 16 : i32
    scf.for %parallel_loop3A_795 = %parallel_loop3A_739 to %parallel_loop3A_740 step %parallel_loop3A_741  : i32 {
      %parallel_loop3A_796 = arith.index_cast %parallel_loop3A_795 : i32 to index
      %parallel_loop3A_797 = tpu.vector_load %arg11[%parallel_loop3A_796] {strides = array<i32>} : memref<4096xi32, #tpu.memory_space<vmem>>, vector<16xi32>,
      %parallel_loop3A_798 = tpu.vector_load_idx %arg6[%parallel_loop3A_797] : memref<100000xf32, #tpu.memory_space<vmem>>[vector<16xi32>], vector<16xf32>,
      %parallel_loop3A_799 = arith.addf %parallel_loop3A_798, %broadcast_in_dim3A_738 : vector<16xf32>
      %parallel_loop3A_800 = arith.index_cast %parallel_loop3A_795 : i32 to index
      %parallel_loop3A_801 = tpu.vector_load %arg12[%parallel_loop3A_800] {strides = array<i32>} : memref<4096xf32, #tpu.memory_space<vmem>>, vector<16xf32>,
      tpu.vector_store %arg12[%parallel_loop3A_800], %parallel_loop3A_799 {strides = array<i32>} : memref<4096xf32, #tpu.memory_space<vmem>>, vector<16xf32>,
    } {sc.loop_unroll_factor = 8 : i64, sc.parallel_access}
    %dma_start3A_742 = arith.constant 198 : i32
    %dma_start3A_743 = arith.constant 0 : i32
    %dma_start3A_744 = tpu.memref_slice %arg5[%dma_start3A_742, %add3A_389, %dma_start3A_743] : memref<200x64x4096xf32, #tpu.memory_space<hbm>> -> memref<1x1x4096xf32, #tpu.memory_space<hbm>>
    %dma_start3A_745 = tpu.memref_squeeze %dma_start3A_744 : memref<1x1x4096xf32, #tpu.memory_space<hbm>> -> memref<4096xf32, #tpu.memory_space<hbm>>
    %dma_start3A_746 = arith.constant 0 : i32
    %dma_start3A_747 = tpu.memref_slice %arg5[%dma_start3A_742, %add3A_389, %dma_start3A_746] : memref<200x64x4096xf32, #tpu.memory_space<hbm>> -> memref<1x1x4096xf32, #tpu.memory_space<hbm>>
    %dma_start3A_748 = tpu.memref_squeeze %dma_start3A_747 : memref<1x1x4096xf32, #tpu.memory_space<hbm>> -> memref<4096xf32, #tpu.memory_space<hbm>>
    tpu.enqueue_dma source(%arg12 : memref<4096xf32, #tpu.memory_space<vmem>>) target(%dma_start3A_748 : memref<4096xf32, #tpu.memory_space<hbm>>) target_semaphore(%arg17 : memref<!tpu.dma_semaphore, #tpu.memory_space<semaphore_mem>>)
    %dma_wait3A_749 = arith.constant 1 : i32
    %dma_wait3A_750 = arith.constant 9 : i32
    %dma_wait3A_751 = arith.constant 0 : i32
    %dma_wait3A_752 = tpu.memref_slice %arg8[%dma_wait3A_749, %dma_wait3A_750, %dma_wait3A_751] : memref<2x10x4096xi32, #tpu.memory_space<vmem_shared>> -> memref<1x1x4096xi32, #tpu.memory_space<vmem_shared>>
    %dma_wait3A_753 = tpu.memref_squeeze %dma_wait3A_752 : memref<1x1x4096xi32, #tpu.memory_space<vmem_shared>> -> memref<4096xi32, #tpu.memory_space<vmem_shared>>
    %dma_wait3A_754 = arith.constant 0 : i32
    %dma_wait3A_755 = tpu.memref_slice %arg8[%dma_wait3A_749, %dma_wait3A_750, %dma_wait3A_754] : memref<2x10x4096xi32, #tpu.memory_space<vmem_shared>> -> memref<1x1x4096xi32, #tpu.memory_space<vmem_shared>>
    %dma_wait3A_756 = tpu.memref_squeeze %dma_wait3A_755 : memref<1x1x4096xi32, #tpu.memory_space<vmem_shared>> -> memref<4096xi32, #tpu.memory_space<vmem_shared>>
    tpu.wait_dma2 semaphore(%arg14 : memref<!tpu.dma_semaphore, #tpu.memory_space<semaphore_mem>>) src(%dma_wait3A_756 : memref<4096xi32, #tpu.memory_space<vmem_shared>>) dst(%arg9 : memref<4096xi32, #tpu.memory_space<vmem>>)
    %dma_wait3A_757 = arith.constant 197 : i32
    %dma_wait3A_758 = arith.constant 0 : i32
    %dma_wait3A_759 = tpu.memref_slice %arg5[%dma_wait3A_757, %add3A_389, %dma_wait3A_758] : memref<200x64x4096xf32, #tpu.memory_space<hbm>> -> memref<1x1x4096xf32, #tpu.memory_space<hbm>>
    %dma_wait3A_760 = tpu.memref_squeeze %dma_wait3A_759 : memref<1x1x4096xf32, #tpu.memory_space<hbm>> -> memref<4096xf32, #tpu.memory_space<hbm>>
    %dma_wait3A_761 = arith.constant 0 : i32
    %dma_wait3A_762 = tpu.memref_slice %arg5[%dma_wait3A_757, %add3A_389, %dma_wait3A_761] : memref<200x64x4096xf32, #tpu.memory_space<hbm>> -> memref<1x1x4096xf32, #tpu.memory_space<hbm>>
    %dma_wait3A_763 = tpu.memref_squeeze %dma_wait3A_762 : memref<1x1x4096xf32, #tpu.memory_space<hbm>> -> memref<4096xf32, #tpu.memory_space<hbm>>
    tpu.wait_dma2 semaphore(%arg18 : memref<!tpu.dma_semaphore, #tpu.memory_space<semaphore_mem>>) src(%arg13 : memref<4096xf32, #tpu.memory_space<vmem>>) dst(%dma_wait3A_763 : memref<4096xf32, #tpu.memory_space<hbm>>)
    %get3A_764 = arith.constant 199 : index
    %get3A_765 = tpu.vector_load %arg7[%get3A_764] {strides = array<i32>} : memref<216xf32, #tpu.memory_space<vmem>>, vector<16xf32>,
    %slice3A_766 = vector.extract_strided_slice %get3A_765 {offsets = [0], sizes = [1], strides = [1]} : vector<16xf32> to vector<1xf32>
    %squeeze3A_767 = vector.extract %slice3A_766[0] : f32 from vector<1xf32>
    %broadcast_in_dim3A_768 = vector.broadcast %squeeze3A_767 : f32 to vector<16xf32>
    %parallel_loop3A_769 = arith.constant 0 : i32
    %parallel_loop3A_770 = arith.constant 4096 : i32
    %parallel_loop3A_771 = arith.constant 16 : i32
    scf.for %parallel_loop3A_795 = %parallel_loop3A_769 to %parallel_loop3A_770 step %parallel_loop3A_771  : i32 {
      %parallel_loop3A_796 = arith.index_cast %parallel_loop3A_795 : i32 to index
      %parallel_loop3A_797 = tpu.vector_load %arg9[%parallel_loop3A_796] {strides = array<i32>} : memref<4096xi32, #tpu.memory_space<vmem>>, vector<16xi32>,
      %parallel_loop3A_798 = tpu.vector_load_idx %arg6[%parallel_loop3A_797] : memref<100000xf32, #tpu.memory_space<vmem>>[vector<16xi32>], vector<16xf32>,
      %parallel_loop3A_799 = arith.addf %parallel_loop3A_798, %broadcast_in_dim3A_768 : vector<16xf32>
      %parallel_loop3A_800 = arith.index_cast %parallel_loop3A_795 : i32 to index
      %parallel_loop3A_801 = tpu.vector_load %arg13[%parallel_loop3A_800] {strides = array<i32>} : memref<4096xf32, #tpu.memory_space<vmem>>, vector<16xf32>,
      tpu.vector_store %arg13[%parallel_loop3A_800], %parallel_loop3A_799 {strides = array<i32>} : memref<4096xf32, #tpu.memory_space<vmem>>, vector<16xf32>,
    } {sc.loop_unroll_factor = 8 : i64, sc.parallel_access}
    %dma_start3A_772 = arith.constant 199 : i32
    %dma_start3A_773 = arith.constant 0 : i32
    %dma_start3A_774 = tpu.memref_slice %arg5[%dma_start3A_772, %add3A_389, %dma_start3A_773] : memref<200x64x4096xf32, #tpu.memory_space<hbm>> -> memref<1x1x4096xf32, #tpu.memory_space<hbm>>
    %dma_start3A_775 = tpu.memref_squeeze %dma_start3A_774 : memref<1x1x4096xf32, #tpu.memory_space<hbm>> -> memref<4096xf32, #tpu.memory_space<hbm>>
    %dma_start3A_776 = arith.constant 0 : i32
    %dma_start3A_777 = tpu.memref_slice %arg5[%dma_start3A_772, %add3A_389, %dma_start3A_776] : memref<200x64x4096xf32, #tpu.memory_space<hbm>> -> memref<1x1x4096xf32, #tpu.memory_space<hbm>>
    %dma_start3A_778 = tpu.memref_squeeze %dma_start3A_777 : memref<1x1x4096xf32, #tpu.memory_space<hbm>> -> memref<4096xf32, #tpu.memory_space<hbm>>
    tpu.enqueue_dma source(%arg13 : memref<4096xf32, #tpu.memory_space<vmem>>) target(%dma_start3A_778 : memref<4096xf32, #tpu.memory_space<hbm>>) target_semaphore(%arg18 : memref<!tpu.dma_semaphore, #tpu.memory_space<semaphore_mem>>)
    %dma_wait3A_779 = arith.constant 0 : i32
    %dma_wait3A_780 = arith.constant 0 : i32
    %dma_wait3A_781 = arith.constant 0 : i32
    %dma_wait3A_782 = tpu.memref_slice %arg5[%dma_wait3A_779, %dma_wait3A_780, %dma_wait3A_781] : memref<200x64x4096xf32, #tpu.memory_space<hbm>> -> memref<1x1x4096xf32, #tpu.memory_space<hbm>>
    %dma_wait3A_783 = tpu.memref_squeeze %dma_wait3A_782 : memref<1x1x4096xf32, #tpu.memory_space<hbm>> -> memref<4096xf32, #tpu.memory_space<hbm>>
    %dma_wait3A_784 = arith.constant 0 : i32
    %dma_wait3A_785 = tpu.memref_slice %arg5[%dma_wait3A_779, %dma_wait3A_780, %dma_wait3A_784] : memref<200x64x4096xf32, #tpu.memory_space<hbm>> -> memref<1x1x4096xf32, #tpu.memory_space<hbm>>
    %dma_wait3A_786 = tpu.memref_squeeze %dma_wait3A_785 : memref<1x1x4096xf32, #tpu.memory_space<hbm>> -> memref<4096xf32, #tpu.memory_space<hbm>>
    tpu.wait_dma2 semaphore(%arg17 : memref<!tpu.dma_semaphore, #tpu.memory_space<semaphore_mem>>) src(%arg12 : memref<4096xf32, #tpu.memory_space<vmem>>) dst(%dma_wait3A_786 : memref<4096xf32, #tpu.memory_space<hbm>>)
    %dma_wait3A_787 = arith.constant 0 : i32
    %dma_wait3A_788 = arith.constant 0 : i32
    %dma_wait3A_789 = arith.constant 0 : i32
    %dma_wait3A_790 = tpu.memref_slice %arg5[%dma_wait3A_787, %dma_wait3A_788, %dma_wait3A_789] : memref<200x64x4096xf32, #tpu.memory_space<hbm>> -> memref<1x1x4096xf32, #tpu.memory_space<hbm>>
    %dma_wait3A_791 = tpu.memref_squeeze %dma_wait3A_790 : memref<1x1x4096xf32, #tpu.memory_space<hbm>> -> memref<4096xf32, #tpu.memory_space<hbm>>
    %dma_wait3A_792 = arith.constant 0 : i32
    %dma_wait3A_793 = tpu.memref_slice %arg5[%dma_wait3A_787, %dma_wait3A_788, %dma_wait3A_792] : memref<200x64x4096xf32, #tpu.memory_space<hbm>> -> memref<1x1x4096xf32, #tpu.memory_space<hbm>>
    %dma_wait3A_794 = tpu.memref_squeeze %dma_wait3A_793 : memref<1x1x4096xf32, #tpu.memory_space<hbm>> -> memref<4096xf32, #tpu.memory_space<hbm>>
    tpu.wait_dma2 semaphore(%arg18 : memref<!tpu.dma_semaphore, #tpu.memory_space<semaphore_mem>>) src(%arg13 : memref<4096xf32, #tpu.memory_space<vmem>>) dst(%dma_wait3A_794 : memref<4096xf32, #tpu.memory_space<hbm>>)
    return
  }
}

</mosaic_0001>

<sc_bundles>
// kernel: kernel.3.cloned.1.call-start
scs
__scs_entry_jumppad:
0x0: {  	(pc) =	sbr.rel $0x88, $3  }
0x1: {  	(tag) =	ssettag $0x0;
	lr =	simm.s32 $0x1  }
0x2: {  	[smem:$0x3F9E] =	sst lr;
	_ =	strace $0xD0000000  }
0x3: {  	_ = 	snop  }
0x4: {  	_ = 	snop  }
0x5: {  	_ = 	snop  }
0x6: {  	_ = 	snop  }
0x7: {  	_ = 	snop  }
__scs_overlays_trampoline_lowered:
0x8: {  	[smem:$0x3FAD] =	sst s0  }
0x9: {  	[smem:$0x3FAE] =	sst s1  }
0xa: {  	[smem:$0x3FAF] =	sst s2  }
0xb: {  	[smem:$0x3FB0] =	sst s3  }
0xc: {  	[smem:$0x3FB1] =	sst s4  }
0xd: {  	[smem:$0x3FB2] =	sst s5  }
0xe: {  	[smem:$0x3FB3] =	sst s6  }
0xf: {  	[smem:$0x3FB4] =	sst s7  }
0x10: {  	[smem:$0x3FB5] =	sst s8  }
0x11: {  	[smem:$0x3FB6] =	sst s9;
	s0 =	simm.s32 @!p0 $0x0  }
0x12: {  	s1 =	sld [smem:$0x3F9C];
	s0 =	simm.s32 @p0 $0x1  }
0x13: {  	[smem:$0x3FB7] =	sst s0;
	s0 =	simm.s32 @!p1 $0x0  }
0x14: {  	s2 =	sld [smem:$0x3F9B];
	s0 =	simm.s32 @p1 $0x1  }
0x15: {  	[smem:$0x3FB8] =	sst s0;
	s0 =	simm.s32 @!p2 $0x0  }
0x16: {  	s3 =	sld [smem:$0x3FDB];
	s0 =	simm.s32 @p2 $0x1  }
0x17: {  	s4 =	simm.s32 $0x1BF5;
	[smem:$0x3FBA] =	sst s0  }
0x18: {  	s0 =	sld [smem:$0x3F9D];
	_ =	swait.ge [sflag:s4], $0x0  }
0x19: {  	s7 =	sld [smem:$0x3F9E]  }
0x1a: {  	s8 =	sadd.s32 $0xFFFFE003, lr  }
0x1b: {  	s9 =	sadd.s32 $0xFFFFFEF7, lr;
	s5 =	simm.s32 $0xFFFFFFFF;
	p2 =	slt.u32 s8, $0xFFFFF086  }
0x1c: {  	p1 =	slt.u32 s9, $0xF7A;
	s5 =	simm.s32 @!p2 $0x0  }
0x1d: {  	s5 =	simm.s32 @p1 $0x1;
	p0 =	seq.s32 s7, s2  }
0x1e: {  	s7 =	smul.u32 @!p0 $0xF7A, s2;
	p2 =	seq.s32 @!p0 s5, $0x0  }
0x1f: {  	s9 =	smul.u32 $0xF7A, s1;
	s8 =	simm.s32 @!p0 $0x1BF5;
	p2 =	por !p2, p0  }
0x20: {  	[sflag:s8] =	ssyncset.s32 @!p0 $0xFFFFF086;
	s6 =	sadd.s32 @!p0 s3, s7;
	s7 =	simm.s32 @!p0 $0x108  }
0x21: {  	s3 =	sadd.s32 s3, s9;
	s6 =	sadd.s32 @!p0 $0x88, s6;
	s7 =	simm.s32 @p2 $0x1082  }
0x22: {  	[simem:s7], [sflag:s8] =	dma.local @!p0 [hbm:s6], $0xF7A  }
0x23: {  	s9 =	sor.u32 $0xD0000000, s2;
	s6 =	simm.s32 $0x108;
	_ =	swait.ge @!p0 [sflag:s8], $0x0  }
0x24: {  	s3 =	sadd.s32 $0x88, s3;
	s6 =	simm.s32 @!p1 $0x1082;
	[sflag:s4] =	ssyncset.s32 $0xFFFFF086  }
0x25: {  	[simem:s6], [sflag:s4] =	dma.local [hbm:s3], $0xF7A  }
0x26: {  	[smem:$0x3F9E] =	sst s1;
	(tag) =	ssettag s2;
	_ =	strace s9  }
0x27: {  	s1 =	sld [smem:$0x3FAE]  }
0x28: {  	s2 =	sld [smem:$0x3FAF]  }
0x29: {  	s4 =	sld [smem:$0x3FB1]  }
0x2a: {  	p0 =	seq.s32 s5, $0x0;
	s5 =	sld [smem:$0x3FB2]  }
0x2b: {  	s6 =	sld [smem:$0x3FB3]  }
0x2c: {  	s7 =	sld [smem:$0x3FB4]  }
0x2d: {  	s3 =	simm.s32 $0x108;
	s8 =	sld [smem:$0x3FB5]  }
0x2e: {  	s3 =	simm.s32 @!p0 $0x1082;
	s9 =	sld [smem:$0x3FB6]  }
0x2f: {  	lr =	sadd.s32 s0, s3;
	s0 =	sld [smem:$0x3FAD]  }
0x30: {  	s3 =	sld [smem:$0x3FB0]  }
0x31: {  	[smem:$0x3FB9] =	sst s10  }
0x32: {  	s10 =	sld [smem:$0x3FB7];
	_ =	sdelay $0x3  }
0x33: {  	p0 =	seq.s32 s10, $0x1;
	s10 =	sld [smem:$0x3FB9];
	_ =	sdelay $0x3  }
0x34: {  	[smem:$0x3FB9] =	sst s10  }
0x35: {  	s10 =	sld [smem:$0x3FB8];
	_ =	sdelay $0x3  }
0x36: {  	p1 =	seq.s32 s10, $0x1;
	s10 =	sld [smem:$0x3FB9];
	_ =	sdelay $0x3  }
0x37: {  	[smem:$0x3FB9] =	sst s10  }
0x38: {  	s10 =	sld [smem:$0x3FBA]  }
0x39: {  	_ = 	snop;
	(pc) =	sbr.ind lr, $3  }
0x3a: {  	_ = 	snop  }
0x3b: {  	_ = 	snop  }
0x3c: {  	p2 =	seq.s32 s10, $0x1;
	s10 =	sld [smem:$0x3FB9]  }
0x3d: {  	_ =	shalt  }
0x3e: {  	_ =	shalt  }
0x3f: {  	_ =	shalt  }
0x40: {  	_ =	shalt  }
0x41: {  	_ =	shalt  }
0x42: {  	_ =	shalt  }
0x43: {  	_ =	shalt  }
0x44: {  	_ =	shalt  }
0x45: {  	_ =	shalt  }
0x46: {  	_ =	shalt  }
0x47: {  	_ =	shalt  }
0x48: {  	_ =	shalt  }
0x49: {  	_ =	shalt  }
0x4a: {  	_ =	shalt  }
0x4b: {  	_ =	shalt  }
0x4c: {  	_ =	shalt  }
0x4d: {  	_ =	shalt  }
0x4e: {  	_ =	shalt  }
0x4f: {  	_ =	shalt  }
0x50: {  	_ =	shalt  }
0x51: {  	_ =	shalt  }
0x52: {  	_ =	shalt  }
0x53: {  	_ =	shalt  }
0x54: {  	_ =	shalt  }
0x55: {  	_ =	shalt  }
0x56: {  	_ =	shalt  }
0x57: {  	_ =	shalt  }
0x58: {  	_ =	shalt  }
0x59: {  	_ =	shalt  }
0x5a: {  	_ =	shalt  }
0x5b: {  	_ =	shalt  }
0x5c: {  	_ =	shalt  }
0x5d: {  	_ =	shalt  }
0x5e: {  	_ =	shalt  }
0x5f: {  	_ =	shalt  }
0x60: {  	_ =	shalt  }
0x61: {  	_ =	shalt  }
0x62: {  	_ =	shalt  }
0x63: {  	_ =	shalt  }
0x64: {  	_ =	shalt  }
0x65: {  	_ =	shalt  }
0x66: {  	_ =	shalt  }
0x67: {  	_ =	shalt  }
0x68: {  	_ =	shalt  }
0x69: {  	_ =	shalt  }
0x6a: {  	_ =	shalt  }
0x6b: {  	_ =	shalt  }
0x6c: {  	_ =	shalt  }
0x6d: {  	_ =	shalt  }
0x6e: {  	_ =	shalt  }
0x6f: {  	_ =	shalt  }
0x70: {  	_ =	shalt  }
0x71: {  	_ =	shalt  }
0x72: {  	_ =	shalt  }
0x73: {  	_ =	shalt  }
0x74: {  	_ =	shalt  }
0x75: {  	_ =	shalt  }
0x76: {  	_ =	shalt  }
0x77: {  	_ =	shalt  }
0x78: {  	_ =	shalt  }
0x79: {  	_ =	shalt  }
0x7a: {  	_ =	shalt  }
0x7b: {  	_ =	shalt  }
0x7c: {  	_ =	shalt  }
0x7d: {  	_ =	shalt  }
0x7e: {  	_ =	shalt  }
0x7f: {  	_ =	shalt  }
0x80: {  	_ =	shalt  }
0x81: {  	_ =	shalt  }
0x82: {  	_ =	shalt  }
0x83: {  	_ =	shalt  }
0x84: {  	_ =	shalt  }
0x85: {  	_ =	shalt  }
0x86: {  	_ =	shalt  }
0x87: {  	_ =	shalt  }
.Lfunc_end0:
.L_simem_size_0:
called_computation_lowered:
.L_overlay_start_0:
0x88: {  	s2 =	sld [smem:$0x3FD9]  }
0x89: {  	s3 =	sld [smem:$0x3FFE];
	_ =	sdelay $0x1  }
0x8a: {  	s1 =	srdreg.scid  }
0x8b: {  	s0 =	sand.u32 $0x1, s1  }
0x8c: {  	s17 =	sshll.u32 s0, $0xA;
	s2 =	sadd.s32 s3, s2  }
0x8d: {  	s2 =	sadd.s32 s2, s17  }
0x8e: {  	[smem:$0x3FC5] =	sst s2  }
0x8f: {  	_ = 	snop  }
0x90: {  	s2 =	sld [smem:$0x3FD0];
	(tm) =	ssettm $0x1  }
0x91: {  	s18 =	sld [smem:$0x3FFB];
	_ =	sdelay $0x3  }
0x92: {  	_ =	strace s18  }
0x93: {  	s3 =	sld [smem:$0x3FFC];
	_ =	sdelay $0x3  }
0x94: {  	_ =	strace s3  }
0x95: {  	s3 =	sld [smem:$0x3FFD];
	_ =	sdelay $0x3  }
0x96: {  	_ =	strace s3  }
0x97: {  	_ =	strace $0x8FFFFFFF  }
0x98: {  	s19 =	sld [smem:$0x3FDB];
	_ =	sdelay $0x1  }
0x99: {  	s4 =	simm.s32 $_scs_section_size  }
0x9a: {  	s5 =	simm.s32 $_size__tile_overlayer_lowered;
	s6 =	simm.s32 $_tile_overlayer_lowered  }
0x9b: {  	s22 =	simm.s32 $0x1BFF;
	s21 =	sshll.u32 s6, $0x1;
	s3 =	sadd.s32 s4, s19  }
0x9c: {  	s7 =	simm.s32 $0x0;
	s20 =	sshll.u32 s5, $0x1;
	s5 =	sadd.s32 s21, s3  }
0x9d: {  	[timem:s7], [sflag:s22] =	dma.local [hbm:s5], s20  }
0x9e: {  	_ =	swait.ge [sflag:s22], s20  }
0x9f: {  	s4 =	ssub.s32 $0x0, s20;
	[sflag:s22] =	ssyncset.done $0x0  }
0xa0: {  	[sflag:s22] =	ssyncadd.s32 s4;
	_ =	sdelay $0x1  }
0xa1: {  	s23 =	simm.s32 $0x1B8B  }
0xa2: {  	_ =	swait.ge [sflag:s23], $0x1  }
0xa3: {  	[sflag:s23] =	ssyncset.done $0x0  }
0xa4: {  	s25 =	simm.s32 $0x1B8E;
	s24 =	sld [smem:$0x3FFE];
	[sflag:s23] =	ssyncadd.s32 $0xFFFFFFFF  }
0xa5: {  	s26 =	simm.s32 $execute0_lowered;
	[smem:$0x3FD2] =	sst s25  }
0xa6: {  	s5 =	sshll.u32 s26, $0x1;
	_ =	strace $0x80000046;
	[dreg:$0x1] =	wrdreg $0xFFFFFFFF  }
0xa7: {  	s28 =	simm.s32 $_size_execute0_lowered;
	s3 =	sadd.s32 s3, s5;
	[dreg:$0x0] =	wrdreg $0x0  }
0xa8: {  	s5 =	sshll.u32 s28, $0x1;
	[dreg:$0x2] =	wrdreg s3  }
0xa9: {  	[dreg:$0x3] =	wrdreg s5  }
0xaa: {  	[dreg:$0x4] =	wrdreg $0xC0  }
0xab: {  	_ =	task [dreg:s7], $0x5FFFF  }
0xac: {  	[dreg:$0x1] =	wrdreg $0xFFFFFFFF  }
0xad: {  	[dreg:$0x0] =	wrdreg $0x60  }
0xae: {  	[dreg:$0x2] =	wrdreg s24  }
0xaf: {  	[dreg:$0x3] =	wrdreg s2  }
0xb0: {  	[dreg:$0x4] =	wrdreg $0x187780  }
0xb1: {  	[dreg:$0x5] =	wrdreg $0x9  }
0xb2: {  	_ =	task.clear_ibuf [dreg:s7], $0x6FFFF;
	_ =	strace $0x90000046  }
0xb3: {  	s29 =	simm.s32 $0x9;
	_ =	strace $0x80000048  }
0xb4: {  	_ =	swait.ge [sflag:s29], $0x1  }
0xb5: {  	[sflag:s29] =	ssyncadd.s32 $0xFFFFFFFF  }
0xb6: {  	_ =	strace $0x90000048  }
0xb7: {  	_ =	sfence  }
0xb8: {  	s30 =	sld [smem:$0x0];
	_ =	sdelay $0x2  }
0xb9: {  	s31 =	sshll.u32 s1, $0xD;
	s1 =	sshrl.u32 s1, $0x2  }
0xba: {  	s3 =	sand.u32 $0x4000, s31;
	s1 =	sadd.s32 s1, s30  }
0xbb: {  	s0 =	sor.u32 s3, s0;
	s1 =	sshll.u32 s1, $0x11  }
0xbc: {  	s0 =	sor.u32 s1, s0  }
0xbd: {  	s0 =	sadd.s32 $0x8F2B, s0  }
0xbe: {  	[sflag:s0] =	ssyncadd.remote.s32 $0x1  }
0xbf: {  	_ =	sfence.sel $0xFFFF  }
0xc0: {  	[dreg:$0x0] =	wrdreg $0xFFFFFFFF;
	(pc) =	sbr.abs _section_cstart, $3  }
0xc1: {  	[dreg:$0x1] =	wrdreg $0xFFFFFFFF  }
0xc2: {  	_ =	task.clear_ibuf [dreg:s7], $0x2FFFF;
	_ =	strace $0x9FFFFFFF  }
0xc3: {  	(tm) =	ssettm $0x7FFFFFFF  }
tec
execute0_lowered:
.L_overlay_start_1:
0x0: {  	(tag) =	ssettag $0x1  }
0x1: {  	s0 =	rddreg [dreg:$0x0]  }
0x2: {  	s8 =	rddreg [dreg:$0x1]  }
0x3: {  	s1 =	rddreg [dreg:$0x2];
	s2 =	simm.s32 $0x0;
	s5 =	srdreg.scid  }
0x4: {  	s3 =	stileid.u32;
	[smem:$0x7FF] =	sst s2;
	s4 =	sadd.s32 $0xC00, s0  }
0x5: {  	s5 =	sand.u32 $0x1, s5;
	s7 =	sshll.u32 s3, $0x2;
	s9 =	sadd.s32 $0x400, s0  }
0x6: {  	s17 =	sshll.u32 s3, $0xC;
	s6 =	ssub.s32 $0x2, s5;
	s5 =	sshll.u32 s5, $0x1  }
0x7: {  	s18 =	sshll.u32 s3, $0x9;
	_ =	strace $0x80000047;
	s11 =	sor.u32 s5, s7  }
0x8: {  	s10 =	sshrl.u32 s6, $0x1;
	s5 =	sadd.s32 $0x19C00, s0;
	s16 =	smul.u32 $0x30D4, s11  }
0x9: {  	s7 =	sadd.s32 s4, s18;
	s13 =	ssub.s32 s6, s10;
	s12 =	smul.u32 $0x19, s11  }
0xa: {  	s6 =	sadd.s32 s17, s1;
	s14 =	sshll.u32 s11, $0x9;
	s15 =	sor.u32 $0x1, s11  }
0xb: {  	s18 =	sadd.s32 $0x1400, s7;
	s20 =	smul.u32 $0x19, s15;
	s17 =	sshll.u32 s15, $0x9  }
0xc: {  	[dreg:$0x15] =	wrdreg s18;
	s10 =	sadd.s32 s8, s16;
	s19 =	sadd.s32 s9, s12  }
0xd: {  	s12 =	sadd.s32 $0x21C00, s0;
	s21 =	sadd.s32 s17, s5;
	[dreg:$0x4] =	wrdreg s10  }
0xe: {  	s17 =	smax.u32 s13, $0x1;
	[dreg:$0x5] =	wrdreg s19;
	s10 =	sshll.u32 s11, $0xC  }
0xf: {  	s11 =	sadd.s32 s5, s14;
	s14 =	sadd.s32 s14, s12;
	[dreg:$0x13] =	wrdreg s17  }
0x10: {  	s0 =	sadd.s32 s9, s20;
	[dreg:$0x6] =	wrdreg s14  }
0x11: {  	s22 =	sadd.s32 $0x5F0000, s21;
	[dreg:$0x8] =	wrdreg s0  }
0x12: {  	s23 =	sadd.s32 $0x5F8000, s21;
	[dreg:$0x9] =	wrdreg s22  }
0x13: {  	s24 =	sadd.s32 $0x600000, s21;
	[dreg:$0xa] =	wrdreg s23  }
0x14: {  	s25 =	sadd.s32 $0x608000, s21;
	[dreg:$0xb] =	wrdreg s24  }
0x15: {  	s26 =	sadd.s32 $0x610000, s21;
	[dreg:$0xc] =	wrdreg s25  }
0x16: {  	s30 =	sadd.s32 $0x618000, s21;
	[dreg:$0xd] =	wrdreg s26  }
0x17: {  	s31 =	sadd.s32 $0x620000, s21;
	[dreg:$0xe] =	wrdreg s30  }
0x18: {  	s9 =	sadd.s32 $0x628000, s21;
	[dreg:$0xf] =	wrdreg s31  }
0x19: {  	s16 =	smul.u32 $0x30D4, s15;
	s19 =	sadd.s32 $0x1000, s1;
	[dreg:$0x10] =	wrdreg s9  }
0x1a: {  	s20 =	sadd.s32 $0x2000, s1;
	[dreg:$0x16] =	wrdreg s19  }
0x1b: {  	s8 =	sadd.s32 s8, s16;
	[dreg:$0x17] =	wrdreg s20  }
0x1c: {  	s14 =	sadd.s32 $0x630000, s21;
	[dreg:$0x7] =	wrdreg s8  }
0x1d: {  	s16 =	sshll.u32 s15, $0xC;
	s15 =	sadd.s32 $0x638000, s21;
	[dreg:$0x11] =	wrdreg s14  }
0x1e: {  	s21 =	sadd.s32 $0x3000, s1;
	[dreg:$0x12] =	wrdreg s15  }
0x1f: {  	s22 =	sadd.s32 $0x4000, s1;
	[dreg:$0x18] =	wrdreg s21  }
0x20: {  	s23 =	sadd.s32 $0x10000, s11;
	[dreg:$0x19] =	wrdreg s22  }
0x21: {  	s24 =	sadd.s32 $0x5000, s1;
	[dreg:$0x1a] =	wrdreg s23  }
0x22: {  	s25 =	sadd.s32 $0x18000, s11;
	[dreg:$0x1b] =	wrdreg s24  }
0x23: {  	s26 =	sadd.s32 $0x6000, s1;
	[dreg:$0x1c] =	wrdreg s25  }
0x24: {  	s30 =	sadd.s32 $0x20000, s11;
	[dreg:$0x1d] =	wrdreg s26  }
0x25: {  	s31 =	sadd.s32 $0x7000, s1;
	[dreg:$0x1e] =	wrdreg s30  }
0x26: {  	s9 =	sadd.s32 $0x8000, s1;
	[dreg:$0x1f] =	wrdreg s31  }
0x27: {  	s13 =	sadd.s32 $0x30000, s11;
	[smem:$0x7EE] =	sst s9  }
0x28: {  	s17 =	sadd.s32 $0x40000, s11;
	[smem:$0x7EF] =	sst s13  }
0x29: {  	s18 =	sadd.s32 $0x48000, s11;
	[smem:$0x7F2] =	sst s17  }
0x2a: {  	p0 =	sgt.u32 s3, $0x9;
	s19 =	sadd.s32 $0xA000, s1;
	[smem:$0x7F3] =	sst s18  }
0x2b: {  	s0 =	sadd.s32 $0xA000, s6;
	s20 =	sadd.s32 $0xB000, s1;
	[smem:$0x7F4] =	sst s19  }
0x2c: {  	s0 =	sshrl.u32 @!p0 s0, $0x3;
	[smem:$0x7F5] =	sst s20  }
0x2d: {  	s8 =	sadd.s32 $0x28000, s11;
	[dreg:$0x14] =	wrdreg s0  }
0x2e: {  	s14 =	sadd.s32 $0x9000, s1;
	[smem:$0x7ED] =	sst s8  }
0x2f: {  	s15 =	sadd.s32 $0x38000, s11;
	[smem:$0x7F0] =	sst s14  }
0x30: {  	s21 =	sadd.s32 $0xC000, s1;
	[smem:$0x7F1] =	sst s15  }
0x31: {  	s22 =	sadd.s32 $0xD000, s1;
	[smem:$0x7F6] =	sst s21  }
0x32: {  	s23 =	sadd.s32 $0xE000, s1;
	[smem:$0x7F7] =	sst s22  }
0x33: {  	s24 =	sadd.s32 $0xF000, s1;
	[smem:$0x7F8] =	sst s23  }
0x34: {  	s28 =	simm.s32 $0x5;
	s25 =	sadd.s32 $0x10000, s1;
	[smem:$0x7F9] =	sst s24  }
0x35: {  	s29 =	simm.s32 $0x0;
	s26 =	sadd.s32 $0x11000, s1;
	[smem:$0x7FA] =	sst s25  }
0x36: {  	s30 =	sadd.s32 $0x12000, s1;
	s31 =	sadd.s32 $0x13000, s1;
	[smem:$0x7FB] =	sst s26  }
0x37: {  	s17 =	simm.s32 $0x7;
	s18 =	simm.s32 $0x19B78;
	[smem:$0x7FC] =	sst s30  }
0x38: {  	s19 =	simm.s32 $0x1AB78;
	s20 =	simm.s32 $0x1BB78;
	[smem:$0x7FD] =	sst s31  }
0x39: {  	s21 =	simm.s32 $0x1;
	s22 =	simm.s32 $0x1CB78;
	s23 =	simm.s32 $0x2  }
0x3a: {  	s24 =	simm.s32 $0x1DB78;
	s25 =	simm.s32 $0x3;
	s26 =	simm.s32 $0x4  }
.LBB2_1:
0x3b: {  	s0 =	sshll.u32 @!p0 s3, $0x6  }
0x3c: {  	s30 =	sor.u32 @!p0 $0x1C06, s0;
	s0 =	sshrl.u32 @!p0 s6, $0x3  }
0x3d: {  	[spmem:s0], [sflag:s30] =	dma.local @!p0 [hbm:s7], $0x200  }
0x3e: {  	s0 =	simm.s32 @!p0 $0x6  }
0x3f: {  	_ =	swait.ge @!p0 [sflag:s0], $0x200  }
0x40: {  	[sflag:s0] =	ssyncset.done @!p0 $0x0  }
0x41: {  	s13 =	rddreg [dreg:$0x4];
	[sflag:s0] =	ssyncadd.s32 @!p0 $0xFFFFFE00  }
0x42: {  	[tilespmem:s2], [sflag:$0x7] =	stream.linear.gather [hbm4b:s13+s2], $0x186A0, $0x38;
	[tilespmem:$0x1EB78] =	vst v63  }
0x43: {  	_ =	swait.ge [sflag:s17], $0x186A0  }
0x44: {  	[sflag:s17] =	ssyncset.done $0x0  }
0x45: {  	s8 =	simm.s32 $0x186A0;
	s14 =	rddreg [dreg:$0x5];
	[sflag:s17] =	ssyncadd.s32 $0xFFFE7960  }
0x46: {  	[tilespmem:s8], [sflag:$0x7] =	stream.linear.gather [hbm4b:s14+s2], $0xC8, $0x38;
	[tilespmem:$0x1EB78] =	vst v63  }
0x47: {  	_ =	swait.ge [sflag:s17], $0xC8  }
0x48: {  	[sflag:s17] =	ssyncset.done $0x0  }
0x49: {  	[sflag:s17] =	ssyncadd.s32 $0xFFFFFF38  }
0x4a: {  	[bflag:$0x0] =	sbarrier.arrive $0xFFFF  }
0x4b: {  	s0 =	rddreg [dreg:$0x14]  }
0x4c: {  	s8 =	rddreg [dreg:$0x15]  }
0x4d: {  	[spmem:s0], [sflag:s30] =	dma.local @!p0 [hbm:s8], $0x200  }
0x4e: {  	[tilespmem:s18], [sflag:$0x1] =	stream.linear.gather [spmem:s1], $0x1000, $0x38;
	[tilespmem:$0x1EB78] =	vst v63  }
0x4f: {  	s0 =	rddreg [dreg:$0x16]  }
0x50: {  	[tilespmem:s19], [sflag:$0x2] =	stream.linear.gather [spmem:s0], $0x1000, $0x38;
	[tilespmem:$0x1EB78] =	vst v63  }
0x51: {  	s15 =	rddreg [dreg:$0x17]  }
0x52: {  	[tilespmem:s20], [sflag:$0x3] =	stream.linear.gather [spmem:s15], $0x1000, $0x38;
	[tilespmem:$0x1EB78] =	vst v63  }
0x53: {  	_ =	swait.ge [sflag:s21], $0x1000  }
0x54: {  	[sflag:s21] =	ssyncset.done $0x0  }
0x55: {  	[sflag:s21] =	ssyncadd.s32 $0xFFFFF000  }
0x56: {  	s31 =	simm.s32 $0x19BB8;
	v0 =	vld.msk [tilespmem:$0x186A0 ss:$0x0], $0xffff  }
0x57: {  	v1 =	vld [tilespmem:s31+$0x30]  }
0x58: {  	v2 =	vld [tilespmem:s31+$0xFFFFFFD0]  }
0x59: {  	v3 =	vld [tilespmem:s31+$0xFFFFFFE0]  }
0x5a: {  	v4 =	vld [tilespmem:s31+$0xFFFFFFF0]  }
0x5b: {  	v7 =	vld [tilespmem:s31+$0x0]  }
0x5c: {  	v8 =	vld [tilespmem:s31+$0x10]  }
0x5d: {  	v9 =	vld [tilespmem:s31+$0x20]  }
0x5e: {  	v10 =	vld [tilespmem:s31+$0xFFFFFFC0]  }
0x5f: {  	v11 =	vld.idx.msk [tilespmem:v1+s2+$0x0], $0xffff  }
0x60: {  	v12 =	vld.idx.msk [tilespmem:v2+s2+$0x0], $0xffff  }
0x61: {  	v6 =	vld.idx.msk [tilespmem:v3+s2+$0x0], $0xffff  }
0x62: {  	v5 =	vld.idx.msk [tilespmem:v4+s2+$0x0], $0xffff  }
0x63: {  	v4 =	vld.idx.msk [tilespmem:v7+s2+$0x0], $0xffff  }
0x64: {  	v2 =	vld.idx.msk [tilespmem:v8+s2+$0x0], $0xffff  }
0x65: {  	v1 =	vld.idx.msk [tilespmem:v9+s2+$0x0], $0xffff;
	v7 =	vadd.f32 v11, v0  }
0x66: {  	s9 =	simm.s32 $0x19C38;
	s8 =	simm.s32 $0x0;
	s0 =	simm.s32 $0x1CBB8;
	v3 =	vld.idx.msk [tilespmem:v10+s2+$0x0], $0xffff;
	v8 =	vadd.f32 v12, v0  }
.LBB2_2:
0x67: {  	v9 =	vld [tilespmem:s9+$0x30];
	s8 =	sadd.s32 $0x80, s8;
	v6 =	vadd.f32 v6, v0;
	[tilespmem:s0+$0x30] =	vst v7  }
0x68: {  	v5 =	vadd.f32 v5, v0;
	v7 =	vld [tilespmem:s9+$0xFFFFFFD0];
	p1 =	slt.u32 s8, $0xF80;
	[tilespmem:s0+$0xFFFFFFD0] =	vst v8  }
0x69: {  	v4 =	vadd.f32 v4, v0;
	v8 =	vld [tilespmem:s9+$0xFFFFFFE0];
	[tilespmem:s0+$0xFFFFFFE0] =	vst v6  }
0x6a: {  	v2 =	vadd.f32 v2, v0;
	v10 =	vld [tilespmem:s9+$0xFFFFFFF0];
	[tilespmem:s0+$0xFFFFFFF0] =	vst v5  }
0x6b: {  	v1 =	vadd.f32 v1, v0;
	v11 =	vld [tilespmem:s9+$0x0];
	[tilespmem:s0+$0x0] =	vst v4  }
0x6c: {  	v3 =	vadd.f32 v3, v0;
	v12 =	vld [tilespmem:s9+$0x10];
	[tilespmem:s0+$0x10] =	vst v2  }
0x6d: {  	v13 =	vld [tilespmem:s9+$0x20];
	[tilespmem:s0+$0x20] =	vst v1  }
0x6e: {  	v14 =	vld [tilespmem:s9+$0xFFFFFFC0];
	[tilespmem:s0+$0xFFFFFFC0] =	vst v3  }
0x6f: {  	v3 =	vld.idx.msk [tilespmem:v9+s2+$0x0], $0xffff  }
0x70: {  	v9 =	vld.idx.msk [tilespmem:v7+s2+$0x0], $0xffff  }
0x71: {  	v6 =	vld.idx.msk [tilespmem:v8+s2+$0x0], $0xffff  }
.Ltmp0:
0x72: {  	v5 =	vld.idx.msk [tilespmem:v10+s2+$0x0], $0xffff;
	(pc) =	sbr.rel @p1 .LBB2_2-.Ltmp0, $4  }
0x73: {  	v4 =	vld.idx.msk [tilespmem:v11+s2+$0x0], $0xffff  }
0x74: {  	v2 =	vld.idx.msk [tilespmem:v12+s2+$0x0], $0xffff  }
0x75: {  	v7 =	vadd.f32 v3, v0;
	v1 =	vld.idx.msk [tilespmem:v13+s2+$0x0], $0xffff  }
0x76: {  	s9 =	sadd.s32 $0x80, s9;
	s0 =	sadd.s32 $0x80, s0;
	v8 =	vadd.f32 v9, v0;
	v3 =	vld.idx.msk [tilespmem:v14+s2+$0x0], $0xffff  }
0x77: {  	v6 =	vadd.f32 v6, v0;
	[tilespmem:s0+$0x30] =	vst v7  }
0x78: {  	v5 =	vadd.f32 v5, v0;
	[tilespmem:s0+$0xFFFFFFD0] =	vst v8  }
0x79: {  	v4 =	vadd.f32 v4, v0;
	[tilespmem:s0+$0xFFFFFFE0] =	vst v6  }
0x7a: {  	[tilespmem:s0+$0xFFFFFFF0] =	vst v5;
	v2 =	vadd.f32 v2, v0  }
0x7b: {  	[tilespmem:s0+$0x0] =	vst v4;
	v1 =	vadd.f32 v1, v0  }
0x7c: {  	v0 =	vadd.f32 v3, v0;
	[tilespmem:s0+$0x10] =	vst v2  }
0x7d: {  	[tilespmem:s0+$0x20] =	vst v1  }
0x7e: {  	[tilespmem:s0+$0xFFFFFFC0] =	vst v0  }
0x7f: {  	[hbm4b:s11+s2] =	stream.linear.scatter [tilespmem:s22], [sflag:$0x4], $0x1000, $0x38;
	[tilespmem:$0x1EB78] =	vst v63  }
0x80: {  	s0 =	rddreg [dreg:$0x18]  }
0x81: {  	[tilespmem:s18], [sflag:$0x1] =	stream.linear.gather [spmem:s0], $0x1000, $0x38;
	[tilespmem:$0x1EB78] =	vst v63  }
0x82: {  	_ =	swait.ge [sflag:s23], $0x1000  }
0x83: {  	[sflag:s23] =	ssyncset.done $0x0  }
0x84: {  	[sflag:s23] =	ssyncadd.s32 $0xFFFFF000  }
0x85: {  	s31 =	simm.s32 $0x1ABB8;
	v0 =	vld.msk [tilespmem:$0x186A1 ss:$0x0], $0xffff  }
0x86: {  	v1 =	vld [tilespmem:s31+$0x30]  }
0x87: {  	v2 =	vld [tilespmem:s31+$0xFFFFFFD0]  }
0x88: {  	v3 =	vld [tilespmem:s31+$0xFFFFFFE0]  }
0x89: {  	v4 =	vld [tilespmem:s31+$0xFFFFFFF0]  }
0x8a: {  	v7 =	vld [tilespmem:s31+$0x0]  }
0x8b: {  	v8 =	vld [tilespmem:s31+$0x10]  }
0x8c: {  	v9 =	vld [tilespmem:s31+$0x20]  }
0x8d: {  	v10 =	vld [tilespmem:s31+$0xFFFFFFC0]  }
0x8e: {  	v11 =	vld.idx.msk [tilespmem:v1+s2+$0x0], $0xffff  }
0x8f: {  	v12 =	vld.idx.msk [tilespmem:v2+s2+$0x0], $0xffff  }
0x90: {  	v6 =	vld.idx.msk [tilespmem:v3+s2+$0x0], $0xffff  }
0x91: {  	v5 =	vld.idx.msk [tilespmem:v4+s2+$0x0], $0xffff  }
0x92: {  	v4 =	vld.idx.msk [tilespmem:v7+s2+$0x0], $0xffff  }
0x93: {  	v2 =	vld.idx.msk [tilespmem:v8+s2+$0x0], $0xffff  }
0x94: {  	v1 =	vld.idx.msk [tilespmem:v9+s2+$0x0], $0xffff;
	v7 =	vadd.f32 v11, v0  }
0x95: {  	s8 =	simm.s32 $0x0;
	s9 =	simm.s32 $0x1AC38;
	s0 =	simm.s32 $0x1DBB8;
	v3 =	vld.idx.msk [tilespmem:v10+s2+$0x0], $0xffff;
	v8 =	vadd.f32 v12, v0  }
.LBB2_4:
0x96: {  	v9 =	vld [tilespmem:s9+$0x30];
	s8 =	sadd.s32 $0x80, s8;
	v6 =	vadd.f32 v6, v0;
	[tilespmem:s0+$0x30] =	vst v7  }
0x97: {  	v5 =	vadd.f32 v5, v0;
	v7 =	vld [tilespmem:s9+$0xFFFFFFD0];
	p1 =	slt.u32 s8, $0xF80;
	[tilespmem:s0+$0xFFFFFFD0] =	vst v8  }
0x98: {  	v4 =	vadd.f32 v4, v0;
	v8 =	vld [tilespmem:s9+$0xFFFFFFE0];
	[tilespmem:s0+$0xFFFFFFE0] =	vst v6  }
0x99: {  	v2 =	vadd.f32 v2, v0;
	v10 =	vld [tilespmem:s9+$0xFFFFFFF0];
	[tilespmem:s0+$0xFFFFFFF0] =	vst v5  }
0x9a: {  	v1 =	vadd.f32 v1, v0;
	v11 =	vld [tilespmem:s9+$0x0];
	[tilespmem:s0+$0x0] =	vst v4  }
0x9b: {  	v3 =	vadd.f32 v3, v0;
	v12 =	vld [tilespmem:s9+$0x10];
	[tilespmem:s0+$0x10] =	vst v2  }
0x9c: {  	v13 =	vld [tilespmem:s9+$0x20];
	[tilespmem:s0+$0x20] =	vst v1  }
0x9d: {  	v14 =	vld [tilespmem:s9+$0xFFFFFFC0];
	[tilespmem:s0+$0xFFFFFFC0] =	vst v3  }
0x9e: {  	v3 =	vld.idx.msk [tilespmem:v9+s2+$0x0], $0xffff  }
0x9f: {  	v9 =	vld.idx.msk [tilespmem:v7+s2+$0x0], $0xffff  }
0xa0: {  	v6 =	vld.idx.msk [tilespmem:v8+s2+$0x0], $0xffff  }
.Ltmp1:
0xa1: {  	v5 =	vld.idx.msk [tilespmem:v10+s2+$0x0], $0xffff;
	(pc) =	sbr.rel @p1 .LBB2_4-.Ltmp1, $4  }
0xa2: {  	v4 =	vld.idx.msk [tilespmem:v11+s2+$0x0], $0xffff  }
0xa3: {  	v2 =	vld.idx.msk [tilespmem:v12+s2+$0x0], $0xffff  }
0xa4: {  	v7 =	vadd.f32 v3, v0;
	v1 =	vld.idx.msk [tilespmem:v13+s2+$0x0], $0xffff  }
0xa5: {  	s9 =	sadd.s32 $0x80, s9;
	s0 =	sadd.s32 $0x80, s0;
	v8 =	vadd.f32 v9, v0;
	v3 =	vld.idx.msk [tilespmem:v14+s2+$0x0], $0xffff  }
0xa6: {  	v6 =	vadd.f32 v6, v0;
	[tilespmem:s0+$0x30] =	vst v7  }
0xa7: {  	v5 =	vadd.f32 v5, v0;
	[tilespmem:s0+$0xFFFFFFD0] =	vst v8  }
0xa8: {  	v4 =	vadd.f32 v4, v0;
	[tilespmem:s0+$0xFFFFFFE0] =	vst v6  }
0xa9: {  	[tilespmem:s0+$0xFFFFFFF0] =	vst v5;
	v2 =	vadd.f32 v2, v0  }
0xaa: {  	[tilespmem:s0+$0x0] =	vst v4;
	v1 =	vadd.f32 v1, v0  }
0xab: {  	v0 =	vadd.f32 v3, v0;
	[tilespmem:s0+$0x10] =	vst v2  }
0xac: {  	[tilespmem:s0+$0x20] =	vst v1  }
0xad: {  	[tilespmem:s0+$0xFFFFFFC0] =	vst v0  }
0xae: {  	s0 =	rddreg [dreg:$0x6]  }
0xaf: {  	[hbm4b:s0+s2] =	stream.linear.scatter [tilespmem:s24], [sflag:$0x5], $0x1000, $0x38;
	[tilespmem:$0x1EB78] =	vst v63  }
0xb0: {  	s15 =	rddreg [dreg:$0x19]  }
0xb1: {  	[tilespmem:s19], [sflag:$0x2] =	stream.linear.gather [spmem:s15], $0x1000, $0x38;
	[tilespmem:$0x1EB78] =	vst v63  }
0xb2: {  	_ =	swait.ge [sflag:s25], $0x1000  }
0xb3: {  	[sflag:s25] =	ssyncset.done $0x0  }
0xb4: {  	[sflag:s25] =	ssyncadd.s32 $0xFFFFF000  }
0xb5: {  	_ =	swait.ge [sflag:s26], $0x1000  }
0xb6: {  	[sflag:s26] =	ssyncset.done $0x0  }
0xb7: {  	[sflag:s26] =	ssyncadd.s32 $0xFFFFF000  }
0xb8: {  	s31 =	simm.s32 $0x1BBB8;
	v0 =	vld.msk [tilespmem:$0x186A2 ss:$0x0], $0xffff  }
0xb9: {  	v1 =	vld [tilespmem:s31+$0x30]  }
0xba: {  	v2 =	vld [tilespmem:s31+$0xFFFFFFD0]  }
0xbb: {  	v3 =	vld [tilespmem:s31+$0xFFFFFFE0]  }
0xbc: {  	v4 =	vld [tilespmem:s31+$0xFFFFFFF0]  }
0xbd: {  	v7 =	vld [tilespmem:s31+$0x0]  }
0xbe: {  	v8 =	vld [tilespmem:s31+$0x10]  }
0xbf: {  	v9 =	vld [tilespmem:s31+$0x20]  }
0xc0: {  	v10 =	vld [tilespmem:s31+$0xFFFFFFC0]  }
0xc1: {  	v11 =	vld.idx.msk [tilespmem:v1+s2+$0x0], $0xffff  }
0xc2: {  	v12 =	vld.idx.msk [tilespmem:v2+s2+$0x0], $0xffff  }
0xc3: {  	v6 =	vld.idx.msk [tilespmem:v3+s2+$0x0], $0xffff  }
0xc4: {  	v5 =	vld.idx.msk [tilespmem:v4+s2+$0x0], $0xffff  }
0xc5: {  	v4 =	vld.idx.msk [tilespmem:v7+s2+$0x0], $0xffff  }
0xc6: {  	v2 =	vld.idx.msk [tilespmem:v8+s2+$0x0], $0xffff  }
0xc7: {  	v1 =	vld.idx.msk [tilespmem:v9+s2+$0x0], $0xffff;
	v7 =	vadd.f32 v11, v0  }
0xc8: {  	s8 =	simm.s32 $0x0;
	s9 =	simm.s32 $0x1BC38;
	s0 =	simm.s32 $0x1CBB8;
	v3 =	vld.idx.msk [tilespmem:v10+s2+$0x0], $0xffff;
	v8 =	vadd.f32 v12, v0  }
.LBB2_6:
0xc9: {  	v9 =	vld [tilespmem:s9+$0x30];
	s8 =	sadd.s32 $0x80, s8;
	v6 =	vadd.f32 v6, v0;
	[tilespmem:s0+$0x30] =	vst v7  }
0xca: {  	v5 =	vadd.f32 v5, v0;
	v7 =	vld [tilespmem:s9+$0xFFFFFFD0];
	p1 =	slt.u32 s8, $0xF80;
	[tilespmem:s0+$0xFFFFFFD0] =	vst v8  }
0xcb: {  	v4 =	vadd.f32 v4, v0;
	v8 =	vld [tilespmem:s9+$0xFFFFFFE0];
	[tilespmem:s0+$0xFFFFFFE0] =	vst v6  }
0xcc: {  	v2 =	vadd.f32 v2, v0;
	v10 =	vld [tilespmem:s9+$0xFFFFFFF0];
	[tilespmem:s0+$0xFFFFFFF0] =	vst v5  }
0xcd: {  	v1 =	vadd.f32 v1, v0;
	v11 =	vld [tilespmem:s9+$0x0];
	[tilespmem:s0+$0x0] =	vst v4  }
0xce: {  	v3 =	vadd.f32 v3, v0;
	v12 =	vld [tilespmem:s9+$0x10];
	[tilespmem:s0+$0x10] =	vst v2  }
0xcf: {  	v13 =	vld [tilespmem:s9+$0x20];
	[tilespmem:s0+$0x20] =	vst v1  }
0xd0: {  	v14 =	vld [tilespmem:s9+$0xFFFFFFC0];
	[tilespmem:s0+$0xFFFFFFC0] =	vst v3  }
0xd1: {  	v3 =	vld.idx.msk [tilespmem:v9+s2+$0x0], $0xffff  }
0xd2: {  	v9 =	vld.idx.msk [tilespmem:v7+s2+$0x0], $0xffff  }
0xd3: {  	v6 =	vld.idx.msk [tilespmem:v8+s2+$0x0], $0xffff  }
.Ltmp2:
0xd4: {  	v5 =	vld.idx.msk [tilespmem:v10+s2+$0x0], $0xffff;
	(pc) =	sbr.rel @p1 .LBB2_6-.Ltmp2, $4  }
0xd5: {  	v4 =	vld.idx.msk [tilespmem:v11+s2+$0x0], $0xffff  }
0xd6: {  	v2 =	vld.idx.msk [tilespmem:v12+s2+$0x0], $0xffff  }
0xd7: {  	v7 =	vadd.f32 v3, v0;
	v1 =	vld.idx.msk [tilespmem:v13+s2+$0x0], $0xffff  }
0xd8: {  	s9 =	sadd.s32 $0x80, s9;
	s0 =	sadd.s32 $0x80, s0;
	v8 =	vadd.f32 v9, v0;
	v3 =	vld.idx.msk [tilespmem:v14+s2+$0x0], $0xffff  }
0xd9: {  	v6 =	vadd.f32 v6, v0;
	[tilespmem:s0+$0x30] =	vst v7  }
0xda: {  	v5 =	vadd.f32 v5, v0;
	[tilespmem:s0+$0xFFFFFFD0] =	vst v8  }
0xdb: {  	v4 =	vadd.f32 v4, v0;
	[tilespmem:s0+$0xFFFFFFE0] =	vst v6  }
0xdc: {  	[tilespmem:s0+$0xFFFFFFF0] =	vst v5;
	v2 =	vadd.f32 v2, v0  }
0xdd: {  	[tilespmem:s0+$0x0] =	vst v4;
	v1 =	vadd.f32 v1, v0  }
0xde: {  	v0 =	vadd.f32 v3, v0;
	[tilespmem:s0+$0x10] =	vst v2  }
0xdf: {  	[tilespmem:s0+$0x20] =	vst v1  }
0xe0: {  	[tilespmem:s0+$0xFFFFFFC0] =	vst v0  }
0xe1: {  	s0 =	rddreg [dreg:$0x1a]  }
0xe2: {  	[hbm4b:s0+s2] =	stream.linear.scatter [tilespmem:s22], [sflag:$0x4], $0x1000, $0x38;
	[tilespmem:$0x1EB78] =	vst v63  }
0xe3: {  	s15 =	rddreg [dreg:$0x1b]  }
0xe4: {  	[tilespmem:s20], [sflag:$0x3] =	stream.linear.gather [spmem:s15], $0x1000, $0x38;
	[tilespmem:$0x1EB78] =	vst v63  }
0xe5: {  	_ =	swait.ge [sflag:s21], $0x1000  }
0xe6: {  	[sflag:s21] =	ssyncset.done $0x0  }
0xe7: {  	[sflag:s21] =	ssyncadd.s32 $0xFFFFF000  }
0xe8: {  	_ =	swait.ge [sflag:s28], $0x1000  }
0xe9: {  	[sflag:s28] =	ssyncset.done $0x0  }
0xea: {  	[sflag:s28] =	ssyncadd.s32 $0xFFFFF000  }
0xeb: {  	s31 =	simm.s32 $0x19BB8;
	v0 =	vld.msk [tilespmem:$0x186A3 ss:$0x0], $0xffff  }
0xec: {  	v1 =	vld [tilespmem:s31+$0x30]  }
0xed: {  	v2 =	vld [tilespmem:s31+$0xFFFFFFD0]  }
0xee: {  	v3 =	vld [tilespmem:s31+$0xFFFFFFE0]  }
0xef: {  	v4 =	vld [tilespmem:s31+$0xFFFFFFF0]  }
0xf0: {  	v7 =	vld [tilespmem:s31+$0x0]  }
0xf1: {  	v8 =	vld [tilespmem:s31+$0x10]  }
0xf2: {  	v9 =	vld [tilespmem:s31+$0x20]  }
0xf3: {  	v10 =	vld [tilespmem:s31+$0xFFFFFFC0]  }
0xf4: {  	v11 =	vld.idx.msk [tilespmem:v1+s2+$0x0], $0xffff  }
0xf5: {  	v12 =	vld.idx.msk [tilespmem:v2+s2+$0x0], $0xffff  }
0xf6: {  	v6 =	vld.idx.msk [tilespmem:v3+s2+$0x0], $0xffff  }
0xf7: {  	v5 =	vld.idx.msk [tilespmem:v4+s2+$0x0], $0xffff  }
0xf8: {  	v4 =	vld.idx.msk [tilespmem:v7+s2+$0x0], $0xffff  }
0xf9: {  	v2 =	vld.idx.msk [tilespmem:v8+s2+$0x0], $0xffff  }
0xfa: {  	v1 =	vld.idx.msk [tilespmem:v9+s2+$0x0], $0xffff;
	v7 =	vadd.f32 v11, v0  }
0xfb: {  	s8 =	simm.s32 $0x0;
	s9 =	simm.s32 $0x19C38;
	s0 =	simm.s32 $0x1DBB8;
	v3 =	vld.idx.msk [tilespmem:v10+s2+$0x0], $0xffff;
	v8 =	vadd.f32 v12, v0  }
.LBB2_8:
0xfc: {  	v9 =	vld [tilespmem:s9+$0x30];
	s8 =	sadd.s32 $0x80, s8;
	v6 =	vadd.f32 v6, v0;
	[tilespmem:s0+$0x30] =	vst v7  }
0xfd: {  	v5 =	vadd.f32 v5, v0;
	v7 =	vld [tilespmem:s9+$0xFFFFFFD0];
	p1 =	slt.u32 s8, $0xF80;
	[tilespmem:s0+$0xFFFFFFD0] =	vst v8  }
0xfe: {  	v4 =	vadd.f32 v4, v0;
	v8 =	vld [tilespmem:s9+$0xFFFFFFE0];
	[tilespmem:s0+$0xFFFFFFE0] =	vst v6  }
0xff: {  	v2 =	vadd.f32 v2, v0;
	v10 =	vld [tilespmem:s9+$0xFFFFFFF0];
	[tilespmem:s0+$0xFFFFFFF0] =	vst v5  }
0x100: {  	v1 =	vadd.f32 v1, v0;
	v11 =	vld [tilespmem:s9+$0x0];
	[tilespmem:s0+$0x0] =	vst v4  }
0x101: {  	v3 =	vadd.f32 v3, v0;
	v12 =	vld [tilespmem:s9+$0x10];
	[tilespmem:s0+$0x10] =	vst v2  }
0x102: {  	v13 =	vld [tilespmem:s9+$0x20];
	[tilespmem:s0+$0x20] =	vst v1  }
0x103: {  	v14 =	vld [tilespmem:s9+$0xFFFFFFC0];
	[tilespmem:s0+$0xFFFFFFC0] =	vst v3  }
0x104: {  	v3 =	vld.idx.msk [tilespmem:v9+s2+$0x0], $0xffff  }
0x105: {  	v9 =	vld.idx.msk [tilespmem:v7+s2+$0x0], $0xffff  }
0x106: {  	v6 =	vld.idx.msk [tilespmem:v8+s2+$0x0], $0xffff  }
.Ltmp3:
0x107: {  	v5 =	vld.idx.msk [tilespmem:v10+s2+$0x0], $0xffff;
	(pc) =	sbr.rel @p1 .LBB2_8-.Ltmp3, $4  }
0x108: {  	v4 =	vld.idx.msk [tilespmem:v11+s2+$0x0], $0xffff  }
0x109: {  	v2 =	vld.idx.msk [tilespmem:v12+s2+$0x0], $0xffff  }
0x10a: {  	v7 =	vadd.f32 v3, v0;
	v1 =	vld.idx.msk [tilespmem:v13+s2+$0x0], $0xffff  }
0x10b: {  	s9 =	sadd.s32 $0x80, s9;
	s0 =	sadd.s32 $0x80, s0;
	v8 =	vadd.f32 v9, v0;
	v3 =	vld.idx.msk [tilespmem:v14+s2+$0x0], $0xffff  }
0x10c: {  	v6 =	vadd.f32 v6, v0;
	[tilespmem:s0+$0x30] =	vst v7  }
0x10d: {  	v5 =	vadd.f32 v5, v0;
	[tilespmem:s0+$0xFFFFFFD0] =	vst v8  }
0x10e: {  	v4 =	vadd.f32 v4, v0;
	[tilespmem:s0+$0xFFFFFFE0] =	vst v6  }
0x10f: {  	[tilespmem:s0+$0xFFFFFFF0] =	vst v5;
	v2 =	vadd.f32 v2, v0  }
0x110: {  	[tilespmem:s0+$0x0] =	vst v4;
	v1 =	vadd.f32 v1, v0  }
0x111: {  	v0 =	vadd.f32 v3, v0;
	[tilespmem:s0+$0x10] =	vst v2  }
0x112: {  	[tilespmem:s0+$0x20] =	vst v1  }
0x113: {  	[tilespmem:s0+$0xFFFFFFC0] =	vst v0  }
0x114: {  	s0 =	rddreg [dreg:$0x1c]  }
0x115: {  	[hbm4b:s0+s2] =	stream.linear.scatter [tilespmem:s24], [sflag:$0x5], $0x1000, $0x38;
	[tilespmem:$0x1EB78] =	vst v63  }
0x116: {  	s15 =	rddreg [dreg:$0x1d]  }
0x117: {  	[tilespmem:s18], [sflag:$0x1] =	stream.linear.gather [spmem:s15], $0x1000, $0x38;
	[tilespmem:$0x1EB78] =	vst v63  }
0x118: {  	_ =	swait.ge [sflag:s23], $0x1000  }
0x119: {  	[sflag:s23] =	ssyncset.done $0x0  }
0x11a: {  	[sflag:s23] =	ssyncadd.s32 $0xFFFFF000  }
0x11b: {  	_ =	swait.ge [sflag:s26], $0x1000  }
0x11c: {  	[sflag:s26] =	ssyncset.done $0x0  }
0x11d: {  	[sflag:s26] =	ssyncadd.s32 $0xFFFFF000  }
0x11e: {  	s31 =	simm.s32 $0x1ABB8;
	v0 =	vld.msk [tilespmem:$0x186A4 ss:$0x0], $0xffff  }
0x11f: {  	v1 =	vld [tilespmem:s31+$0x30]  }
0x120: {  	v2 =	vld [tilespmem:s31+$0xFFFFFFD0]  }
0x121: {  	v3 =	vld [tilespmem:s31+$0xFFFFFFE0]  }
0x122: {  	v4 =	vld [tilespmem:s31+$0xFFFFFFF0]  }
0x123: {  	v7 =	vld [tilespmem:s31+$0x0]  }
0x124: {  	v8 =	vld [tilespmem:s31+$0x10]  }
0x125: {  	v9 =	vld [tilespmem:s31+$0x20]  }
0x126: {  	v10 =	vld [tilespmem:s31+$0xFFFFFFC0]  }
0x127: {  	v11 =	vld.idx.msk [tilespmem:v1+s2+$0x0], $0xffff  }
0x128: {  	v12 =	vld.idx.msk [tilespmem:v2+s2+$0x0], $0xffff  }
0x129: {  	v6 =	vld.idx.msk [tilespmem:v3+s2+$0x0], $0xffff  }
0x12a: {  	v5 =	vld.idx.msk [tilespmem:v4+s2+$0x0], $0xffff  }
0x12b: {  	v4 =	vld.idx.msk [tilespmem:v7+s2+$0x0], $0xffff  }
0x12c: {  	v2 =	vld.idx.msk [tilespmem:v8+s2+$0x0], $0xffff  }
0x12d: {  	v1 =	vld.idx.msk [tilespmem:v9+s2+$0x0], $0xffff;
	v7 =	vadd.f32 v11, v0  }
0x12e: {  	s8 =	simm.s32 $0x0;
	s9 =	simm.s32 $0x1AC38;
	s0 =	simm.s32 $0x1CBB8;
	v3 =	vld.idx.msk [tilespmem:v10+s2+$0x0], $0xffff;
	v8 =	vadd.f32 v12, v0  }
.LBB2_10:
0x12f: {  	v9 =	vld [tilespmem:s9+$0x30];
	s8 =	sadd.s32 $0x80, s8;
	v6 =	vadd.f32 v6, v0;
	[tilespmem:s0+$0x30] =	vst v7  }
0x130: {  	v5 =	vadd.f32 v5, v0;
	v7 =	vld [tilespmem:s9+$0xFFFFFFD0];
	p1 =	slt.u32 s8, $0xF80;
	[tilespmem:s0+$0xFFFFFFD0] =	vst v8  }
0x131: {  	v4 =	vadd.f32 v4, v0;
	v8 =	vld [tilespmem:s9+$0xFFFFFFE0];
	[tilespmem:s0+$0xFFFFFFE0] =	vst v6  }
0x132: {  	v2 =	vadd.f32 v2, v0;
	v10 =	vld [tilespmem:s9+$0xFFFFFFF0];
	[tilespmem:s0+$0xFFFFFFF0] =	vst v5  }
0x133: {  	v1 =	vadd.f32 v1, v0;
	v11 =	vld [tilespmem:s9+$0x0];
	[tilespmem:s0+$0x0] =	vst v4  }
0x134: {  	v3 =	vadd.f32 v3, v0;
	v12 =	vld [tilespmem:s9+$0x10];
	[tilespmem:s0+$0x10] =	vst v2  }
0x135: {  	v13 =	vld [tilespmem:s9+$0x20];
	[tilespmem:s0+$0x20] =	vst v1  }
0x136: {  	v14 =	vld [tilespmem:s9+$0xFFFFFFC0];
	[tilespmem:s0+$0xFFFFFFC0] =	vst v3  }
0x137: {  	v3 =	vld.idx.msk [tilespmem:v9+s2+$0x0], $0xffff  }
0x138: {  	v9 =	vld.idx.msk [tilespmem:v7+s2+$0x0], $0xffff  }
0x139: {  	v6 =	vld.idx.msk [tilespmem:v8+s2+$0x0], $0xffff  }
.Ltmp4:
0x13a: {  	v5 =	vld.idx.msk [tilespmem:v10+s2+$0x0], $0xffff;
	(pc) =	sbr.rel @p1 .LBB2_10-.Ltmp4, $4  }
0x13b: {  	v4 =	vld.idx.msk [tilespmem:v11+s2+$0x0], $0xffff  }
0x13c: {  	v2 =	vld.idx.msk [tilespmem:v12+s2+$0x0], $0xffff  }
0x13d: {  	v7 =	vadd.f32 v3, v0;
	v1 =	vld.idx.msk [tilespmem:v13+s2+$0x0], $0xffff  }
0x13e: {  	s9 =	sadd.s32 $0x80, s9;
	s0 =	sadd.s32 $0x80, s0;
	v8 =	vadd.f32 v9, v0;
	v3 =	vld.idx.msk [tilespmem:v14+s2+$0x0], $0xffff  }
0x13f: {  	v6 =	vadd.f32 v6, v0;
	[tilespmem:s0+$0x30] =	vst v7  }
0x140: {  	v5 =	vadd.f32 v5, v0;
	[tilespmem:s0+$0xFFFFFFD0] =	vst v8  }
0x141: {  	v4 =	vadd.f32 v4, v0;
	[tilespmem:s0+$0xFFFFFFE0] =	vst v6  }
0x142: {  	[tilespmem:s0+$0xFFFFFFF0] =	vst v5;
	v2 =	vadd.f32 v2, v0  }
0x143: {  	[tilespmem:s0+$0x0] =	vst v4;
	v1 =	vadd.f32 v1, v0  }
0x144: {  	v0 =	vadd.f32 v3, v0;
	[tilespmem:s0+$0x10] =	vst v2  }
0x145: {  	[tilespmem:s0+$0x20] =	vst v1  }
0x146: {  	[tilespmem:s0+$0xFFFFFFC0] =	vst v0  }
0x147: {  	s0 =	rddreg [dreg:$0x1e]  }
0x148: {  	[hbm4b:s0+s2] =	stream.linear.scatter [tilespmem:s22], [sflag:$0x4], $0x1000, $0x38;
	[tilespmem:$0x1EB78] =	vst v63  }
0x149: {  	s15 =	rddreg [dreg:$0x1f]  }
0x14a: {  	[tilespmem:s19], [sflag:$0x2] =	stream.linear.gather [spmem:s15], $0x1000, $0x38;
	[tilespmem:$0x1EB78] =	vst v63  }
0x14b: {  	_ =	swait.ge [sflag:s25], $0x1000  }
0x14c: {  	[sflag:s25] =	ssyncset.done $0x0  }
0x14d: {  	[sflag:s25] =	ssyncadd.s32 $0xFFFFF000  }
0x14e: {  	_ =	swait.ge [sflag:s28], $0x1000  }
0x14f: {  	[sflag:s28] =	ssyncset.done $0x0  }
0x150: {  	[sflag:s28] =	ssyncadd.s32 $0xFFFFF000  }
0x151: {  	s31 =	simm.s32 $0x1BBB8;
	v0 =	vld.msk [tilespmem:$0x186A5 ss:$0x0], $0xffff  }
0x152: {  	v1 =	vld [tilespmem:s31+$0x30]  }
0x153: {  	v2 =	vld [tilespmem:s31+$0xFFFFFFD0]  }
0x154: {  	v3 =	vld [tilespmem:s31+$0xFFFFFFE0]  }
0x155: {  	v4 =	vld [tilespmem:s31+$0xFFFFFFF0]  }
0x156: {  	v7 =	vld [tilespmem:s31+$0x0]  }
0x157: {  	v8 =	vld [tilespmem:s31+$0x10]  }
0x158: {  	v9 =	vld [tilespmem:s31+$0x20]  }
0x159: {  	v10 =	vld [tilespmem:s31+$0xFFFFFFC0]  }
0x15a: {  	v11 =	vld.idx.msk [tilespmem:v1+s2+$0x0], $0xffff  }
0x15b: {  	v12 =	vld.idx.msk [tilespmem:v2+s2+$0x0], $0xffff  }
0x15c: {  	v6 =	vld.idx.msk [tilespmem:v3+s2+$0x0], $0xffff  }
0x15d: {  	v5 =	vld.idx.msk [tilespmem:v4+s2+$0x0], $0xffff  }
0x15e: {  	v4 =	vld.idx.msk [tilespmem:v7+s2+$0x0], $0xffff  }
0x15f: {  	v2 =	vld.idx.msk [tilespmem:v8+s2+$0x0], $0xffff  }
0x160: {  	v1 =	vld.idx.msk [tilespmem:v9+s2+$0x0], $0xffff;
	v7 =	vadd.f32 v11, v0  }
0x161: {  	s8 =	simm.s32 $0x0;
	s9 =	simm.s32 $0x1BC38;
	s0 =	simm.s32 $0x1DBB8;
	v3 =	vld.idx.msk [tilespmem:v10+s2+$0x0], $0xffff;
	v8 =	vadd.f32 v12, v0  }
.LBB2_12:
0x162: {  	v9 =	vld [tilespmem:s9+$0x30];
	s8 =	sadd.s32 $0x80, s8;
	v6 =	vadd.f32 v6, v0;
	[tilespmem:s0+$0x30] =	vst v7  }
0x163: {  	v5 =	vadd.f32 v5, v0;
	v7 =	vld [tilespmem:s9+$0xFFFFFFD0];
	p1 =	slt.u32 s8, $0xF80;
	[tilespmem:s0+$0xFFFFFFD0] =	vst v8  }
0x164: {  	v4 =	vadd.f32 v4, v0;
	v8 =	vld [tilespmem:s9+$0xFFFFFFE0];
	[tilespmem:s0+$0xFFFFFFE0] =	vst v6  }
0x165: {  	v2 =	vadd.f32 v2, v0;
	v10 =	vld [tilespmem:s9+$0xFFFFFFF0];
	[tilespmem:s0+$0xFFFFFFF0] =	vst v5  }
0x166: {  	v1 =	vadd.f32 v1, v0;
	v11 =	vld [tilespmem:s9+$0x0];
	[tilespmem:s0+$0x0] =	vst v4  }
0x167: {  	v3 =	vadd.f32 v3, v0;
	v12 =	vld [tilespmem:s9+$0x10];
	[tilespmem:s0+$0x10] =	vst v2  }
0x168: {  	v13 =	vld [tilespmem:s9+$0x20];
	[tilespmem:s0+$0x20] =	vst v1  }
0x169: {  	v14 =	vld [tilespmem:s9+$0xFFFFFFC0];
	[tilespmem:s0+$0xFFFFFFC0] =	vst v3  }
0x16a: {  	v3 =	vld.idx.msk [tilespmem:v9+s2+$0x0], $0xffff  }
0x16b: {  	v9 =	vld.idx.msk [tilespmem:v7+s2+$0x0], $0xffff  }
0x16c: {  	v6 =	vld.idx.msk [tilespmem:v8+s2+$0x0], $0xffff  }
.Ltmp5:
0x16d: {  	v5 =	vld.idx.msk [tilespmem:v10+s2+$0x0], $0xffff;
	(pc) =	sbr.rel @p1 .LBB2_12-.Ltmp5, $4  }
0x16e: {  	v4 =	vld.idx.msk [tilespmem:v11+s2+$0x0], $0xffff  }
0x16f: {  	v2 =	vld.idx.msk [tilespmem:v12+s2+$0x0], $0xffff  }
0x170: {  	v7 =	vadd.f32 v3, v0;
	v1 =	vld.idx.msk [tilespmem:v13+s2+$0x0], $0xffff  }
0x171: {  	s9 =	sadd.s32 $0x80, s9;
	s0 =	sadd.s32 $0x80, s0;
	v8 =	vadd.f32 v9, v0;
	v3 =	vld.idx.msk [tilespmem:v14+s2+$0x0], $0xffff  }
0x172: {  	v6 =	vadd.f32 v6, v0;
	[tilespmem:s0+$0x30] =	vst v7  }
0x173: {  	v5 =	vadd.f32 v5, v0;
	[tilespmem:s0+$0xFFFFFFD0] =	vst v8  }
0x174: {  	v4 =	vadd.f32 v4, v0;
	[tilespmem:s0+$0xFFFFFFE0] =	vst v6  }
0x175: {  	[tilespmem:s0+$0xFFFFFFF0] =	vst v5;
	v2 =	vadd.f32 v2, v0  }
0x176: {  	[tilespmem:s0+$0x0] =	vst v4;
	v1 =	vadd.f32 v1, v0  }
0x177: {  	v0 =	vadd.f32 v3, v0;
	[tilespmem:s0+$0x10] =	vst v2  }
0x178: {  	[tilespmem:s0+$0x20] =	vst v1  }
0x179: {  	[tilespmem:s0+$0xFFFFFFC0] =	vst v0  }
0x17a: {  	s0 =	sld [smem:$0x7ED];
	_ =	sdelay $0x1  }
0x17b: {  	s15 =	sld [smem:$0x7EE]  }
0x17c: {  	[hbm4b:s0+s2] =	stream.linear.scatter [tilespmem:s24], [sflag:$0x5], $0x1000, $0x38;
	[tilespmem:$0x1EB78] =	vst v63  }
0x17d: {  	_ = 	snop  }
0x17e: {  	[tilespmem:s20], [sflag:$0x3] =	stream.linear.gather [spmem:s15], $0x1000, $0x38;
	[tilespmem:$0x1EB78] =	vst v63  }
0x17f: {  	_ =	swait.ge [sflag:s21], $0x1000  }
0x180: {  	[sflag:s21] =	ssyncset.done $0x0  }
0x181: {  	[sflag:s21] =	ssyncadd.s32 $0xFFFFF000  }
0x182: {  	_ =	swait.ge [sflag:s26], $0x1000  }
0x183: {  	[sflag:s26] =	ssyncset.done $0x0  }
0x184: {  	[sflag:s26] =	ssyncadd.s32 $0xFFFFF000  }
0x185: {  	s31 =	simm.s32 $0x19BB8;
	v0 =	vld.msk [tilespmem:$0x186A6 ss:$0x0], $0xffff  }
0x186: {  	v1 =	vld [tilespmem:s31+$0x30]  }
0x187: {  	v2 =	vld [tilespmem:s31+$0xFFFFFFD0]  }
0x188: {  	v3 =	vld [tilespmem:s31+$0xFFFFFFE0]  }
0x189: {  	v4 =	vld [tilespmem:s31+$0xFFFFFFF0]  }
0x18a: {  	v7 =	vld [tilespmem:s31+$0x0]  }
0x18b: {  	v8 =	vld [tilespmem:s31+$0x10]  }
0x18c: {  	v9 =	vld [tilespmem:s31+$0x20]  }
0x18d: {  	v10 =	vld [tilespmem:s31+$0xFFFFFFC0]  }
0x18e: {  	v11 =	vld.idx.msk [tilespmem:v1+s2+$0x0], $0xffff  }
0x18f: {  	v12 =	vld.idx.msk [tilespmem:v2+s2+$0x0], $0xffff  }
0x190: {  	v6 =	vld.idx.msk [tilespmem:v3+s2+$0x0], $0xffff  }
0x191: {  	v5 =	vld.idx.msk [tilespmem:v4+s2+$0x0], $0xffff  }
0x192: {  	v4 =	vld.idx.msk [tilespmem:v7+s2+$0x0], $0xffff  }
0x193: {  	v2 =	vld.idx.msk [tilespmem:v8+s2+$0x0], $0xffff  }
0x194: {  	v1 =	vld.idx.msk [tilespmem:v9+s2+$0x0], $0xffff;
	v7 =	vadd.f32 v11, v0  }
0x195: {  	s8 =	simm.s32 $0x0;
	s9 =	simm.s32 $0x19C38;
	s0 =	simm.s32 $0x1CBB8;
	v3 =	vld.idx.msk [tilespmem:v10+s2+$0x0], $0xffff;
	v8 =	vadd.f32 v12, v0  }
.LBB2_14:
0x196: {  	v9 =	vld [tilespmem:s9+$0x30];
	s8 =	sadd.s32 $0x80, s8;
	v6 =	vadd.f32 v6, v0;
	[tilespmem:s0+$0x30] =	vst v7  }
0x197: {  	v5 =	vadd.f32 v5, v0;
	v7 =	vld [tilespmem:s9+$0xFFFFFFD0];
	p1 =	slt.u32 s8, $0xF80;
	[tilespmem:s0+$0xFFFFFFD0] =	vst v8  }
0x198: {  	v4 =	vadd.f32 v4, v0;
	v8 =	vld [tilespmem:s9+$0xFFFFFFE0];
	[tilespmem:s0+$0xFFFFFFE0] =	vst v6  }
0x199: {  	v2 =	vadd.f32 v2, v0;
	v10 =	vld [tilespmem:s9+$0xFFFFFFF0];
	[tilespmem:s0+$0xFFFFFFF0] =	vst v5  }
0x19a: {  	v1 =	vadd.f32 v1, v0;
	v11 =	vld [tilespmem:s9+$0x0];
	[tilespmem:s0+$0x0] =	vst v4  }
0x19b: {  	v3 =	vadd.f32 v3, v0;
	v12 =	vld [tilespmem:s9+$0x10];
	[tilespmem:s0+$0x10] =	vst v2  }
0x19c: {  	v13 =	vld [tilespmem:s9+$0x20];
	[tilespmem:s0+$0x20] =	vst v1  }
0x19d: {  	v14 =	vld [tilespmem:s9+$0xFFFFFFC0];
	[tilespmem:s0+$0xFFFFFFC0] =	vst v3  }
0x19e: {  	v3 =	vld.idx.msk [tilespmem:v9+s2+$0x0], $0xffff  }
0x19f: {  	v9 =	vld.idx.msk [tilespmem:v7+s2+$0x0], $0xffff  }
0x1a0: {  	v6 =	vld.idx.msk [tilespmem:v8+s2+$0x0], $0xffff  }
.Ltmp6:
0x1a1: {  	v5 =	vld.idx.msk [tilespmem:v10+s2+$0x0], $0xffff;
	(pc) =	sbr.rel @p1 .LBB2_14-.Ltmp6, $4  }
0x1a2: {  	v4 =	vld.idx.msk [tilespmem:v11+s2+$0x0], $0xffff  }
0x1a3: {  	v2 =	vld.idx.msk [tilespmem:v12+s2+$0x0], $0xffff  }
0x1a4: {  	v7 =	vadd.f32 v3, v0;
	v1 =	vld.idx.msk [tilespmem:v13+s2+$0x0], $0xffff  }
0x1a5: {  	s9 =	sadd.s32 $0x80, s9;
	s0 =	sadd.s32 $0x80, s0;
	v8 =	vadd.f32 v9, v0;
	v3 =	vld.idx.msk [tilespmem:v14+s2+$0x0], $0xffff  }
0x1a6: {  	v6 =	vadd.f32 v6, v0;
	[tilespmem:s0+$0x30] =	vst v7  }
0x1a7: {  	v5 =	vadd.f32 v5, v0;
	[tilespmem:s0+$0xFFFFFFD0] =	vst v8  }
0x1a8: {  	v4 =	vadd.f32 v4, v0;
	[tilespmem:s0+$0xFFFFFFE0] =	vst v6  }
0x1a9: {  	[tilespmem:s0+$0xFFFFFFF0] =	vst v5;
	v2 =	vadd.f32 v2, v0  }
0x1aa: {  	[tilespmem:s0+$0x0] =	vst v4;
	v1 =	vadd.f32 v1, v0  }
0x1ab: {  	v0 =	vadd.f32 v3, v0;
	[tilespmem:s0+$0x10] =	vst v2  }
0x1ac: {  	[tilespmem:s0+$0x20] =	vst v1  }
0x1ad: {  	[tilespmem:s0+$0xFFFFFFC0] =	vst v0  }
0x1ae: {  	s0 =	sld [smem:$0x7EF];
	_ =	sdelay $0x1  }
0x1af: {  	s15 =	sld [smem:$0x7F0]  }
0x1b0: {  	[hbm4b:s0+s2] =	stream.linear.scatter [tilespmem:s22], [sflag:$0x4], $0x1000, $0x38;
	[tilespmem:$0x1EB78] =	vst v63  }
0x1b1: {  	_ = 	snop  }
0x1b2: {  	[tilespmem:s18], [sflag:$0x1] =	stream.linear.gather [spmem:s15], $0x1000, $0x38;
	[tilespmem:$0x1EB78] =	vst v63  }
0x1b3: {  	_ =	swait.ge [sflag:s23], $0x1000  }
0x1b4: {  	[sflag:s23] =	ssyncset.done $0x0  }
0x1b5: {  	[sflag:s23] =	ssyncadd.s32 $0xFFFFF000  }
0x1b6: {  	_ =	swait.ge [sflag:s28], $0x1000  }
0x1b7: {  	[sflag:s28] =	ssyncset.done $0x0  }
0x1b8: {  	[sflag:s28] =	ssyncadd.s32 $0xFFFFF000  }
0x1b9: {  	s31 =	simm.s32 $0x1ABB8;
	v0 =	vld.msk [tilespmem:$0x186A7 ss:$0x0], $0xffff  }
0x1ba: {  	v1 =	vld [tilespmem:s31+$0x30]  }
0x1bb: {  	v2 =	vld [tilespmem:s31+$0xFFFFFFD0]  }
0x1bc: {  	v3 =	vld [tilespmem:s31+$0xFFFFFFE0]  }
0x1bd: {  	v4 =	vld [tilespmem:s31+$0xFFFFFFF0]  }
0x1be: {  	v7 =	vld [tilespmem:s31+$0x0]  }
0x1bf: {  	v8 =	vld [tilespmem:s31+$0x10]  }
0x1c0: {  	v9 =	vld [tilespmem:s31+$0x20]  }
0x1c1: {  	v10 =	vld [tilespmem:s31+$0xFFFFFFC0]  }
0x1c2: {  	v11 =	vld.idx.msk [tilespmem:v1+s2+$0x0], $0xffff  }
0x1c3: {  	v12 =	vld.idx.msk [tilespmem:v2+s2+$0x0], $0xffff  }
0x1c4: {  	v6 =	vld.idx.msk [tilespmem:v3+s2+$0x0], $0xffff  }
0x1c5: {  	v5 =	vld.idx.msk [tilespmem:v4+s2+$0x0], $0xffff  }
0x1c6: {  	v4 =	vld.idx.msk [tilespmem:v7+s2+$0x0], $0xffff  }
0x1c7: {  	v2 =	vld.idx.msk [tilespmem:v8+s2+$0x0], $0xffff  }
0x1c8: {  	v1 =	vld.idx.msk [tilespmem:v9+s2+$0x0], $0xffff;
	v7 =	vadd.f32 v11, v0  }
0x1c9: {  	s8 =	simm.s32 $0x0;
	s9 =	simm.s32 $0x1AC38;
	s0 =	simm.s32 $0x1DBB8;
	v3 =	vld.idx.msk [tilespmem:v10+s2+$0x0], $0xffff;
	v8 =	vadd.f32 v12, v0  }
.LBB2_16:
0x1ca: {  	v9 =	vld [tilespmem:s9+$0x30];
	s8 =	sadd.s32 $0x80, s8;
	v6 =	vadd.f32 v6, v0;
	[tilespmem:s0+$0x30] =	vst v7  }
0x1cb: {  	v5 =	vadd.f32 v5, v0;
	v7 =	vld [tilespmem:s9+$0xFFFFFFD0];
	p1 =	slt.u32 s8, $0xF80;
	[tilespmem:s0+$0xFFFFFFD0] =	vst v8  }
0x1cc: {  	v4 =	vadd.f32 v4, v0;
	v8 =	vld [tilespmem:s9+$0xFFFFFFE0];
	[tilespmem:s0+$0xFFFFFFE0] =	vst v6  }
0x1cd: {  	v2 =	vadd.f32 v2, v0;
	v10 =	vld [tilespmem:s9+$0xFFFFFFF0];
	[tilespmem:s0+$0xFFFFFFF0] =	vst v5  }
0x1ce: {  	v1 =	vadd.f32 v1, v0;
	v11 =	vld [tilespmem:s9+$0x0];
	[tilespmem:s0+$0x0] =	vst v4  }
0x1cf: {  	v3 =	vadd.f32 v3, v0;
	v12 =	vld [tilespmem:s9+$0x10];
	[tilespmem:s0+$0x10] =	vst v2  }
0x1d0: {  	v13 =	vld [tilespmem:s9+$0x20];
	[tilespmem:s0+$0x20] =	vst v1  }
0x1d1: {  	v14 =	vld [tilespmem:s9+$0xFFFFFFC0];
	[tilespmem:s0+$0xFFFFFFC0] =	vst v3  }
0x1d2: {  	v3 =	vld.idx.msk [tilespmem:v9+s2+$0x0], $0xffff  }
0x1d3: {  	v9 =	vld.idx.msk [tilespmem:v7+s2+$0x0], $0xffff  }
0x1d4: {  	v6 =	vld.idx.msk [tilespmem:v8+s2+$0x0], $0xffff  }
.Ltmp7:
0x1d5: {  	v5 =	vld.idx.msk [tilespmem:v10+s2+$0x0], $0xffff;
	(pc) =	sbr.rel @p1 .LBB2_16-.Ltmp7, $4  }
0x1d6: {  	v4 =	vld.idx.msk [tilespmem:v11+s2+$0x0], $0xffff  }
0x1d7: {  	v2 =	vld.idx.msk [tilespmem:v12+s2+$0x0], $0xffff  }
0x1d8: {  	v7 =	vadd.f32 v3, v0;
	v1 =	vld.idx.msk [tilespmem:v13+s2+$0x0], $0xffff  }
0x1d9: {  	s9 =	sadd.s32 $0x80, s9;
	s0 =	sadd.s32 $0x80, s0;
	v8 =	vadd.f32 v9, v0;
	v3 =	vld.idx.msk [tilespmem:v14+s2+$0x0], $0xffff  }
0x1da: {  	v6 =	vadd.f32 v6, v0;
	[tilespmem:s0+$0x30] =	vst v7  }
0x1db: {  	v5 =	vadd.f32 v5, v0;
	[tilespmem:s0+$0xFFFFFFD0] =	vst v8  }
0x1dc: {  	v4 =	vadd.f32 v4, v0;
	[tilespmem:s0+$0xFFFFFFE0] =	vst v6  }
0x1dd: {  	[tilespmem:s0+$0xFFFFFFF0] =	vst v5;
	v2 =	vadd.f32 v2, v0  }
0x1de: {  	[tilespmem:s0+$0x0] =	vst v4;
	v1 =	vadd.f32 v1, v0  }
0x1df: {  	v0 =	vadd.f32 v3, v0;
	[tilespmem:s0+$0x10] =	vst v2  }
0x1e0: {  	[tilespmem:s0+$0x20] =	vst v1  }
0x1e1: {  	[tilespmem:s0+$0xFFFFFFC0] =	vst v0  }
0x1e2: {  	s0 =	sld [smem:$0x7F1];
	_ =	sdelay $0x2  }
0x1e3: {  	[hbm4b:s0+s2] =	stream.linear.scatter [tilespmem:s24], [sflag:$0x5], $0x1000, $0x38;
	[tilespmem:$0x1EB78] =	vst v63  }
0x1e4: {  	_ =	swait.ge [sflag:s25], $0x1000  }
0x1e5: {  	[sflag:s25] =	ssyncset.done $0x0  }
0x1e6: {  	[sflag:s25] =	ssyncadd.s32 $0xFFFFF000  }
0x1e7: {  	_ =	swait.ge [sflag:s26], $0x1000  }
0x1e8: {  	[sflag:s26] =	ssyncset.done $0x0  }
0x1e9: {  	[sflag:s26] =	ssyncadd.s32 $0xFFFFF000  }
0x1ea: {  	s31 =	simm.s32 $0x1BBB8;
	v0 =	vld.msk [tilespmem:$0x186A8 ss:$0x0], $0xffff  }
0x1eb: {  	v1 =	vld [tilespmem:s31+$0x30]  }
0x1ec: {  	v2 =	vld [tilespmem:s31+$0xFFFFFFD0]  }
0x1ed: {  	v3 =	vld [tilespmem:s31+$0xFFFFFFE0]  }
0x1ee: {  	v4 =	vld [tilespmem:s31+$0xFFFFFFF0]  }
0x1ef: {  	v7 =	vld [tilespmem:s31+$0x0]  }
0x1f0: {  	v8 =	vld [tilespmem:s31+$0x10]  }
0x1f1: {  	v9 =	vld [tilespmem:s31+$0x20]  }
0x1f2: {  	v10 =	vld [tilespmem:s31+$0xFFFFFFC0]  }
0x1f3: {  	v11 =	vld.idx.msk [tilespmem:v1+s2+$0x0], $0xffff  }
0x1f4: {  	v12 =	vld.idx.msk [tilespmem:v2+s2+$0x0], $0xffff  }
0x1f5: {  	v6 =	vld.idx.msk [tilespmem:v3+s2+$0x0], $0xffff  }
0x1f6: {  	v5 =	vld.idx.msk [tilespmem:v4+s2+$0x0], $0xffff  }
0x1f7: {  	v4 =	vld.idx.msk [tilespmem:v7+s2+$0x0], $0xffff  }
0x1f8: {  	v2 =	vld.idx.msk [tilespmem:v8+s2+$0x0], $0xffff  }
0x1f9: {  	v1 =	vld.idx.msk [tilespmem:v9+s2+$0x0], $0xffff;
	v7 =	vadd.f32 v11, v0  }
0x1fa: {  	s8 =	simm.s32 $0x0;
	s9 =	simm.s32 $0x1BC38;
	s0 =	simm.s32 $0x1CBB8;
	v3 =	vld.idx.msk [tilespmem:v10+s2+$0x0], $0xffff;
	v8 =	vadd.f32 v12, v0  }
.LBB2_18:
0x1fb: {  	v9 =	vld [tilespmem:s9+$0x30];
	s8 =	sadd.s32 $0x80, s8;
	v6 =	vadd.f32 v6, v0;
	[tilespmem:s0+$0x30] =	vst v7  }
0x1fc: {  	v5 =	vadd.f32 v5, v0;
	v7 =	vld [tilespmem:s9+$0xFFFFFFD0];
	p1 =	slt.u32 s8, $0xF80;
	[tilespmem:s0+$0xFFFFFFD0] =	vst v8  }
0x1fd: {  	v4 =	vadd.f32 v4, v0;
	v8 =	vld [tilespmem:s9+$0xFFFFFFE0];
	[tilespmem:s0+$0xFFFFFFE0] =	vst v6  }
0x1fe: {  	v2 =	vadd.f32 v2, v0;
	v10 =	vld [tilespmem:s9+$0xFFFFFFF0];
	[tilespmem:s0+$0xFFFFFFF0] =	vst v5  }
0x1ff: {  	v1 =	vadd.f32 v1, v0;
	v11 =	vld [tilespmem:s9+$0x0];
	[tilespmem:s0+$0x0] =	vst v4  }
0x200: {  	v3 =	vadd.f32 v3, v0;
	v12 =	vld [tilespmem:s9+$0x10];
	[tilespmem:s0+$0x10] =	vst v2  }
0x201: {  	v13 =	vld [tilespmem:s9+$0x20];
	[tilespmem:s0+$0x20] =	vst v1  }
0x202: {  	v14 =	vld [tilespmem:s9+$0xFFFFFFC0];
	[tilespmem:s0+$0xFFFFFFC0] =	vst v3  }
0x203: {  	v3 =	vld.idx.msk [tilespmem:v9+s2+$0x0], $0xffff  }
0x204: {  	v9 =	vld.idx.msk [tilespmem:v7+s2+$0x0], $0xffff  }
0x205: {  	v6 =	vld.idx.msk [tilespmem:v8+s2+$0x0], $0xffff  }
.Ltmp8:
0x206: {  	v5 =	vld.idx.msk [tilespmem:v10+s2+$0x0], $0xffff;
	(pc) =	sbr.rel @p1 .LBB2_18-.Ltmp8, $4  }
0x207: {  	v4 =	vld.idx.msk [tilespmem:v11+s2+$0x0], $0xffff  }
0x208: {  	v2 =	vld.idx.msk [tilespmem:v12+s2+$0x0], $0xffff  }
0x209: {  	v7 =	vadd.f32 v3, v0;
	v1 =	vld.idx.msk [tilespmem:v13+s2+$0x0], $0xffff  }
0x20a: {  	s9 =	sadd.s32 $0x80, s9;
	s0 =	sadd.s32 $0x80, s0;
	v8 =	vadd.f32 v9, v0;
	v3 =	vld.idx.msk [tilespmem:v14+s2+$0x0], $0xffff  }
0x20b: {  	v6 =	vadd.f32 v6, v0;
	[tilespmem:s0+$0x30] =	vst v7  }
0x20c: {  	v5 =	vadd.f32 v5, v0;
	[tilespmem:s0+$0xFFFFFFD0] =	vst v8  }
0x20d: {  	v4 =	vadd.f32 v4, v0;
	[tilespmem:s0+$0xFFFFFFE0] =	vst v6  }
0x20e: {  	[tilespmem:s0+$0xFFFFFFF0] =	vst v5;
	v2 =	vadd.f32 v2, v0  }
0x20f: {  	[tilespmem:s0+$0x0] =	vst v4;
	v1 =	vadd.f32 v1, v0  }
0x210: {  	v0 =	vadd.f32 v3, v0;
	[tilespmem:s0+$0x10] =	vst v2  }
0x211: {  	[tilespmem:s0+$0x20] =	vst v1  }
0x212: {  	[tilespmem:s0+$0xFFFFFFC0] =	vst v0  }
0x213: {  	s0 =	sld [smem:$0x7F2];
	_ =	sdelay $0x2  }
0x214: {  	[hbm4b:s0+s2] =	stream.linear.scatter [tilespmem:s22], [sflag:$0x4], $0x1000, $0x38;
	[tilespmem:$0x1EB78] =	vst v63  }
0x215: {  	_ =	swait.ge [sflag:s21], $0x1000  }
0x216: {  	[sflag:s21] =	ssyncset.done $0x0  }
0x217: {  	[sflag:s21] =	ssyncadd.s32 $0xFFFFF000  }
0x218: {  	_ =	swait.ge [sflag:s28], $0x1000  }
0x219: {  	[sflag:s28] =	ssyncset.done $0x0  }
0x21a: {  	[sflag:s28] =	ssyncadd.s32 $0xFFFFF000  }
0x21b: {  	s31 =	simm.s32 $0x19BB8;
	v0 =	vld.msk [tilespmem:$0x186A9 ss:$0x0], $0xffff  }
0x21c: {  	v1 =	vld [tilespmem:s31+$0x30]  }
0x21d: {  	v2 =	vld [tilespmem:s31+$0xFFFFFFD0]  }
0x21e: {  	v3 =	vld [tilespmem:s31+$0xFFFFFFE0]  }
0x21f: {  	v4 =	vld [tilespmem:s31+$0xFFFFFFF0]  }
0x220: {  	v7 =	vld [tilespmem:s31+$0x0]  }
0x221: {  	v8 =	vld [tilespmem:s31+$0x10]  }
0x222: {  	v9 =	vld [tilespmem:s31+$0x20]  }
0x223: {  	v10 =	vld [tilespmem:s31+$0xFFFFFFC0]  }
0x224: {  	v11 =	vld.idx.msk [tilespmem:v1+s2+$0x0], $0xffff  }
0x225: {  	v12 =	vld.idx.msk [tilespmem:v2+s2+$0x0], $0xffff  }
0x226: {  	v6 =	vld.idx.msk [tilespmem:v3+s2+$0x0], $0xffff  }
0x227: {  	v5 =	vld.idx.msk [tilespmem:v4+s2+$0x0], $0xffff  }
0x228: {  	v4 =	vld.idx.msk [tilespmem:v7+s2+$0x0], $0xffff  }
0x229: {  	v2 =	vld.idx.msk [tilespmem:v8+s2+$0x0], $0xffff  }
0x22a: {  	v1 =	vld.idx.msk [tilespmem:v9+s2+$0x0], $0xffff;
	v7 =	vadd.f32 v11, v0  }
0x22b: {  	s8 =	simm.s32 $0x0;
	s9 =	simm.s32 $0x19C38;
	s0 =	simm.s32 $0x1DBB8;
	v3 =	vld.idx.msk [tilespmem:v10+s2+$0x0], $0xffff;
	v8 =	vadd.f32 v12, v0  }
.LBB2_20:
0x22c: {  	v9 =	vld [tilespmem:s9+$0x30];
	s8 =	sadd.s32 $0x80, s8;
	v6 =	vadd.f32 v6, v0;
	[tilespmem:s0+$0x30] =	vst v7  }
0x22d: {  	v5 =	vadd.f32 v5, v0;
	v7 =	vld [tilespmem:s9+$0xFFFFFFD0];
	p1 =	slt.u32 s8, $0xF80;
	[tilespmem:s0+$0xFFFFFFD0] =	vst v8  }
0x22e: {  	v4 =	vadd.f32 v4, v0;
	v8 =	vld [tilespmem:s9+$0xFFFFFFE0];
	[tilespmem:s0+$0xFFFFFFE0] =	vst v6  }
0x22f: {  	v2 =	vadd.f32 v2, v0;
	v10 =	vld [tilespmem:s9+$0xFFFFFFF0];
	[tilespmem:s0+$0xFFFFFFF0] =	vst v5  }
0x230: {  	v1 =	vadd.f32 v1, v0;
	v11 =	vld [tilespmem:s9+$0x0];
	[tilespmem:s0+$0x0] =	vst v4  }
0x231: {  	v3 =	vadd.f32 v3, v0;
	v12 =	vld [tilespmem:s9+$0x10];
	[tilespmem:s0+$0x10] =	vst v2  }
0x232: {  	v13 =	vld [tilespmem:s9+$0x20];
	[tilespmem:s0+$0x20] =	vst v1  }
0x233: {  	v14 =	vld [tilespmem:s9+$0xFFFFFFC0];
	[tilespmem:s0+$0xFFFFFFC0] =	vst v3  }
0x234: {  	v3 =	vld.idx.msk [tilespmem:v9+s2+$0x0], $0xffff  }
0x235: {  	v9 =	vld.idx.msk [tilespmem:v7+s2+$0x0], $0xffff  }
0x236: {  	v6 =	vld.idx.msk [tilespmem:v8+s2+$0x0], $0xffff  }
.Ltmp9:
0x237: {  	v5 =	vld.idx.msk [tilespmem:v10+s2+$0x0], $0xffff;
	(pc) =	sbr.rel @p1 .LBB2_20-.Ltmp9, $4  }
0x238: {  	v4 =	vld.idx.msk [tilespmem:v11+s2+$0x0], $0xffff  }
0x239: {  	v2 =	vld.idx.msk [tilespmem:v12+s2+$0x0], $0xffff  }
0x23a: {  	v7 =	vadd.f32 v3, v0;
	v1 =	vld.idx.msk [tilespmem:v13+s2+$0x0], $0xffff  }
0x23b: {  	s9 =	sadd.s32 $0x80, s9;
	s0 =	sadd.s32 $0x80, s0;
	v8 =	vadd.f32 v9, v0;
	v3 =	vld.idx.msk [tilespmem:v14+s2+$0x0], $0xffff  }
0x23c: {  	v6 =	vadd.f32 v6, v0;
	[tilespmem:s0+$0x30] =	vst v7  }
0x23d: {  	v5 =	vadd.f32 v5, v0;
	[tilespmem:s0+$0xFFFFFFD0] =	vst v8  }
0x23e: {  	v4 =	vadd.f32 v4, v0;
	[tilespmem:s0+$0xFFFFFFE0] =	vst v6  }
0x23f: {  	[tilespmem:s0+$0xFFFFFFF0] =	vst v5;
	v2 =	vadd.f32 v2, v0  }
0x240: {  	[tilespmem:s0+$0x0] =	vst v4;
	v1 =	vadd.f32 v1, v0  }
0x241: {  	v63 =	vadd.f32 v3, v0;
	[tilespmem:s0+$0x10] =	vst v2  }
0x242: {  	[tilespmem:s0+$0x20] =	vst v1  }
0x243: {  	[tilespmem:s0+$0xFFFFFFC0] =	vst v63  }
0x244: {  	s0 =	sld [smem:$0x7F3];
	_ =	sdelay $0x2  }
0x245: {  	[hbm4b:s0+s2] =	stream.linear.scatter [tilespmem:s24], [sflag:$0x5], $0x1000, $0x38;
	[tilespmem:$0x1EB78] =	vst v63  }
0x246: {  	s0 =	simm.s32 @!p0 $0x6  }
0x247: {  	_ =	swait.ge @!p0 [sflag:s0], $0x200  }
0x248: {  	[sflag:s0] =	ssyncset.done @!p0 $0x0  }
0x249: {  	s9 =	simm.s32 $0x1;
	[sflag:s0] =	ssyncadd.s32 @!p0 $0xFFFFFE00  }
.LBB2_22:
0x24a: {  	s31 =	sadd.s32 $0x1, s9  }
0x24b: {  	p1 =	seq.s32 @!p0 s9, $0x13;
	s0 =	sand.u32 @!p0 $0x1, s31;
	s8 =	smul.u32 @!p0 $0xA, s31  }
0x24c: {  	p1 =	por !p1, p0;
	p2 =	seq.s32 @!p0 s0, $0x1  }
0x24d: {  	s0 =	simm.s32 @!p0 $0xA000;
	s8 =	simm.s32 @!p1 $0x0;
	p1 =	por !p2, p0  }
0x24e: {  	s0 =	simm.s32 @p1 $0x0;
	s8 =	sadd.s32 @!p0 s3, s8  }
0x24f: {  	[bflag:$0x0] =	sbarrier.arrive $0xFFFF;
	s0 =	sadd.s32 @!p0 s0, s6;
	s8 =	sshll.u32 @!p0 s8, $0x9  }
0x250: {  	s14 =	sand.u32 $0x1, s9;
	s8 =	sadd.s32 @!p0 s4, s8;
	s0 =	sshrl.u32 @!p0 s0, $0x3  }
0x251: {  	[spmem:s0], [sflag:s30] =	dma.local @!p0 [hbm:s8], $0x200  }
0x252: {  	p1 =	seq.s32 s14, $0x1;
	s0 =	simm.s32 $0xA000  }
0x253: {  	s0 =	simm.s32 @!p1 $0x0  }
0x254: {  	s8 =	sadd.s32 s0, s1  }
0x255: {  	[tilespmem:s18], [sflag:$0x1] =	stream.linear.gather [spmem:s8], $0x1000, $0x38;
	[tilespmem:$0x1EB78] =	vst v63  }
0x256: {  	s0 =	sadd.s32 $0x1000, s8  }
0x257: {  	[tilespmem:s19], [sflag:$0x2] =	stream.linear.gather [spmem:s0], $0x1000, $0x38;
	[tilespmem:$0x1EB78] =	vst v63  }
0x258: {  	s15 =	sadd.s32 $0x2000, s8  }
0x259: {  	[tilespmem:s20], [sflag:$0x3] =	stream.linear.gather [spmem:s15], $0x1000, $0x38;
	[tilespmem:$0x1EB78] =	vst v63  }
0x25a: {  	_ =	swait.ge [sflag:s21], $0x1000  }
0x25b: {  	[sflag:s21] =	ssyncset.done $0x0  }
0x25c: {  	[sflag:s21] =	ssyncadd.s32 $0xFFFFF000  }
0x25d: {  	_ =	swait.ge [sflag:s26], $0x1000  }
0x25e: {  	s0 =	smul.u32 $0xA, s9;
	[sflag:s26] =	ssyncset.done $0x0  }
0x25f: {  	[sflag:s26] =	ssyncadd.s32 $0xFFFFF000  }
0x260: {  	s13 =	simm.s32 $0x19BB8;
	v0 =	vld.msk [tilespmem:s0+$0x186A0 ss:$0x0], $0xffff  }
0x261: {  	v1 =	vld [tilespmem:s13+$0x30]  }
0x262: {  	v2 =	vld [tilespmem:s13+$0xFFFFFFD0]  }
0x263: {  	v3 =	vld [tilespmem:s13+$0xFFFFFFE0]  }
0x264: {  	v4 =	vld [tilespmem:s13+$0xFFFFFFF0]  }
0x265: {  	v7 =	vld [tilespmem:s13+$0x0]  }
0x266: {  	v8 =	vld [tilespmem:s13+$0x10]  }
0x267: {  	v9 =	vld [tilespmem:s13+$0x20]  }
0x268: {  	v10 =	vld [tilespmem:s13+$0xFFFFFFC0]  }
0x269: {  	v11 =	vld.idx.msk [tilespmem:v1+s2+$0x0], $0xffff  }
0x26a: {  	v12 =	vld.idx.msk [tilespmem:v2+s2+$0x0], $0xffff  }
0x26b: {  	v6 =	vld.idx.msk [tilespmem:v3+s2+$0x0], $0xffff  }
0x26c: {  	v5 =	vld.idx.msk [tilespmem:v4+s2+$0x0], $0xffff  }
0x26d: {  	v4 =	vld.idx.msk [tilespmem:v7+s2+$0x0], $0xffff  }
0x26e: {  	v3 =	vld.idx.msk [tilespmem:v8+s2+$0x0], $0xffff  }
0x26f: {  	v1 =	vld.idx.msk [tilespmem:v9+s2+$0x0], $0xffff;
	v7 =	vadd.f32 v11, v0  }
0x270: {  	s14 =	simm.s32 $0x0;
	s15 =	simm.s32 $0x19C38;
	s13 =	simm.s32 $0x1CBB8;
	v2 =	vld.idx.msk [tilespmem:v10+s2+$0x0], $0xffff;
	v8 =	vadd.f32 v12, v0  }
.LBB2_23:
0x271: {  	v9 =	vld [tilespmem:s15+$0x30];
	s14 =	sadd.s32 $0x80, s14;
	v6 =	vadd.f32 v6, v0;
	[tilespmem:s13+$0x30] =	vst v7  }
0x272: {  	v5 =	vadd.f32 v5, v0;
	v7 =	vld [tilespmem:s15+$0xFFFFFFD0];
	p1 =	slt.u32 s14, $0xF80;
	[tilespmem:s13+$0xFFFFFFD0] =	vst v8  }
0x273: {  	v4 =	vadd.f32 v4, v0;
	v8 =	vld [tilespmem:s15+$0xFFFFFFE0];
	[tilespmem:s13+$0xFFFFFFE0] =	vst v6  }
0x274: {  	v3 =	vadd.f32 v3, v0;
	v10 =	vld [tilespmem:s15+$0xFFFFFFF0];
	[tilespmem:s13+$0xFFFFFFF0] =	vst v5  }
0x275: {  	v1 =	vadd.f32 v1, v0;
	v11 =	vld [tilespmem:s15+$0x0];
	[tilespmem:s13+$0x0] =	vst v4  }
0x276: {  	v2 =	vadd.f32 v2, v0;
	v12 =	vld [tilespmem:s15+$0x10];
	[tilespmem:s13+$0x10] =	vst v3  }
0x277: {  	v13 =	vld [tilespmem:s15+$0x20];
	[tilespmem:s13+$0x20] =	vst v1  }
0x278: {  	v14 =	vld [tilespmem:s15+$0xFFFFFFC0];
	[tilespmem:s13+$0xFFFFFFC0] =	vst v2  }
0x279: {  	v2 =	vld.idx.msk [tilespmem:v9+s2+$0x0], $0xffff  }
0x27a: {  	v9 =	vld.idx.msk [tilespmem:v7+s2+$0x0], $0xffff  }
0x27b: {  	v6 =	vld.idx.msk [tilespmem:v8+s2+$0x0], $0xffff  }
.Ltmp10:
0x27c: {  	v5 =	vld.idx.msk [tilespmem:v10+s2+$0x0], $0xffff;
	(pc) =	sbr.rel @p1 .LBB2_23-.Ltmp10, $4  }
0x27d: {  	v4 =	vld.idx.msk [tilespmem:v11+s2+$0x0], $0xffff  }
0x27e: {  	v3 =	vld.idx.msk [tilespmem:v12+s2+$0x0], $0xffff  }
0x27f: {  	v7 =	vadd.f32 v2, v0;
	v1 =	vld.idx.msk [tilespmem:v13+s2+$0x0], $0xffff  }
0x280: {  	s15 =	sadd.s32 $0x80, s15;
	s13 =	sadd.s32 $0x80, s13;
	v8 =	vadd.f32 v9, v0;
	v2 =	vld.idx.msk [tilespmem:v14+s2+$0x0], $0xffff  }
0x281: {  	v6 =	vadd.f32 v6, v0;
	[tilespmem:s13+$0x30] =	vst v7  }
0x282: {  	v5 =	vadd.f32 v5, v0;
	[tilespmem:s13+$0xFFFFFFD0] =	vst v8  }
0x283: {  	v4 =	vadd.f32 v4, v0;
	[tilespmem:s13+$0xFFFFFFE0] =	vst v6  }
0x284: {  	s9 =	smul.u32 $0x280000, s9;
	[tilespmem:s13+$0xFFFFFFF0] =	vst v5;
	v3 =	vadd.f32 v3, v0  }
0x285: {  	[tilespmem:s13+$0x0] =	vst v4;
	v1 =	vadd.f32 v1, v0  }
0x286: {  	s9 =	sor.u32 s10, s9;
	v0 =	vadd.f32 v2, v0;
	[tilespmem:s13+$0x10] =	vst v3  }
0x287: {  	s9 =	sshrl.u32 s9, $0x3;
	[tilespmem:s13+$0x20] =	vst v1  }
0x288: {  	s15 =	sadd.s32 s5, s9;
	[tilespmem:s13+$0xFFFFFFC0] =	vst v0  }
0x289: {  	[hbm4b:s15+s2] =	stream.linear.scatter [tilespmem:s22], [sflag:$0x4], $0x1000, $0x38;
	[tilespmem:$0x1EB78] =	vst v63  }
0x28a: {  	s14 =	sadd.s32 $0x3000, s8  }
0x28b: {  	[tilespmem:s18], [sflag:$0x1] =	stream.linear.gather [spmem:s14], $0x1000, $0x38;
	[tilespmem:$0x1EB78] =	vst v63  }
0x28c: {  	_ =	swait.ge [sflag:s23], $0x1000  }
0x28d: {  	[sflag:s23] =	ssyncset.done $0x0  }
0x28e: {  	[sflag:s23] =	ssyncadd.s32 $0xFFFFF000  }
0x28f: {  	_ =	swait.ge [sflag:s28], $0x1000  }
0x290: {  	[sflag:s28] =	ssyncset.done $0x0  }
0x291: {  	[sflag:s28] =	ssyncadd.s32 $0xFFFFF000  }
0x292: {  	s15 =	simm.s32 $0x1ABB8;
	v0 =	vld.msk [tilespmem:s0+$0x186A1 ss:$0x0], $0xffff  }
0x293: {  	v1 =	vld [tilespmem:s15+$0x30]  }
0x294: {  	v2 =	vld [tilespmem:s15+$0xFFFFFFD0]  }
0x295: {  	v3 =	vld [tilespmem:s15+$0xFFFFFFE0]  }
0x296: {  	v4 =	vld [tilespmem:s15+$0xFFFFFFF0]  }
0x297: {  	v7 =	vld [tilespmem:s15+$0x0]  }
0x298: {  	v8 =	vld [tilespmem:s15+$0x10]  }
0x299: {  	v9 =	vld [tilespmem:s15+$0x20]  }
0x29a: {  	v10 =	vld [tilespmem:s15+$0xFFFFFFC0]  }
0x29b: {  	v11 =	vld.idx.msk [tilespmem:v1+s2+$0x0], $0xffff  }
0x29c: {  	v12 =	vld.idx.msk [tilespmem:v2+s2+$0x0], $0xffff  }
0x29d: {  	v6 =	vld.idx.msk [tilespmem:v3+s2+$0x0], $0xffff  }
0x29e: {  	v5 =	vld.idx.msk [tilespmem:v4+s2+$0x0], $0xffff  }
0x29f: {  	v4 =	vld.idx.msk [tilespmem:v7+s2+$0x0], $0xffff  }
0x2a0: {  	v2 =	vld.idx.msk [tilespmem:v8+s2+$0x0], $0xffff  }
0x2a1: {  	v1 =	vld.idx.msk [tilespmem:v9+s2+$0x0], $0xffff;
	v7 =	vadd.f32 v11, v0  }
0x2a2: {  	s13 =	simm.s32 $0x1DBB8;
	s14 =	simm.s32 $0x0;
	s15 =	simm.s32 $0x1AC38;
	v3 =	vld.idx.msk [tilespmem:v10+s2+$0x0], $0xffff;
	v8 =	vadd.f32 v12, v0  }
.LBB2_25:
0x2a3: {  	v9 =	vld [tilespmem:s15+$0x30];
	s14 =	sadd.s32 $0x80, s14;
	v6 =	vadd.f32 v6, v0;
	[tilespmem:s13+$0x30] =	vst v7  }
0x2a4: {  	v5 =	vadd.f32 v5, v0;
	v7 =	vld [tilespmem:s15+$0xFFFFFFD0];
	p1 =	slt.u32 s14, $0xF80;
	[tilespmem:s13+$0xFFFFFFD0] =	vst v8  }
0x2a5: {  	v4 =	vadd.f32 v4, v0;
	v8 =	vld [tilespmem:s15+$0xFFFFFFE0];
	[tilespmem:s13+$0xFFFFFFE0] =	vst v6  }
0x2a6: {  	v2 =	vadd.f32 v2, v0;
	v10 =	vld [tilespmem:s15+$0xFFFFFFF0];
	[tilespmem:s13+$0xFFFFFFF0] =	vst v5  }
0x2a7: {  	v1 =	vadd.f32 v1, v0;
	v11 =	vld [tilespmem:s15+$0x0];
	[tilespmem:s13+$0x0] =	vst v4  }
0x2a8: {  	v3 =	vadd.f32 v3, v0;
	v12 =	vld [tilespmem:s15+$0x10];
	[tilespmem:s13+$0x10] =	vst v2  }
0x2a9: {  	v13 =	vld [tilespmem:s15+$0x20];
	[tilespmem:s13+$0x20] =	vst v1  }
0x2aa: {  	v14 =	vld [tilespmem:s15+$0xFFFFFFC0];
	[tilespmem:s13+$0xFFFFFFC0] =	vst v3  }
0x2ab: {  	v3 =	vld.idx.msk [tilespmem:v9+s2+$0x0], $0xffff  }
0x2ac: {  	v9 =	vld.idx.msk [tilespmem:v7+s2+$0x0], $0xffff  }
0x2ad: {  	v6 =	vld.idx.msk [tilespmem:v8+s2+$0x0], $0xffff  }
.Ltmp11:
0x2ae: {  	v5 =	vld.idx.msk [tilespmem:v10+s2+$0x0], $0xffff;
	(pc) =	sbr.rel @p1 .LBB2_25-.Ltmp11, $4  }
0x2af: {  	v4 =	vld.idx.msk [tilespmem:v11+s2+$0x0], $0xffff  }
0x2b0: {  	v2 =	vld.idx.msk [tilespmem:v12+s2+$0x0], $0xffff  }
0x2b1: {  	v7 =	vadd.f32 v3, v0;
	v1 =	vld.idx.msk [tilespmem:v13+s2+$0x0], $0xffff  }
0x2b2: {  	s15 =	sadd.s32 $0x80, s15;
	s13 =	sadd.s32 $0x80, s13;
	v8 =	vadd.f32 v9, v0;
	v3 =	vld.idx.msk [tilespmem:v14+s2+$0x0], $0xffff  }
0x2b3: {  	v6 =	vadd.f32 v6, v0;
	[tilespmem:s13+$0x30] =	vst v7  }
0x2b4: {  	v5 =	vadd.f32 v5, v0;
	[tilespmem:s13+$0xFFFFFFD0] =	vst v8  }
0x2b5: {  	v4 =	vadd.f32 v4, v0;
	[tilespmem:s13+$0xFFFFFFE0] =	vst v6  }
0x2b6: {  	[tilespmem:s13+$0xFFFFFFF0] =	vst v5;
	v2 =	vadd.f32 v2, v0  }
0x2b7: {  	[tilespmem:s13+$0x0] =	vst v4;
	v1 =	vadd.f32 v1, v0  }
0x2b8: {  	v0 =	vadd.f32 v3, v0;
	[tilespmem:s13+$0x10] =	vst v2  }
0x2b9: {  	[tilespmem:s13+$0x20] =	vst v1  }
0x2ba: {  	s9 =	sadd.s32 s9, s12;
	[tilespmem:s13+$0xFFFFFFC0] =	vst v0  }
0x2bb: {  	[hbm4b:s9+s2] =	stream.linear.scatter [tilespmem:s24], [sflag:$0x5], $0x1000, $0x38;
	[tilespmem:$0x1EB78] =	vst v63  }
0x2bc: {  	s14 =	sadd.s32 $0x4000, s8  }
0x2bd: {  	[tilespmem:s19], [sflag:$0x2] =	stream.linear.gather [spmem:s14], $0x1000, $0x38;
	[tilespmem:$0x1EB78] =	vst v63  }
0x2be: {  	_ =	swait.ge [sflag:s25], $0x1000  }
0x2bf: {  	[sflag:s25] =	ssyncset.done $0x0  }
0x2c0: {  	[sflag:s25] =	ssyncadd.s32 $0xFFFFF000  }
0x2c1: {  	_ =	swait.ge [sflag:s26], $0x1000  }
0x2c2: {  	[sflag:s26] =	ssyncset.done $0x0  }
0x2c3: {  	[sflag:s26] =	ssyncadd.s32 $0xFFFFF000  }
0x2c4: {  	s15 =	simm.s32 $0x1BBB8;
	v0 =	vld.msk [tilespmem:s0+$0x186A2 ss:$0x0], $0xffff  }
0x2c5: {  	v1 =	vld [tilespmem:s15+$0x30]  }
0x2c6: {  	v2 =	vld [tilespmem:s15+$0xFFFFFFD0]  }
0x2c7: {  	v3 =	vld [tilespmem:s15+$0xFFFFFFE0]  }
0x2c8: {  	v4 =	vld [tilespmem:s15+$0xFFFFFFF0]  }
0x2c9: {  	v7 =	vld [tilespmem:s15+$0x0]  }
0x2ca: {  	v8 =	vld [tilespmem:s15+$0x10]  }
0x2cb: {  	v9 =	vld [tilespmem:s15+$0x20]  }
0x2cc: {  	v10 =	vld [tilespmem:s15+$0xFFFFFFC0]  }
0x2cd: {  	v11 =	vld.idx.msk [tilespmem:v1+s2+$0x0], $0xffff  }
0x2ce: {  	v12 =	vld.idx.msk [tilespmem:v2+s2+$0x0], $0xffff  }
0x2cf: {  	v6 =	vld.idx.msk [tilespmem:v3+s2+$0x0], $0xffff  }
0x2d0: {  	v5 =	vld.idx.msk [tilespmem:v4+s2+$0x0], $0xffff  }
0x2d1: {  	v4 =	vld.idx.msk [tilespmem:v7+s2+$0x0], $0xffff  }
0x2d2: {  	v2 =	vld.idx.msk [tilespmem:v8+s2+$0x0], $0xffff  }
0x2d3: {  	s13 =	sadd.s32 $0x2, s0;
	v1 =	vld.idx.msk [tilespmem:v9+s2+$0x0], $0xffff;
	v7 =	vadd.f32 v11, v0  }
0x2d4: {  	s9 =	simm.s32 $0x1CBB8;
	s14 =	simm.s32 $0x0;
	s15 =	simm.s32 $0x1BC38;
	v3 =	vld.idx.msk [tilespmem:v10+s2+$0x0], $0xffff;
	v8 =	vadd.f32 v12, v0  }
.LBB2_27:
0x2d5: {  	v9 =	vld [tilespmem:s15+$0x30];
	s14 =	sadd.s32 $0x80, s14;
	v6 =	vadd.f32 v6, v0;
	[tilespmem:s9+$0x30] =	vst v7  }
0x2d6: {  	v5 =	vadd.f32 v5, v0;
	v7 =	vld [tilespmem:s15+$0xFFFFFFD0];
	p1 =	slt.u32 s14, $0xF80;
	[tilespmem:s9+$0xFFFFFFD0] =	vst v8  }
0x2d7: {  	v4 =	vadd.f32 v4, v0;
	v8 =	vld [tilespmem:s15+$0xFFFFFFE0];
	[tilespmem:s9+$0xFFFFFFE0] =	vst v6  }
0x2d8: {  	v2 =	vadd.f32 v2, v0;
	v10 =	vld [tilespmem:s15+$0xFFFFFFF0];
	[tilespmem:s9+$0xFFFFFFF0] =	vst v5  }
0x2d9: {  	v1 =	vadd.f32 v1, v0;
	v11 =	vld [tilespmem:s15+$0x0];
	[tilespmem:s9+$0x0] =	vst v4  }
0x2da: {  	v3 =	vadd.f32 v3, v0;
	v12 =	vld [tilespmem:s15+$0x10];
	[tilespmem:s9+$0x10] =	vst v2  }
0x2db: {  	v13 =	vld [tilespmem:s15+$0x20];
	[tilespmem:s9+$0x20] =	vst v1  }
0x2dc: {  	v14 =	vld [tilespmem:s15+$0xFFFFFFC0];
	[tilespmem:s9+$0xFFFFFFC0] =	vst v3  }
0x2dd: {  	v3 =	vld.idx.msk [tilespmem:v9+s2+$0x0], $0xffff  }
0x2de: {  	v9 =	vld.idx.msk [tilespmem:v7+s2+$0x0], $0xffff  }
0x2df: {  	v6 =	vld.idx.msk [tilespmem:v8+s2+$0x0], $0xffff  }
.Ltmp12:
0x2e0: {  	v5 =	vld.idx.msk [tilespmem:v10+s2+$0x0], $0xffff;
	(pc) =	sbr.rel @p1 .LBB2_27-.Ltmp12, $4  }
0x2e1: {  	v4 =	vld.idx.msk [tilespmem:v11+s2+$0x0], $0xffff  }
0x2e2: {  	v2 =	vld.idx.msk [tilespmem:v12+s2+$0x0], $0xffff  }
0x2e3: {  	v7 =	vadd.f32 v3, v0;
	v1 =	vld.idx.msk [tilespmem:v13+s2+$0x0], $0xffff  }
0x2e4: {  	s15 =	sadd.s32 $0x80, s15;
	s9 =	sadd.s32 $0x80, s9;
	v8 =	vadd.f32 v9, v0;
	v3 =	vld.idx.msk [tilespmem:v14+s2+$0x0], $0xffff  }
0x2e5: {  	v6 =	vadd.f32 v6, v0;
	[tilespmem:s9+$0x30] =	vst v7  }
0x2e6: {  	v5 =	vadd.f32 v5, v0;
	[tilespmem:s9+$0xFFFFFFD0] =	vst v8  }
0x2e7: {  	v4 =	vadd.f32 v4, v0;
	[tilespmem:s9+$0xFFFFFFE0] =	vst v6  }
0x2e8: {  	[tilespmem:s9+$0xFFFFFFF0] =	vst v5;
	v2 =	vadd.f32 v2, v0  }
0x2e9: {  	s13 =	sshll.u32 s13, $0x12;
	[tilespmem:s9+$0x0] =	vst v4;
	v1 =	vadd.f32 v1, v0  }
0x2ea: {  	s13 =	sor.u32 s10, s13;
	v0 =	vadd.f32 v3, v0;
	[tilespmem:s9+$0x10] =	vst v2  }
0x2eb: {  	s13 =	sshrl.u32 s13, $0x3;
	[tilespmem:s9+$0x20] =	vst v1  }
0x2ec: {  	s13 =	sadd.s32 s5, s13;
	[tilespmem:s9+$0xFFFFFFC0] =	vst v0  }
0x2ed: {  	[hbm4b:s13+s2] =	stream.linear.scatter [tilespmem:s22], [sflag:$0x4], $0x1000, $0x38;
	[tilespmem:$0x1EB78] =	vst v63  }
0x2ee: {  	s14 =	sadd.s32 $0x5000, s8  }
0x2ef: {  	[tilespmem:s20], [sflag:$0x3] =	stream.linear.gather [spmem:s14], $0x1000, $0x38;
	[tilespmem:$0x1EB78] =	vst v63  }
0x2f0: {  	_ =	swait.ge [sflag:s21], $0x1000  }
0x2f1: {  	[sflag:s21] =	ssyncset.done $0x0  }
0x2f2: {  	[sflag:s21] =	ssyncadd.s32 $0xFFFFF000  }
0x2f3: {  	_ =	swait.ge [sflag:s28], $0x1000  }
0x2f4: {  	[sflag:s28] =	ssyncset.done $0x0  }
0x2f5: {  	[sflag:s28] =	ssyncadd.s32 $0xFFFFF000  }
0x2f6: {  	s15 =	simm.s32 $0x19BB8;
	v0 =	vld.msk [tilespmem:s0+$0x186A3 ss:$0x0], $0xffff  }
0x2f7: {  	v1 =	vld [tilespmem:s15+$0x30]  }
0x2f8: {  	v2 =	vld [tilespmem:s15+$0xFFFFFFD0]  }
0x2f9: {  	v3 =	vld [tilespmem:s15+$0xFFFFFFE0]  }
0x2fa: {  	v4 =	vld [tilespmem:s15+$0xFFFFFFF0]  }
0x2fb: {  	v7 =	vld [tilespmem:s15+$0x0]  }
0x2fc: {  	v8 =	vld [tilespmem:s15+$0x10]  }
0x2fd: {  	v9 =	vld [tilespmem:s15+$0x20]  }
0x2fe: {  	v10 =	vld [tilespmem:s15+$0xFFFFFFC0]  }
0x2ff: {  	v11 =	vld.idx.msk [tilespmem:v1+s2+$0x0], $0xffff  }
0x300: {  	v12 =	vld.idx.msk [tilespmem:v2+s2+$0x0], $0xffff  }
0x301: {  	v6 =	vld.idx.msk [tilespmem:v3+s2+$0x0], $0xffff  }
0x302: {  	v5 =	vld.idx.msk [tilespmem:v4+s2+$0x0], $0xffff  }
0x303: {  	v4 =	vld.idx.msk [tilespmem:v7+s2+$0x0], $0xffff  }
0x304: {  	v2 =	vld.idx.msk [tilespmem:v8+s2+$0x0], $0xffff  }
0x305: {  	s9 =	simm.s32 $0x1DBB8;
	v1 =	vld.idx.msk [tilespmem:v9+s2+$0x0], $0xffff;
	v7 =	vadd.f32 v11, v0  }
0x306: {  	s13 =	sadd.s32 $0x3, s0;
	s14 =	simm.s32 $0x0;
	s15 =	simm.s32 $0x19C38;
	v3 =	vld.idx.msk [tilespmem:v10+s2+$0x0], $0xffff;
	v8 =	vadd.f32 v12, v0  }
.LBB2_29:
0x307: {  	v9 =	vld [tilespmem:s15+$0x30];
	s14 =	sadd.s32 $0x80, s14;
	v6 =	vadd.f32 v6, v0;
	[tilespmem:s9+$0x30] =	vst v7  }
0x308: {  	v5 =	vadd.f32 v5, v0;
	v7 =	vld [tilespmem:s15+$0xFFFFFFD0];
	p1 =	slt.u32 s14, $0xF80;
	[tilespmem:s9+$0xFFFFFFD0] =	vst v8  }
0x309: {  	v4 =	vadd.f32 v4, v0;
	v8 =	vld [tilespmem:s15+$0xFFFFFFE0];
	[tilespmem:s9+$0xFFFFFFE0] =	vst v6  }
0x30a: {  	v2 =	vadd.f32 v2, v0;
	v10 =	vld [tilespmem:s15+$0xFFFFFFF0];
	[tilespmem:s9+$0xFFFFFFF0] =	vst v5  }
0x30b: {  	v1 =	vadd.f32 v1, v0;
	v11 =	vld [tilespmem:s15+$0x0];
	[tilespmem:s9+$0x0] =	vst v4  }
0x30c: {  	v3 =	vadd.f32 v3, v0;
	v12 =	vld [tilespmem:s15+$0x10];
	[tilespmem:s9+$0x10] =	vst v2  }
0x30d: {  	v13 =	vld [tilespmem:s15+$0x20];
	[tilespmem:s9+$0x20] =	vst v1  }
0x30e: {  	v14 =	vld [tilespmem:s15+$0xFFFFFFC0];
	[tilespmem:s9+$0xFFFFFFC0] =	vst v3  }
0x30f: {  	v3 =	vld.idx.msk [tilespmem:v9+s2+$0x0], $0xffff  }
0x310: {  	v9 =	vld.idx.msk [tilespmem:v7+s2+$0x0], $0xffff  }
0x311: {  	v6 =	vld.idx.msk [tilespmem:v8+s2+$0x0], $0xffff  }
.Ltmp13:
0x312: {  	v5 =	vld.idx.msk [tilespmem:v10+s2+$0x0], $0xffff;
	(pc) =	sbr.rel @p1 .LBB2_29-.Ltmp13, $4  }
0x313: {  	v4 =	vld.idx.msk [tilespmem:v11+s2+$0x0], $0xffff  }
0x314: {  	v2 =	vld.idx.msk [tilespmem:v12+s2+$0x0], $0xffff  }
0x315: {  	v7 =	vadd.f32 v3, v0;
	v1 =	vld.idx.msk [tilespmem:v13+s2+$0x0], $0xffff  }
0x316: {  	s15 =	sadd.s32 $0x80, s15;
	s9 =	sadd.s32 $0x80, s9;
	v8 =	vadd.f32 v9, v0;
	v3 =	vld.idx.msk [tilespmem:v14+s2+$0x0], $0xffff  }
0x317: {  	v6 =	vadd.f32 v6, v0;
	[tilespmem:s9+$0x30] =	vst v7  }
0x318: {  	v5 =	vadd.f32 v5, v0;
	[tilespmem:s9+$0xFFFFFFD0] =	vst v8  }
0x319: {  	v4 =	vadd.f32 v4, v0;
	[tilespmem:s9+$0xFFFFFFE0] =	vst v6  }
0x31a: {  	[tilespmem:s9+$0xFFFFFFF0] =	vst v5;
	v2 =	vadd.f32 v2, v0  }
0x31b: {  	s13 =	sshll.u32 s13, $0x12;
	[tilespmem:s9+$0x0] =	vst v4;
	v1 =	vadd.f32 v1, v0  }
0x31c: {  	s13 =	sor.u32 s10, s13;
	v0 =	vadd.f32 v3, v0;
	[tilespmem:s9+$0x10] =	vst v2  }
0x31d: {  	s13 =	sshrl.u32 s13, $0x3;
	[tilespmem:s9+$0x20] =	vst v1  }
0x31e: {  	s13 =	sadd.s32 s5, s13;
	[tilespmem:s9+$0xFFFFFFC0] =	vst v0  }
0x31f: {  	[hbm4b:s13+s2] =	stream.linear.scatter [tilespmem:s24], [sflag:$0x5], $0x1000, $0x38;
	[tilespmem:$0x1EB78] =	vst v63  }
0x320: {  	s14 =	sadd.s32 $0x6000, s8  }
0x321: {  	[tilespmem:s18], [sflag:$0x1] =	stream.linear.gather [spmem:s14], $0x1000, $0x38;
	[tilespmem:$0x1EB78] =	vst v63  }
0x322: {  	_ =	swait.ge [sflag:s23], $0x1000  }
0x323: {  	[sflag:s23] =	ssyncset.done $0x0  }
0x324: {  	[sflag:s23] =	ssyncadd.s32 $0xFFFFF000  }
0x325: {  	_ =	swait.ge [sflag:s26], $0x1000  }
0x326: {  	[sflag:s26] =	ssyncset.done $0x0  }
0x327: {  	[sflag:s26] =	ssyncadd.s32 $0xFFFFF000  }
0x328: {  	s15 =	simm.s32 $0x1ABB8;
	v0 =	vld.msk [tilespmem:s0+$0x186A4 ss:$0x0], $0xffff  }
0x329: {  	v1 =	vld [tilespmem:s15+$0x30]  }
0x32a: {  	v2 =	vld [tilespmem:s15+$0xFFFFFFD0]  }
0x32b: {  	v3 =	vld [tilespmem:s15+$0xFFFFFFE0]  }
0x32c: {  	v4 =	vld [tilespmem:s15+$0xFFFFFFF0]  }
0x32d: {  	v7 =	vld [tilespmem:s15+$0x0]  }
0x32e: {  	v8 =	vld [tilespmem:s15+$0x10]  }
0x32f: {  	v9 =	vld [tilespmem:s15+$0x20]  }
0x330: {  	v10 =	vld [tilespmem:s15+$0xFFFFFFC0]  }
0x331: {  	v11 =	vld.idx.msk [tilespmem:v1+s2+$0x0], $0xffff  }
0x332: {  	v12 =	vld.idx.msk [tilespmem:v2+s2+$0x0], $0xffff  }
0x333: {  	v6 =	vld.idx.msk [tilespmem:v3+s2+$0x0], $0xffff  }
0x334: {  	v5 =	vld.idx.msk [tilespmem:v4+s2+$0x0], $0xffff  }
0x335: {  	v4 =	vld.idx.msk [tilespmem:v7+s2+$0x0], $0xffff  }
0x336: {  	v2 =	vld.idx.msk [tilespmem:v8+s2+$0x0], $0xffff  }
0x337: {  	s9 =	simm.s32 $0x1CBB8;
	v1 =	vld.idx.msk [tilespmem:v9+s2+$0x0], $0xffff;
	v7 =	vadd.f32 v11, v0  }
0x338: {  	s13 =	sadd.s32 $0x4, s0;
	s14 =	simm.s32 $0x0;
	s15 =	simm.s32 $0x1AC38;
	v3 =	vld.idx.msk [tilespmem:v10+s2+$0x0], $0xffff;
	v8 =	vadd.f32 v12, v0  }
.LBB2_31:
0x339: {  	v9 =	vld [tilespmem:s15+$0x30];
	s14 =	sadd.s32 $0x80, s14;
	v6 =	vadd.f32 v6, v0;
	[tilespmem:s9+$0x30] =	vst v7  }
0x33a: {  	v5 =	vadd.f32 v5, v0;
	v7 =	vld [tilespmem:s15+$0xFFFFFFD0];
	p1 =	slt.u32 s14, $0xF80;
	[tilespmem:s9+$0xFFFFFFD0] =	vst v8  }
0x33b: {  	v4 =	vadd.f32 v4, v0;
	v8 =	vld [tilespmem:s15+$0xFFFFFFE0];
	[tilespmem:s9+$0xFFFFFFE0] =	vst v6  }
0x33c: {  	v2 =	vadd.f32 v2, v0;
	v10 =	vld [tilespmem:s15+$0xFFFFFFF0];
	[tilespmem:s9+$0xFFFFFFF0] =	vst v5  }
0x33d: {  	v1 =	vadd.f32 v1, v0;
	v11 =	vld [tilespmem:s15+$0x0];
	[tilespmem:s9+$0x0] =	vst v4  }
0x33e: {  	v3 =	vadd.f32 v3, v0;
	v12 =	vld [tilespmem:s15+$0x10];
	[tilespmem:s9+$0x10] =	vst v2  }
0x33f: {  	v13 =	vld [tilespmem:s15+$0x20];
	[tilespmem:s9+$0x20] =	vst v1  }
0x340: {  	v14 =	vld [tilespmem:s15+$0xFFFFFFC0];
	[tilespmem:s9+$0xFFFFFFC0] =	vst v3  }
0x341: {  	v3 =	vld.idx.msk [tilespmem:v9+s2+$0x0], $0xffff  }
0x342: {  	v9 =	vld.idx.msk [tilespmem:v7+s2+$0x0], $0xffff  }
0x343: {  	v6 =	vld.idx.msk [tilespmem:v8+s2+$0x0], $0xffff  }
.Ltmp14:
0x344: {  	v5 =	vld.idx.msk [tilespmem:v10+s2+$0x0], $0xffff;
	(pc) =	sbr.rel @p1 .LBB2_31-.Ltmp14, $4  }
0x345: {  	v4 =	vld.idx.msk [tilespmem:v11+s2+$0x0], $0xffff  }
0x346: {  	v2 =	vld.idx.msk [tilespmem:v12+s2+$0x0], $0xffff  }
0x347: {  	v7 =	vadd.f32 v3, v0;
	v1 =	vld.idx.msk [tilespmem:v13+s2+$0x0], $0xffff  }
0x348: {  	s15 =	sadd.s32 $0x80, s15;
	s9 =	sadd.s32 $0x80, s9;
	v8 =	vadd.f32 v9, v0;
	v3 =	vld.idx.msk [tilespmem:v14+s2+$0x0], $0xffff  }
0x349: {  	v6 =	vadd.f32 v6, v0;
	[tilespmem:s9+$0x30] =	vst v7  }
0x34a: {  	v5 =	vadd.f32 v5, v0;
	[tilespmem:s9+$0xFFFFFFD0] =	vst v8  }
0x34b: {  	v4 =	vadd.f32 v4, v0;
	[tilespmem:s9+$0xFFFFFFE0] =	vst v6  }
0x34c: {  	[tilespmem:s9+$0xFFFFFFF0] =	vst v5;
	v2 =	vadd.f32 v2, v0  }
0x34d: {  	s13 =	sshll.u32 s13, $0x12;
	[tilespmem:s9+$0x0] =	vst v4;
	v1 =	vadd.f32 v1, v0  }
0x34e: {  	s13 =	sor.u32 s10, s13;
	v0 =	vadd.f32 v3, v0;
	[tilespmem:s9+$0x10] =	vst v2  }
0x34f: {  	s13 =	sshrl.u32 s13, $0x3;
	[tilespmem:s9+$0x20] =	vst v1  }
0x350: {  	s13 =	sadd.s32 s5, s13;
	[tilespmem:s9+$0xFFFFFFC0] =	vst v0  }
0x351: {  	[hbm4b:s13+s2] =	stream.linear.scatter [tilespmem:s22], [sflag:$0x4], $0x1000, $0x38;
	[tilespmem:$0x1EB78] =	vst v63  }
0x352: {  	s14 =	sadd.s32 $0x7000, s8  }
0x353: {  	[tilespmem:s19], [sflag:$0x2] =	stream.linear.gather [spmem:s14], $0x1000, $0x38;
	[tilespmem:$0x1EB78] =	vst v63  }
0x354: {  	_ =	swait.ge [sflag:s25], $0x1000  }
0x355: {  	[sflag:s25] =	ssyncset.done $0x0  }
0x356: {  	[sflag:s25] =	ssyncadd.s32 $0xFFFFF000  }
0x357: {  	_ =	swait.ge [sflag:s28], $0x1000  }
0x358: {  	[sflag:s28] =	ssyncset.done $0x0  }
0x359: {  	[sflag:s28] =	ssyncadd.s32 $0xFFFFF000  }
0x35a: {  	s15 =	simm.s32 $0x1BBB8;
	v0 =	vld.msk [tilespmem:s0+$0x186A5 ss:$0x0], $0xffff  }
0x35b: {  	v1 =	vld [tilespmem:s15+$0x30]  }
0x35c: {  	v2 =	vld [tilespmem:s15+$0xFFFFFFD0]  }
0x35d: {  	v3 =	vld [tilespmem:s15+$0xFFFFFFE0]  }
0x35e: {  	v4 =	vld [tilespmem:s15+$0xFFFFFFF0]  }
0x35f: {  	v7 =	vld [tilespmem:s15+$0x0]  }
0x360: {  	v8 =	vld [tilespmem:s15+$0x10]  }
0x361: {  	v9 =	vld [tilespmem:s15+$0x20]  }
0x362: {  	v10 =	vld [tilespmem:s15+$0xFFFFFFC0]  }
0x363: {  	v11 =	vld.idx.msk [tilespmem:v1+s2+$0x0], $0xffff  }
0x364: {  	v12 =	vld.idx.msk [tilespmem:v2+s2+$0x0], $0xffff  }
0x365: {  	v6 =	vld.idx.msk [tilespmem:v3+s2+$0x0], $0xffff  }
0x366: {  	v5 =	vld.idx.msk [tilespmem:v4+s2+$0x0], $0xffff  }
0x367: {  	v4 =	vld.idx.msk [tilespmem:v7+s2+$0x0], $0xffff  }
0x368: {  	v2 =	vld.idx.msk [tilespmem:v8+s2+$0x0], $0xffff  }
0x369: {  	s9 =	simm.s32 $0x1DBB8;
	v1 =	vld.idx.msk [tilespmem:v9+s2+$0x0], $0xffff;
	v7 =	vadd.f32 v11, v0  }
0x36a: {  	s13 =	sadd.s32 $0x5, s0;
	s14 =	simm.s32 $0x0;
	s15 =	simm.s32 $0x1BC38;
	v3 =	vld.idx.msk [tilespmem:v10+s2+$0x0], $0xffff;
	v8 =	vadd.f32 v12, v0  }
.LBB2_33:
0x36b: {  	v9 =	vld [tilespmem:s15+$0x30];
	s14 =	sadd.s32 $0x80, s14;
	v6 =	vadd.f32 v6, v0;
	[tilespmem:s9+$0x30] =	vst v7  }
0x36c: {  	v5 =	vadd.f32 v5, v0;
	v7 =	vld [tilespmem:s15+$0xFFFFFFD0];
	p1 =	slt.u32 s14, $0xF80;
	[tilespmem:s9+$0xFFFFFFD0] =	vst v8  }
0x36d: {  	v4 =	vadd.f32 v4, v0;
	v8 =	vld [tilespmem:s15+$0xFFFFFFE0];
	[tilespmem:s9+$0xFFFFFFE0] =	vst v6  }
0x36e: {  	v2 =	vadd.f32 v2, v0;
	v10 =	vld [tilespmem:s15+$0xFFFFFFF0];
	[tilespmem:s9+$0xFFFFFFF0] =	vst v5  }
0x36f: {  	v1 =	vadd.f32 v1, v0;
	v11 =	vld [tilespmem:s15+$0x0];
	[tilespmem:s9+$0x0] =	vst v4  }
0x370: {  	v3 =	vadd.f32 v3, v0;
	v12 =	vld [tilespmem:s15+$0x10];
	[tilespmem:s9+$0x10] =	vst v2  }
0x371: {  	v13 =	vld [tilespmem:s15+$0x20];
	[tilespmem:s9+$0x20] =	vst v1  }
0x372: {  	v14 =	vld [tilespmem:s15+$0xFFFFFFC0];
	[tilespmem:s9+$0xFFFFFFC0] =	vst v3  }
0x373: {  	v3 =	vld.idx.msk [tilespmem:v9+s2+$0x0], $0xffff  }
0x374: {  	v9 =	vld.idx.msk [tilespmem:v7+s2+$0x0], $0xffff  }
0x375: {  	v6 =	vld.idx.msk [tilespmem:v8+s2+$0x0], $0xffff  }
.Ltmp15:
0x376: {  	v5 =	vld.idx.msk [tilespmem:v10+s2+$0x0], $0xffff;
	(pc) =	sbr.rel @p1 .LBB2_33-.Ltmp15, $4  }
0x377: {  	v4 =	vld.idx.msk [tilespmem:v11+s2+$0x0], $0xffff  }
0x378: {  	v2 =	vld.idx.msk [tilespmem:v12+s2+$0x0], $0xffff  }
0x379: {  	v7 =	vadd.f32 v3, v0;
	v1 =	vld.idx.msk [tilespmem:v13+s2+$0x0], $0xffff  }
0x37a: {  	s15 =	sadd.s32 $0x80, s15;
	s9 =	sadd.s32 $0x80, s9;
	v8 =	vadd.f32 v9, v0;
	v3 =	vld.idx.msk [tilespmem:v14+s2+$0x0], $0xffff  }
0x37b: {  	v6 =	vadd.f32 v6, v0;
	[tilespmem:s9+$0x30] =	vst v7  }
0x37c: {  	v5 =	vadd.f32 v5, v0;
	[tilespmem:s9+$0xFFFFFFD0] =	vst v8  }
0x37d: {  	v4 =	vadd.f32 v4, v0;
	[tilespmem:s9+$0xFFFFFFE0] =	vst v6  }
0x37e: {  	[tilespmem:s9+$0xFFFFFFF0] =	vst v5;
	v2 =	vadd.f32 v2, v0  }
0x37f: {  	s13 =	sshll.u32 s13, $0x12;
	[tilespmem:s9+$0x0] =	vst v4;
	v1 =	vadd.f32 v1, v0  }
0x380: {  	s13 =	sor.u32 s10, s13;
	v0 =	vadd.f32 v3, v0;
	[tilespmem:s9+$0x10] =	vst v2  }
0x381: {  	s13 =	sshrl.u32 s13, $0x3;
	[tilespmem:s9+$0x20] =	vst v1  }
0x382: {  	s13 =	sadd.s32 s5, s13;
	[tilespmem:s9+$0xFFFFFFC0] =	vst v0  }
0x383: {  	[hbm4b:s13+s2] =	stream.linear.scatter [tilespmem:s24], [sflag:$0x5], $0x1000, $0x38;
	[tilespmem:$0x1EB78] =	vst v63  }
0x384: {  	s14 =	sadd.s32 $0x8000, s8  }
0x385: {  	[tilespmem:s20], [sflag:$0x3] =	stream.linear.gather [spmem:s14], $0x1000, $0x38;
	[tilespmem:$0x1EB78] =	vst v63  }
0x386: {  	_ =	swait.ge [sflag:s21], $0x1000  }
0x387: {  	[sflag:s21] =	ssyncset.done $0x0  }
0x388: {  	[sflag:s21] =	ssyncadd.s32 $0xFFFFF000  }
0x389: {  	_ =	swait.ge [sflag:s26], $0x1000  }
0x38a: {  	[sflag:s26] =	ssyncset.done $0x0  }
0x38b: {  	[sflag:s26] =	ssyncadd.s32 $0xFFFFF000  }
0x38c: {  	s15 =	simm.s32 $0x19BB8;
	v0 =	vld.msk [tilespmem:s0+$0x186A6 ss:$0x0], $0xffff  }
0x38d: {  	v1 =	vld [tilespmem:s15+$0x30]  }
0x38e: {  	v2 =	vld [tilespmem:s15+$0xFFFFFFD0]  }
0x38f: {  	v3 =	vld [tilespmem:s15+$0xFFFFFFE0]  }
0x390: {  	v4 =	vld [tilespmem:s15+$0xFFFFFFF0]  }
0x391: {  	v7 =	vld [tilespmem:s15+$0x0]  }
0x392: {  	v8 =	vld [tilespmem:s15+$0x10]  }
0x393: {  	v9 =	vld [tilespmem:s15+$0x20]  }
0x394: {  	v10 =	vld [tilespmem:s15+$0xFFFFFFC0]  }
0x395: {  	v11 =	vld.idx.msk [tilespmem:v1+s2+$0x0], $0xffff  }
0x396: {  	v12 =	vld.idx.msk [tilespmem:v2+s2+$0x0], $0xffff  }
0x397: {  	v6 =	vld.idx.msk [tilespmem:v3+s2+$0x0], $0xffff  }
0x398: {  	v5 =	vld.idx.msk [tilespmem:v4+s2+$0x0], $0xffff  }
0x399: {  	v4 =	vld.idx.msk [tilespmem:v7+s2+$0x0], $0xffff  }
0x39a: {  	v2 =	vld.idx.msk [tilespmem:v8+s2+$0x0], $0xffff  }
0x39b: {  	s9 =	simm.s32 $0x1CBB8;
	v1 =	vld.idx.msk [tilespmem:v9+s2+$0x0], $0xffff;
	v7 =	vadd.f32 v11, v0  }
0x39c: {  	s13 =	sadd.s32 $0x6, s0;
	s14 =	simm.s32 $0x0;
	s15 =	simm.s32 $0x19C38;
	v3 =	vld.idx.msk [tilespmem:v10+s2+$0x0], $0xffff;
	v8 =	vadd.f32 v12, v0  }
.LBB2_35:
0x39d: {  	v9 =	vld [tilespmem:s15+$0x30];
	s14 =	sadd.s32 $0x80, s14;
	v6 =	vadd.f32 v6, v0;
	[tilespmem:s9+$0x30] =	vst v7  }
0x39e: {  	v5 =	vadd.f32 v5, v0;
	v7 =	vld [tilespmem:s15+$0xFFFFFFD0];
	p1 =	slt.u32 s14, $0xF80;
	[tilespmem:s9+$0xFFFFFFD0] =	vst v8  }
0x39f: {  	v4 =	vadd.f32 v4, v0;
	v8 =	vld [tilespmem:s15+$0xFFFFFFE0];
	[tilespmem:s9+$0xFFFFFFE0] =	vst v6  }
0x3a0: {  	v2 =	vadd.f32 v2, v0;
	v10 =	vld [tilespmem:s15+$0xFFFFFFF0];
	[tilespmem:s9+$0xFFFFFFF0] =	vst v5  }
0x3a1: {  	v1 =	vadd.f32 v1, v0;
	v11 =	vld [tilespmem:s15+$0x0];
	[tilespmem:s9+$0x0] =	vst v4  }
0x3a2: {  	v3 =	vadd.f32 v3, v0;
	v12 =	vld [tilespmem:s15+$0x10];
	[tilespmem:s9+$0x10] =	vst v2  }
0x3a3: {  	v13 =	vld [tilespmem:s15+$0x20];
	[tilespmem:s9+$0x20] =	vst v1  }
0x3a4: {  	v14 =	vld [tilespmem:s15+$0xFFFFFFC0];
	[tilespmem:s9+$0xFFFFFFC0] =	vst v3  }
0x3a5: {  	v3 =	vld.idx.msk [tilespmem:v9+s2+$0x0], $0xffff  }
0x3a6: {  	v9 =	vld.idx.msk [tilespmem:v7+s2+$0x0], $0xffff  }
0x3a7: {  	v6 =	vld.idx.msk [tilespmem:v8+s2+$0x0], $0xffff  }
.Ltmp16:
0x3a8: {  	v5 =	vld.idx.msk [tilespmem:v10+s2+$0x0], $0xffff;
	(pc) =	sbr.rel @p1 .LBB2_35-.Ltmp16, $4  }
0x3a9: {  	v4 =	vld.idx.msk [tilespmem:v11+s2+$0x0], $0xffff  }
0x3aa: {  	v2 =	vld.idx.msk [tilespmem:v12+s2+$0x0], $0xffff  }
0x3ab: {  	v7 =	vadd.f32 v3, v0;
	v1 =	vld.idx.msk [tilespmem:v13+s2+$0x0], $0xffff  }
0x3ac: {  	s15 =	sadd.s32 $0x80, s15;
	s9 =	sadd.s32 $0x80, s9;
	v8 =	vadd.f32 v9, v0;
	v3 =	vld.idx.msk [tilespmem:v14+s2+$0x0], $0xffff  }
0x3ad: {  	v6 =	vadd.f32 v6, v0;
	[tilespmem:s9+$0x30] =	vst v7  }
0x3ae: {  	v5 =	vadd.f32 v5, v0;
	[tilespmem:s9+$0xFFFFFFD0] =	vst v8  }
0x3af: {  	v4 =	vadd.f32 v4, v0;
	[tilespmem:s9+$0xFFFFFFE0] =	vst v6  }
0x3b0: {  	[tilespmem:s9+$0xFFFFFFF0] =	vst v5;
	v2 =	vadd.f32 v2, v0  }
0x3b1: {  	s13 =	sshll.u32 s13, $0x12;
	[tilespmem:s9+$0x0] =	vst v4;
	v1 =	vadd.f32 v1, v0  }
0x3b2: {  	s13 =	sor.u32 s10, s13;
	v0 =	vadd.f32 v3, v0;
	[tilespmem:s9+$0x10] =	vst v2  }
0x3b3: {  	s13 =	sshrl.u32 s13, $0x3;
	[tilespmem:s9+$0x20] =	vst v1  }
0x3b4: {  	s14 =	sadd.s32 s5, s13;
	[tilespmem:s9+$0xFFFFFFC0] =	vst v0  }
0x3b5: {  	[hbm4b:s14+s2] =	stream.linear.scatter [tilespmem:s22], [sflag:$0x4], $0x1000, $0x38;
	[tilespmem:$0x1EB78] =	vst v63  }
0x3b6: {  	s8 =	sadd.s32 $0x9000, s8  }
0x3b7: {  	[tilespmem:s18], [sflag:$0x1] =	stream.linear.gather [spmem:s8], $0x1000, $0x38;
	[tilespmem:$0x1EB78] =	vst v63  }
0x3b8: {  	_ =	swait.ge [sflag:s23], $0x1000  }
0x3b9: {  	[sflag:s23] =	ssyncset.done $0x0  }
0x3ba: {  	[sflag:s23] =	ssyncadd.s32 $0xFFFFF000  }
0x3bb: {  	_ =	swait.ge [sflag:s28], $0x1000  }
0x3bc: {  	[sflag:s28] =	ssyncset.done $0x0  }
0x3bd: {  	[sflag:s28] =	ssyncadd.s32 $0xFFFFF000  }
0x3be: {  	s15 =	simm.s32 $0x1ABB8;
	v0 =	vld.msk [tilespmem:s0+$0x186A7 ss:$0x0], $0xffff  }
0x3bf: {  	v1 =	vld [tilespmem:s15+$0x30]  }
0x3c0: {  	v2 =	vld [tilespmem:s15+$0xFFFFFFD0]  }
0x3c1: {  	v3 =	vld [tilespmem:s15+$0xFFFFFFE0]  }
0x3c2: {  	v4 =	vld [tilespmem:s15+$0xFFFFFFF0]  }
0x3c3: {  	v7 =	vld [tilespmem:s15+$0x0]  }
0x3c4: {  	v8 =	vld [tilespmem:s15+$0x10]  }
0x3c5: {  	v9 =	vld [tilespmem:s15+$0x20]  }
0x3c6: {  	v10 =	vld [tilespmem:s15+$0xFFFFFFC0]  }
0x3c7: {  	v11 =	vld.idx.msk [tilespmem:v1+s2+$0x0], $0xffff  }
0x3c8: {  	v12 =	vld.idx.msk [tilespmem:v2+s2+$0x0], $0xffff  }
0x3c9: {  	v6 =	vld.idx.msk [tilespmem:v3+s2+$0x0], $0xffff  }
0x3ca: {  	v5 =	vld.idx.msk [tilespmem:v4+s2+$0x0], $0xffff  }
0x3cb: {  	v4 =	vld.idx.msk [tilespmem:v7+s2+$0x0], $0xffff  }
0x3cc: {  	v2 =	vld.idx.msk [tilespmem:v8+s2+$0x0], $0xffff  }
0x3cd: {  	s13 =	simm.s32 $0x0;
	v1 =	vld.idx.msk [tilespmem:v9+s2+$0x0], $0xffff;
	v7 =	vadd.f32 v11, v0  }
0x3ce: {  	s9 =	sadd.s32 $0x7, s0;
	s14 =	simm.s32 $0x1AC38;
	s8 =	simm.s32 $0x1DBB8;
	v3 =	vld.idx.msk [tilespmem:v10+s2+$0x0], $0xffff;
	v8 =	vadd.f32 v12, v0  }
.LBB2_37:
0x3cf: {  	v9 =	vld [tilespmem:s14+$0x30];
	s13 =	sadd.s32 $0x80, s13;
	v6 =	vadd.f32 v6, v0;
	[tilespmem:s8+$0x30] =	vst v7  }
0x3d0: {  	v5 =	vadd.f32 v5, v0;
	v7 =	vld [tilespmem:s14+$0xFFFFFFD0];
	p1 =	slt.u32 s13, $0xF80;
	[tilespmem:s8+$0xFFFFFFD0] =	vst v8  }
0x3d1: {  	v4 =	vadd.f32 v4, v0;
	v8 =	vld [tilespmem:s14+$0xFFFFFFE0];
	[tilespmem:s8+$0xFFFFFFE0] =	vst v6  }
0x3d2: {  	v2 =	vadd.f32 v2, v0;
	v10 =	vld [tilespmem:s14+$0xFFFFFFF0];
	[tilespmem:s8+$0xFFFFFFF0] =	vst v5  }
0x3d3: {  	v1 =	vadd.f32 v1, v0;
	v11 =	vld [tilespmem:s14+$0x0];
	[tilespmem:s8+$0x0] =	vst v4  }
0x3d4: {  	v3 =	vadd.f32 v3, v0;
	v12 =	vld [tilespmem:s14+$0x10];
	[tilespmem:s8+$0x10] =	vst v2  }
0x3d5: {  	v13 =	vld [tilespmem:s14+$0x20];
	[tilespmem:s8+$0x20] =	vst v1  }
0x3d6: {  	v14 =	vld [tilespmem:s14+$0xFFFFFFC0];
	[tilespmem:s8+$0xFFFFFFC0] =	vst v3  }
0x3d7: {  	v3 =	vld.idx.msk [tilespmem:v9+s2+$0x0], $0xffff  }
0x3d8: {  	v9 =	vld.idx.msk [tilespmem:v7+s2+$0x0], $0xffff  }
0x3d9: {  	v6 =	vld.idx.msk [tilespmem:v8+s2+$0x0], $0xffff  }
.Ltmp17:
0x3da: {  	v5 =	vld.idx.msk [tilespmem:v10+s2+$0x0], $0xffff;
	(pc) =	sbr.rel @p1 .LBB2_37-.Ltmp17, $4  }
0x3db: {  	v4 =	vld.idx.msk [tilespmem:v11+s2+$0x0], $0xffff  }
0x3dc: {  	v2 =	vld.idx.msk [tilespmem:v12+s2+$0x0], $0xffff  }
0x3dd: {  	v7 =	vadd.f32 v3, v0;
	v1 =	vld.idx.msk [tilespmem:v13+s2+$0x0], $0xffff  }
0x3de: {  	s14 =	sadd.s32 $0x80, s14;
	s8 =	sadd.s32 $0x80, s8;
	v8 =	vadd.f32 v9, v0;
	v3 =	vld.idx.msk [tilespmem:v14+s2+$0x0], $0xffff  }
0x3df: {  	v6 =	vadd.f32 v6, v0;
	[tilespmem:s8+$0x30] =	vst v7  }
0x3e0: {  	v5 =	vadd.f32 v5, v0;
	[tilespmem:s8+$0xFFFFFFD0] =	vst v8  }
0x3e1: {  	v4 =	vadd.f32 v4, v0;
	[tilespmem:s8+$0xFFFFFFE0] =	vst v6  }
0x3e2: {  	[tilespmem:s8+$0xFFFFFFF0] =	vst v5;
	v2 =	vadd.f32 v2, v0  }
0x3e3: {  	s9 =	sshll.u32 s9, $0x12;
	[tilespmem:s8+$0x0] =	vst v4;
	v1 =	vadd.f32 v1, v0  }
0x3e4: {  	s9 =	sor.u32 s10, s9;
	v0 =	vadd.f32 v3, v0;
	[tilespmem:s8+$0x10] =	vst v2  }
0x3e5: {  	s9 =	sshrl.u32 s9, $0x3;
	[tilespmem:s8+$0x20] =	vst v1  }
0x3e6: {  	s13 =	sadd.s32 s5, s9;
	[tilespmem:s8+$0xFFFFFFC0] =	vst v0  }
0x3e7: {  	[hbm4b:s13+s2] =	stream.linear.scatter [tilespmem:s24], [sflag:$0x5], $0x1000, $0x38;
	[tilespmem:$0x1EB78] =	vst v63  }
0x3e8: {  	_ =	swait.ge [sflag:s25], $0x1000  }
0x3e9: {  	[sflag:s25] =	ssyncset.done $0x0  }
0x3ea: {  	[sflag:s25] =	ssyncadd.s32 $0xFFFFF000  }
0x3eb: {  	s8 =	sadd.s32 $0x8, s0;
	_ =	swait.ge [sflag:s26], $0x1000  }
0x3ec: {  	s14 =	sand.u32 $0x3F8, s8;
	s13 =	sand.u32 $0x6, s0;
	[sflag:s26] =	ssyncset.done $0x0  }
0x3ed: {  	s9 =	sor.u32 s13, s14;
	[sflag:s26] =	ssyncadd.s32 $0xFFFFF000  }
0x3ee: {  	s15 =	simm.s32 $0x1BBB8;
	v0 =	vld.msk [tilespmem:s9+$0x186A0 ss:$0x0], $0xffff  }
0x3ef: {  	v1 =	vld [tilespmem:s15+$0x30]  }
0x3f0: {  	v2 =	vld [tilespmem:s15+$0xFFFFFFD0]  }
0x3f1: {  	v3 =	vld [tilespmem:s15+$0xFFFFFFE0]  }
0x3f2: {  	v4 =	vld [tilespmem:s15+$0xFFFFFFF0]  }
0x3f3: {  	v7 =	vld [tilespmem:s15+$0x0]  }
0x3f4: {  	v8 =	vld [tilespmem:s15+$0x10]  }
0x3f5: {  	v9 =	vld [tilespmem:s15+$0x20]  }
0x3f6: {  	v10 =	vld [tilespmem:s15+$0xFFFFFFC0]  }
0x3f7: {  	v11 =	vld.idx.msk [tilespmem:v1+s2+$0x0], $0xffff  }
0x3f8: {  	v12 =	vld.idx.msk [tilespmem:v2+s2+$0x0], $0xffff  }
0x3f9: {  	v6 =	vld.idx.msk [tilespmem:v3+s2+$0x0], $0xffff  }
0x3fa: {  	v5 =	vld.idx.msk [tilespmem:v4+s2+$0x0], $0xffff  }
0x3fb: {  	v4 =	vld.idx.msk [tilespmem:v7+s2+$0x0], $0xffff  }
0x3fc: {  	v3 =	vld.idx.msk [tilespmem:v8+s2+$0x0], $0xffff  }
0x3fd: {  	v1 =	vld.idx.msk [tilespmem:v9+s2+$0x0], $0xffff;
	v7 =	vadd.f32 v11, v0  }
0x3fe: {  	s13 =	simm.s32 $0x0;
	s14 =	simm.s32 $0x1BC38;
	s9 =	simm.s32 $0x1CBB8;
	v2 =	vld.idx.msk [tilespmem:v10+s2+$0x0], $0xffff;
	v8 =	vadd.f32 v12, v0  }
.LBB2_39:
0x3ff: {  	v9 =	vld [tilespmem:s14+$0x30];
	s13 =	sadd.s32 $0x80, s13;
	v6 =	vadd.f32 v6, v0;
	[tilespmem:s9+$0x30] =	vst v7  }
0x400: {  	v5 =	vadd.f32 v5, v0;
	v7 =	vld [tilespmem:s14+$0xFFFFFFD0];
	p1 =	slt.u32 s13, $0xF80;
	[tilespmem:s9+$0xFFFFFFD0] =	vst v8  }
0x401: {  	v4 =	vadd.f32 v4, v0;
	v8 =	vld [tilespmem:s14+$0xFFFFFFE0];
	[tilespmem:s9+$0xFFFFFFE0] =	vst v6  }
0x402: {  	v3 =	vadd.f32 v3, v0;
	v10 =	vld [tilespmem:s14+$0xFFFFFFF0];
	[tilespmem:s9+$0xFFFFFFF0] =	vst v5  }
0x403: {  	v1 =	vadd.f32 v1, v0;
	v11 =	vld [tilespmem:s14+$0x0];
	[tilespmem:s9+$0x0] =	vst v4  }
0x404: {  	v2 =	vadd.f32 v2, v0;
	v12 =	vld [tilespmem:s14+$0x10];
	[tilespmem:s9+$0x10] =	vst v3  }
0x405: {  	v13 =	vld [tilespmem:s14+$0x20];
	[tilespmem:s9+$0x20] =	vst v1  }
0x406: {  	v14 =	vld [tilespmem:s14+$0xFFFFFFC0];
	[tilespmem:s9+$0xFFFFFFC0] =	vst v2  }
0x407: {  	v2 =	vld.idx.msk [tilespmem:v9+s2+$0x0], $0xffff  }
0x408: {  	v9 =	vld.idx.msk [tilespmem:v7+s2+$0x0], $0xffff  }
0x409: {  	v6 =	vld.idx.msk [tilespmem:v8+s2+$0x0], $0xffff  }
.Ltmp18:
0x40a: {  	v5 =	vld.idx.msk [tilespmem:v10+s2+$0x0], $0xffff;
	(pc) =	sbr.rel @p1 .LBB2_39-.Ltmp18, $4  }
0x40b: {  	v4 =	vld.idx.msk [tilespmem:v11+s2+$0x0], $0xffff  }
0x40c: {  	v3 =	vld.idx.msk [tilespmem:v12+s2+$0x0], $0xffff  }
0x40d: {  	v7 =	vadd.f32 v2, v0;
	v1 =	vld.idx.msk [tilespmem:v13+s2+$0x0], $0xffff  }
0x40e: {  	s14 =	sadd.s32 $0x80, s14;
	s9 =	sadd.s32 $0x80, s9;
	v8 =	vadd.f32 v9, v0;
	v2 =	vld.idx.msk [tilespmem:v14+s2+$0x0], $0xffff  }
0x40f: {  	v6 =	vadd.f32 v6, v0;
	[tilespmem:s9+$0x30] =	vst v7  }
0x410: {  	v5 =	vadd.f32 v5, v0;
	[tilespmem:s9+$0xFFFFFFD0] =	vst v8  }
0x411: {  	v4 =	vadd.f32 v4, v0;
	[tilespmem:s9+$0xFFFFFFE0] =	vst v6  }
0x412: {  	[tilespmem:s9+$0xFFFFFFF0] =	vst v5;
	v3 =	vadd.f32 v3, v0  }
0x413: {  	s8 =	sshll.u32 s8, $0x12;
	[tilespmem:s9+$0x0] =	vst v4;
	v1 =	vadd.f32 v1, v0  }
0x414: {  	s8 =	sor.u32 s10, s8;
	v0 =	vadd.f32 v2, v0;
	[tilespmem:s9+$0x10] =	vst v3  }
0x415: {  	s8 =	sshrl.u32 s8, $0x3;
	[tilespmem:s9+$0x20] =	vst v1  }
0x416: {  	s8 =	sadd.s32 s5, s8;
	[tilespmem:s9+$0xFFFFFFC0] =	vst v0  }
0x417: {  	[hbm4b:s8+s2] =	stream.linear.scatter [tilespmem:s22], [sflag:$0x4], $0x1000, $0x38;
	[tilespmem:$0x1EB78] =	vst v63  }
0x418: {  	_ =	swait.ge [sflag:s21], $0x1000  }
0x419: {  	[sflag:s21] =	ssyncset.done $0x0  }
0x41a: {  	[sflag:s21] =	ssyncadd.s32 $0xFFFFF000  }
0x41b: {  	_ =	swait.ge [sflag:s28], $0x1000  }
0x41c: {  	[sflag:s28] =	ssyncset.done $0x0  }
0x41d: {  	[sflag:s28] =	ssyncadd.s32 $0xFFFFF000  }
0x41e: {  	s15 =	simm.s32 $0x19BB8;
	v0 =	vld.msk [tilespmem:s0+$0x186A9 ss:$0x0], $0xffff  }
0x41f: {  	v1 =	vld [tilespmem:s15+$0x30]  }
0x420: {  	v2 =	vld [tilespmem:s15+$0xFFFFFFD0]  }
0x421: {  	v3 =	vld [tilespmem:s15+$0xFFFFFFE0]  }
0x422: {  	v4 =	vld [tilespmem:s15+$0xFFFFFFF0]  }
0x423: {  	v7 =	vld [tilespmem:s15+$0x0]  }
0x424: {  	v8 =	vld [tilespmem:s15+$0x10]  }
0x425: {  	v9 =	vld [tilespmem:s15+$0x20]  }
0x426: {  	v10 =	vld [tilespmem:s15+$0xFFFFFFC0]  }
0x427: {  	v11 =	vld.idx.msk [tilespmem:v1+s2+$0x0], $0xffff  }
0x428: {  	v12 =	vld.idx.msk [tilespmem:v2+s2+$0x0], $0xffff  }
0x429: {  	v6 =	vld.idx.msk [tilespmem:v3+s2+$0x0], $0xffff  }
0x42a: {  	v5 =	vld.idx.msk [tilespmem:v4+s2+$0x0], $0xffff  }
0x42b: {  	v4 =	vld.idx.msk [tilespmem:v7+s2+$0x0], $0xffff  }
0x42c: {  	v2 =	vld.idx.msk [tilespmem:v8+s2+$0x0], $0xffff  }
0x42d: {  	s13 =	simm.s32 $0x19C38;
	v1 =	vld.idx.msk [tilespmem:v9+s2+$0x0], $0xffff;
	v7 =	vadd.f32 v11, v0  }
0x42e: {  	s9 =	simm.s32 $0x0;
	s8 =	sadd.s32 $0x9, s0;
	s0 =	simm.s32 $0x1DBB8;
	v3 =	vld.idx.msk [tilespmem:v10+s2+$0x0], $0xffff;
	v8 =	vadd.f32 v12, v0  }
.LBB2_41:
0x42f: {  	v9 =	vld [tilespmem:s13+$0x30];
	s9 =	sadd.s32 $0x80, s9;
	v6 =	vadd.f32 v6, v0;
	[tilespmem:s0+$0x30] =	vst v7  }
0x430: {  	v5 =	vadd.f32 v5, v0;
	v7 =	vld [tilespmem:s13+$0xFFFFFFD0];
	p1 =	slt.u32 s9, $0xF80;
	[tilespmem:s0+$0xFFFFFFD0] =	vst v8  }
0x431: {  	v4 =	vadd.f32 v4, v0;
	v8 =	vld [tilespmem:s13+$0xFFFFFFE0];
	[tilespmem:s0+$0xFFFFFFE0] =	vst v6  }
0x432: {  	v2 =	vadd.f32 v2, v0;
	v10 =	vld [tilespmem:s13+$0xFFFFFFF0];
	[tilespmem:s0+$0xFFFFFFF0] =	vst v5  }
0x433: {  	v1 =	vadd.f32 v1, v0;
	v11 =	vld [tilespmem:s13+$0x0];
	[tilespmem:s0+$0x0] =	vst v4  }
0x434: {  	v3 =	vadd.f32 v3, v0;
	v12 =	vld [tilespmem:s13+$0x10];
	[tilespmem:s0+$0x10] =	vst v2  }
0x435: {  	v13 =	vld [tilespmem:s13+$0x20];
	[tilespmem:s0+$0x20] =	vst v1  }
0x436: {  	v14 =	vld [tilespmem:s13+$0xFFFFFFC0];
	[tilespmem:s0+$0xFFFFFFC0] =	vst v3  }
0x437: {  	v3 =	vld.idx.msk [tilespmem:v9+s2+$0x0], $0xffff  }
0x438: {  	v9 =	vld.idx.msk [tilespmem:v7+s2+$0x0], $0xffff  }
0x439: {  	v6 =	vld.idx.msk [tilespmem:v8+s2+$0x0], $0xffff  }
.Ltmp19:
0x43a: {  	v5 =	vld.idx.msk [tilespmem:v10+s2+$0x0], $0xffff;
	(pc) =	sbr.rel @p1 .LBB2_41-.Ltmp19, $4  }
0x43b: {  	v4 =	vld.idx.msk [tilespmem:v11+s2+$0x0], $0xffff  }
0x43c: {  	v2 =	vld.idx.msk [tilespmem:v12+s2+$0x0], $0xffff  }
0x43d: {  	v7 =	vadd.f32 v3, v0;
	v1 =	vld.idx.msk [tilespmem:v13+s2+$0x0], $0xffff  }
0x43e: {  	s13 =	sadd.s32 $0x80, s13;
	s0 =	sadd.s32 $0x80, s0;
	v8 =	vadd.f32 v9, v0;
	v3 =	vld.idx.msk [tilespmem:v14+s2+$0x0], $0xffff  }
0x43f: {  	v6 =	vadd.f32 v6, v0;
	[tilespmem:s0+$0x30] =	vst v7  }
0x440: {  	v5 =	vadd.f32 v5, v0;
	[tilespmem:s0+$0xFFFFFFD0] =	vst v8  }
0x441: {  	v4 =	vadd.f32 v4, v0;
	[tilespmem:s0+$0xFFFFFFE0] =	vst v6  }
0x442: {  	[tilespmem:s0+$0xFFFFFFF0] =	vst v5;
	v2 =	vadd.f32 v2, v0  }
0x443: {  	s8 =	sshll.u32 s8, $0x12;
	[tilespmem:s0+$0x0] =	vst v4;
	v1 =	vadd.f32 v1, v0  }
0x444: {  	s8 =	sor.u32 s10, s8;
	v63 =	vadd.f32 v3, v0;
	[tilespmem:s0+$0x10] =	vst v2  }
0x445: {  	p1 =	sne.s32 s31, $0x14;
	s8 =	sshrl.u32 s8, $0x3;
	[tilespmem:s0+$0x20] =	vst v1  }
.Ltmp20:
0x446: {  	s15 =	sadd.s32 s5, s8;
	[tilespmem:s0+$0xFFFFFFC0] =	vst v63;
	s0 =	simm.s32 @!p0 $0x6;
	(pc) =	sbr.rel @p1 .LBB2_22-.Ltmp20, $4  }
0x447: {  	[hbm4b:s15+s2] =	stream.linear.scatter [tilespmem:s24], [sflag:$0x5], $0x1000, $0x38;
	[tilespmem:$0x1EB78] =	vst v63  }
0x448: {  	_ =	swait.ge @!p0 [sflag:s0], $0x200  }
0x449: {  	[sflag:s0] =	ssyncset.done @!p0 $0x0  }
0x44a: {  	s9 =	smov.u32 s31;
	[sflag:s0] =	ssyncadd.s32 @!p0 $0xFFFFFE00  }
0x44b: {  	s31 =	simm.s32 $0x0;
	s0 =	rddreg [dreg:$0x7]  }
0x44c: {  	[tilespmem:s31], [sflag:$0x7] =	stream.linear.gather [hbm4b:s0+s31], $0x186A0, $0x38;
	[tilespmem:$0x1EB78] =	vst v63  }
0x44d: {  	_ =	swait.ge [sflag:s17], $0x186A0  }
0x44e: {  	[sflag:s17] =	ssyncset.done $0x0  }
0x44f: {  	s8 =	simm.s32 $0x186A0;
	s15 =	rddreg [dreg:$0x8];
	[sflag:s17] =	ssyncadd.s32 $0xFFFE7960  }
0x450: {  	[tilespmem:s8], [sflag:$0x7] =	stream.linear.gather [hbm4b:s15+s31], $0xC8, $0x38;
	[tilespmem:$0x1EB78] =	vst v63  }
0x451: {  	_ =	swait.ge [sflag:s17], $0xC8  }
0x452: {  	[sflag:s17] =	ssyncset.done $0x0  }
0x453: {  	[sflag:s17] =	ssyncadd.s32 $0xFFFFFF38  }
.LBB2_44:
0x454: {  	s9 =	sadd.s32 $0x1, s31  }
0x455: {  	s0 =	sand.u32 @!p0 $0x1, s9  }
0x456: {  	p1 =	seq.s32 @!p0 s0, $0x1;
	s0 =	smul.u32 @!p0 $0xA, s9  }
0x457: {  	s8 =	simm.s32 @!p0 $0xA000;
	p1 =	por !p1, p0  }
0x458: {  	s8 =	simm.s32 @p1 $0x0;
	s0 =	sadd.s32 @!p0 s3, s0  }
0x459: {  	[bflag:$0x0] =	sbarrier.arrive $0xFFFF;
	s8 =	sadd.s32 @!p0 s8, s6;
	s0 =	sshll.u32 @!p0 s0, $0x9  }
0x45a: {  	s14 =	sand.u32 $0x1, s31;
	s0 =	sadd.s32 @!p0 s4, s0;
	s8 =	sshrl.u32 @!p0 s8, $0x3  }
0x45b: {  	[spmem:s8], [sflag:s30] =	dma.local @!p0 [hbm:s0], $0x200  }
0x45c: {  	p1 =	seq.s32 s14, $0x1;
	s0 =	simm.s32 $0xA000  }
0x45d: {  	s0 =	simm.s32 @!p1 $0x0  }
0x45e: {  	s8 =	sadd.s32 s0, s1  }
0x45f: {  	[tilespmem:s18], [sflag:$0x1] =	stream.linear.gather [spmem:s8], $0x1000, $0x38;
	[tilespmem:$0x1EB78] =	vst v63  }
0x460: {  	s0 =	sadd.s32 $0x1000, s8  }
0x461: {  	[tilespmem:s19], [sflag:$0x2] =	stream.linear.gather [spmem:s0], $0x1000, $0x38;
	[tilespmem:$0x1EB78] =	vst v63  }
0x462: {  	s15 =	sadd.s32 $0x2000, s8  }
0x463: {  	[tilespmem:s20], [sflag:$0x3] =	stream.linear.gather [spmem:s15], $0x1000, $0x38;
	[tilespmem:$0x1EB78] =	vst v63  }
0x464: {  	_ =	swait.ge [sflag:s21], $0x1000  }
0x465: {  	[sflag:s21] =	ssyncset.done $0x0  }
0x466: {  	[sflag:s21] =	ssyncadd.s32 $0xFFFFF000  }
0x467: {  	_ =	swait.ge [sflag:s26], $0x1000  }
0x468: {  	s0 =	smul.u32 $0xA, s31;
	[sflag:s26] =	ssyncset.done $0x0  }
0x469: {  	[sflag:s26] =	ssyncadd.s32 $0xFFFFF000  }
0x46a: {  	s13 =	simm.s32 $0x19BB8;
	v0 =	vld.msk [tilespmem:s0+$0x186A0 ss:$0x0], $0xffff  }
0x46b: {  	v1 =	vld [tilespmem:s13+$0x30]  }
0x46c: {  	v2 =	vld [tilespmem:s13+$0xFFFFFFD0]  }
0x46d: {  	v3 =	vld [tilespmem:s13+$0xFFFFFFE0]  }
0x46e: {  	v4 =	vld [tilespmem:s13+$0xFFFFFFF0]  }
0x46f: {  	v7 =	vld [tilespmem:s13+$0x0]  }
0x470: {  	v8 =	vld [tilespmem:s13+$0x10]  }
0x471: {  	v9 =	vld [tilespmem:s13+$0x20]  }
0x472: {  	v10 =	vld [tilespmem:s13+$0xFFFFFFC0]  }
0x473: {  	v11 =	vld.idx.msk [tilespmem:v1+s2+$0x0], $0xffff  }
0x474: {  	v12 =	vld.idx.msk [tilespmem:v2+s2+$0x0], $0xffff  }
0x475: {  	v6 =	vld.idx.msk [tilespmem:v3+s2+$0x0], $0xffff  }
0x476: {  	v5 =	vld.idx.msk [tilespmem:v4+s2+$0x0], $0xffff  }
0x477: {  	v4 =	vld.idx.msk [tilespmem:v7+s2+$0x0], $0xffff  }
0x478: {  	v3 =	vld.idx.msk [tilespmem:v8+s2+$0x0], $0xffff  }
0x479: {  	v1 =	vld.idx.msk [tilespmem:v9+s2+$0x0], $0xffff;
	v7 =	vadd.f32 v11, v0  }
0x47a: {  	s14 =	simm.s32 $0x0;
	s15 =	simm.s32 $0x19C38;
	s13 =	simm.s32 $0x1CBB8;
	v2 =	vld.idx.msk [tilespmem:v10+s2+$0x0], $0xffff;
	v8 =	vadd.f32 v12, v0  }
.LBB2_45:
0x47b: {  	v9 =	vld [tilespmem:s15+$0x30];
	s14 =	sadd.s32 $0x80, s14;
	v6 =	vadd.f32 v6, v0;
	[tilespmem:s13+$0x30] =	vst v7  }
0x47c: {  	v5 =	vadd.f32 v5, v0;
	v7 =	vld [tilespmem:s15+$0xFFFFFFD0];
	p1 =	slt.u32 s14, $0xF80;
	[tilespmem:s13+$0xFFFFFFD0] =	vst v8  }
0x47d: {  	v4 =	vadd.f32 v4, v0;
	v8 =	vld [tilespmem:s15+$0xFFFFFFE0];
	[tilespmem:s13+$0xFFFFFFE0] =	vst v6  }
0x47e: {  	v3 =	vadd.f32 v3, v0;
	v10 =	vld [tilespmem:s15+$0xFFFFFFF0];
	[tilespmem:s13+$0xFFFFFFF0] =	vst v5  }
0x47f: {  	v1 =	vadd.f32 v1, v0;
	v11 =	vld [tilespmem:s15+$0x0];
	[tilespmem:s13+$0x0] =	vst v4  }
0x480: {  	v2 =	vadd.f32 v2, v0;
	v12 =	vld [tilespmem:s15+$0x10];
	[tilespmem:s13+$0x10] =	vst v3  }
0x481: {  	v13 =	vld [tilespmem:s15+$0x20];
	[tilespmem:s13+$0x20] =	vst v1  }
0x482: {  	v14 =	vld [tilespmem:s15+$0xFFFFFFC0];
	[tilespmem:s13+$0xFFFFFFC0] =	vst v2  }
0x483: {  	v2 =	vld.idx.msk [tilespmem:v9+s2+$0x0], $0xffff  }
0x484: {  	v9 =	vld.idx.msk [tilespmem:v7+s2+$0x0], $0xffff  }
0x485: {  	v6 =	vld.idx.msk [tilespmem:v8+s2+$0x0], $0xffff  }
.Ltmp21:
0x486: {  	v5 =	vld.idx.msk [tilespmem:v10+s2+$0x0], $0xffff;
	(pc) =	sbr.rel @p1 .LBB2_45-.Ltmp21, $4  }
0x487: {  	v4 =	vld.idx.msk [tilespmem:v11+s2+$0x0], $0xffff  }
0x488: {  	v3 =	vld.idx.msk [tilespmem:v12+s2+$0x0], $0xffff  }
0x489: {  	v7 =	vadd.f32 v2, v0;
	v1 =	vld.idx.msk [tilespmem:v13+s2+$0x0], $0xffff  }
0x48a: {  	s15 =	sadd.s32 $0x80, s15;
	s13 =	sadd.s32 $0x80, s13;
	v8 =	vadd.f32 v9, v0;
	v2 =	vld.idx.msk [tilespmem:v14+s2+$0x0], $0xffff  }
0x48b: {  	v6 =	vadd.f32 v6, v0;
	[tilespmem:s13+$0x30] =	vst v7  }
0x48c: {  	v5 =	vadd.f32 v5, v0;
	[tilespmem:s13+$0xFFFFFFD0] =	vst v8  }
0x48d: {  	v4 =	vadd.f32 v4, v0;
	[tilespmem:s13+$0xFFFFFFE0] =	vst v6  }
0x48e: {  	s14 =	smul.u32 $0x280000, s31;
	[tilespmem:s13+$0xFFFFFFF0] =	vst v5;
	v3 =	vadd.f32 v3, v0  }
0x48f: {  	[tilespmem:s13+$0x0] =	vst v4;
	v1 =	vadd.f32 v1, v0  }
0x490: {  	s14 =	sor.u32 s16, s14;
	v0 =	vadd.f32 v2, v0;
	[tilespmem:s13+$0x10] =	vst v3  }
0x491: {  	s31 =	sshrl.u32 s14, $0x3;
	[tilespmem:s13+$0x20] =	vst v1  }
0x492: {  	s15 =	sadd.s32 s5, s31;
	[tilespmem:s13+$0xFFFFFFC0] =	vst v0  }
0x493: {  	[hbm4b:s15+s2] =	stream.linear.scatter [tilespmem:s22], [sflag:$0x4], $0x1000, $0x38;
	[tilespmem:$0x1EB78] =	vst v63  }
0x494: {  	s14 =	sadd.s32 $0x3000, s8  }
0x495: {  	[tilespmem:s18], [sflag:$0x1] =	stream.linear.gather [spmem:s14], $0x1000, $0x38;
	[tilespmem:$0x1EB78] =	vst v63  }
0x496: {  	_ =	swait.ge [sflag:s23], $0x1000  }
0x497: {  	[sflag:s23] =	ssyncset.done $0x0  }
0x498: {  	[sflag:s23] =	ssyncadd.s32 $0xFFFFF000  }
0x499: {  	_ =	swait.ge [sflag:s28], $0x1000  }
0x49a: {  	[sflag:s28] =	ssyncset.done $0x0  }
0x49b: {  	[sflag:s28] =	ssyncadd.s32 $0xFFFFF000  }
0x49c: {  	s15 =	simm.s32 $0x1ABB8;
	v0 =	vld.msk [tilespmem:s0+$0x186A1 ss:$0x0], $0xffff  }
0x49d: {  	v1 =	vld [tilespmem:s15+$0x30]  }
0x49e: {  	v2 =	vld [tilespmem:s15+$0xFFFFFFD0]  }
0x49f: {  	v3 =	vld [tilespmem:s15+$0xFFFFFFE0]  }
0x4a0: {  	v4 =	vld [tilespmem:s15+$0xFFFFFFF0]  }
0x4a1: {  	v7 =	vld [tilespmem:s15+$0x0]  }
0x4a2: {  	v8 =	vld [tilespmem:s15+$0x10]  }
0x4a3: {  	v9 =	vld [tilespmem:s15+$0x20]  }
0x4a4: {  	v10 =	vld [tilespmem:s15+$0xFFFFFFC0]  }
0x4a5: {  	v11 =	vld.idx.msk [tilespmem:v1+s2+$0x0], $0xffff  }
0x4a6: {  	v12 =	vld.idx.msk [tilespmem:v2+s2+$0x0], $0xffff  }
0x4a7: {  	v6 =	vld.idx.msk [tilespmem:v3+s2+$0x0], $0xffff  }
0x4a8: {  	v5 =	vld.idx.msk [tilespmem:v4+s2+$0x0], $0xffff  }
0x4a9: {  	v4 =	vld.idx.msk [tilespmem:v7+s2+$0x0], $0xffff  }
0x4aa: {  	v2 =	vld.idx.msk [tilespmem:v8+s2+$0x0], $0xffff  }
0x4ab: {  	v1 =	vld.idx.msk [tilespmem:v9+s2+$0x0], $0xffff;
	v7 =	vadd.f32 v11, v0  }
0x4ac: {  	s13 =	simm.s32 $0x1DBB8;
	s14 =	simm.s32 $0x0;
	s15 =	simm.s32 $0x1AC38;
	v3 =	vld.idx.msk [tilespmem:v10+s2+$0x0], $0xffff;
	v8 =	vadd.f32 v12, v0  }
.LBB2_47:
0x4ad: {  	v9 =	vld [tilespmem:s15+$0x30];
	s14 =	sadd.s32 $0x80, s14;
	v6 =	vadd.f32 v6, v0;
	[tilespmem:s13+$0x30] =	vst v7  }
0x4ae: {  	v5 =	vadd.f32 v5, v0;
	v7 =	vld [tilespmem:s15+$0xFFFFFFD0];
	p1 =	slt.u32 s14, $0xF80;
	[tilespmem:s13+$0xFFFFFFD0] =	vst v8  }
0x4af: {  	v4 =	vadd.f32 v4, v0;
	v8 =	vld [tilespmem:s15+$0xFFFFFFE0];
	[tilespmem:s13+$0xFFFFFFE0] =	vst v6  }
0x4b0: {  	v2 =	vadd.f32 v2, v0;
	v10 =	vld [tilespmem:s15+$0xFFFFFFF0];
	[tilespmem:s13+$0xFFFFFFF0] =	vst v5  }
0x4b1: {  	v1 =	vadd.f32 v1, v0;
	v11 =	vld [tilespmem:s15+$0x0];
	[tilespmem:s13+$0x0] =	vst v4  }
0x4b2: {  	v3 =	vadd.f32 v3, v0;
	v12 =	vld [tilespmem:s15+$0x10];
	[tilespmem:s13+$0x10] =	vst v2  }
0x4b3: {  	v13 =	vld [tilespmem:s15+$0x20];
	[tilespmem:s13+$0x20] =	vst v1  }
0x4b4: {  	v14 =	vld [tilespmem:s15+$0xFFFFFFC0];
	[tilespmem:s13+$0xFFFFFFC0] =	vst v3  }
0x4b5: {  	v3 =	vld.idx.msk [tilespmem:v9+s2+$0x0], $0xffff  }
0x4b6: {  	v9 =	vld.idx.msk [tilespmem:v7+s2+$0x0], $0xffff  }
0x4b7: {  	v6 =	vld.idx.msk [tilespmem:v8+s2+$0x0], $0xffff  }
.Ltmp22:
0x4b8: {  	v5 =	vld.idx.msk [tilespmem:v10+s2+$0x0], $0xffff;
	(pc) =	sbr.rel @p1 .LBB2_47-.Ltmp22, $4  }
0x4b9: {  	v4 =	vld.idx.msk [tilespmem:v11+s2+$0x0], $0xffff  }
0x4ba: {  	v2 =	vld.idx.msk [tilespmem:v12+s2+$0x0], $0xffff  }
0x4bb: {  	v7 =	vadd.f32 v3, v0;
	v1 =	vld.idx.msk [tilespmem:v13+s2+$0x0], $0xffff  }
0x4bc: {  	s15 =	sadd.s32 $0x80, s15;
	s13 =	sadd.s32 $0x80, s13;
	v8 =	vadd.f32 v9, v0;
	v3 =	vld.idx.msk [tilespmem:v14+s2+$0x0], $0xffff  }
0x4bd: {  	v6 =	vadd.f32 v6, v0;
	[tilespmem:s13+$0x30] =	vst v7  }
0x4be: {  	v5 =	vadd.f32 v5, v0;
	[tilespmem:s13+$0xFFFFFFD0] =	vst v8  }
0x4bf: {  	v4 =	vadd.f32 v4, v0;
	[tilespmem:s13+$0xFFFFFFE0] =	vst v6  }
0x4c0: {  	[tilespmem:s13+$0xFFFFFFF0] =	vst v5;
	v2 =	vadd.f32 v2, v0  }
0x4c1: {  	[tilespmem:s13+$0x0] =	vst v4;
	v1 =	vadd.f32 v1, v0  }
0x4c2: {  	v0 =	vadd.f32 v3, v0;
	[tilespmem:s13+$0x10] =	vst v2  }
0x4c3: {  	s14 =	sor.u32 $0x8000, s31;
	[tilespmem:s13+$0x20] =	vst v1  }
0x4c4: {  	s15 =	sadd.s32 s5, s14;
	[tilespmem:s13+$0xFFFFFFC0] =	vst v0  }
0x4c5: {  	[hbm4b:s15+s2] =	stream.linear.scatter [tilespmem:s24], [sflag:$0x5], $0x1000, $0x38;
	[tilespmem:$0x1EB78] =	vst v63  }
0x4c6: {  	s14 =	sadd.s32 $0x4000, s8  }
0x4c7: {  	[tilespmem:s19], [sflag:$0x2] =	stream.linear.gather [spmem:s14], $0x1000, $0x38;
	[tilespmem:$0x1EB78] =	vst v63  }
0x4c8: {  	_ =	swait.ge [sflag:s25], $0x1000  }
0x4c9: {  	[sflag:s25] =	ssyncset.done $0x0  }
0x4ca: {  	[sflag:s25] =	ssyncadd.s32 $0xFFFFF000  }
0x4cb: {  	_ =	swait.ge [sflag:s26], $0x1000  }
0x4cc: {  	[sflag:s26] =	ssyncset.done $0x0  }
0x4cd: {  	[sflag:s26] =	ssyncadd.s32 $0xFFFFF000  }
0x4ce: {  	s15 =	simm.s32 $0x1BBB8;
	v0 =	vld.msk [tilespmem:s0+$0x186A2 ss:$0x0], $0xffff  }
0x4cf: {  	v1 =	vld [tilespmem:s15+$0x30]  }
0x4d0: {  	v2 =	vld [tilespmem:s15+$0xFFFFFFD0]  }
0x4d1: {  	v3 =	vld [tilespmem:s15+$0xFFFFFFE0]  }
0x4d2: {  	v4 =	vld [tilespmem:s15+$0xFFFFFFF0]  }
0x4d3: {  	v7 =	vld [tilespmem:s15+$0x0]  }
0x4d4: {  	v8 =	vld [tilespmem:s15+$0x10]  }
0x4d5: {  	v9 =	vld [tilespmem:s15+$0x20]  }
0x4d6: {  	v10 =	vld [tilespmem:s15+$0xFFFFFFC0]  }
0x4d7: {  	v11 =	vld.idx.msk [tilespmem:v1+s2+$0x0], $0xffff  }
0x4d8: {  	v12 =	vld.idx.msk [tilespmem:v2+s2+$0x0], $0xffff  }
0x4d9: {  	v6 =	vld.idx.msk [tilespmem:v3+s2+$0x0], $0xffff  }
0x4da: {  	v5 =	vld.idx.msk [tilespmem:v4+s2+$0x0], $0xffff  }
0x4db: {  	v4 =	vld.idx.msk [tilespmem:v7+s2+$0x0], $0xffff  }
0x4dc: {  	v2 =	vld.idx.msk [tilespmem:v8+s2+$0x0], $0xffff  }
0x4dd: {  	s31 =	sadd.s32 $0x2, s0;
	v1 =	vld.idx.msk [tilespmem:v9+s2+$0x0], $0xffff;
	v7 =	vadd.f32 v11, v0  }
0x4de: {  	s13 =	simm.s32 $0x1CBB8;
	s14 =	simm.s32 $0x0;
	s15 =	simm.s32 $0x1BC38;
	v3 =	vld.idx.msk [tilespmem:v10+s2+$0x0], $0xffff;
	v8 =	vadd.f32 v12, v0  }
.LBB2_49:
0x4df: {  	v9 =	vld [tilespmem:s15+$0x30];
	s14 =	sadd.s32 $0x80, s14;
	v6 =	vadd.f32 v6, v0;
	[tilespmem:s13+$0x30] =	vst v7  }
0x4e0: {  	v5 =	vadd.f32 v5, v0;
	v7 =	vld [tilespmem:s15+$0xFFFFFFD0];
	p1 =	slt.u32 s14, $0xF80;
	[tilespmem:s13+$0xFFFFFFD0] =	vst v8  }
0x4e1: {  	v4 =	vadd.f32 v4, v0;
	v8 =	vld [tilespmem:s15+$0xFFFFFFE0];
	[tilespmem:s13+$0xFFFFFFE0] =	vst v6  }
0x4e2: {  	v2 =	vadd.f32 v2, v0;
	v10 =	vld [tilespmem:s15+$0xFFFFFFF0];
	[tilespmem:s13+$0xFFFFFFF0] =	vst v5  }
0x4e3: {  	v1 =	vadd.f32 v1, v0;
	v11 =	vld [tilespmem:s15+$0x0];
	[tilespmem:s13+$0x0] =	vst v4  }
0x4e4: {  	v3 =	vadd.f32 v3, v0;
	v12 =	vld [tilespmem:s15+$0x10];
	[tilespmem:s13+$0x10] =	vst v2  }
0x4e5: {  	v13 =	vld [tilespmem:s15+$0x20];
	[tilespmem:s13+$0x20] =	vst v1  }
0x4e6: {  	v14 =	vld [tilespmem:s15+$0xFFFFFFC0];
	[tilespmem:s13+$0xFFFFFFC0] =	vst v3  }
0x4e7: {  	v3 =	vld.idx.msk [tilespmem:v9+s2+$0x0], $0xffff  }
0x4e8: {  	v9 =	vld.idx.msk [tilespmem:v7+s2+$0x0], $0xffff  }
0x4e9: {  	v6 =	vld.idx.msk [tilespmem:v8+s2+$0x0], $0xffff  }
.Ltmp23:
0x4ea: {  	v5 =	vld.idx.msk [tilespmem:v10+s2+$0x0], $0xffff;
	(pc) =	sbr.rel @p1 .LBB2_49-.Ltmp23, $4  }
0x4eb: {  	v4 =	vld.idx.msk [tilespmem:v11+s2+$0x0], $0xffff  }
0x4ec: {  	v2 =	vld.idx.msk [tilespmem:v12+s2+$0x0], $0xffff  }
0x4ed: {  	v7 =	vadd.f32 v3, v0;
	v1 =	vld.idx.msk [tilespmem:v13+s2+$0x0], $0xffff  }
0x4ee: {  	s15 =	sadd.s32 $0x80, s15;
	s13 =	sadd.s32 $0x80, s13;
	v8 =	vadd.f32 v9, v0;
	v3 =	vld.idx.msk [tilespmem:v14+s2+$0x0], $0xffff  }
0x4ef: {  	v6 =	vadd.f32 v6, v0;
	[tilespmem:s13+$0x30] =	vst v7  }
0x4f0: {  	v5 =	vadd.f32 v5, v0;
	[tilespmem:s13+$0xFFFFFFD0] =	vst v8  }
0x4f1: {  	v4 =	vadd.f32 v4, v0;
	[tilespmem:s13+$0xFFFFFFE0] =	vst v6  }
0x4f2: {  	[tilespmem:s13+$0xFFFFFFF0] =	vst v5;
	v2 =	vadd.f32 v2, v0  }
0x4f3: {  	s14 =	sshll.u32 s31, $0x12;
	[tilespmem:s13+$0x0] =	vst v4;
	v1 =	vadd.f32 v1, v0  }
0x4f4: {  	s14 =	sor.u32 s16, s14;
	v0 =	vadd.f32 v3, v0;
	[tilespmem:s13+$0x10] =	vst v2  }
0x4f5: {  	s14 =	sshrl.u32 s14, $0x3;
	[tilespmem:s13+$0x20] =	vst v1  }
0x4f6: {  	s15 =	sadd.s32 s5, s14;
	[tilespmem:s13+$0xFFFFFFC0] =	vst v0  }
0x4f7: {  	[hbm4b:s15+s2] =	stream.linear.scatter [tilespmem:s22], [sflag:$0x4], $0x1000, $0x38;
	[tilespmem:$0x1EB78] =	vst v63  }
0x4f8: {  	s14 =	sadd.s32 $0x5000, s8  }
0x4f9: {  	[tilespmem:s20], [sflag:$0x3] =	stream.linear.gather [spmem:s14], $0x1000, $0x38;
	[tilespmem:$0x1EB78] =	vst v63  }
0x4fa: {  	_ =	swait.ge [sflag:s21], $0x1000  }
0x4fb: {  	[sflag:s21] =	ssyncset.done $0x0  }
0x4fc: {  	[sflag:s21] =	ssyncadd.s32 $0xFFFFF000  }
0x4fd: {  	_ =	swait.ge [sflag:s28], $0x1000  }
0x4fe: {  	[sflag:s28] =	ssyncset.done $0x0  }
0x4ff: {  	[sflag:s28] =	ssyncadd.s32 $0xFFFFF000  }
0x500: {  	s15 =	simm.s32 $0x19BB8;
	v0 =	vld.msk [tilespmem:s0+$0x186A3 ss:$0x0], $0xffff  }
0x501: {  	v1 =	vld [tilespmem:s15+$0x30]  }
0x502: {  	v2 =	vld [tilespmem:s15+$0xFFFFFFD0]  }
0x503: {  	v3 =	vld [tilespmem:s15+$0xFFFFFFE0]  }
0x504: {  	v4 =	vld [tilespmem:s15+$0xFFFFFFF0]  }
0x505: {  	v7 =	vld [tilespmem:s15+$0x0]  }
0x506: {  	v8 =	vld [tilespmem:s15+$0x10]  }
0x507: {  	v9 =	vld [tilespmem:s15+$0x20]  }
0x508: {  	v10 =	vld [tilespmem:s15+$0xFFFFFFC0]  }
0x509: {  	v11 =	vld.idx.msk [tilespmem:v1+s2+$0x0], $0xffff  }
0x50a: {  	v12 =	vld.idx.msk [tilespmem:v2+s2+$0x0], $0xffff  }
0x50b: {  	v6 =	vld.idx.msk [tilespmem:v3+s2+$0x0], $0xffff  }
0x50c: {  	v5 =	vld.idx.msk [tilespmem:v4+s2+$0x0], $0xffff  }
0x50d: {  	v4 =	vld.idx.msk [tilespmem:v7+s2+$0x0], $0xffff  }
0x50e: {  	v2 =	vld.idx.msk [tilespmem:v8+s2+$0x0], $0xffff  }
0x50f: {  	s31 =	sadd.s32 $0x3, s0;
	v1 =	vld.idx.msk [tilespmem:v9+s2+$0x0], $0xffff;
	v7 =	vadd.f32 v11, v0  }
0x510: {  	s13 =	simm.s32 $0x1DBB8;
	s14 =	simm.s32 $0x0;
	s15 =	simm.s32 $0x19C38;
	v3 =	vld.idx.msk [tilespmem:v10+s2+$0x0], $0xffff;
	v8 =	vadd.f32 v12, v0  }
.LBB2_51:
0x511: {  	v9 =	vld [tilespmem:s15+$0x30];
	s14 =	sadd.s32 $0x80, s14;
	v6 =	vadd.f32 v6, v0;
	[tilespmem:s13+$0x30] =	vst v7  }
0x512: {  	v5 =	vadd.f32 v5, v0;
	v7 =	vld [tilespmem:s15+$0xFFFFFFD0];
	p1 =	slt.u32 s14, $0xF80;
	[tilespmem:s13+$0xFFFFFFD0] =	vst v8  }
0x513: {  	v4 =	vadd.f32 v4, v0;
	v8 =	vld [tilespmem:s15+$0xFFFFFFE0];
	[tilespmem:s13+$0xFFFFFFE0] =	vst v6  }
0x514: {  	v2 =	vadd.f32 v2, v0;
	v10 =	vld [tilespmem:s15+$0xFFFFFFF0];
	[tilespmem:s13+$0xFFFFFFF0] =	vst v5  }
0x515: {  	v1 =	vadd.f32 v1, v0;
	v11 =	vld [tilespmem:s15+$0x0];
	[tilespmem:s13+$0x0] =	vst v4  }
0x516: {  	v3 =	vadd.f32 v3, v0;
	v12 =	vld [tilespmem:s15+$0x10];
	[tilespmem:s13+$0x10] =	vst v2  }
0x517: {  	v13 =	vld [tilespmem:s15+$0x20];
	[tilespmem:s13+$0x20] =	vst v1  }
0x518: {  	v14 =	vld [tilespmem:s15+$0xFFFFFFC0];
	[tilespmem:s13+$0xFFFFFFC0] =	vst v3  }
0x519: {  	v3 =	vld.idx.msk [tilespmem:v9+s2+$0x0], $0xffff  }
0x51a: {  	v9 =	vld.idx.msk [tilespmem:v7+s2+$0x0], $0xffff  }
0x51b: {  	v6 =	vld.idx.msk [tilespmem:v8+s2+$0x0], $0xffff  }
.Ltmp24:
0x51c: {  	v5 =	vld.idx.msk [tilespmem:v10+s2+$0x0], $0xffff;
	(pc) =	sbr.rel @p1 .LBB2_51-.Ltmp24, $4  }
0x51d: {  	v4 =	vld.idx.msk [tilespmem:v11+s2+$0x0], $0xffff  }
0x51e: {  	v2 =	vld.idx.msk [tilespmem:v12+s2+$0x0], $0xffff  }
0x51f: {  	v7 =	vadd.f32 v3, v0;
	v1 =	vld.idx.msk [tilespmem:v13+s2+$0x0], $0xffff  }
0x520: {  	s15 =	sadd.s32 $0x80, s15;
	s13 =	sadd.s32 $0x80, s13;
	v8 =	vadd.f32 v9, v0;
	v3 =	vld.idx.msk [tilespmem:v14+s2+$0x0], $0xffff  }
0x521: {  	v6 =	vadd.f32 v6, v0;
	[tilespmem:s13+$0x30] =	vst v7  }
0x522: {  	v5 =	vadd.f32 v5, v0;
	[tilespmem:s13+$0xFFFFFFD0] =	vst v8  }
0x523: {  	v4 =	vadd.f32 v4, v0;
	[tilespmem:s13+$0xFFFFFFE0] =	vst v6  }
0x524: {  	[tilespmem:s13+$0xFFFFFFF0] =	vst v5;
	v2 =	vadd.f32 v2, v0  }
0x525: {  	s14 =	sshll.u32 s31, $0x12;
	[tilespmem:s13+$0x0] =	vst v4;
	v1 =	vadd.f32 v1, v0  }
0x526: {  	s14 =	sor.u32 s16, s14;
	v0 =	vadd.f32 v3, v0;
	[tilespmem:s13+$0x10] =	vst v2  }
0x527: {  	s14 =	sshrl.u32 s14, $0x3;
	[tilespmem:s13+$0x20] =	vst v1  }
0x528: {  	s15 =	sadd.s32 s5, s14;
	[tilespmem:s13+$0xFFFFFFC0] =	vst v0  }
0x529: {  	[hbm4b:s15+s2] =	stream.linear.scatter [tilespmem:s24], [sflag:$0x5], $0x1000, $0x38;
	[tilespmem:$0x1EB78] =	vst v63  }
0x52a: {  	s14 =	sadd.s32 $0x6000, s8  }
0x52b: {  	[tilespmem:s18], [sflag:$0x1] =	stream.linear.gather [spmem:s14], $0x1000, $0x38;
	[tilespmem:$0x1EB78] =	vst v63  }
0x52c: {  	_ =	swait.ge [sflag:s23], $0x1000  }
0x52d: {  	[sflag:s23] =	ssyncset.done $0x0  }
0x52e: {  	[sflag:s23] =	ssyncadd.s32 $0xFFFFF000  }
0x52f: {  	_ =	swait.ge [sflag:s26], $0x1000  }
0x530: {  	[sflag:s26] =	ssyncset.done $0x0  }
0x531: {  	[sflag:s26] =	ssyncadd.s32 $0xFFFFF000  }
0x532: {  	s15 =	simm.s32 $0x1ABB8;
	v0 =	vld.msk [tilespmem:s0+$0x186A4 ss:$0x0], $0xffff  }
0x533: {  	v1 =	vld [tilespmem:s15+$0x30]  }
0x534: {  	v2 =	vld [tilespmem:s15+$0xFFFFFFD0]  }
0x535: {  	v3 =	vld [tilespmem:s15+$0xFFFFFFE0]  }
0x536: {  	v4 =	vld [tilespmem:s15+$0xFFFFFFF0]  }
0x537: {  	v7 =	vld [tilespmem:s15+$0x0]  }
0x538: {  	v8 =	vld [tilespmem:s15+$0x10]  }
0x539: {  	v9 =	vld [tilespmem:s15+$0x20]  }
0x53a: {  	v10 =	vld [tilespmem:s15+$0xFFFFFFC0]  }
0x53b: {  	v11 =	vld.idx.msk [tilespmem:v1+s2+$0x0], $0xffff  }
0x53c: {  	v12 =	vld.idx.msk [tilespmem:v2+s2+$0x0], $0xffff  }
0x53d: {  	v6 =	vld.idx.msk [tilespmem:v3+s2+$0x0], $0xffff  }
0x53e: {  	v5 =	vld.idx.msk [tilespmem:v4+s2+$0x0], $0xffff  }
0x53f: {  	v4 =	vld.idx.msk [tilespmem:v7+s2+$0x0], $0xffff  }
0x540: {  	v2 =	vld.idx.msk [tilespmem:v8+s2+$0x0], $0xffff  }
0x541: {  	s31 =	sadd.s32 $0x4, s0;
	v1 =	vld.idx.msk [tilespmem:v9+s2+$0x0], $0xffff;
	v7 =	vadd.f32 v11, v0  }
0x542: {  	s13 =	simm.s32 $0x1CBB8;
	s14 =	simm.s32 $0x0;
	s15 =	simm.s32 $0x1AC38;
	v3 =	vld.idx.msk [tilespmem:v10+s2+$0x0], $0xffff;
	v8 =	vadd.f32 v12, v0  }
.LBB2_53:
0x543: {  	v9 =	vld [tilespmem:s15+$0x30];
	s14 =	sadd.s32 $0x80, s14;
	v6 =	vadd.f32 v6, v0;
	[tilespmem:s13+$0x30] =	vst v7  }
0x544: {  	v5 =	vadd.f32 v5, v0;
	v7 =	vld [tilespmem:s15+$0xFFFFFFD0];
	p1 =	slt.u32 s14, $0xF80;
	[tilespmem:s13+$0xFFFFFFD0] =	vst v8  }
0x545: {  	v4 =	vadd.f32 v4, v0;
	v8 =	vld [tilespmem:s15+$0xFFFFFFE0];
	[tilespmem:s13+$0xFFFFFFE0] =	vst v6  }
0x546: {  	v2 =	vadd.f32 v2, v0;
	v10 =	vld [tilespmem:s15+$0xFFFFFFF0];
	[tilespmem:s13+$0xFFFFFFF0] =	vst v5  }
0x547: {  	v1 =	vadd.f32 v1, v0;
	v11 =	vld [tilespmem:s15+$0x0];
	[tilespmem:s13+$0x0] =	vst v4  }
0x548: {  	v3 =	vadd.f32 v3, v0;
	v12 =	vld [tilespmem:s15+$0x10];
	[tilespmem:s13+$0x10] =	vst v2  }
0x549: {  	v13 =	vld [tilespmem:s15+$0x20];
	[tilespmem:s13+$0x20] =	vst v1  }
0x54a: {  	v14 =	vld [tilespmem:s15+$0xFFFFFFC0];
	[tilespmem:s13+$0xFFFFFFC0] =	vst v3  }
0x54b: {  	v3 =	vld.idx.msk [tilespmem:v9+s2+$0x0], $0xffff  }
0x54c: {  	v9 =	vld.idx.msk [tilespmem:v7+s2+$0x0], $0xffff  }
0x54d: {  	v6 =	vld.idx.msk [tilespmem:v8+s2+$0x0], $0xffff  }
.Ltmp25:
0x54e: {  	v5 =	vld.idx.msk [tilespmem:v10+s2+$0x0], $0xffff;
	(pc) =	sbr.rel @p1 .LBB2_53-.Ltmp25, $4  }
0x54f: {  	v4 =	vld.idx.msk [tilespmem:v11+s2+$0x0], $0xffff  }
0x550: {  	v2 =	vld.idx.msk [tilespmem:v12+s2+$0x0], $0xffff  }
0x551: {  	v7 =	vadd.f32 v3, v0;
	v1 =	vld.idx.msk [tilespmem:v13+s2+$0x0], $0xffff  }
0x552: {  	s15 =	sadd.s32 $0x80, s15;
	s13 =	sadd.s32 $0x80, s13;
	v8 =	vadd.f32 v9, v0;
	v3 =	vld.idx.msk [tilespmem:v14+s2+$0x0], $0xffff  }
0x553: {  	v6 =	vadd.f32 v6, v0;
	[tilespmem:s13+$0x30] =	vst v7  }
0x554: {  	v5 =	vadd.f32 v5, v0;
	[tilespmem:s13+$0xFFFFFFD0] =	vst v8  }
0x555: {  	v4 =	vadd.f32 v4, v0;
	[tilespmem:s13+$0xFFFFFFE0] =	vst v6  }
0x556: {  	[tilespmem:s13+$0xFFFFFFF0] =	vst v5;
	v2 =	vadd.f32 v2, v0  }
0x557: {  	s14 =	sshll.u32 s31, $0x12;
	[tilespmem:s13+$0x0] =	vst v4;
	v1 =	vadd.f32 v1, v0  }
0x558: {  	s14 =	sor.u32 s16, s14;
	v0 =	vadd.f32 v3, v0;
	[tilespmem:s13+$0x10] =	vst v2  }
0x559: {  	s14 =	sshrl.u32 s14, $0x3;
	[tilespmem:s13+$0x20] =	vst v1  }
0x55a: {  	s15 =	sadd.s32 s5, s14;
	[tilespmem:s13+$0xFFFFFFC0] =	vst v0  }
0x55b: {  	[hbm4b:s15+s2] =	stream.linear.scatter [tilespmem:s22], [sflag:$0x4], $0x1000, $0x38;
	[tilespmem:$0x1EB78] =	vst v63  }
0x55c: {  	s14 =	sadd.s32 $0x7000, s8  }
0x55d: {  	[tilespmem:s19], [sflag:$0x2] =	stream.linear.gather [spmem:s14], $0x1000, $0x38;
	[tilespmem:$0x1EB78] =	vst v63  }
0x55e: {  	_ =	swait.ge [sflag:s25], $0x1000  }
0x55f: {  	[sflag:s25] =	ssyncset.done $0x0  }
0x560: {  	[sflag:s25] =	ssyncadd.s32 $0xFFFFF000  }
0x561: {  	_ =	swait.ge [sflag:s28], $0x1000  }
0x562: {  	[sflag:s28] =	ssyncset.done $0x0  }
0x563: {  	[sflag:s28] =	ssyncadd.s32 $0xFFFFF000  }
0x564: {  	s15 =	simm.s32 $0x1BBB8;
	v0 =	vld.msk [tilespmem:s0+$0x186A5 ss:$0x0], $0xffff  }
0x565: {  	v1 =	vld [tilespmem:s15+$0x30]  }
0x566: {  	v2 =	vld [tilespmem:s15+$0xFFFFFFD0]  }
0x567: {  	v3 =	vld [tilespmem:s15+$0xFFFFFFE0]  }
0x568: {  	v4 =	vld [tilespmem:s15+$0xFFFFFFF0]  }
0x569: {  	v7 =	vld [tilespmem:s15+$0x0]  }
0x56a: {  	v8 =	vld [tilespmem:s15+$0x10]  }
0x56b: {  	v9 =	vld [tilespmem:s15+$0x20]  }
0x56c: {  	v10 =	vld [tilespmem:s15+$0xFFFFFFC0]  }
0x56d: {  	v11 =	vld.idx.msk [tilespmem:v1+s2+$0x0], $0xffff  }
0x56e: {  	v12 =	vld.idx.msk [tilespmem:v2+s2+$0x0], $0xffff  }
0x56f: {  	v6 =	vld.idx.msk [tilespmem:v3+s2+$0x0], $0xffff  }
0x570: {  	v5 =	vld.idx.msk [tilespmem:v4+s2+$0x0], $0xffff  }
0x571: {  	v4 =	vld.idx.msk [tilespmem:v7+s2+$0x0], $0xffff  }
0x572: {  	v2 =	vld.idx.msk [tilespmem:v8+s2+$0x0], $0xffff  }
0x573: {  	s31 =	sadd.s32 $0x5, s0;
	v1 =	vld.idx.msk [tilespmem:v9+s2+$0x0], $0xffff;
	v7 =	vadd.f32 v11, v0  }
0x574: {  	s13 =	simm.s32 $0x1DBB8;
	s14 =	simm.s32 $0x0;
	s15 =	simm.s32 $0x1BC38;
	v3 =	vld.idx.msk [tilespmem:v10+s2+$0x0], $0xffff;
	v8 =	vadd.f32 v12, v0  }
.LBB2_55:
0x575: {  	v9 =	vld [tilespmem:s15+$0x30];
	s14 =	sadd.s32 $0x80, s14;
	v6 =	vadd.f32 v6, v0;
	[tilespmem:s13+$0x30] =	vst v7  }
0x576: {  	v5 =	vadd.f32 v5, v0;
	v7 =	vld [tilespmem:s15+$0xFFFFFFD0];
	p1 =	slt.u32 s14, $0xF80;
	[tilespmem:s13+$0xFFFFFFD0] =	vst v8  }
0x577: {  	v4 =	vadd.f32 v4, v0;
	v8 =	vld [tilespmem:s15+$0xFFFFFFE0];
	[tilespmem:s13+$0xFFFFFFE0] =	vst v6  }
0x578: {  	v2 =	vadd.f32 v2, v0;
	v10 =	vld [tilespmem:s15+$0xFFFFFFF0];
	[tilespmem:s13+$0xFFFFFFF0] =	vst v5  }
0x579: {  	v1 =	vadd.f32 v1, v0;
	v11 =	vld [tilespmem:s15+$0x0];
	[tilespmem:s13+$0x0] =	vst v4  }
0x57a: {  	v3 =	vadd.f32 v3, v0;
	v12 =	vld [tilespmem:s15+$0x10];
	[tilespmem:s13+$0x10] =	vst v2  }
0x57b: {  	v13 =	vld [tilespmem:s15+$0x20];
	[tilespmem:s13+$0x20] =	vst v1  }
0x57c: {  	v14 =	vld [tilespmem:s15+$0xFFFFFFC0];
	[tilespmem:s13+$0xFFFFFFC0] =	vst v3  }
0x57d: {  	v3 =	vld.idx.msk [tilespmem:v9+s2+$0x0], $0xffff  }
0x57e: {  	v9 =	vld.idx.msk [tilespmem:v7+s2+$0x0], $0xffff  }
0x57f: {  	v6 =	vld.idx.msk [tilespmem:v8+s2+$0x0], $0xffff  }
.Ltmp26:
0x580: {  	v5 =	vld.idx.msk [tilespmem:v10+s2+$0x0], $0xffff;
	(pc) =	sbr.rel @p1 .LBB2_55-.Ltmp26, $4  }
0x581: {  	v4 =	vld.idx.msk [tilespmem:v11+s2+$0x0], $0xffff  }
0x582: {  	v2 =	vld.idx.msk [tilespmem:v12+s2+$0x0], $0xffff  }
0x583: {  	v7 =	vadd.f32 v3, v0;
	v1 =	vld.idx.msk [tilespmem:v13+s2+$0x0], $0xffff  }
0x584: {  	s15 =	sadd.s32 $0x80, s15;
	s13 =	sadd.s32 $0x80, s13;
	v8 =	vadd.f32 v9, v0;
	v3 =	vld.idx.msk [tilespmem:v14+s2+$0x0], $0xffff  }
0x585: {  	v6 =	vadd.f32 v6, v0;
	[tilespmem:s13+$0x30] =	vst v7  }
0x586: {  	v5 =	vadd.f32 v5, v0;
	[tilespmem:s13+$0xFFFFFFD0] =	vst v8  }
0x587: {  	v4 =	vadd.f32 v4, v0;
	[tilespmem:s13+$0xFFFFFFE0] =	vst v6  }
0x588: {  	[tilespmem:s13+$0xFFFFFFF0] =	vst v5;
	v2 =	vadd.f32 v2, v0  }
0x589: {  	s14 =	sshll.u32 s31, $0x12;
	[tilespmem:s13+$0x0] =	vst v4;
	v1 =	vadd.f32 v1, v0  }
0x58a: {  	s14 =	sor.u32 s16, s14;
	v0 =	vadd.f32 v3, v0;
	[tilespmem:s13+$0x10] =	vst v2  }
0x58b: {  	s14 =	sshrl.u32 s14, $0x3;
	[tilespmem:s13+$0x20] =	vst v1  }
0x58c: {  	s15 =	sadd.s32 s5, s14;
	[tilespmem:s13+$0xFFFFFFC0] =	vst v0  }
0x58d: {  	[hbm4b:s15+s2] =	stream.linear.scatter [tilespmem:s24], [sflag:$0x5], $0x1000, $0x38;
	[tilespmem:$0x1EB78] =	vst v63  }
0x58e: {  	s14 =	sadd.s32 $0x8000, s8  }
0x58f: {  	[tilespmem:s20], [sflag:$0x3] =	stream.linear.gather [spmem:s14], $0x1000, $0x38;
	[tilespmem:$0x1EB78] =	vst v63  }
0x590: {  	_ =	swait.ge [sflag:s21], $0x1000  }
0x591: {  	[sflag:s21] =	ssyncset.done $0x0  }
0x592: {  	[sflag:s21] =	ssyncadd.s32 $0xFFFFF000  }
0x593: {  	_ =	swait.ge [sflag:s26], $0x1000  }
0x594: {  	[sflag:s26] =	ssyncset.done $0x0  }
0x595: {  	[sflag:s26] =	ssyncadd.s32 $0xFFFFF000  }
0x596: {  	s15 =	simm.s32 $0x19BB8;
	v0 =	vld.msk [tilespmem:s0+$0x186A6 ss:$0x0], $0xffff  }
0x597: {  	v1 =	vld [tilespmem:s15+$0x30]  }
0x598: {  	v2 =	vld [tilespmem:s15+$0xFFFFFFD0]  }
0x599: {  	v3 =	vld [tilespmem:s15+$0xFFFFFFE0]  }
0x59a: {  	v4 =	vld [tilespmem:s15+$0xFFFFFFF0]  }
0x59b: {  	v7 =	vld [tilespmem:s15+$0x0]  }
0x59c: {  	v8 =	vld [tilespmem:s15+$0x10]  }
0x59d: {  	v9 =	vld [tilespmem:s15+$0x20]  }
0x59e: {  	v10 =	vld [tilespmem:s15+$0xFFFFFFC0]  }
0x59f: {  	v11 =	vld.idx.msk [tilespmem:v1+s2+$0x0], $0xffff  }
0x5a0: {  	v12 =	vld.idx.msk [tilespmem:v2+s2+$0x0], $0xffff  }
0x5a1: {  	v6 =	vld.idx.msk [tilespmem:v3+s2+$0x0], $0xffff  }
0x5a2: {  	v5 =	vld.idx.msk [tilespmem:v4+s2+$0x0], $0xffff  }
0x5a3: {  	v4 =	vld.idx.msk [tilespmem:v7+s2+$0x0], $0xffff  }
0x5a4: {  	v2 =	vld.idx.msk [tilespmem:v8+s2+$0x0], $0xffff  }
0x5a5: {  	s31 =	sadd.s32 $0x6, s0;
	v1 =	vld.idx.msk [tilespmem:v9+s2+$0x0], $0xffff;
	v7 =	vadd.f32 v11, v0  }
0x5a6: {  	s13 =	simm.s32 $0x1CBB8;
	s14 =	simm.s32 $0x0;
	s15 =	simm.s32 $0x19C38;
	v3 =	vld.idx.msk [tilespmem:v10+s2+$0x0], $0xffff;
	v8 =	vadd.f32 v12, v0  }
.LBB2_57:
0x5a7: {  	v9 =	vld [tilespmem:s15+$0x30];
	s14 =	sadd.s32 $0x80, s14;
	v6 =	vadd.f32 v6, v0;
	[tilespmem:s13+$0x30] =	vst v7  }
0x5a8: {  	v5 =	vadd.f32 v5, v0;
	v7 =	vld [tilespmem:s15+$0xFFFFFFD0];
	p1 =	slt.u32 s14, $0xF80;
	[tilespmem:s13+$0xFFFFFFD0] =	vst v8  }
0x5a9: {  	v4 =	vadd.f32 v4, v0;
	v8 =	vld [tilespmem:s15+$0xFFFFFFE0];
	[tilespmem:s13+$0xFFFFFFE0] =	vst v6  }
0x5aa: {  	v2 =	vadd.f32 v2, v0;
	v10 =	vld [tilespmem:s15+$0xFFFFFFF0];
	[tilespmem:s13+$0xFFFFFFF0] =	vst v5  }
0x5ab: {  	v1 =	vadd.f32 v1, v0;
	v11 =	vld [tilespmem:s15+$0x0];
	[tilespmem:s13+$0x0] =	vst v4  }
0x5ac: {  	v3 =	vadd.f32 v3, v0;
	v12 =	vld [tilespmem:s15+$0x10];
	[tilespmem:s13+$0x10] =	vst v2  }
0x5ad: {  	v13 =	vld [tilespmem:s15+$0x20];
	[tilespmem:s13+$0x20] =	vst v1  }
0x5ae: {  	v14 =	vld [tilespmem:s15+$0xFFFFFFC0];
	[tilespmem:s13+$0xFFFFFFC0] =	vst v3  }
0x5af: {  	v3 =	vld.idx.msk [tilespmem:v9+s2+$0x0], $0xffff  }
0x5b0: {  	v9 =	vld.idx.msk [tilespmem:v7+s2+$0x0], $0xffff  }
0x5b1: {  	v6 =	vld.idx.msk [tilespmem:v8+s2+$0x0], $0xffff  }
.Ltmp27:
0x5b2: {  	v5 =	vld.idx.msk [tilespmem:v10+s2+$0x0], $0xffff;
	(pc) =	sbr.rel @p1 .LBB2_57-.Ltmp27, $4  }
0x5b3: {  	v4 =	vld.idx.msk [tilespmem:v11+s2+$0x0], $0xffff  }
0x5b4: {  	v2 =	vld.idx.msk [tilespmem:v12+s2+$0x0], $0xffff  }
0x5b5: {  	v7 =	vadd.f32 v3, v0;
	v1 =	vld.idx.msk [tilespmem:v13+s2+$0x0], $0xffff  }
0x5b6: {  	s15 =	sadd.s32 $0x80, s15;
	s13 =	sadd.s32 $0x80, s13;
	v8 =	vadd.f32 v9, v0;
	v3 =	vld.idx.msk [tilespmem:v14+s2+$0x0], $0xffff  }
0x5b7: {  	v6 =	vadd.f32 v6, v0;
	[tilespmem:s13+$0x30] =	vst v7  }
0x5b8: {  	v5 =	vadd.f32 v5, v0;
	[tilespmem:s13+$0xFFFFFFD0] =	vst v8  }
0x5b9: {  	v4 =	vadd.f32 v4, v0;
	[tilespmem:s13+$0xFFFFFFE0] =	vst v6  }
0x5ba: {  	[tilespmem:s13+$0xFFFFFFF0] =	vst v5;
	v2 =	vadd.f32 v2, v0  }
0x5bb: {  	s14 =	sshll.u32 s31, $0x12;
	[tilespmem:s13+$0x0] =	vst v4;
	v1 =	vadd.f32 v1, v0  }
0x5bc: {  	s14 =	sor.u32 s16, s14;
	v0 =	vadd.f32 v3, v0;
	[tilespmem:s13+$0x10] =	vst v2  }
0x5bd: {  	s14 =	sshrl.u32 s14, $0x3;
	[tilespmem:s13+$0x20] =	vst v1  }
0x5be: {  	s15 =	sadd.s32 s5, s14;
	[tilespmem:s13+$0xFFFFFFC0] =	vst v0  }
0x5bf: {  	[hbm4b:s15+s2] =	stream.linear.scatter [tilespmem:s22], [sflag:$0x4], $0x1000, $0x38;
	[tilespmem:$0x1EB78] =	vst v63  }
0x5c0: {  	s8 =	sadd.s32 $0x9000, s8  }
0x5c1: {  	[tilespmem:s18], [sflag:$0x1] =	stream.linear.gather [spmem:s8], $0x1000, $0x38;
	[tilespmem:$0x1EB78] =	vst v63  }
0x5c2: {  	_ =	swait.ge [sflag:s23], $0x1000  }
0x5c3: {  	[sflag:s23] =	ssyncset.done $0x0  }
0x5c4: {  	[sflag:s23] =	ssyncadd.s32 $0xFFFFF000  }
0x5c5: {  	_ =	swait.ge [sflag:s28], $0x1000  }
0x5c6: {  	[sflag:s28] =	ssyncset.done $0x0  }
0x5c7: {  	[sflag:s28] =	ssyncadd.s32 $0xFFFFF000  }
0x5c8: {  	s31 =	simm.s32 $0x1ABB8;
	v0 =	vld.msk [tilespmem:s0+$0x186A7 ss:$0x0], $0xffff  }
0x5c9: {  	v1 =	vld [tilespmem:s31+$0x30]  }
0x5ca: {  	v2 =	vld [tilespmem:s31+$0xFFFFFFD0]  }
0x5cb: {  	v3 =	vld [tilespmem:s31+$0xFFFFFFE0]  }
0x5cc: {  	v4 =	vld [tilespmem:s31+$0xFFFFFFF0]  }
0x5cd: {  	v7 =	vld [tilespmem:s31+$0x0]  }
0x5ce: {  	v8 =	vld [tilespmem:s31+$0x10]  }
0x5cf: {  	v9 =	vld [tilespmem:s31+$0x20]  }
0x5d0: {  	v10 =	vld [tilespmem:s31+$0xFFFFFFC0]  }
0x5d1: {  	v11 =	vld.idx.msk [tilespmem:v1+s2+$0x0], $0xffff  }
0x5d2: {  	v12 =	vld.idx.msk [tilespmem:v2+s2+$0x0], $0xffff  }
0x5d3: {  	v6 =	vld.idx.msk [tilespmem:v3+s2+$0x0], $0xffff  }
0x5d4: {  	v5 =	vld.idx.msk [tilespmem:v4+s2+$0x0], $0xffff  }
0x5d5: {  	v4 =	vld.idx.msk [tilespmem:v7+s2+$0x0], $0xffff  }
0x5d6: {  	v2 =	vld.idx.msk [tilespmem:v8+s2+$0x0], $0xffff  }
0x5d7: {  	s14 =	simm.s32 $0x0;
	v1 =	vld.idx.msk [tilespmem:v9+s2+$0x0], $0xffff;
	v7 =	vadd.f32 v11, v0  }
0x5d8: {  	s13 =	sadd.s32 $0x7, s0;
	s15 =	simm.s32 $0x1AC38;
	s8 =	simm.s32 $0x1DBB8;
	v3 =	vld.idx.msk [tilespmem:v10+s2+$0x0], $0xffff;
	v8 =	vadd.f32 v12, v0  }
.LBB2_59:
0x5d9: {  	v9 =	vld [tilespmem:s15+$0x30];
	s14 =	sadd.s32 $0x80, s14;
	v6 =	vadd.f32 v6, v0;
	[tilespmem:s8+$0x30] =	vst v7  }
0x5da: {  	v5 =	vadd.f32 v5, v0;
	v7 =	vld [tilespmem:s15+$0xFFFFFFD0];
	p1 =	slt.u32 s14, $0xF80;
	[tilespmem:s8+$0xFFFFFFD0] =	vst v8  }
0x5db: {  	v4 =	vadd.f32 v4, v0;
	v8 =	vld [tilespmem:s15+$0xFFFFFFE0];
	[tilespmem:s8+$0xFFFFFFE0] =	vst v6  }
0x5dc: {  	v2 =	vadd.f32 v2, v0;
	v10 =	vld [tilespmem:s15+$0xFFFFFFF0];
	[tilespmem:s8+$0xFFFFFFF0] =	vst v5  }
0x5dd: {  	v1 =	vadd.f32 v1, v0;
	v11 =	vld [tilespmem:s15+$0x0];
	[tilespmem:s8+$0x0] =	vst v4  }
0x5de: {  	v3 =	vadd.f32 v3, v0;
	v12 =	vld [tilespmem:s15+$0x10];
	[tilespmem:s8+$0x10] =	vst v2  }
0x5df: {  	v13 =	vld [tilespmem:s15+$0x20];
	[tilespmem:s8+$0x20] =	vst v1  }
0x5e0: {  	v14 =	vld [tilespmem:s15+$0xFFFFFFC0];
	[tilespmem:s8+$0xFFFFFFC0] =	vst v3  }
0x5e1: {  	v3 =	vld.idx.msk [tilespmem:v9+s2+$0x0], $0xffff  }
0x5e2: {  	v9 =	vld.idx.msk [tilespmem:v7+s2+$0x0], $0xffff  }
0x5e3: {  	v6 =	vld.idx.msk [tilespmem:v8+s2+$0x0], $0xffff  }
.Ltmp28:
0x5e4: {  	v5 =	vld.idx.msk [tilespmem:v10+s2+$0x0], $0xffff;
	(pc) =	sbr.rel @p1 .LBB2_59-.Ltmp28, $4  }
0x5e5: {  	v4 =	vld.idx.msk [tilespmem:v11+s2+$0x0], $0xffff  }
0x5e6: {  	v2 =	vld.idx.msk [tilespmem:v12+s2+$0x0], $0xffff  }
0x5e7: {  	v7 =	vadd.f32 v3, v0;
	v1 =	vld.idx.msk [tilespmem:v13+s2+$0x0], $0xffff  }
0x5e8: {  	s15 =	sadd.s32 $0x80, s15;
	s8 =	sadd.s32 $0x80, s8;
	v8 =	vadd.f32 v9, v0;
	v3 =	vld.idx.msk [tilespmem:v14+s2+$0x0], $0xffff  }
0x5e9: {  	v6 =	vadd.f32 v6, v0;
	[tilespmem:s8+$0x30] =	vst v7  }
0x5ea: {  	v5 =	vadd.f32 v5, v0;
	[tilespmem:s8+$0xFFFFFFD0] =	vst v8  }
0x5eb: {  	v4 =	vadd.f32 v4, v0;
	[tilespmem:s8+$0xFFFFFFE0] =	vst v6  }
0x5ec: {  	[tilespmem:s8+$0xFFFFFFF0] =	vst v5;
	v2 =	vadd.f32 v2, v0  }
0x5ed: {  	s13 =	sshll.u32 s13, $0x12;
	[tilespmem:s8+$0x0] =	vst v4;
	v1 =	vadd.f32 v1, v0  }
0x5ee: {  	s13 =	sor.u32 s16, s13;
	v0 =	vadd.f32 v3, v0;
	[tilespmem:s8+$0x10] =	vst v2  }
0x5ef: {  	s13 =	sshrl.u32 s13, $0x3;
	[tilespmem:s8+$0x20] =	vst v1  }
0x5f0: {  	s14 =	sadd.s32 s5, s13;
	[tilespmem:s8+$0xFFFFFFC0] =	vst v0  }
0x5f1: {  	[hbm4b:s14+s2] =	stream.linear.scatter [tilespmem:s24], [sflag:$0x5], $0x1000, $0x38;
	[tilespmem:$0x1EB78] =	vst v63  }
0x5f2: {  	_ =	swait.ge [sflag:s25], $0x1000  }
0x5f3: {  	[sflag:s25] =	ssyncset.done $0x0  }
0x5f4: {  	[sflag:s25] =	ssyncadd.s32 $0xFFFFF000  }
0x5f5: {  	s8 =	sadd.s32 $0x8, s0;
	_ =	swait.ge [sflag:s26], $0x1000  }
0x5f6: {  	s15 =	sand.u32 $0x3F8, s8;
	s14 =	sand.u32 $0x6, s0;
	[sflag:s26] =	ssyncset.done $0x0  }
0x5f7: {  	s13 =	sor.u32 s14, s15;
	[sflag:s26] =	ssyncadd.s32 $0xFFFFF000  }
0x5f8: {  	s31 =	simm.s32 $0x1BBB8;
	v0 =	vld.msk [tilespmem:s13+$0x186A0 ss:$0x0], $0xffff  }
0x5f9: {  	v1 =	vld [tilespmem:s31+$0x30]  }
0x5fa: {  	v2 =	vld [tilespmem:s31+$0xFFFFFFD0]  }
0x5fb: {  	v3 =	vld [tilespmem:s31+$0xFFFFFFE0]  }
0x5fc: {  	v4 =	vld [tilespmem:s31+$0xFFFFFFF0]  }
0x5fd: {  	v7 =	vld [tilespmem:s31+$0x0]  }
0x5fe: {  	v8 =	vld [tilespmem:s31+$0x10]  }
0x5ff: {  	v9 =	vld [tilespmem:s31+$0x20]  }
0x600: {  	v10 =	vld [tilespmem:s31+$0xFFFFFFC0]  }
0x601: {  	v11 =	vld.idx.msk [tilespmem:v1+s2+$0x0], $0xffff  }
0x602: {  	v12 =	vld.idx.msk [tilespmem:v2+s2+$0x0], $0xffff  }
0x603: {  	v6 =	vld.idx.msk [tilespmem:v3+s2+$0x0], $0xffff  }
0x604: {  	v5 =	vld.idx.msk [tilespmem:v4+s2+$0x0], $0xffff  }
0x605: {  	v4 =	vld.idx.msk [tilespmem:v7+s2+$0x0], $0xffff  }
0x606: {  	v3 =	vld.idx.msk [tilespmem:v8+s2+$0x0], $0xffff  }
0x607: {  	v1 =	vld.idx.msk [tilespmem:v9+s2+$0x0], $0xffff;
	v7 =	vadd.f32 v11, v0  }
0x608: {  	s14 =	simm.s32 $0x0;
	s15 =	simm.s32 $0x1BC38;
	s13 =	simm.s32 $0x1CBB8;
	v2 =	vld.idx.msk [tilespmem:v10+s2+$0x0], $0xffff;
	v8 =	vadd.f32 v12, v0  }
.LBB2_61:
0x609: {  	v9 =	vld [tilespmem:s15+$0x30];
	s14 =	sadd.s32 $0x80, s14;
	v6 =	vadd.f32 v6, v0;
	[tilespmem:s13+$0x30] =	vst v7  }
0x60a: {  	v5 =	vadd.f32 v5, v0;
	v7 =	vld [tilespmem:s15+$0xFFFFFFD0];
	p1 =	slt.u32 s14, $0xF80;
	[tilespmem:s13+$0xFFFFFFD0] =	vst v8  }
0x60b: {  	v4 =	vadd.f32 v4, v0;
	v8 =	vld [tilespmem:s15+$0xFFFFFFE0];
	[tilespmem:s13+$0xFFFFFFE0] =	vst v6  }
0x60c: {  	v3 =	vadd.f32 v3, v0;
	v10 =	vld [tilespmem:s15+$0xFFFFFFF0];
	[tilespmem:s13+$0xFFFFFFF0] =	vst v5  }
0x60d: {  	v1 =	vadd.f32 v1, v0;
	v11 =	vld [tilespmem:s15+$0x0];
	[tilespmem:s13+$0x0] =	vst v4  }
0x60e: {  	v2 =	vadd.f32 v2, v0;
	v12 =	vld [tilespmem:s15+$0x10];
	[tilespmem:s13+$0x10] =	vst v3  }
0x60f: {  	v13 =	vld [tilespmem:s15+$0x20];
	[tilespmem:s13+$0x20] =	vst v1  }
0x610: {  	v14 =	vld [tilespmem:s15+$0xFFFFFFC0];
	[tilespmem:s13+$0xFFFFFFC0] =	vst v2  }
0x611: {  	v2 =	vld.idx.msk [tilespmem:v9+s2+$0x0], $0xffff  }
0x612: {  	v9 =	vld.idx.msk [tilespmem:v7+s2+$0x0], $0xffff  }
0x613: {  	v6 =	vld.idx.msk [tilespmem:v8+s2+$0x0], $0xffff  }
.Ltmp29:
0x614: {  	v5 =	vld.idx.msk [tilespmem:v10+s2+$0x0], $0xffff;
	(pc) =	sbr.rel @p1 .LBB2_61-.Ltmp29, $4  }
0x615: {  	v4 =	vld.idx.msk [tilespmem:v11+s2+$0x0], $0xffff  }
0x616: {  	v3 =	vld.idx.msk [tilespmem:v12+s2+$0x0], $0xffff  }
0x617: {  	v7 =	vadd.f32 v2, v0;
	v1 =	vld.idx.msk [tilespmem:v13+s2+$0x0], $0xffff  }
0x618: {  	s15 =	sadd.s32 $0x80, s15;
	s13 =	sadd.s32 $0x80, s13;
	v8 =	vadd.f32 v9, v0;
	v2 =	vld.idx.msk [tilespmem:v14+s2+$0x0], $0xffff  }
0x619: {  	v6 =	vadd.f32 v6, v0;
	[tilespmem:s13+$0x30] =	vst v7  }
0x61a: {  	v5 =	vadd.f32 v5, v0;
	[tilespmem:s13+$0xFFFFFFD0] =	vst v8  }
0x61b: {  	v4 =	vadd.f32 v4, v0;
	[tilespmem:s13+$0xFFFFFFE0] =	vst v6  }
0x61c: {  	[tilespmem:s13+$0xFFFFFFF0] =	vst v5;
	v3 =	vadd.f32 v3, v0  }
0x61d: {  	s8 =	sshll.u32 s8, $0x12;
	[tilespmem:s13+$0x0] =	vst v4;
	v1 =	vadd.f32 v1, v0  }
0x61e: {  	s8 =	sor.u32 s16, s8;
	v0 =	vadd.f32 v2, v0;
	[tilespmem:s13+$0x10] =	vst v3  }
0x61f: {  	s8 =	sshrl.u32 s8, $0x3;
	[tilespmem:s13+$0x20] =	vst v1  }
0x620: {  	s8 =	sadd.s32 s5, s8;
	[tilespmem:s13+$0xFFFFFFC0] =	vst v0  }
0x621: {  	[hbm4b:s8+s2] =	stream.linear.scatter [tilespmem:s22], [sflag:$0x4], $0x1000, $0x38;
	[tilespmem:$0x1EB78] =	vst v63  }
0x622: {  	_ =	swait.ge [sflag:s21], $0x1000  }
0x623: {  	[sflag:s21] =	ssyncset.done $0x0  }
0x624: {  	[sflag:s21] =	ssyncadd.s32 $0xFFFFF000  }
0x625: {  	_ =	swait.ge [sflag:s28], $0x1000  }
0x626: {  	[sflag:s28] =	ssyncset.done $0x0  }
0x627: {  	[sflag:s28] =	ssyncadd.s32 $0xFFFFF000  }
0x628: {  	s31 =	simm.s32 $0x19BB8;
	v0 =	vld.msk [tilespmem:s0+$0x186A9 ss:$0x0], $0xffff  }
0x629: {  	v1 =	vld [tilespmem:s31+$0x30]  }
0x62a: {  	v2 =	vld [tilespmem:s31+$0xFFFFFFD0]  }
0x62b: {  	v3 =	vld [tilespmem:s31+$0xFFFFFFE0]  }
0x62c: {  	v4 =	vld [tilespmem:s31+$0xFFFFFFF0]  }
0x62d: {  	v7 =	vld [tilespmem:s31+$0x0]  }
0x62e: {  	v8 =	vld [tilespmem:s31+$0x10]  }
0x62f: {  	v9 =	vld [tilespmem:s31+$0x20]  }
0x630: {  	v10 =	vld [tilespmem:s31+$0xFFFFFFC0]  }
0x631: {  	v11 =	vld.idx.msk [tilespmem:v1+s2+$0x0], $0xffff  }
0x632: {  	v12 =	vld.idx.msk [tilespmem:v2+s2+$0x0], $0xffff  }
0x633: {  	v6 =	vld.idx.msk [tilespmem:v3+s2+$0x0], $0xffff  }
0x634: {  	v5 =	vld.idx.msk [tilespmem:v4+s2+$0x0], $0xffff  }
0x635: {  	v4 =	vld.idx.msk [tilespmem:v7+s2+$0x0], $0xffff  }
0x636: {  	v2 =	vld.idx.msk [tilespmem:v8+s2+$0x0], $0xffff  }
0x637: {  	s14 =	simm.s32 $0x19C38;
	v1 =	vld.idx.msk [tilespmem:v9+s2+$0x0], $0xffff;
	v7 =	vadd.f32 v11, v0  }
0x638: {  	s13 =	simm.s32 $0x0;
	s8 =	sadd.s32 $0x9, s0;
	s0 =	simm.s32 $0x1DBB8;
	v3 =	vld.idx.msk [tilespmem:v10+s2+$0x0], $0xffff;
	v8 =	vadd.f32 v12, v0  }
.LBB2_63:
0x639: {  	v9 =	vld [tilespmem:s14+$0x30];
	s13 =	sadd.s32 $0x80, s13;
	v6 =	vadd.f32 v6, v0;
	[tilespmem:s0+$0x30] =	vst v7  }
0x63a: {  	v5 =	vadd.f32 v5, v0;
	v7 =	vld [tilespmem:s14+$0xFFFFFFD0];
	p1 =	slt.u32 s13, $0xF80;
	[tilespmem:s0+$0xFFFFFFD0] =	vst v8  }
0x63b: {  	v4 =	vadd.f32 v4, v0;
	v8 =	vld [tilespmem:s14+$0xFFFFFFE0];
	[tilespmem:s0+$0xFFFFFFE0] =	vst v6  }
0x63c: {  	v2 =	vadd.f32 v2, v0;
	v10 =	vld [tilespmem:s14+$0xFFFFFFF0];
	[tilespmem:s0+$0xFFFFFFF0] =	vst v5  }
0x63d: {  	v1 =	vadd.f32 v1, v0;
	v11 =	vld [tilespmem:s14+$0x0];
	[tilespmem:s0+$0x0] =	vst v4  }
0x63e: {  	v3 =	vadd.f32 v3, v0;
	v12 =	vld [tilespmem:s14+$0x10];
	[tilespmem:s0+$0x10] =	vst v2  }
0x63f: {  	v13 =	vld [tilespmem:s14+$0x20];
	[tilespmem:s0+$0x20] =	vst v1  }
0x640: {  	v14 =	vld [tilespmem:s14+$0xFFFFFFC0];
	[tilespmem:s0+$0xFFFFFFC0] =	vst v3  }
0x641: {  	v3 =	vld.idx.msk [tilespmem:v9+s2+$0x0], $0xffff  }
0x642: {  	v9 =	vld.idx.msk [tilespmem:v7+s2+$0x0], $0xffff  }
0x643: {  	v6 =	vld.idx.msk [tilespmem:v8+s2+$0x0], $0xffff  }
.Ltmp30:
0x644: {  	v5 =	vld.idx.msk [tilespmem:v10+s2+$0x0], $0xffff;
	(pc) =	sbr.rel @p1 .LBB2_63-.Ltmp30, $4  }
0x645: {  	v4 =	vld.idx.msk [tilespmem:v11+s2+$0x0], $0xffff  }
0x646: {  	v2 =	vld.idx.msk [tilespmem:v12+s2+$0x0], $0xffff  }
0x647: {  	v7 =	vadd.f32 v3, v0;
	v1 =	vld.idx.msk [tilespmem:v13+s2+$0x0], $0xffff  }
0x648: {  	s14 =	sadd.s32 $0x80, s14;
	s0 =	sadd.s32 $0x80, s0;
	v8 =	vadd.f32 v9, v0;
	v3 =	vld.idx.msk [tilespmem:v14+s2+$0x0], $0xffff  }
0x649: {  	v6 =	vadd.f32 v6, v0;
	[tilespmem:s0+$0x30] =	vst v7  }
0x64a: {  	v5 =	vadd.f32 v5, v0;
	[tilespmem:s0+$0xFFFFFFD0] =	vst v8  }
0x64b: {  	v4 =	vadd.f32 v4, v0;
	[tilespmem:s0+$0xFFFFFFE0] =	vst v6  }
0x64c: {  	[tilespmem:s0+$0xFFFFFFF0] =	vst v5;
	v2 =	vadd.f32 v2, v0  }
0x64d: {  	s8 =	sshll.u32 s8, $0x12;
	[tilespmem:s0+$0x0] =	vst v4;
	v1 =	vadd.f32 v1, v0  }
0x64e: {  	s8 =	sor.u32 s16, s8;
	v63 =	vadd.f32 v3, v0;
	[tilespmem:s0+$0x10] =	vst v2  }
0x64f: {  	p1 =	sne.s32 s9, $0x13;
	s8 =	sshrl.u32 s8, $0x3;
	[tilespmem:s0+$0x20] =	vst v1  }
.Ltmp31:
0x650: {  	s15 =	sadd.s32 s5, s8;
	[tilespmem:s0+$0xFFFFFFC0] =	vst v63;
	s0 =	simm.s32 @!p0 $0x6;
	(pc) =	sbr.rel @p1 .LBB2_44-.Ltmp31, $4  }
0x651: {  	[hbm4b:s15+s2] =	stream.linear.scatter [tilespmem:s24], [sflag:$0x5], $0x1000, $0x38;
	[tilespmem:$0x1EB78] =	vst v63  }
0x652: {  	_ =	swait.ge @!p0 [sflag:s0], $0x200  }
0x653: {  	[sflag:s0] =	ssyncset.done @!p0 $0x0  }
0x654: {  	s31 =	smov.u32 s9;
	[sflag:s0] =	ssyncadd.s32 @!p0 $0xFFFFFE00  }
0x655: {  	[bflag:$0x0] =	sbarrier.arrive $0xFFFF  }
0x656: {  	s0 =	sld [smem:$0x7F4];
	_ =	sdelay $0x1  }
0x657: {  	s15 =	sld [smem:$0x7F5]  }
0x658: {  	[tilespmem:s18], [sflag:$0x1] =	stream.linear.gather [spmem:s0], $0x1000, $0x38;
	[tilespmem:$0x1EB78] =	vst v63  }
0x659: {  	s30 =	sld [smem:$0x7F6]  }
0x65a: {  	[tilespmem:s19], [sflag:$0x2] =	stream.linear.gather [spmem:s15], $0x1000, $0x38;
	[tilespmem:$0x1EB78] =	vst v63  }
0x65b: {  	_ = 	snop  }
0x65c: {  	[tilespmem:s20], [sflag:$0x3] =	stream.linear.gather [spmem:s30], $0x1000, $0x38;
	[tilespmem:$0x1EB78] =	vst v63  }
0x65d: {  	_ =	swait.ge [sflag:s21], $0x1000  }
0x65e: {  	[sflag:s21] =	ssyncset.done $0x0  }
0x65f: {  	[sflag:s21] =	ssyncadd.s32 $0xFFFFF000  }
0x660: {  	_ =	swait.ge [sflag:s26], $0x1000  }
0x661: {  	[sflag:s26] =	ssyncset.done $0x0  }
0x662: {  	[sflag:s26] =	ssyncadd.s32 $0xFFFFF000  }
0x663: {  	s31 =	simm.s32 $0x19BB8;
	v0 =	vld.msk [tilespmem:$0x1875E ss:$0x0], $0xffff  }
0x664: {  	v1 =	vld [tilespmem:s31+$0x30]  }
0x665: {  	v2 =	vld [tilespmem:s31+$0xFFFFFFD0]  }
0x666: {  	v3 =	vld [tilespmem:s31+$0xFFFFFFE0]  }
0x667: {  	v4 =	vld [tilespmem:s31+$0xFFFFFFF0]  }
0x668: {  	v7 =	vld [tilespmem:s31+$0x0]  }
0x669: {  	v8 =	vld [tilespmem:s31+$0x10]  }
0x66a: {  	v9 =	vld [tilespmem:s31+$0x20]  }
0x66b: {  	v10 =	vld [tilespmem:s31+$0xFFFFFFC0]  }
0x66c: {  	v11 =	vld.idx.msk [tilespmem:v1+s2+$0x0], $0xffff  }
0x66d: {  	v12 =	vld.idx.msk [tilespmem:v2+s2+$0x0], $0xffff  }
0x66e: {  	v6 =	vld.idx.msk [tilespmem:v3+s2+$0x0], $0xffff  }
0x66f: {  	v5 =	vld.idx.msk [tilespmem:v4+s2+$0x0], $0xffff  }
0x670: {  	v4 =	vld.idx.msk [tilespmem:v7+s2+$0x0], $0xffff  }
0x671: {  	v2 =	vld.idx.msk [tilespmem:v8+s2+$0x0], $0xffff  }
0x672: {  	v1 =	vld.idx.msk [tilespmem:v9+s2+$0x0], $0xffff;
	v7 =	vadd.f32 v11, v0  }
0x673: {  	s8 =	simm.s32 $0x0;
	s9 =	simm.s32 $0x19C38;
	s0 =	simm.s32 $0x1CBB8;
	v3 =	vld.idx.msk [tilespmem:v10+s2+$0x0], $0xffff;
	v8 =	vadd.f32 v12, v0  }
.LBB2_66:
0x674: {  	v9 =	vld [tilespmem:s9+$0x30];
	s8 =	sadd.s32 $0x80, s8;
	v6 =	vadd.f32 v6, v0;
	[tilespmem:s0+$0x30] =	vst v7  }
0x675: {  	v5 =	vadd.f32 v5, v0;
	v7 =	vld [tilespmem:s9+$0xFFFFFFD0];
	p1 =	slt.u32 s8, $0xF80;
	[tilespmem:s0+$0xFFFFFFD0] =	vst v8  }
0x676: {  	v4 =	vadd.f32 v4, v0;
	v8 =	vld [tilespmem:s9+$0xFFFFFFE0];
	[tilespmem:s0+$0xFFFFFFE0] =	vst v6  }
0x677: {  	v2 =	vadd.f32 v2, v0;
	v10 =	vld [tilespmem:s9+$0xFFFFFFF0];
	[tilespmem:s0+$0xFFFFFFF0] =	vst v5  }
0x678: {  	v1 =	vadd.f32 v1, v0;
	v11 =	vld [tilespmem:s9+$0x0];
	[tilespmem:s0+$0x0] =	vst v4  }
0x679: {  	v3 =	vadd.f32 v3, v0;
	v12 =	vld [tilespmem:s9+$0x10];
	[tilespmem:s0+$0x10] =	vst v2  }
0x67a: {  	v13 =	vld [tilespmem:s9+$0x20];
	[tilespmem:s0+$0x20] =	vst v1  }
0x67b: {  	v14 =	vld [tilespmem:s9+$0xFFFFFFC0];
	[tilespmem:s0+$0xFFFFFFC0] =	vst v3  }
0x67c: {  	v3 =	vld.idx.msk [tilespmem:v9+s2+$0x0], $0xffff  }
0x67d: {  	v9 =	vld.idx.msk [tilespmem:v7+s2+$0x0], $0xffff  }
0x67e: {  	v6 =	vld.idx.msk [tilespmem:v8+s2+$0x0], $0xffff  }
.Ltmp32:
0x67f: {  	v5 =	vld.idx.msk [tilespmem:v10+s2+$0x0], $0xffff;
	(pc) =	sbr.rel @p1 .LBB2_66-.Ltmp32, $4  }
0x680: {  	v4 =	vld.idx.msk [tilespmem:v11+s2+$0x0], $0xffff  }
0x681: {  	v2 =	vld.idx.msk [tilespmem:v12+s2+$0x0], $0xffff  }
0x682: {  	v7 =	vadd.f32 v3, v0;
	v1 =	vld.idx.msk [tilespmem:v13+s2+$0x0], $0xffff  }
0x683: {  	s9 =	sadd.s32 $0x80, s9;
	s0 =	sadd.s32 $0x80, s0;
	v8 =	vadd.f32 v9, v0;
	v3 =	vld.idx.msk [tilespmem:v14+s2+$0x0], $0xffff  }
0x684: {  	v6 =	vadd.f32 v6, v0;
	[tilespmem:s0+$0x30] =	vst v7  }
0x685: {  	v5 =	vadd.f32 v5, v0;
	[tilespmem:s0+$0xFFFFFFD0] =	vst v8  }
0x686: {  	v4 =	vadd.f32 v4, v0;
	[tilespmem:s0+$0xFFFFFFE0] =	vst v6  }
0x687: {  	[tilespmem:s0+$0xFFFFFFF0] =	vst v5;
	v2 =	vadd.f32 v2, v0  }
0x688: {  	[tilespmem:s0+$0x0] =	vst v4;
	v1 =	vadd.f32 v1, v0  }
0x689: {  	v0 =	vadd.f32 v3, v0;
	[tilespmem:s0+$0x10] =	vst v2  }
0x68a: {  	[tilespmem:s0+$0x20] =	vst v1  }
0x68b: {  	[tilespmem:s0+$0xFFFFFFC0] =	vst v0  }
0x68c: {  	s0 =	rddreg [dreg:$0x9]  }
0x68d: {  	s30 =	sld [smem:$0x7F7]  }
0x68e: {  	[hbm4b:s0+s2] =	stream.linear.scatter [tilespmem:s22], [sflag:$0x4], $0x1000, $0x38;
	[tilespmem:$0x1EB78] =	vst v63  }
0x68f: {  	_ = 	snop  }
0x690: {  	[tilespmem:s18], [sflag:$0x1] =	stream.linear.gather [spmem:s30], $0x1000, $0x38;
	[tilespmem:$0x1EB78] =	vst v63  }
0x691: {  	_ =	swait.ge [sflag:s23], $0x1000  }
0x692: {  	[sflag:s23] =	ssyncset.done $0x0  }
0x693: {  	[sflag:s23] =	ssyncadd.s32 $0xFFFFF000  }
0x694: {  	_ =	swait.ge [sflag:s28], $0x1000  }
0x695: {  	[sflag:s28] =	ssyncset.done $0x0  }
0x696: {  	[sflag:s28] =	ssyncadd.s32 $0xFFFFF000  }
0x697: {  	s31 =	simm.s32 $0x1ABB8;
	v0 =	vld.msk [tilespmem:$0x1875F ss:$0x0], $0xffff  }
0x698: {  	v1 =	vld [tilespmem:s31+$0x30]  }
0x699: {  	v2 =	vld [tilespmem:s31+$0xFFFFFFD0]  }
0x69a: {  	v3 =	vld [tilespmem:s31+$0xFFFFFFE0]  }
0x69b: {  	v4 =	vld [tilespmem:s31+$0xFFFFFFF0]  }
0x69c: {  	v7 =	vld [tilespmem:s31+$0x0]  }
0x69d: {  	v8 =	vld [tilespmem:s31+$0x10]  }
0x69e: {  	v9 =	vld [tilespmem:s31+$0x20]  }
0x69f: {  	v10 =	vld [tilespmem:s31+$0xFFFFFFC0]  }
0x6a0: {  	v11 =	vld.idx.msk [tilespmem:v1+s2+$0x0], $0xffff  }
0x6a1: {  	v12 =	vld.idx.msk [tilespmem:v2+s2+$0x0], $0xffff  }
0x6a2: {  	v6 =	vld.idx.msk [tilespmem:v3+s2+$0x0], $0xffff  }
0x6a3: {  	v5 =	vld.idx.msk [tilespmem:v4+s2+$0x0], $0xffff  }
0x6a4: {  	v4 =	vld.idx.msk [tilespmem:v7+s2+$0x0], $0xffff  }
0x6a5: {  	v2 =	vld.idx.msk [tilespmem:v8+s2+$0x0], $0xffff  }
0x6a6: {  	v1 =	vld.idx.msk [tilespmem:v9+s2+$0x0], $0xffff;
	v7 =	vadd.f32 v11, v0  }
0x6a7: {  	s8 =	simm.s32 $0x0;
	s9 =	simm.s32 $0x1AC38;
	s0 =	simm.s32 $0x1DBB8;
	v3 =	vld.idx.msk [tilespmem:v10+s2+$0x0], $0xffff;
	v8 =	vadd.f32 v12, v0  }
.LBB2_68:
0x6a8: {  	v9 =	vld [tilespmem:s9+$0x30];
	s8 =	sadd.s32 $0x80, s8;
	v6 =	vadd.f32 v6, v0;
	[tilespmem:s0+$0x30] =	vst v7  }
0x6a9: {  	v5 =	vadd.f32 v5, v0;
	v7 =	vld [tilespmem:s9+$0xFFFFFFD0];
	p1 =	slt.u32 s8, $0xF80;
	[tilespmem:s0+$0xFFFFFFD0] =	vst v8  }
0x6aa: {  	v4 =	vadd.f32 v4, v0;
	v8 =	vld [tilespmem:s9+$0xFFFFFFE0];
	[tilespmem:s0+$0xFFFFFFE0] =	vst v6  }
0x6ab: {  	v2 =	vadd.f32 v2, v0;
	v10 =	vld [tilespmem:s9+$0xFFFFFFF0];
	[tilespmem:s0+$0xFFFFFFF0] =	vst v5  }
0x6ac: {  	v1 =	vadd.f32 v1, v0;
	v11 =	vld [tilespmem:s9+$0x0];
	[tilespmem:s0+$0x0] =	vst v4  }
0x6ad: {  	v3 =	vadd.f32 v3, v0;
	v12 =	vld [tilespmem:s9+$0x10];
	[tilespmem:s0+$0x10] =	vst v2  }
0x6ae: {  	v13 =	vld [tilespmem:s9+$0x20];
	[tilespmem:s0+$0x20] =	vst v1  }
0x6af: {  	v14 =	vld [tilespmem:s9+$0xFFFFFFC0];
	[tilespmem:s0+$0xFFFFFFC0] =	vst v3  }
0x6b0: {  	v3 =	vld.idx.msk [tilespmem:v9+s2+$0x0], $0xffff  }
0x6b1: {  	v9 =	vld.idx.msk [tilespmem:v7+s2+$0x0], $0xffff  }
0x6b2: {  	v6 =	vld.idx.msk [tilespmem:v8+s2+$0x0], $0xffff  }
.Ltmp33:
0x6b3: {  	v5 =	vld.idx.msk [tilespmem:v10+s2+$0x0], $0xffff;
	(pc) =	sbr.rel @p1 .LBB2_68-.Ltmp33, $4  }
0x6b4: {  	v4 =	vld.idx.msk [tilespmem:v11+s2+$0x0], $0xffff  }
0x6b5: {  	v2 =	vld.idx.msk [tilespmem:v12+s2+$0x0], $0xffff  }
0x6b6: {  	v7 =	vadd.f32 v3, v0;
	v1 =	vld.idx.msk [tilespmem:v13+s2+$0x0], $0xffff  }
0x6b7: {  	s9 =	sadd.s32 $0x80, s9;
	s0 =	sadd.s32 $0x80, s0;
	v8 =	vadd.f32 v9, v0;
	v3 =	vld.idx.msk [tilespmem:v14+s2+$0x0], $0xffff  }
0x6b8: {  	v6 =	vadd.f32 v6, v0;
	[tilespmem:s0+$0x30] =	vst v7  }
0x6b9: {  	v5 =	vadd.f32 v5, v0;
	[tilespmem:s0+$0xFFFFFFD0] =	vst v8  }
0x6ba: {  	v4 =	vadd.f32 v4, v0;
	[tilespmem:s0+$0xFFFFFFE0] =	vst v6  }
0x6bb: {  	[tilespmem:s0+$0xFFFFFFF0] =	vst v5;
	v2 =	vadd.f32 v2, v0  }
0x6bc: {  	[tilespmem:s0+$0x0] =	vst v4;
	v1 =	vadd.f32 v1, v0  }
0x6bd: {  	v0 =	vadd.f32 v3, v0;
	[tilespmem:s0+$0x10] =	vst v2  }
0x6be: {  	[tilespmem:s0+$0x20] =	vst v1  }
0x6bf: {  	[tilespmem:s0+$0xFFFFFFC0] =	vst v0  }
0x6c0: {  	s0 =	rddreg [dreg:$0xa]  }
0x6c1: {  	s30 =	sld [smem:$0x7F8]  }
0x6c2: {  	[hbm4b:s0+s2] =	stream.linear.scatter [tilespmem:s24], [sflag:$0x5], $0x1000, $0x38;
	[tilespmem:$0x1EB78] =	vst v63  }
0x6c3: {  	_ = 	snop  }
0x6c4: {  	[tilespmem:s19], [sflag:$0x2] =	stream.linear.gather [spmem:s30], $0x1000, $0x38;
	[tilespmem:$0x1EB78] =	vst v63  }
0x6c5: {  	_ =	swait.ge [sflag:s25], $0x1000  }
0x6c6: {  	[sflag:s25] =	ssyncset.done $0x0  }
0x6c7: {  	[sflag:s25] =	ssyncadd.s32 $0xFFFFF000  }
0x6c8: {  	_ =	swait.ge [sflag:s26], $0x1000  }
0x6c9: {  	[sflag:s26] =	ssyncset.done $0x0  }
0x6ca: {  	[sflag:s26] =	ssyncadd.s32 $0xFFFFF000  }
0x6cb: {  	s31 =	simm.s32 $0x1BBB8;
	v0 =	vld.msk [tilespmem:$0x18760 ss:$0x0], $0xffff  }
0x6cc: {  	v1 =	vld [tilespmem:s31+$0x30]  }
0x6cd: {  	v2 =	vld [tilespmem:s31+$0xFFFFFFD0]  }
0x6ce: {  	v3 =	vld [tilespmem:s31+$0xFFFFFFE0]  }
0x6cf: {  	v4 =	vld [tilespmem:s31+$0xFFFFFFF0]  }
0x6d0: {  	v7 =	vld [tilespmem:s31+$0x0]  }
0x6d1: {  	v8 =	vld [tilespmem:s31+$0x10]  }
0x6d2: {  	v9 =	vld [tilespmem:s31+$0x20]  }
0x6d3: {  	v10 =	vld [tilespmem:s31+$0xFFFFFFC0]  }
0x6d4: {  	v11 =	vld.idx.msk [tilespmem:v1+s2+$0x0], $0xffff  }
0x6d5: {  	v12 =	vld.idx.msk [tilespmem:v2+s2+$0x0], $0xffff  }
0x6d6: {  	v6 =	vld.idx.msk [tilespmem:v3+s2+$0x0], $0xffff  }
0x6d7: {  	v5 =	vld.idx.msk [tilespmem:v4+s2+$0x0], $0xffff  }
0x6d8: {  	v4 =	vld.idx.msk [tilespmem:v7+s2+$0x0], $0xffff  }
0x6d9: {  	v2 =	vld.idx.msk [tilespmem:v8+s2+$0x0], $0xffff  }
0x6da: {  	v1 =	vld.idx.msk [tilespmem:v9+s2+$0x0], $0xffff;
	v7 =	vadd.f32 v11, v0  }
0x6db: {  	s8 =	simm.s32 $0x0;
	s9 =	simm.s32 $0x1BC38;
	s0 =	simm.s32 $0x1CBB8;
	v3 =	vld.idx.msk [tilespmem:v10+s2+$0x0], $0xffff;
	v8 =	vadd.f32 v12, v0  }
.LBB2_70:
0x6dc: {  	v9 =	vld [tilespmem:s9+$0x30];
	s8 =	sadd.s32 $0x80, s8;
	v6 =	vadd.f32 v6, v0;
	[tilespmem:s0+$0x30] =	vst v7  }
0x6dd: {  	v5 =	vadd.f32 v5, v0;
	v7 =	vld [tilespmem:s9+$0xFFFFFFD0];
	p1 =	slt.u32 s8, $0xF80;
	[tilespmem:s0+$0xFFFFFFD0] =	vst v8  }
0x6de: {  	v4 =	vadd.f32 v4, v0;
	v8 =	vld [tilespmem:s9+$0xFFFFFFE0];
	[tilespmem:s0+$0xFFFFFFE0] =	vst v6  }
0x6df: {  	v2 =	vadd.f32 v2, v0;
	v10 =	vld [tilespmem:s9+$0xFFFFFFF0];
	[tilespmem:s0+$0xFFFFFFF0] =	vst v5  }
0x6e0: {  	v1 =	vadd.f32 v1, v0;
	v11 =	vld [tilespmem:s9+$0x0];
	[tilespmem:s0+$0x0] =	vst v4  }
0x6e1: {  	v3 =	vadd.f32 v3, v0;
	v12 =	vld [tilespmem:s9+$0x10];
	[tilespmem:s0+$0x10] =	vst v2  }
0x6e2: {  	v13 =	vld [tilespmem:s9+$0x20];
	[tilespmem:s0+$0x20] =	vst v1  }
0x6e3: {  	v14 =	vld [tilespmem:s9+$0xFFFFFFC0];
	[tilespmem:s0+$0xFFFFFFC0] =	vst v3  }
0x6e4: {  	v3 =	vld.idx.msk [tilespmem:v9+s2+$0x0], $0xffff  }
0x6e5: {  	v9 =	vld.idx.msk [tilespmem:v7+s2+$0x0], $0xffff  }
0x6e6: {  	v6 =	vld.idx.msk [tilespmem:v8+s2+$0x0], $0xffff  }
.Ltmp34:
0x6e7: {  	v5 =	vld.idx.msk [tilespmem:v10+s2+$0x0], $0xffff;
	(pc) =	sbr.rel @p1 .LBB2_70-.Ltmp34, $4  }
0x6e8: {  	v4 =	vld.idx.msk [tilespmem:v11+s2+$0x0], $0xffff  }
0x6e9: {  	v2 =	vld.idx.msk [tilespmem:v12+s2+$0x0], $0xffff  }
0x6ea: {  	v7 =	vadd.f32 v3, v0;
	v1 =	vld.idx.msk [tilespmem:v13+s2+$0x0], $0xffff  }
0x6eb: {  	s9 =	sadd.s32 $0x80, s9;
	s0 =	sadd.s32 $0x80, s0;
	v8 =	vadd.f32 v9, v0;
	v3 =	vld.idx.msk [tilespmem:v14+s2+$0x0], $0xffff  }
0x6ec: {  	v6 =	vadd.f32 v6, v0;
	[tilespmem:s0+$0x30] =	vst v7  }
0x6ed: {  	v5 =	vadd.f32 v5, v0;
	[tilespmem:s0+$0xFFFFFFD0] =	vst v8  }
0x6ee: {  	v4 =	vadd.f32 v4, v0;
	[tilespmem:s0+$0xFFFFFFE0] =	vst v6  }
0x6ef: {  	[tilespmem:s0+$0xFFFFFFF0] =	vst v5;
	v2 =	vadd.f32 v2, v0  }
0x6f0: {  	[tilespmem:s0+$0x0] =	vst v4;
	v1 =	vadd.f32 v1, v0  }
0x6f1: {  	v0 =	vadd.f32 v3, v0;
	[tilespmem:s0+$0x10] =	vst v2  }
0x6f2: {  	[tilespmem:s0+$0x20] =	vst v1  }
0x6f3: {  	[tilespmem:s0+$0xFFFFFFC0] =	vst v0  }
0x6f4: {  	s0 =	rddreg [dreg:$0xb]  }
0x6f5: {  	s30 =	sld [smem:$0x7F9]  }
0x6f6: {  	[hbm4b:s0+s2] =	stream.linear.scatter [tilespmem:s22], [sflag:$0x4], $0x1000, $0x38;
	[tilespmem:$0x1EB78] =	vst v63  }
0x6f7: {  	_ = 	snop  }
0x6f8: {  	[tilespmem:s20], [sflag:$0x3] =	stream.linear.gather [spmem:s30], $0x1000, $0x38;
	[tilespmem:$0x1EB78] =	vst v63  }
0x6f9: {  	_ =	swait.ge [sflag:s21], $0x1000  }
0x6fa: {  	[sflag:s21] =	ssyncset.done $0x0  }
0x6fb: {  	[sflag:s21] =	ssyncadd.s32 $0xFFFFF000  }
0x6fc: {  	_ =	swait.ge [sflag:s28], $0x1000  }
0x6fd: {  	[sflag:s28] =	ssyncset.done $0x0  }
0x6fe: {  	[sflag:s28] =	ssyncadd.s32 $0xFFFFF000  }
0x6ff: {  	s31 =	simm.s32 $0x19BB8;
	v0 =	vld.msk [tilespmem:$0x18761 ss:$0x0], $0xffff  }
0x700: {  	v1 =	vld [tilespmem:s31+$0x30]  }
0x701: {  	v2 =	vld [tilespmem:s31+$0xFFFFFFD0]  }
0x702: {  	v3 =	vld [tilespmem:s31+$0xFFFFFFE0]  }
0x703: {  	v4 =	vld [tilespmem:s31+$0xFFFFFFF0]  }
0x704: {  	v7 =	vld [tilespmem:s31+$0x0]  }
0x705: {  	v8 =	vld [tilespmem:s31+$0x10]  }
0x706: {  	v9 =	vld [tilespmem:s31+$0x20]  }
0x707: {  	v10 =	vld [tilespmem:s31+$0xFFFFFFC0]  }
0x708: {  	v11 =	vld.idx.msk [tilespmem:v1+s2+$0x0], $0xffff  }
0x709: {  	v12 =	vld.idx.msk [tilespmem:v2+s2+$0x0], $0xffff  }
0x70a: {  	v6 =	vld.idx.msk [tilespmem:v3+s2+$0x0], $0xffff  }
0x70b: {  	v5 =	vld.idx.msk [tilespmem:v4+s2+$0x0], $0xffff  }
0x70c: {  	v4 =	vld.idx.msk [tilespmem:v7+s2+$0x0], $0xffff  }
0x70d: {  	v2 =	vld.idx.msk [tilespmem:v8+s2+$0x0], $0xffff  }
0x70e: {  	v1 =	vld.idx.msk [tilespmem:v9+s2+$0x0], $0xffff;
	v7 =	vadd.f32 v11, v0  }
0x70f: {  	s8 =	simm.s32 $0x0;
	s9 =	simm.s32 $0x19C38;
	s0 =	simm.s32 $0x1DBB8;
	v3 =	vld.idx.msk [tilespmem:v10+s2+$0x0], $0xffff;
	v8 =	vadd.f32 v12, v0  }
.LBB2_72:
0x710: {  	v9 =	vld [tilespmem:s9+$0x30];
	s8 =	sadd.s32 $0x80, s8;
	v6 =	vadd.f32 v6, v0;
	[tilespmem:s0+$0x30] =	vst v7  }
0x711: {  	v5 =	vadd.f32 v5, v0;
	v7 =	vld [tilespmem:s9+$0xFFFFFFD0];
	p1 =	slt.u32 s8, $0xF80;
	[tilespmem:s0+$0xFFFFFFD0] =	vst v8  }
0x712: {  	v4 =	vadd.f32 v4, v0;
	v8 =	vld [tilespmem:s9+$0xFFFFFFE0];
	[tilespmem:s0+$0xFFFFFFE0] =	vst v6  }
0x713: {  	v2 =	vadd.f32 v2, v0;
	v10 =	vld [tilespmem:s9+$0xFFFFFFF0];
	[tilespmem:s0+$0xFFFFFFF0] =	vst v5  }
0x714: {  	v1 =	vadd.f32 v1, v0;
	v11 =	vld [tilespmem:s9+$0x0];
	[tilespmem:s0+$0x0] =	vst v4  }
0x715: {  	v3 =	vadd.f32 v3, v0;
	v12 =	vld [tilespmem:s9+$0x10];
	[tilespmem:s0+$0x10] =	vst v2  }
0x716: {  	v13 =	vld [tilespmem:s9+$0x20];
	[tilespmem:s0+$0x20] =	vst v1  }
0x717: {  	v14 =	vld [tilespmem:s9+$0xFFFFFFC0];
	[tilespmem:s0+$0xFFFFFFC0] =	vst v3  }
0x718: {  	v3 =	vld.idx.msk [tilespmem:v9+s2+$0x0], $0xffff  }
0x719: {  	v9 =	vld.idx.msk [tilespmem:v7+s2+$0x0], $0xffff  }
0x71a: {  	v6 =	vld.idx.msk [tilespmem:v8+s2+$0x0], $0xffff  }
.Ltmp35:
0x71b: {  	v5 =	vld.idx.msk [tilespmem:v10+s2+$0x0], $0xffff;
	(pc) =	sbr.rel @p1 .LBB2_72-.Ltmp35, $4  }
0x71c: {  	v4 =	vld.idx.msk [tilespmem:v11+s2+$0x0], $0xffff  }
0x71d: {  	v2 =	vld.idx.msk [tilespmem:v12+s2+$0x0], $0xffff  }
0x71e: {  	v7 =	vadd.f32 v3, v0;
	v1 =	vld.idx.msk [tilespmem:v13+s2+$0x0], $0xffff  }
0x71f: {  	s9 =	sadd.s32 $0x80, s9;
	s0 =	sadd.s32 $0x80, s0;
	v8 =	vadd.f32 v9, v0;
	v3 =	vld.idx.msk [tilespmem:v14+s2+$0x0], $0xffff  }
0x720: {  	v6 =	vadd.f32 v6, v0;
	[tilespmem:s0+$0x30] =	vst v7  }
0x721: {  	v5 =	vadd.f32 v5, v0;
	[tilespmem:s0+$0xFFFFFFD0] =	vst v8  }
0x722: {  	v4 =	vadd.f32 v4, v0;
	[tilespmem:s0+$0xFFFFFFE0] =	vst v6  }
0x723: {  	[tilespmem:s0+$0xFFFFFFF0] =	vst v5;
	v2 =	vadd.f32 v2, v0  }
0x724: {  	[tilespmem:s0+$0x0] =	vst v4;
	v1 =	vadd.f32 v1, v0  }
0x725: {  	v0 =	vadd.f32 v3, v0;
	[tilespmem:s0+$0x10] =	vst v2  }
0x726: {  	[tilespmem:s0+$0x20] =	vst v1  }
0x727: {  	[tilespmem:s0+$0xFFFFFFC0] =	vst v0  }
0x728: {  	s0 =	rddreg [dreg:$0xc]  }
0x729: {  	s30 =	sld [smem:$0x7FA]  }
0x72a: {  	[hbm4b:s0+s2] =	stream.linear.scatter [tilespmem:s24], [sflag:$0x5], $0x1000, $0x38;
	[tilespmem:$0x1EB78] =	vst v63  }
0x72b: {  	_ = 	snop  }
0x72c: {  	[tilespmem:s18], [sflag:$0x1] =	stream.linear.gather [spmem:s30], $0x1000, $0x38;
	[tilespmem:$0x1EB78] =	vst v63  }
0x72d: {  	_ =	swait.ge [sflag:s23], $0x1000  }
0x72e: {  	[sflag:s23] =	ssyncset.done $0x0  }
0x72f: {  	[sflag:s23] =	ssyncadd.s32 $0xFFFFF000  }
0x730: {  	_ =	swait.ge [sflag:s26], $0x1000  }
0x731: {  	[sflag:s26] =	ssyncset.done $0x0  }
0x732: {  	[sflag:s26] =	ssyncadd.s32 $0xFFFFF000  }
0x733: {  	s31 =	simm.s32 $0x1ABB8;
	v0 =	vld.msk [tilespmem:$0x18762 ss:$0x0], $0xffff  }
0x734: {  	v1 =	vld [tilespmem:s31+$0x30]  }
0x735: {  	v2 =	vld [tilespmem:s31+$0xFFFFFFD0]  }
0x736: {  	v3 =	vld [tilespmem:s31+$0xFFFFFFE0]  }
0x737: {  	v4 =	vld [tilespmem:s31+$0xFFFFFFF0]  }
0x738: {  	v7 =	vld [tilespmem:s31+$0x0]  }
0x739: {  	v8 =	vld [tilespmem:s31+$0x10]  }
0x73a: {  	v9 =	vld [tilespmem:s31+$0x20]  }
0x73b: {  	v10 =	vld [tilespmem:s31+$0xFFFFFFC0]  }
0x73c: {  	v11 =	vld.idx.msk [tilespmem:v1+s2+$0x0], $0xffff  }
0x73d: {  	v12 =	vld.idx.msk [tilespmem:v2+s2+$0x0], $0xffff  }
0x73e: {  	v6 =	vld.idx.msk [tilespmem:v3+s2+$0x0], $0xffff  }
0x73f: {  	v5 =	vld.idx.msk [tilespmem:v4+s2+$0x0], $0xffff  }
0x740: {  	v4 =	vld.idx.msk [tilespmem:v7+s2+$0x0], $0xffff  }
0x741: {  	v2 =	vld.idx.msk [tilespmem:v8+s2+$0x0], $0xffff  }
0x742: {  	v1 =	vld.idx.msk [tilespmem:v9+s2+$0x0], $0xffff;
	v7 =	vadd.f32 v11, v0  }
0x743: {  	s8 =	simm.s32 $0x0;
	s9 =	simm.s32 $0x1AC38;
	s0 =	simm.s32 $0x1CBB8;
	v3 =	vld.idx.msk [tilespmem:v10+s2+$0x0], $0xffff;
	v8 =	vadd.f32 v12, v0  }
.LBB2_74:
0x744: {  	v9 =	vld [tilespmem:s9+$0x30];
	s8 =	sadd.s32 $0x80, s8;
	v6 =	vadd.f32 v6, v0;
	[tilespmem:s0+$0x30] =	vst v7  }
0x745: {  	v5 =	vadd.f32 v5, v0;
	v7 =	vld [tilespmem:s9+$0xFFFFFFD0];
	p1 =	slt.u32 s8, $0xF80;
	[tilespmem:s0+$0xFFFFFFD0] =	vst v8  }
0x746: {  	v4 =	vadd.f32 v4, v0;
	v8 =	vld [tilespmem:s9+$0xFFFFFFE0];
	[tilespmem:s0+$0xFFFFFFE0] =	vst v6  }
0x747: {  	v2 =	vadd.f32 v2, v0;
	v10 =	vld [tilespmem:s9+$0xFFFFFFF0];
	[tilespmem:s0+$0xFFFFFFF0] =	vst v5  }
0x748: {  	v1 =	vadd.f32 v1, v0;
	v11 =	vld [tilespmem:s9+$0x0];
	[tilespmem:s0+$0x0] =	vst v4  }
0x749: {  	v3 =	vadd.f32 v3, v0;
	v12 =	vld [tilespmem:s9+$0x10];
	[tilespmem:s0+$0x10] =	vst v2  }
0x74a: {  	v13 =	vld [tilespmem:s9+$0x20];
	[tilespmem:s0+$0x20] =	vst v1  }
0x74b: {  	v14 =	vld [tilespmem:s9+$0xFFFFFFC0];
	[tilespmem:s0+$0xFFFFFFC0] =	vst v3  }
0x74c: {  	v3 =	vld.idx.msk [tilespmem:v9+s2+$0x0], $0xffff  }
0x74d: {  	v9 =	vld.idx.msk [tilespmem:v7+s2+$0x0], $0xffff  }
0x74e: {  	v6 =	vld.idx.msk [tilespmem:v8+s2+$0x0], $0xffff  }
.Ltmp36:
0x74f: {  	v5 =	vld.idx.msk [tilespmem:v10+s2+$0x0], $0xffff;
	(pc) =	sbr.rel @p1 .LBB2_74-.Ltmp36, $4  }
0x750: {  	v4 =	vld.idx.msk [tilespmem:v11+s2+$0x0], $0xffff  }
0x751: {  	v2 =	vld.idx.msk [tilespmem:v12+s2+$0x0], $0xffff  }
0x752: {  	v7 =	vadd.f32 v3, v0;
	v1 =	vld.idx.msk [tilespmem:v13+s2+$0x0], $0xffff  }
0x753: {  	s9 =	sadd.s32 $0x80, s9;
	s0 =	sadd.s32 $0x80, s0;
	v8 =	vadd.f32 v9, v0;
	v3 =	vld.idx.msk [tilespmem:v14+s2+$0x0], $0xffff  }
0x754: {  	v6 =	vadd.f32 v6, v0;
	[tilespmem:s0+$0x30] =	vst v7  }
0x755: {  	v5 =	vadd.f32 v5, v0;
	[tilespmem:s0+$0xFFFFFFD0] =	vst v8  }
0x756: {  	v4 =	vadd.f32 v4, v0;
	[tilespmem:s0+$0xFFFFFFE0] =	vst v6  }
0x757: {  	[tilespmem:s0+$0xFFFFFFF0] =	vst v5;
	v2 =	vadd.f32 v2, v0  }
0x758: {  	[tilespmem:s0+$0x0] =	vst v4;
	v1 =	vadd.f32 v1, v0  }
0x759: {  	v0 =	vadd.f32 v3, v0;
	[tilespmem:s0+$0x10] =	vst v2  }
0x75a: {  	[tilespmem:s0+$0x20] =	vst v1  }
0x75b: {  	[tilespmem:s0+$0xFFFFFFC0] =	vst v0  }
0x75c: {  	s0 =	rddreg [dreg:$0xd]  }
0x75d: {  	s30 =	sld [smem:$0x7FB]  }
0x75e: {  	[hbm4b:s0+s2] =	stream.linear.scatter [tilespmem:s22], [sflag:$0x4], $0x1000, $0x38;
	[tilespmem:$0x1EB78] =	vst v63  }
0x75f: {  	_ = 	snop  }
0x760: {  	[tilespmem:s19], [sflag:$0x2] =	stream.linear.gather [spmem:s30], $0x1000, $0x38;
	[tilespmem:$0x1EB78] =	vst v63  }
0x761: {  	_ =	swait.ge [sflag:s25], $0x1000  }
0x762: {  	[sflag:s25] =	ssyncset.done $0x0  }
0x763: {  	[sflag:s25] =	ssyncadd.s32 $0xFFFFF000  }
0x764: {  	_ =	swait.ge [sflag:s28], $0x1000  }
0x765: {  	[sflag:s28] =	ssyncset.done $0x0  }
0x766: {  	[sflag:s28] =	ssyncadd.s32 $0xFFFFF000  }
0x767: {  	s31 =	simm.s32 $0x1BBB8;
	v0 =	vld.msk [tilespmem:$0x18763 ss:$0x0], $0xffff  }
0x768: {  	v1 =	vld [tilespmem:s31+$0x30]  }
0x769: {  	v2 =	vld [tilespmem:s31+$0xFFFFFFD0]  }
0x76a: {  	v3 =	vld [tilespmem:s31+$0xFFFFFFE0]  }
0x76b: {  	v4 =	vld [tilespmem:s31+$0xFFFFFFF0]  }
0x76c: {  	v7 =	vld [tilespmem:s31+$0x0]  }
0x76d: {  	v8 =	vld [tilespmem:s31+$0x10]  }
0x76e: {  	v9 =	vld [tilespmem:s31+$0x20]  }
0x76f: {  	v10 =	vld [tilespmem:s31+$0xFFFFFFC0]  }
0x770: {  	v11 =	vld.idx.msk [tilespmem:v1+s2+$0x0], $0xffff  }
0x771: {  	v12 =	vld.idx.msk [tilespmem:v2+s2+$0x0], $0xffff  }
0x772: {  	v6 =	vld.idx.msk [tilespmem:v3+s2+$0x0], $0xffff  }
0x773: {  	v5 =	vld.idx.msk [tilespmem:v4+s2+$0x0], $0xffff  }
0x774: {  	v4 =	vld.idx.msk [tilespmem:v7+s2+$0x0], $0xffff  }
0x775: {  	v2 =	vld.idx.msk [tilespmem:v8+s2+$0x0], $0xffff  }
0x776: {  	v1 =	vld.idx.msk [tilespmem:v9+s2+$0x0], $0xffff;
	v7 =	vadd.f32 v11, v0  }
0x777: {  	s8 =	simm.s32 $0x0;
	s9 =	simm.s32 $0x1BC38;
	s0 =	simm.s32 $0x1DBB8;
	v3 =	vld.idx.msk [tilespmem:v10+s2+$0x0], $0xffff;
	v8 =	vadd.f32 v12, v0  }
.LBB2_76:
0x778: {  	v9 =	vld [tilespmem:s9+$0x30];
	s8 =	sadd.s32 $0x80, s8;
	v6 =	vadd.f32 v6, v0;
	[tilespmem:s0+$0x30] =	vst v7  }
0x779: {  	v5 =	vadd.f32 v5, v0;
	v7 =	vld [tilespmem:s9+$0xFFFFFFD0];
	p1 =	slt.u32 s8, $0xF80;
	[tilespmem:s0+$0xFFFFFFD0] =	vst v8  }
0x77a: {  	v4 =	vadd.f32 v4, v0;
	v8 =	vld [tilespmem:s9+$0xFFFFFFE0];
	[tilespmem:s0+$0xFFFFFFE0] =	vst v6  }
0x77b: {  	v2 =	vadd.f32 v2, v0;
	v10 =	vld [tilespmem:s9+$0xFFFFFFF0];
	[tilespmem:s0+$0xFFFFFFF0] =	vst v5  }
0x77c: {  	v1 =	vadd.f32 v1, v0;
	v11 =	vld [tilespmem:s9+$0x0];
	[tilespmem:s0+$0x0] =	vst v4  }
0x77d: {  	v3 =	vadd.f32 v3, v0;
	v12 =	vld [tilespmem:s9+$0x10];
	[tilespmem:s0+$0x10] =	vst v2  }
0x77e: {  	v13 =	vld [tilespmem:s9+$0x20];
	[tilespmem:s0+$0x20] =	vst v1  }
0x77f: {  	v14 =	vld [tilespmem:s9+$0xFFFFFFC0];
	[tilespmem:s0+$0xFFFFFFC0] =	vst v3  }
0x780: {  	v3 =	vld.idx.msk [tilespmem:v9+s2+$0x0], $0xffff  }
0x781: {  	v9 =	vld.idx.msk [tilespmem:v7+s2+$0x0], $0xffff  }
0x782: {  	v6 =	vld.idx.msk [tilespmem:v8+s2+$0x0], $0xffff  }
.Ltmp37:
0x783: {  	v5 =	vld.idx.msk [tilespmem:v10+s2+$0x0], $0xffff;
	(pc) =	sbr.rel @p1 .LBB2_76-.Ltmp37, $4  }
0x784: {  	v4 =	vld.idx.msk [tilespmem:v11+s2+$0x0], $0xffff  }
0x785: {  	v2 =	vld.idx.msk [tilespmem:v12+s2+$0x0], $0xffff  }
0x786: {  	v7 =	vadd.f32 v3, v0;
	v1 =	vld.idx.msk [tilespmem:v13+s2+$0x0], $0xffff  }
0x787: {  	s9 =	sadd.s32 $0x80, s9;
	s0 =	sadd.s32 $0x80, s0;
	v8 =	vadd.f32 v9, v0;
	v3 =	vld.idx.msk [tilespmem:v14+s2+$0x0], $0xffff  }
0x788: {  	v6 =	vadd.f32 v6, v0;
	[tilespmem:s0+$0x30] =	vst v7  }
0x789: {  	v5 =	vadd.f32 v5, v0;
	[tilespmem:s0+$0xFFFFFFD0] =	vst v8  }
0x78a: {  	v4 =	vadd.f32 v4, v0;
	[tilespmem:s0+$0xFFFFFFE0] =	vst v6  }
0x78b: {  	[tilespmem:s0+$0xFFFFFFF0] =	vst v5;
	v2 =	vadd.f32 v2, v0  }
0x78c: {  	[tilespmem:s0+$0x0] =	vst v4;
	v1 =	vadd.f32 v1, v0  }
0x78d: {  	v0 =	vadd.f32 v3, v0;
	[tilespmem:s0+$0x10] =	vst v2  }
0x78e: {  	[tilespmem:s0+$0x20] =	vst v1  }
0x78f: {  	[tilespmem:s0+$0xFFFFFFC0] =	vst v0  }
0x790: {  	s0 =	rddreg [dreg:$0xe]  }
0x791: {  	s30 =	sld [smem:$0x7FC]  }
0x792: {  	[hbm4b:s0+s2] =	stream.linear.scatter [tilespmem:s24], [sflag:$0x5], $0x1000, $0x38;
	[tilespmem:$0x1EB78] =	vst v63  }
0x793: {  	_ = 	snop  }
0x794: {  	[tilespmem:s20], [sflag:$0x3] =	stream.linear.gather [spmem:s30], $0x1000, $0x38;
	[tilespmem:$0x1EB78] =	vst v63  }
0x795: {  	_ =	swait.ge [sflag:s21], $0x1000  }
0x796: {  	[sflag:s21] =	ssyncset.done $0x0  }
0x797: {  	[sflag:s21] =	ssyncadd.s32 $0xFFFFF000  }
0x798: {  	_ =	swait.ge [sflag:s26], $0x1000  }
0x799: {  	[sflag:s26] =	ssyncset.done $0x0  }
0x79a: {  	[sflag:s26] =	ssyncadd.s32 $0xFFFFF000  }
0x79b: {  	s31 =	simm.s32 $0x19BB8;
	v0 =	vld.msk [tilespmem:$0x18764 ss:$0x0], $0xffff  }
0x79c: {  	v1 =	vld [tilespmem:s31+$0x30]  }
0x79d: {  	v2 =	vld [tilespmem:s31+$0xFFFFFFD0]  }
0x79e: {  	v3 =	vld [tilespmem:s31+$0xFFFFFFE0]  }
0x79f: {  	v4 =	vld [tilespmem:s31+$0xFFFFFFF0]  }
0x7a0: {  	v7 =	vld [tilespmem:s31+$0x0]  }
0x7a1: {  	v8 =	vld [tilespmem:s31+$0x10]  }
0x7a2: {  	v9 =	vld [tilespmem:s31+$0x20]  }
0x7a3: {  	v10 =	vld [tilespmem:s31+$0xFFFFFFC0]  }
0x7a4: {  	v11 =	vld.idx.msk [tilespmem:v1+s2+$0x0], $0xffff  }
0x7a5: {  	v12 =	vld.idx.msk [tilespmem:v2+s2+$0x0], $0xffff  }
0x7a6: {  	v6 =	vld.idx.msk [tilespmem:v3+s2+$0x0], $0xffff  }
0x7a7: {  	v5 =	vld.idx.msk [tilespmem:v4+s2+$0x0], $0xffff  }
0x7a8: {  	v4 =	vld.idx.msk [tilespmem:v7+s2+$0x0], $0xffff  }
0x7a9: {  	v2 =	vld.idx.msk [tilespmem:v8+s2+$0x0], $0xffff  }
0x7aa: {  	v1 =	vld.idx.msk [tilespmem:v9+s2+$0x0], $0xffff;
	v7 =	vadd.f32 v11, v0  }
0x7ab: {  	s8 =	simm.s32 $0x0;
	s9 =	simm.s32 $0x19C38;
	s0 =	simm.s32 $0x1CBB8;
	v3 =	vld.idx.msk [tilespmem:v10+s2+$0x0], $0xffff;
	v8 =	vadd.f32 v12, v0  }
.LBB2_78:
0x7ac: {  	v9 =	vld [tilespmem:s9+$0x30];
	s8 =	sadd.s32 $0x80, s8;
	v6 =	vadd.f32 v6, v0;
	[tilespmem:s0+$0x30] =	vst v7  }
0x7ad: {  	v5 =	vadd.f32 v5, v0;
	v7 =	vld [tilespmem:s9+$0xFFFFFFD0];
	p1 =	slt.u32 s8, $0xF80;
	[tilespmem:s0+$0xFFFFFFD0] =	vst v8  }
0x7ae: {  	v4 =	vadd.f32 v4, v0;
	v8 =	vld [tilespmem:s9+$0xFFFFFFE0];
	[tilespmem:s0+$0xFFFFFFE0] =	vst v6  }
0x7af: {  	v2 =	vadd.f32 v2, v0;
	v10 =	vld [tilespmem:s9+$0xFFFFFFF0];
	[tilespmem:s0+$0xFFFFFFF0] =	vst v5  }
0x7b0: {  	v1 =	vadd.f32 v1, v0;
	v11 =	vld [tilespmem:s9+$0x0];
	[tilespmem:s0+$0x0] =	vst v4  }
0x7b1: {  	v3 =	vadd.f32 v3, v0;
	v12 =	vld [tilespmem:s9+$0x10];
	[tilespmem:s0+$0x10] =	vst v2  }
0x7b2: {  	v13 =	vld [tilespmem:s9+$0x20];
	[tilespmem:s0+$0x20] =	vst v1  }
0x7b3: {  	v14 =	vld [tilespmem:s9+$0xFFFFFFC0];
	[tilespmem:s0+$0xFFFFFFC0] =	vst v3  }
0x7b4: {  	v3 =	vld.idx.msk [tilespmem:v9+s2+$0x0], $0xffff  }
0x7b5: {  	v9 =	vld.idx.msk [tilespmem:v7+s2+$0x0], $0xffff  }
0x7b6: {  	v6 =	vld.idx.msk [tilespmem:v8+s2+$0x0], $0xffff  }
.Ltmp38:
0x7b7: {  	v5 =	vld.idx.msk [tilespmem:v10+s2+$0x0], $0xffff;
	(pc) =	sbr.rel @p1 .LBB2_78-.Ltmp38, $4  }
0x7b8: {  	v4 =	vld.idx.msk [tilespmem:v11+s2+$0x0], $0xffff  }
0x7b9: {  	v2 =	vld.idx.msk [tilespmem:v12+s2+$0x0], $0xffff  }
0x7ba: {  	v7 =	vadd.f32 v3, v0;
	v1 =	vld.idx.msk [tilespmem:v13+s2+$0x0], $0xffff  }
0x7bb: {  	s9 =	sadd.s32 $0x80, s9;
	s0 =	sadd.s32 $0x80, s0;
	v8 =	vadd.f32 v9, v0;
	v3 =	vld.idx.msk [tilespmem:v14+s2+$0x0], $0xffff  }
0x7bc: {  	v6 =	vadd.f32 v6, v0;
	[tilespmem:s0+$0x30] =	vst v7  }
0x7bd: {  	v5 =	vadd.f32 v5, v0;
	[tilespmem:s0+$0xFFFFFFD0] =	vst v8  }
0x7be: {  	v4 =	vadd.f32 v4, v0;
	[tilespmem:s0+$0xFFFFFFE0] =	vst v6  }
0x7bf: {  	[tilespmem:s0+$0xFFFFFFF0] =	vst v5;
	v2 =	vadd.f32 v2, v0  }
0x7c0: {  	[tilespmem:s0+$0x0] =	vst v4;
	v1 =	vadd.f32 v1, v0  }
0x7c1: {  	v0 =	vadd.f32 v3, v0;
	[tilespmem:s0+$0x10] =	vst v2  }
0x7c2: {  	[tilespmem:s0+$0x20] =	vst v1  }
0x7c3: {  	[tilespmem:s0+$0xFFFFFFC0] =	vst v0  }
0x7c4: {  	s0 =	rddreg [dreg:$0xf]  }
0x7c5: {  	s30 =	sld [smem:$0x7FD]  }
0x7c6: {  	[hbm4b:s0+s2] =	stream.linear.scatter [tilespmem:s22], [sflag:$0x4], $0x1000, $0x38;
	[tilespmem:$0x1EB78] =	vst v63  }
0x7c7: {  	_ = 	snop  }
0x7c8: {  	[tilespmem:s18], [sflag:$0x1] =	stream.linear.gather [spmem:s30], $0x1000, $0x38;
	[tilespmem:$0x1EB78] =	vst v63  }
0x7c9: {  	_ =	swait.ge [sflag:s23], $0x1000  }
0x7ca: {  	[sflag:s23] =	ssyncset.done $0x0  }
0x7cb: {  	[sflag:s23] =	ssyncadd.s32 $0xFFFFF000  }
0x7cc: {  	_ =	swait.ge [sflag:s28], $0x1000  }
0x7cd: {  	[sflag:s28] =	ssyncset.done $0x0  }
0x7ce: {  	[sflag:s28] =	ssyncadd.s32 $0xFFFFF000  }
0x7cf: {  	s31 =	simm.s32 $0x1ABB8;
	v0 =	vld.msk [tilespmem:$0x18765 ss:$0x0], $0xffff  }
0x7d0: {  	v1 =	vld [tilespmem:s31+$0x30]  }
0x7d1: {  	v2 =	vld [tilespmem:s31+$0xFFFFFFD0]  }
0x7d2: {  	v3 =	vld [tilespmem:s31+$0xFFFFFFE0]  }
0x7d3: {  	v4 =	vld [tilespmem:s31+$0xFFFFFFF0]  }
0x7d4: {  	v7 =	vld [tilespmem:s31+$0x0]  }
0x7d5: {  	v8 =	vld [tilespmem:s31+$0x10]  }
0x7d6: {  	v9 =	vld [tilespmem:s31+$0x20]  }
0x7d7: {  	v10 =	vld [tilespmem:s31+$0xFFFFFFC0]  }
0x7d8: {  	v11 =	vld.idx.msk [tilespmem:v1+s2+$0x0], $0xffff  }
0x7d9: {  	v12 =	vld.idx.msk [tilespmem:v2+s2+$0x0], $0xffff  }
0x7da: {  	v6 =	vld.idx.msk [tilespmem:v3+s2+$0x0], $0xffff  }
0x7db: {  	v5 =	vld.idx.msk [tilespmem:v4+s2+$0x0], $0xffff  }
0x7dc: {  	v4 =	vld.idx.msk [tilespmem:v7+s2+$0x0], $0xffff  }
0x7dd: {  	v2 =	vld.idx.msk [tilespmem:v8+s2+$0x0], $0xffff  }
0x7de: {  	v1 =	vld.idx.msk [tilespmem:v9+s2+$0x0], $0xffff;
	v7 =	vadd.f32 v11, v0  }
0x7df: {  	s8 =	simm.s32 $0x0;
	s9 =	simm.s32 $0x1AC38;
	s0 =	simm.s32 $0x1DBB8;
	v3 =	vld.idx.msk [tilespmem:v10+s2+$0x0], $0xffff;
	v8 =	vadd.f32 v12, v0  }
.LBB2_80:
0x7e0: {  	v9 =	vld [tilespmem:s9+$0x30];
	s8 =	sadd.s32 $0x80, s8;
	v6 =	vadd.f32 v6, v0;
	[tilespmem:s0+$0x30] =	vst v7  }
0x7e1: {  	v5 =	vadd.f32 v5, v0;
	v7 =	vld [tilespmem:s9+$0xFFFFFFD0];
	p1 =	slt.u32 s8, $0xF80;
	[tilespmem:s0+$0xFFFFFFD0] =	vst v8  }
0x7e2: {  	v4 =	vadd.f32 v4, v0;
	v8 =	vld [tilespmem:s9+$0xFFFFFFE0];
	[tilespmem:s0+$0xFFFFFFE0] =	vst v6  }
0x7e3: {  	v2 =	vadd.f32 v2, v0;
	v10 =	vld [tilespmem:s9+$0xFFFFFFF0];
	[tilespmem:s0+$0xFFFFFFF0] =	vst v5  }
0x7e4: {  	v1 =	vadd.f32 v1, v0;
	v11 =	vld [tilespmem:s9+$0x0];
	[tilespmem:s0+$0x0] =	vst v4  }
0x7e5: {  	v3 =	vadd.f32 v3, v0;
	v12 =	vld [tilespmem:s9+$0x10];
	[tilespmem:s0+$0x10] =	vst v2  }
0x7e6: {  	v13 =	vld [tilespmem:s9+$0x20];
	[tilespmem:s0+$0x20] =	vst v1  }
0x7e7: {  	v14 =	vld [tilespmem:s9+$0xFFFFFFC0];
	[tilespmem:s0+$0xFFFFFFC0] =	vst v3  }
0x7e8: {  	v3 =	vld.idx.msk [tilespmem:v9+s2+$0x0], $0xffff  }
0x7e9: {  	v9 =	vld.idx.msk [tilespmem:v7+s2+$0x0], $0xffff  }
0x7ea: {  	v6 =	vld.idx.msk [tilespmem:v8+s2+$0x0], $0xffff  }
.Ltmp39:
0x7eb: {  	v5 =	vld.idx.msk [tilespmem:v10+s2+$0x0], $0xffff;
	(pc) =	sbr.rel @p1 .LBB2_80-.Ltmp39, $4  }
0x7ec: {  	v4 =	vld.idx.msk [tilespmem:v11+s2+$0x0], $0xffff  }
0x7ed: {  	v2 =	vld.idx.msk [tilespmem:v12+s2+$0x0], $0xffff  }
0x7ee: {  	v7 =	vadd.f32 v3, v0;
	v1 =	vld.idx.msk [tilespmem:v13+s2+$0x0], $0xffff  }
0x7ef: {  	s9 =	sadd.s32 $0x80, s9;
	s0 =	sadd.s32 $0x80, s0;
	v8 =	vadd.f32 v9, v0;
	v3 =	vld.idx.msk [tilespmem:v14+s2+$0x0], $0xffff  }
0x7f0: {  	v6 =	vadd.f32 v6, v0;
	[tilespmem:s0+$0x30] =	vst v7  }
0x7f1: {  	v5 =	vadd.f32 v5, v0;
	[tilespmem:s0+$0xFFFFFFD0] =	vst v8  }
0x7f2: {  	v4 =	vadd.f32 v4, v0;
	[tilespmem:s0+$0xFFFFFFE0] =	vst v6  }
0x7f3: {  	[tilespmem:s0+$0xFFFFFFF0] =	vst v5;
	v2 =	vadd.f32 v2, v0  }
0x7f4: {  	[tilespmem:s0+$0x0] =	vst v4;
	v1 =	vadd.f32 v1, v0  }
0x7f5: {  	v0 =	vadd.f32 v3, v0;
	[tilespmem:s0+$0x10] =	vst v2  }
0x7f6: {  	[tilespmem:s0+$0x20] =	vst v1  }
0x7f7: {  	[tilespmem:s0+$0xFFFFFFC0] =	vst v0  }
0x7f8: {  	s0 =	rddreg [dreg:$0x10]  }
0x7f9: {  	[hbm4b:s0+s2] =	stream.linear.scatter [tilespmem:s24], [sflag:$0x5], $0x1000, $0x38;
	[tilespmem:$0x1EB78] =	vst v63  }
0x7fa: {  	_ =	swait.ge [sflag:s25], $0x1000  }
0x7fb: {  	[sflag:s25] =	ssyncset.done $0x0  }
0x7fc: {  	[sflag:s25] =	ssyncadd.s32 $0xFFFFF000  }
0x7fd: {  	_ =	swait.ge [sflag:s26], $0x1000  }
0x7fe: {  	[sflag:s26] =	ssyncset.done $0x0  }
0x7ff: {  	[sflag:s26] =	ssyncadd.s32 $0xFFFFF000  }
0x800: {  	s31 =	simm.s32 $0x1BBB8;
	v0 =	vld.msk [tilespmem:$0x18766 ss:$0x0], $0xffff  }
0x801: {  	v1 =	vld [tilespmem:s31+$0x30]  }
0x802: {  	v2 =	vld [tilespmem:s31+$0xFFFFFFD0]  }
0x803: {  	v3 =	vld [tilespmem:s31+$0xFFFFFFE0]  }
0x804: {  	v4 =	vld [tilespmem:s31+$0xFFFFFFF0]  }
0x805: {  	v7 =	vld [tilespmem:s31+$0x0]  }
0x806: {  	v8 =	vld [tilespmem:s31+$0x10]  }
0x807: {  	v9 =	vld [tilespmem:s31+$0x20]  }
0x808: {  	v10 =	vld [tilespmem:s31+$0xFFFFFFC0]  }
0x809: {  	v11 =	vld.idx.msk [tilespmem:v1+s2+$0x0], $0xffff  }
0x80a: {  	v12 =	vld.idx.msk [tilespmem:v2+s2+$0x0], $0xffff  }
0x80b: {  	v6 =	vld.idx.msk [tilespmem:v3+s2+$0x0], $0xffff  }
0x80c: {  	v5 =	vld.idx.msk [tilespmem:v4+s2+$0x0], $0xffff  }
0x80d: {  	v4 =	vld.idx.msk [tilespmem:v7+s2+$0x0], $0xffff  }
0x80e: {  	v2 =	vld.idx.msk [tilespmem:v8+s2+$0x0], $0xffff  }
0x80f: {  	v1 =	vld.idx.msk [tilespmem:v9+s2+$0x0], $0xffff;
	v7 =	vadd.f32 v11, v0  }
0x810: {  	s8 =	simm.s32 $0x0;
	s9 =	simm.s32 $0x1BC38;
	s0 =	simm.s32 $0x1CBB8;
	v3 =	vld.idx.msk [tilespmem:v10+s2+$0x0], $0xffff;
	v8 =	vadd.f32 v12, v0  }
.LBB2_82:
0x811: {  	v9 =	vld [tilespmem:s9+$0x30];
	s8 =	sadd.s32 $0x80, s8;
	v6 =	vadd.f32 v6, v0;
	[tilespmem:s0+$0x30] =	vst v7  }
0x812: {  	v5 =	vadd.f32 v5, v0;
	v7 =	vld [tilespmem:s9+$0xFFFFFFD0];
	p1 =	slt.u32 s8, $0xF80;
	[tilespmem:s0+$0xFFFFFFD0] =	vst v8  }
0x813: {  	v4 =	vadd.f32 v4, v0;
	v8 =	vld [tilespmem:s9+$0xFFFFFFE0];
	[tilespmem:s0+$0xFFFFFFE0] =	vst v6  }
0x814: {  	v2 =	vadd.f32 v2, v0;
	v10 =	vld [tilespmem:s9+$0xFFFFFFF0];
	[tilespmem:s0+$0xFFFFFFF0] =	vst v5  }
0x815: {  	v1 =	vadd.f32 v1, v0;
	v11 =	vld [tilespmem:s9+$0x0];
	[tilespmem:s0+$0x0] =	vst v4  }
0x816: {  	v3 =	vadd.f32 v3, v0;
	v12 =	vld [tilespmem:s9+$0x10];
	[tilespmem:s0+$0x10] =	vst v2  }
0x817: {  	v13 =	vld [tilespmem:s9+$0x20];
	[tilespmem:s0+$0x20] =	vst v1  }
0x818: {  	v14 =	vld [tilespmem:s9+$0xFFFFFFC0];
	[tilespmem:s0+$0xFFFFFFC0] =	vst v3  }
0x819: {  	v3 =	vld.idx.msk [tilespmem:v9+s2+$0x0], $0xffff  }
0x81a: {  	v9 =	vld.idx.msk [tilespmem:v7+s2+$0x0], $0xffff  }
0x81b: {  	v6 =	vld.idx.msk [tilespmem:v8+s2+$0x0], $0xffff  }
.Ltmp40:
0x81c: {  	v5 =	vld.idx.msk [tilespmem:v10+s2+$0x0], $0xffff;
	(pc) =	sbr.rel @p1 .LBB2_82-.Ltmp40, $4  }
0x81d: {  	v4 =	vld.idx.msk [tilespmem:v11+s2+$0x0], $0xffff  }
0x81e: {  	v2 =	vld.idx.msk [tilespmem:v12+s2+$0x0], $0xffff  }
0x81f: {  	v7 =	vadd.f32 v3, v0;
	v1 =	vld.idx.msk [tilespmem:v13+s2+$0x0], $0xffff  }
0x820: {  	s9 =	sadd.s32 $0x80, s9;
	s0 =	sadd.s32 $0x80, s0;
	v8 =	vadd.f32 v9, v0;
	v3 =	vld.idx.msk [tilespmem:v14+s2+$0x0], $0xffff  }
0x821: {  	v6 =	vadd.f32 v6, v0;
	[tilespmem:s0+$0x30] =	vst v7  }
0x822: {  	v5 =	vadd.f32 v5, v0;
	[tilespmem:s0+$0xFFFFFFD0] =	vst v8  }
0x823: {  	v4 =	vadd.f32 v4, v0;
	[tilespmem:s0+$0xFFFFFFE0] =	vst v6  }
0x824: {  	[tilespmem:s0+$0xFFFFFFF0] =	vst v5;
	v2 =	vadd.f32 v2, v0  }
0x825: {  	[tilespmem:s0+$0x0] =	vst v4;
	v1 =	vadd.f32 v1, v0  }
0x826: {  	v0 =	vadd.f32 v3, v0;
	[tilespmem:s0+$0x10] =	vst v2  }
0x827: {  	[tilespmem:s0+$0x20] =	vst v1  }
0x828: {  	[tilespmem:s0+$0xFFFFFFC0] =	vst v0  }
0x829: {  	s0 =	rddreg [dreg:$0x11]  }
0x82a: {  	[hbm4b:s0+s2] =	stream.linear.scatter [tilespmem:s22], [sflag:$0x4], $0x1000, $0x38;
	[tilespmem:$0x1EB78] =	vst v63  }
0x82b: {  	_ =	swait.ge [sflag:s21], $0x1000  }
0x82c: {  	[sflag:s21] =	ssyncset.done $0x0  }
0x82d: {  	[sflag:s21] =	ssyncadd.s32 $0xFFFFF000  }
0x82e: {  	_ =	swait.ge [sflag:s28], $0x1000  }
0x82f: {  	[sflag:s28] =	ssyncset.done $0x0  }
0x830: {  	[sflag:s28] =	ssyncadd.s32 $0xFFFFF000  }
0x831: {  	s31 =	simm.s32 $0x19BB8;
	v0 =	vld.msk [tilespmem:$0x18767 ss:$0x0], $0xffff  }
0x832: {  	v1 =	vld [tilespmem:s31+$0x30]  }
0x833: {  	v2 =	vld [tilespmem:s31+$0xFFFFFFD0]  }
0x834: {  	v3 =	vld [tilespmem:s31+$0xFFFFFFE0]  }
0x835: {  	v4 =	vld [tilespmem:s31+$0xFFFFFFF0]  }
0x836: {  	v7 =	vld [tilespmem:s31+$0x0]  }
0x837: {  	v8 =	vld [tilespmem:s31+$0x10]  }
0x838: {  	v9 =	vld [tilespmem:s31+$0x20]  }
0x839: {  	v10 =	vld [tilespmem:s31+$0xFFFFFFC0]  }
0x83a: {  	v11 =	vld.idx.msk [tilespmem:v1+s2+$0x0], $0xffff  }
0x83b: {  	v12 =	vld.idx.msk [tilespmem:v2+s2+$0x0], $0xffff  }
0x83c: {  	v6 =	vld.idx.msk [tilespmem:v3+s2+$0x0], $0xffff  }
0x83d: {  	v5 =	vld.idx.msk [tilespmem:v4+s2+$0x0], $0xffff  }
0x83e: {  	v4 =	vld.idx.msk [tilespmem:v7+s2+$0x0], $0xffff  }
0x83f: {  	v2 =	vld.idx.msk [tilespmem:v8+s2+$0x0], $0xffff  }
0x840: {  	v1 =	vld.idx.msk [tilespmem:v9+s2+$0x0], $0xffff;
	v7 =	vadd.f32 v11, v0  }
0x841: {  	s8 =	simm.s32 $0x0;
	s9 =	simm.s32 $0x19C38;
	s0 =	simm.s32 $0x1DBB8;
	v3 =	vld.idx.msk [tilespmem:v10+s2+$0x0], $0xffff;
	v8 =	vadd.f32 v12, v0  }
.LBB2_84:
0x842: {  	v9 =	vld [tilespmem:s9+$0x30];
	s8 =	sadd.s32 $0x80, s8;
	v6 =	vadd.f32 v6, v0;
	[tilespmem:s0+$0x30] =	vst v7  }
0x843: {  	v5 =	vadd.f32 v5, v0;
	v7 =	vld [tilespmem:s9+$0xFFFFFFD0];
	p1 =	slt.u32 s8, $0xF80;
	[tilespmem:s0+$0xFFFFFFD0] =	vst v8  }
0x844: {  	v4 =	vadd.f32 v4, v0;
	v8 =	vld [tilespmem:s9+$0xFFFFFFE0];
	[tilespmem:s0+$0xFFFFFFE0] =	vst v6  }
0x845: {  	v2 =	vadd.f32 v2, v0;
	v10 =	vld [tilespmem:s9+$0xFFFFFFF0];
	[tilespmem:s0+$0xFFFFFFF0] =	vst v5  }
0x846: {  	v1 =	vadd.f32 v1, v0;
	v11 =	vld [tilespmem:s9+$0x0];
	[tilespmem:s0+$0x0] =	vst v4  }
0x847: {  	v3 =	vadd.f32 v3, v0;
	v12 =	vld [tilespmem:s9+$0x10];
	[tilespmem:s0+$0x10] =	vst v2  }
0x848: {  	v13 =	vld [tilespmem:s9+$0x20];
	[tilespmem:s0+$0x20] =	vst v1  }
0x849: {  	v14 =	vld [tilespmem:s9+$0xFFFFFFC0];
	[tilespmem:s0+$0xFFFFFFC0] =	vst v3  }
0x84a: {  	v3 =	vld.idx.msk [tilespmem:v9+s2+$0x0], $0xffff  }
0x84b: {  	v9 =	vld.idx.msk [tilespmem:v7+s2+$0x0], $0xffff  }
0x84c: {  	v6 =	vld.idx.msk [tilespmem:v8+s2+$0x0], $0xffff  }
.Ltmp41:
0x84d: {  	v5 =	vld.idx.msk [tilespmem:v10+s2+$0x0], $0xffff;
	(pc) =	sbr.rel @p1 .LBB2_84-.Ltmp41, $4  }
0x84e: {  	v4 =	vld.idx.msk [tilespmem:v11+s2+$0x0], $0xffff  }
0x84f: {  	v2 =	vld.idx.msk [tilespmem:v12+s2+$0x0], $0xffff  }
0x850: {  	v7 =	vadd.f32 v3, v0;
	v1 =	vld.idx.msk [tilespmem:v13+s2+$0x0], $0xffff  }
0x851: {  	s9 =	sadd.s32 $0x80, s9;
	s0 =	sadd.s32 $0x80, s0;
	v8 =	vadd.f32 v9, v0;
	v3 =	vld.idx.msk [tilespmem:v14+s2+$0x0], $0xffff  }
0x852: {  	v6 =	vadd.f32 v6, v0;
	[tilespmem:s0+$0x30] =	vst v7  }
0x853: {  	v5 =	vadd.f32 v5, v0;
	[tilespmem:s0+$0xFFFFFFD0] =	vst v8  }
0x854: {  	v4 =	vadd.f32 v4, v0;
	[tilespmem:s0+$0xFFFFFFE0] =	vst v6  }
0x855: {  	[tilespmem:s0+$0xFFFFFFF0] =	vst v5;
	v2 =	vadd.f32 v2, v0  }
0x856: {  	[tilespmem:s0+$0x0] =	vst v4;
	v1 =	vadd.f32 v1, v0  }
0x857: {  	v63 =	vadd.f32 v3, v0;
	[tilespmem:s0+$0x10] =	vst v2  }
0x858: {  	[tilespmem:s0+$0x20] =	vst v1  }
0x859: {  	[tilespmem:s0+$0xFFFFFFC0] =	vst v63  }
0x85a: {  	s0 =	rddreg [dreg:$0x12]  }
0x85b: {  	[hbm4b:s0+s2] =	stream.linear.scatter [tilespmem:s24], [sflag:$0x5], $0x1000, $0x38;
	[tilespmem:$0x1EB78] =	vst v63  }
0x85c: {  	_ =	swait.ge [sflag:s26], $0x1000  }
0x85d: {  	[sflag:s26] =	ssyncset.done $0x0  }
0x85e: {  	[sflag:s26] =	ssyncadd.s32 $0xFFFFF000  }
0x85f: {  	_ =	swait.ge [sflag:s28], $0x1000  }
0x860: {  	s29 =	sadd.s32 $0x1, s29;
	s31 =	rddreg [dreg:$0x13]  }
0x861: {  	p1 =	sne.s32 s29, s31  }
.Ltmp42:
0x862: {  	_ = 	snop;
	(pc) =	sbr.rel @p1 .LBB2_1-.Ltmp42, $3  }
0x863: {  	_ =	sdelay $0x1  }
0x864: {  	[sflag:s28] =	ssyncset.done $0x0  }
0x865: {  	[sflag:s28] =	ssyncadd.s32 $0xFFFFF000  }
0x866: {  	_ =	sfence.sel $0x180000  }
0x867: {  	[bflag:$0x0] =	sbarrier.arrive $0xFFFF  }
0x868: {  	_ =	strace $0x90000047  }
0x869: {  	[bflag:$0x2] =	sbarrier.arrive $0xFFFF  }
0x86a: {  	p0 =	sne.s32 s3, $0x0;
	s0 =	rddreg [dreg:$0x3]  }
0x86b: {  	s0 =	sadd.s32 @!p0 $0x100000, s0  }
0x86c: {  	[sflag:s0] =	ssyncadd.tile.s32 @!p0 $0x1;
	_ =	shalt  }
.Lfunc_end2:
_tile_overlayer_lowered:
.L_overlay_start_2:
0x86d: {  	(tag) =	ssettag $0x2  }
0x86e: {  	s0 =	rddreg [dreg:$0x0];
	s2 =	stileid.u32  }
0x86f: {  	s1 =	rddreg [dreg:$0x1];
	p0 =	sne.s32 s2, $0x0  }
0x870: {  	s3 =	rddreg [dreg:$0x2];
	[bflag:$0x3] =	sbarrier.arrive $0xFFFF;
	s2 =	simm.s32 @!p0 $0x1C07  }
0x871: {  	[timem:s3], [sflag:s2] =	dma.local @!p0 [hbm:s0], s1  }
0x872: {  	s0 =	simm.s32 @!p0 $0x7  }
0x873: {  	_ =	swait.ge @!p0 [sflag:s0], s1  }
0x874: {  	s1 =	ssub.s32 @!p0 $0x0, s1;
	[sflag:s0] =	ssyncset.done @!p0 $0x0  }
0x875: {  	[sflag:s0] =	ssyncadd.s32 @!p0 s1  }
0x876: {  	[bflag:$0x3] =	sbarrier.arrive $0xFFFF  }
0x877: {  	_ =	shalt  }

</sc_bundles>
